<compile_context>
chip_gen: v7x
topology: tpu7x:2x2x1
jax: 0.10.2.dev20260603
libtpu: 0.0.44.dev20260713+nightly
codegen_flags: <defaults>
</compile_context>

<pallas_src>
import functools

import jax
import jax.numpy as jnp
from jax import lax
from jax.experimental import pallas as pl
from jax.experimental.pallas import tpu as pltpu
from jax.experimental.pallas import tpu_sc as plsc
from jax._src.pallas import mpmd as _mpmd

N = 10000
E = 320000
D = 128

NC = 2
NS = 16
NW = NC * NS
L = 16

NPAD = 10240
EPT = E // NW
RED = NPAD // NS
K = 128
NCH = EPT // K
TAIL = EPT - NCH * K

BN = 512
DH = D // 2


def _tc1_body(x_ref, w_ref, a8_ref, h_ref, at_ref):
    h = lax.dot_general(x_ref[...], w_ref[...], (((1,), (1,)), ((), ())),
                        preferred_element_type=jnp.float32)
    h_ref[...] = h
    at_ref[...] = lax.dot_general(a8_ref[...], h, (((1,), (1,)), ((), ())),
                                  preferred_element_type=jnp.float32)


_tc1 = pl.pallas_call(
    _tc1_body,
    grid=(pl.cdiv(N, BN),),
    in_specs=[
        pl.BlockSpec((BN, D), lambda i: (i, 0)),
        pl.BlockSpec((D, D), lambda i: (0, 0)),
        pl.BlockSpec((8, D), lambda i: (0, 0)),
    ],
    out_specs=[
        pl.BlockSpec((BN, D), lambda i: (i, 0)),
        pl.BlockSpec((8, BN), lambda i: (0, i)),
    ],
    out_shape=[
        jax.ShapeDtypeStruct((N, D), jnp.float32),
        jax.ShapeDtypeStruct((8, N), jnp.float32),
    ],
)


def _sc1_body(src_hbm, dst_hbm, as_hbm, ad_hbm,
              ex_hbm, dena_hbm, denb_hbm,
              as_v, ad_v, src_v, dst_v, ex_v, den_loc, red_v, tmp_v,
              den_stage):
    c = lax.axis_index("c")
    s = lax.axis_index("s")
    wid = c * NS + s
    base = wid * EPT

    pltpu.sync_copy(as_hbm, as_v)
    pltpu.sync_copy(ad_hbm, ad_v)
    pltpu.sync_copy(src_hbm.at[pl.ds(base, EPT)], src_v)
    pltpu.sync_copy(dst_hbm.at[pl.ds(base, EPT)], dst_v)

    def zero_den(i, _):
        den_loc[pl.ds(i * L, L)] = jnp.zeros((L,), jnp.float32)
        return 0
    lax.fori_loop(0, NPAD // L, zero_den, 0)

    def edge_grp(i, _):
        off = i * L
        s16 = src_v[pl.ds(off, L)]
        d16 = dst_v[pl.ds(off, L)]
        a = plsc.load_gather(as_v, [s16])
        b = plsc.load_gather(ad_v, [d16])
        e = a + b
        e = jnp.where(e > 0, e, e * jnp.float32(0.2))
        ex = jnp.exp(e)
        ex_v[pl.ds(off, L)] = ex
        plsc.addupdate_scatter(den_loc, [d16], ex)
        return 0
    lax.fori_loop(0, EPT // L, edge_grp, 0)

    pltpu.sync_copy(ex_v, ex_hbm.at[pl.ds(base, EPT)])

    pltpu.sync_copy(den_loc, den_stage.at[s])
    plsc.subcore_barrier()

    def zero_red(i, _):
        red_v[pl.ds(i * L, L)] = jnp.zeros((L,), jnp.float32)
        return 0
    lax.fori_loop(0, RED // L, zero_red, 0)

    for k in range(NS):
        pltpu.sync_copy(den_stage.at[k, pl.ds(s * RED, RED)], tmp_v)

        def acc(i, _):
            red_v[pl.ds(i * L, L)] = (red_v[pl.ds(i * L, L)]
                                      + tmp_v[pl.ds(i * L, L)])
            return 0
        lax.fori_loop(0, RED // L, acc, 0)

    @pl.when(c == 0)
    def _():
        pltpu.sync_copy(red_v, dena_hbm.at[pl.ds(s * RED, RED)])

    @pl.when(c == 1)
    def _():
        pltpu.sync_copy(red_v, denb_hbm.at[pl.ds(s * RED, RED)])


_sc1 = pl.kernel(
    _sc1_body,
    out_type=[
        jax.ShapeDtypeStruct((E,), jnp.float32),
        jax.ShapeDtypeStruct((NPAD,), jnp.float32),
        jax.ShapeDtypeStruct((NPAD,), jnp.float32),
    ],
    mesh=plsc.VectorSubcoreMesh(core_axis_name="c", subcore_axis_name="s"),
    compiler_params=pltpu.CompilerParams(needs_layout_passes=False),
    scratch_types=[
        pltpu.VMEM((N,), jnp.float32),
        pltpu.VMEM((N,), jnp.float32),
        pltpu.VMEM((EPT,), jnp.int32),
        pltpu.VMEM((EPT,), jnp.int32),
        pltpu.VMEM((EPT,), jnp.float32),
        pltpu.VMEM((NPAD,), jnp.float32),
        pltpu.VMEM((RED,), jnp.float32),
        pltpu.VMEM((RED,), jnp.float32),
        pltpu.MemorySpace.VMEM_SHARED((NS, NPAD), jnp.float32),
    ],
)


def _sc2a_body(src_hbm, dst_hbm, ex_hbm, dena_hbm, denb_hbm, zer_hbm,
               attn_hbm, alpha_hbm, denf_hbm,
               den_v, d2_v, src_v, dst_v, ex_v, alpha_full, fidx2_v,
               asem):
    del zer_hbm
    c = lax.axis_index("c")
    s = lax.axis_index("s")
    wid = c * NS + s
    base = wid * EPT

    pltpu.sync_copy(dena_hbm, den_v)
    pltpu.sync_copy(denb_hbm, d2_v)

    def dsum(i, _):
        den_v[pl.ds(i * L, L)] = den_v[pl.ds(i * L, L)] + d2_v[pl.ds(i * L, L)]
        return 0
    lax.fori_loop(0, NPAD // L, dsum, 0)

    @pl.when(c == 0)
    def _():
        pltpu.sync_copy(den_v.at[pl.ds(s * RED, RED)],
                        denf_hbm.at[pl.ds(s * RED, RED)])

    pltpu.sync_copy(src_hbm.at[pl.ds(base, EPT)], src_v)
    pltpu.sync_copy(dst_hbm.at[pl.ds(base, EPT)], dst_v)
    pltpu.sync_copy(ex_hbm.at[pl.ds(base, EPT)], ex_v)

    def chunk(ci, _):
        slot = lax.rem(ci, 2)
        oslot = lax.rem(ci + 1, 2)
        cbase = ci * K

        def grp(g, _):
            off = cbase + g * L
            s16 = src_v[pl.ds(off, L)]
            d16 = dst_v[pl.ds(off, L)]
            e16 = ex_v[pl.ds(off, L)]
            dn = plsc.load_gather(den_v, [d16])
            alpha_full[pl.ds(off, L)] = e16 / dn
            fidx2_v[slot, pl.ds(g * L, L)] = s16 * jnp.int32(N) + d16
            return 0
        lax.fori_loop(0, K // L, grp, 0)

        @pl.when(ci >= 1)
        def _():
            pltpu.make_async_copy(alpha_full.at[pl.ds(0, K)],
                                  attn_hbm.at[fidx2_v.at[oslot]],
                                  asem).wait()

        pltpu.async_copy(alpha_full.at[pl.ds(cbase, K)],
                         attn_hbm.at[fidx2_v.at[slot]], asem)
        return 0
    lax.fori_loop(0, NCH, chunk, 0)

    pltpu.make_async_copy(alpha_full.at[pl.ds(0, K)],
                          attn_hbm.at[fidx2_v.at[0]], asem).wait()

    toff = NCH * K
    s16 = src_v[pl.ds(toff, L)]
    d16 = dst_v[pl.ds(toff, L)]
    e16 = ex_v[pl.ds(toff, L)]
    dn = plsc.load_gather(den_v, [d16])
    alpha_full[pl.ds(toff, L)] = e16 / dn
    f16 = s16 * jnp.int32(N) + d16
    pltpu.sync_copy(alpha_full.at[pl.ds(toff, L)], attn_hbm.at[f16])

    pltpu.sync_copy(alpha_full, alpha_hbm.at[pl.ds(base, EPT)])


_sc2a = _mpmd._mpmd_map(
    [(plsc.VectorSubcoreMesh(core_axis_name="c", subcore_axis_name="s"),
      _sc2a_body)],
    [
        jax.ShapeDtypeStruct((N * N,), jnp.float32),
        jax.ShapeDtypeStruct((E,), jnp.float32),
        jax.ShapeDtypeStruct((NPAD,), jnp.float32),
    ],
    input_output_aliases={5: 0},
    compiler_params=pltpu.CompilerParams(needs_layout_passes=False,
                                         use_tc_tiling_on_sc=False),
    scratch_types=[
        pltpu.VMEM((NPAD,), jnp.float32),
        pltpu.VMEM((NPAD,), jnp.float32),
        pltpu.VMEM((EPT,), jnp.int32),
        pltpu.VMEM((EPT,), jnp.int32),
        pltpu.VMEM((EPT,), jnp.float32),
        pltpu.VMEM((EPT,), jnp.float32),
        pltpu.VMEM((2, K), jnp.int32),
        pltpu.SemaphoreType.DMA,
    ],
)


def _sc3_body(src_hbm, dst_hbm, alpha_hbm, h2_hbm,
              agga0_hbm, agga1_hbm, aggb0_hbm, aggb1_hbm,
              src_v, dst_v, alpha_full,
              sidx_v, didx_v, alpha_v, rows_v, zrow_v,
              gsem, msem, agg_sh):
    c = lax.axis_index("c")
    s = lax.axis_index("s")
    wid = c * NS + s
    base = wid * EPT

    def zero_zrow(q, _):
        i = q // (DH // L)
        p = q % (DH // L)
        zrow_v[i, pl.ds(p * L, L)] = jnp.zeros((L,), jnp.float32)
        return 0
    lax.fori_loop(0, K * (DH // L), zero_zrow, 0)

    pltpu.sync_copy(src_hbm.at[pl.ds(base, EPT)], src_v)
    pltpu.sync_copy(dst_hbm.at[pl.ds(base, EPT)], dst_v)
    pltpu.sync_copy(alpha_hbm.at[pl.ds(base, EPT)], alpha_full)

    agg_outs = ((agga0_hbm, agga1_hbm), (aggb0_hbm, aggb1_hbm))

    for f in range(2):
        for i in range(RED // K):
            pltpu.sync_copy(zrow_v, agg_sh.at[pl.ds(s * RED + i * K, K)])
        plsc.subcore_barrier()

        def grp_fill(ci, slot):
            cbase = ci * K

            def grp(g, _):
                off = cbase + g * L
                o = g * L
                s16 = src_v[pl.ds(off, L)]
                alpha_v[slot, pl.ds(o, L)] = alpha_full[pl.ds(off, L)]
                sidx_v[slot, pl.ds(o, L)] = s16 * jnp.int32(2) + jnp.int32(f)
                didx_v[slot, pl.ds(o, L)] = dst_v[pl.ds(off, L)]
                return 0
            lax.fori_loop(0, K // L, grp, 0)

        def start_gather(ci, slot):
            grp_fill(ci, slot)
            pltpu.async_copy(h2_hbm.at[sidx_v.at[slot]], rows_v.at[slot],
                             gsem)

        start_gather(jnp.int32(0), jnp.int32(0))

        def chunk(ci, _):
            slot = lax.rem(ci, 2)
            oslot = lax.rem(ci + 1, 2)
            pltpu.make_async_copy(h2_hbm.at[sidx_v.at[slot]],
                                  rows_v.at[slot], gsem).wait()

            @pl.when(ci >= 1)
            def _():
                pltpu.make_async_copy(rows_v.at[oslot],
                                      agg_sh.at[didx_v.at[oslot]], msem).wait()

            @pl.when(ci + 1 < NCH)
            def _():
                start_gather(ci + 1, oslot)

            def scale(j, _):
                av = plsc.load_gather(
                    alpha_v, [jnp.full((L,), slot, jnp.int32),
                              jnp.full((L,), j, jnp.int32)])
                for p in range(DH // L):
                    r = rows_v[slot, j, pl.ds(p * L, L)]
                    rows_v[slot, j, pl.ds(p * L, L)] = r * av
                return 0
            lax.fori_loop(0, K, scale, 0)

            pltpu.async_copy(rows_v.at[slot], agg_sh.at[didx_v.at[slot]],
                             msem, add=True)
            return 0
        lax.fori_loop(0, NCH, chunk, 0)

        pltpu.make_async_copy(rows_v.at[lax.rem(NCH - 1, 2)],
                              agg_sh.at[didx_v.at[lax.rem(NCH - 1, 2)]],
                              msem).wait()

        toff = NCH * K
        s16 = src_v[pl.ds(toff, L)]
        d16 = dst_v[pl.ds(toff, L)]
        alpha_v[0, pl.ds(0, L)] = alpha_full[pl.ds(toff, L)]
        pltpu.sync_copy(h2_hbm.at[s16 * jnp.int32(2) + jnp.int32(f)],
                        rows_v.at[0, pl.ds(0, L)])

        def tscale(j, _):
            av = plsc.load_gather(
                alpha_v, [jnp.zeros((L,), jnp.int32),
                          jnp.full((L,), j, jnp.int32)])
            for p in range(DH // L):
                r = rows_v[0, j, pl.ds(p * L, L)]
                rows_v[0, j, pl.ds(p * L, L)] = r * av
            return 0
        lax.fori_loop(0, L, tscale, 0)

        pltpu.sync_copy(rows_v.at[0, pl.ds(0, L)], agg_sh.at[d16], add=True)

        plsc.subcore_barrier()

        @pl.when(c == 0)
        def _():
            pltpu.sync_copy(agg_sh.at[pl.ds(s * RED, RED)],
                            agg_outs[0][f].at[pl.ds(s * RED, RED)])

        @pl.when(c == 1)
        def _():
            pltpu.sync_copy(agg_sh.at[pl.ds(s * RED, RED)],
                            agg_outs[1][f].at[pl.ds(s * RED, RED)])

        plsc.subcore_barrier()


_sc3 = pl.kernel(
    _sc3_body,
    out_type=[
        jax.ShapeDtypeStruct((NPAD, DH), jnp.float32),
        jax.ShapeDtypeStruct((NPAD, DH), jnp.float32),
        jax.ShapeDtypeStruct((NPAD, DH), jnp.float32),
        jax.ShapeDtypeStruct((NPAD, DH), jnp.float32),
    ],
    mesh=plsc.VectorSubcoreMesh(core_axis_name="c", subcore_axis_name="s"),
    compiler_params=pltpu.CompilerParams(needs_layout_passes=False,
                                         use_tc_tiling_on_sc=False),
    scratch_types=[
        pltpu.VMEM((EPT,), jnp.int32),
        pltpu.VMEM((EPT,), jnp.int32),
        pltpu.VMEM((EPT,), jnp.float32),
        pltpu.VMEM((2, K), jnp.int32),
        pltpu.VMEM((2, K), jnp.int32),
        pltpu.VMEM((2, K), jnp.float32),
        pltpu.VMEM((2, K, DH), jnp.float32),
        pltpu.VMEM((K, DH), jnp.float32),
        pltpu.SemaphoreType.DMA,
        pltpu.SemaphoreType.DMA,
        pltpu.MemorySpace.VMEM_SHARED((NPAD, DH), jnp.float32),
    ],
)


def _tc2_body(a00_ref, a01_ref, b00_ref, b01_ref, den_ref, h_ref, o_ref):
    lo = a00_ref[...] + b00_ref[...]
    hi = a01_ref[...] + b01_ref[...]
    ssum = jnp.concatenate([lo, hi], axis=1)
    den = den_ref[...]
    o_ref[...] = jnp.where(den > 0, ssum, h_ref[...])


_tc2 = pl.pallas_call(
    _tc2_body,
    grid=(pl.cdiv(N, BN),),
    in_specs=[
        pl.BlockSpec((BN, DH), lambda i: (i, 0)),
        pl.BlockSpec((BN, DH), lambda i: (i, 0)),
        pl.BlockSpec((BN, DH), lambda i: (i, 0)),
        pl.BlockSpec((BN, DH), lambda i: (i, 0)),
        pl.BlockSpec((BN, 1), lambda i: (i, 0)),
        pl.BlockSpec((BN, D), lambda i: (i, 0)),
    ],
    out_specs=pl.BlockSpec((BN, D), lambda i: (i, 0)),
    out_shape=jax.ShapeDtypeStruct((N, D), jnp.float32),
)


def kernel(x, edge_index, W, att_src, att_dst):
    a8 = jnp.zeros((8, D), jnp.float32).at[0].set(att_src[0]).at[1].set(att_dst[0])
    h, asadT = _tc1(x, W, a8)
    src = edge_index[0]
    dst = edge_index[1]
    as_arr = asadT[0]
    ad_arr = asadT[1]
    zer = jnp.zeros((N * N,), jnp.float32)
    ex, den_a, den_b = _sc1(src, dst, as_arr, ad_arr)
    attnflat, alpha_e, denf = _sc2a(src, dst, ex, den_a, den_b, zer)
    h2 = jnp.reshape(h, (2 * N, DH))
    agg_a0, agg_a1, agg_b0, agg_b1 = _sc3(src, dst, alpha_e, h2)
    out = _tc2(agg_a0, agg_a1, agg_b0, agg_b1,
               jnp.reshape(denf[:N], (N, 1)), h)
    return out, attnflat.reshape(N, N)

# --- scband reference (transcript-rebuilt; emitter-appended) ---
"""Pipeline reference for scband-tie-comm-agent-53077205844652 (READ-ONLY COPY).

The authoritative reference and input builder live on the scoring server;
editing this copy changes nothing except your own understanding.
"""

import jax, jax.numpy as jnp
import numpy as np

N = 10000
E = 320000
D = 128


def setup_inputs(seed: int = 0) -> dict:
    key = jax.random.key(seed)
    k1, k2, k3, k4, k5 = jax.random.split(key, 5)
    x = jax.random.normal(k1, (N, D), dtype=jnp.float32)
    edge_index = jax.random.randint(k2, (2, E), 0, N, dtype=jnp.int32)
    # xavier_uniform for linear weight [out_features, in_features]
    s_w = float(np.sqrt(6.0 / (D + D)))
    W = jax.random.uniform(k3, (D, D), minval=-s_w, maxval=s_w, dtype=jnp.float32)
    # xavier_uniform for att vectors [1, out_features] (fan_in=1, fan_out=D)
    s_a = float(np.sqrt(6.0 / (1 + D)))
    att_src = jax.random.uniform(k4, (1, D), minval=-s_a, maxval=s_a, dtype=jnp.float32)
    att_dst = jax.random.uniform(k5, (1, D), minval=-s_a, maxval=s_a, dtype=jnp.float32)
    return {"x": x, "edge_index": edge_index, "W": W, "att_src": att_src, "att_dst": att_dst}


def reference(x, edge_index, W, att_src, att_dst):
    # eval mode: dropout disabled
    n = x.shape[0]
    h = x @ W.T  # linear, no bias
    src = edge_index[0]
    dst = edge_index[1]
    e = (att_src * h[src] + att_dst * h[dst]).sum(axis=1)
    e = jnp.where(e > 0, e, 0.2 * e)  # LeakyReLU(0.2)
    # per-destination-node softmax over incoming edges (segment softmax)
    seg_max = jax.ops.segment_max(e, dst, num_segments=n)
    seg_max = jnp.where(jnp.isneginf(seg_max), 0.0, seg_max)
    ex = jnp.exp(e - seg_max[dst])
    denom = jax.ops.segment_sum(ex, dst, num_segments=n)
    alpha = ex / denom[dst]
    # dense [n, n] attention matrix, scatter-overwrite per edge
    attention_matrix = jnp.zeros((n, n), dtype=x.dtype).at[src, dst].set(alpha)
    # weighted aggregation of neighbor features into dst nodes (scatter-add)
    agg = jax.ops.segment_sum(alpha[:, None] * h[src], dst, num_segments=n)
    deg = jax.ops.segment_sum(jnp.ones_like(e), dst, num_segments=n)
    out = jnp.where((deg > 0)[:, None], agg, h)  # isolated nodes keep h
    return out, attention_matrix

if __name__ == "__main__":
    import jax
    _d = setup_inputs()
    print(jax.jit(kernel)(*tuple(_d.values())))

</pallas_src>

<mosaic_0001>
#map = affine_map<(d0, d1) -> (0)>
#map1 = affine_map<(d0, d1) -> (0, 0)>
module attributes {stable_mosaic.version = 14 : i64} {
  func.func @_sc3_body(%arg0: i32, %arg1: i32, %arg2: memref<320000xi32, #tpu.memory_space<hbm>>, %arg3: memref<320000xi32, #tpu.memory_space<hbm>>, %arg4: memref<320000xf32, #tpu.memory_space<hbm>>, %arg5: memref<20000x64xf32, #tpu.memory_space<hbm>>, %arg6: memref<10240x64xf32, #tpu.memory_space<hbm>>, %arg7: memref<10240x64xf32, #tpu.memory_space<hbm>>, %arg8: memref<10240x64xf32, #tpu.memory_space<hbm>>, %arg9: memref<10240x64xf32, #tpu.memory_space<hbm>>, %arg10: memref<10000xi32, #tpu.memory_space<vmem>>, %arg11: memref<10000xi32, #tpu.memory_space<vmem>>, %arg12: memref<10000xf32, #tpu.memory_space<vmem>>, %arg13: memref<2x128xi32, #tpu.memory_space<vmem>>, %arg14: memref<2x128xi32, #tpu.memory_space<vmem>>, %arg15: memref<2x128xf32, #tpu.memory_space<vmem>>, %arg16: memref<2x128x64xf32, #tpu.memory_space<vmem>>, %arg17: memref<128x64xf32, #tpu.memory_space<vmem>>, %arg18: memref<!tpu.dma_semaphore, #tpu.memory_space<semaphore_mem>>, %arg19: memref<!tpu.dma_semaphore, #tpu.memory_space<semaphore_mem>>, %arg20: memref<10240x64xf32, #tpu.memory_space<vmem_shared>>) attributes {dimension_semantics = [#tpu.dimension_semantics<core_parallel>, #tpu.dimension_semantics<subcore_parallel>], iteration_bounds = array<i64: 2, 16>, scalar_prefetch = 0 : i64, scratch_operands = 11 : i64, tpu.core_type = #tpu.core_type<sc_vector_subcore>, window_params = [{transform_indices = #map}, {transform_indices = #map}, {transform_indices = #map}, {transform_indices = #map1}, {transform_indices = #map1}, {transform_indices = #map1}, {transform_indices = #map1}, {transform_indices = #map1}]} {
    %mul3A = arith.constant 16 : i32
    %mul3A_0 = arith.muli %arg0, %mul3A : i32
    %add3A = arith.addi %mul3A_0, %arg1 : i32
    %mul3A_1 = arith.constant 10000 : i32
    %mul3A_2 = arith.muli %add3A, %mul3A_1 : i32
    %scan3A = arith.constant 0 : i32
    %scan3A_3 = arith.constant 0 : i32
    %scan3A_4 = arith.constant 512 : i32
    %scan3A_5 = arith.addi %scan3A_3, %scan3A_4 : i32
    %scan3A_6 = arith.constant 1 : i32
    %scan3A_7 = scf.for %scan3A_207 = %scan3A_3 to %scan3A_5 step %scan3A_6 iter_args(%scan3A_208 = %scan3A) -> (i32)  : i32 {
      %jit3A = arith.constant 4 : i32
      %div3A = arith.divsi %scan3A_207, %jit3A : i32
      %sign3A = arith.constant 0 : i32
      %sign3A_209 = arith.cmpi sgt, %scan3A_207, %sign3A : i32
      %sign3A_210 = arith.extui %sign3A_209 : i1 to i32
      %sign3A_211 = arith.constant 0 : i32
      %sign3A_212 = arith.cmpi slt, %scan3A_207, %sign3A_211 : i32
      %sign3A_213 = arith.extui %sign3A_212 : i1 to i32
      %sign3A_214 = arith.subi %sign3A_210, %sign3A_213 : i32
      %sign3A_215 = arith.constant 0 : i32
      %sign3A_216 = arith.cmpi sgt, %jit3A, %sign3A_215 : i32
      %sign3A_217 = arith.extui %sign3A_216 : i1 to i32
      %sign3A_218 = arith.constant 0 : i32
      %sign3A_219 = arith.cmpi slt, %jit3A, %sign3A_218 : i32
      %sign3A_220 = arith.extui %sign3A_219 : i1 to i32
      %sign3A_221 = arith.subi %sign3A_217, %sign3A_220 : i32
      %ne3A = arith.cmpi ne, %sign3A_214, %sign3A_221 : i32
      %rem3A_222 = arith.remsi %scan3A_207, %jit3A : i32
      %ne3A_223 = arith.constant 0 : i32
      %ne3A_224 = arith.cmpi ne, %rem3A_222, %ne3A_223 : i32
      %and3A = arith.andi %ne3A, %ne3A_224 : i1
      %sub3A = arith.constant 1 : i32
      %sub3A_225 = arith.subi %div3A, %sub3A : i32
      %select_n3A = arith.select %and3A, %sub3A_225, %div3A : i32
      %jit3A_226 = arith.constant 4 : i32
      %eq3A_227 = arith.constant 0 : i32
      %eq3A_228 = arith.cmpi eq, %jit3A_226, %eq3A_227 : i32
      %jit3A_229 = arith.constant 1 : i32
      %select_n3A_230 = arith.select %eq3A_228, %jit3A_229, %jit3A_226 : i32
      %rem3A_231 = arith.remsi %scan3A_207, %select_n3A_230 : i32
      %ne3A_232 = arith.constant 0 : i32
      %ne3A_233 = arith.cmpi ne, %rem3A_231, %ne3A_232 : i32
      %lt3A = arith.constant 0 : i32
      %lt3A_234 = arith.cmpi slt, %rem3A_231, %lt3A : i32
      %lt3A_235 = arith.constant 0 : i32
      %lt3A_236 = arith.cmpi slt, %select_n3A_230, %lt3A_235 : i32
      %ne3A_237 = arith.xori %lt3A_234, %lt3A_236 : i1
      %and3A_238 = arith.andi %ne3A_237, %ne3A_233 : i1
      %add3A_239 = arith.addi %rem3A_231, %select_n3A_230 : i32
      %select_n3A_240 = arith.select %and3A_238, %add3A_239, %rem3A_231 : i32
      %broadcast_in_dim3A = arith.constant 0.000000e+00 : f32
      %broadcast_in_dim3A_241 = vector.broadcast %broadcast_in_dim3A : f32 to vector<16xf32>
      %mul3A_242 = arith.constant 16 : i32
      %mul3A_243 = arith.muli %select_n3A_240, %mul3A_242 : i32
      %swap3A_244 = arith.index_cast %select_n3A : i32 to index
      %swap3A_245 = arith.index_cast %mul3A_243 : i32 to index
      %swap3A_246 = tpu.vector_load %arg17[%swap3A_244, %swap3A_245] {strides = array<i32>} : memref<128x64xf32, #tpu.memory_space<vmem>>, vector<16xf32>,
      tpu.vector_store %arg17[%swap3A_244, %swap3A_245], %broadcast_in_dim3A_241 {strides = array<i32>} : memref<128x64xf32, #tpu.memory_space<vmem>>, vector<16xf32>,
      %scan3A_247 = arith.constant 0 : i32
      scf.yield %scan3A_247 : i32
    }
    %scan3A_8 = arith.constant 512 : i32
    "tpu.region"() ({
      %run_scoped3A_207 = tpu.sem_alloc : memref<!tpu.dma_semaphore, #tpu.memory_space<semaphore_mem>>
      %dma_start3A_208 = tpu.memref_slice %arg2[%mul3A_2] : memref<320000xi32, #tpu.memory_space<hbm>> -> memref<10000xi32, #tpu.memory_space<hbm>>
      %dma_start3A_209 = tpu.memref_slice %arg2[%mul3A_2] : memref<320000xi32, #tpu.memory_space<hbm>> -> memref<10000xi32, #tpu.memory_space<hbm>>
      tpu.enqueue_dma source(%dma_start3A_209 : memref<10000xi32, #tpu.memory_space<hbm>>) target(%arg10 : memref<10000xi32, #tpu.memory_space<vmem>>) target_semaphore(%run_scoped3A_207 : memref<!tpu.dma_semaphore, #tpu.memory_space<semaphore_mem>>)
      %dma_wait3A_210 = tpu.memref_slice %arg2[%mul3A_2] : memref<320000xi32, #tpu.memory_space<hbm>> -> memref<10000xi32, #tpu.memory_space<hbm>>
      %dma_wait3A_211 = tpu.memref_slice %arg2[%mul3A_2] : memref<320000xi32, #tpu.memory_space<hbm>> -> memref<10000xi32, #tpu.memory_space<hbm>>
      tpu.wait_dma2 semaphore(%run_scoped3A_207 : memref<!tpu.dma_semaphore, #tpu.memory_space<semaphore_mem>>) src(%dma_wait3A_211 : memref<10000xi32, #tpu.memory_space<hbm>>) dst(%arg10 : memref<10000xi32, #tpu.memory_space<vmem>>)
      tpu.yield
    }) : () -> ()
    "tpu.region"() ({
      %run_scoped3A_207 = tpu.sem_alloc : memref<!tpu.dma_semaphore, #tpu.memory_space<semaphore_mem>>
      %dma_start3A_208 = tpu.memref_slice %arg3[%mul3A_2] : memref<320000xi32, #tpu.memory_space<hbm>> -> memref<10000xi32, #tpu.memory_space<hbm>>
      %dma_start3A_209 = tpu.memref_slice %arg3[%mul3A_2] : memref<320000xi32, #tpu.memory_space<hbm>> -> memref<10000xi32, #tpu.memory_space<hbm>>
      tpu.enqueue_dma source(%dma_start3A_209 : memref<10000xi32, #tpu.memory_space<hbm>>) target(%arg11 : memref<10000xi32, #tpu.memory_space<vmem>>) target_semaphore(%run_scoped3A_207 : memref<!tpu.dma_semaphore, #tpu.memory_space<semaphore_mem>>)
      %dma_wait3A_210 = tpu.memref_slice %arg3[%mul3A_2] : memref<320000xi32, #tpu.memory_space<hbm>> -> memref<10000xi32, #tpu.memory_space<hbm>>
      %dma_wait3A_211 = tpu.memref_slice %arg3[%mul3A_2] : memref<320000xi32, #tpu.memory_space<hbm>> -> memref<10000xi32, #tpu.memory_space<hbm>>
      tpu.wait_dma2 semaphore(%run_scoped3A_207 : memref<!tpu.dma_semaphore, #tpu.memory_space<semaphore_mem>>) src(%dma_wait3A_211 : memref<10000xi32, #tpu.memory_space<hbm>>) dst(%arg11 : memref<10000xi32, #tpu.memory_space<vmem>>)
      tpu.yield
    }) : () -> ()
    "tpu.region"() ({
      %run_scoped3A_207 = tpu.sem_alloc : memref<!tpu.dma_semaphore, #tpu.memory_space<semaphore_mem>>
      %dma_start3A_208 = tpu.memref_slice %arg4[%mul3A_2] : memref<320000xf32, #tpu.memory_space<hbm>> -> memref<10000xf32, #tpu.memory_space<hbm>>
      %dma_start3A_209 = tpu.memref_slice %arg4[%mul3A_2] : memref<320000xf32, #tpu.memory_space<hbm>> -> memref<10000xf32, #tpu.memory_space<hbm>>
      tpu.enqueue_dma source(%dma_start3A_209 : memref<10000xf32, #tpu.memory_space<hbm>>) target(%arg12 : memref<10000xf32, #tpu.memory_space<vmem>>) target_semaphore(%run_scoped3A_207 : memref<!tpu.dma_semaphore, #tpu.memory_space<semaphore_mem>>)
      %dma_wait3A_210 = tpu.memref_slice %arg4[%mul3A_2] : memref<320000xf32, #tpu.memory_space<hbm>> -> memref<10000xf32, #tpu.memory_space<hbm>>
      %dma_wait3A_211 = tpu.memref_slice %arg4[%mul3A_2] : memref<320000xf32, #tpu.memory_space<hbm>> -> memref<10000xf32, #tpu.memory_space<hbm>>
      tpu.wait_dma2 semaphore(%run_scoped3A_207 : memref<!tpu.dma_semaphore, #tpu.memory_space<semaphore_mem>>) src(%dma_wait3A_211 : memref<10000xf32, #tpu.memory_space<hbm>>) dst(%arg12 : memref<10000xf32, #tpu.memory_space<vmem>>)
      tpu.yield
    }) : () -> ()
    %mul3A_9 = arith.constant 640 : i32
    %mul3A_10 = arith.muli %arg1, %mul3A_9 : i32
    %add3A_11 = arith.constant 0 : i32
    %add3A_12 = arith.addi %mul3A_10, %add3A_11 : i32
    "tpu.region"() ({
      %run_scoped3A_207 = tpu.sem_alloc : memref<!tpu.dma_semaphore, #tpu.memory_space<semaphore_mem>>
      %dma_start3A_208 = arith.constant 0 : i32
      %dma_start3A_209 = tpu.memref_slice %arg20[%add3A_12, %dma_start3A_208] : memref<10240x64xf32, #tpu.memory_space<vmem_shared>> -> memref<128x64xf32, #tpu.memory_space<vmem_shared>>
      %dma_start3A_210 = arith.constant 0 : i32
      %dma_start3A_211 = tpu.memref_slice %arg20[%add3A_12, %dma_start3A_210] : memref<10240x64xf32, #tpu.memory_space<vmem_shared>> -> memref<128x64xf32, #tpu.memory_space<vmem_shared>>
      tpu.enqueue_dma source(%arg17 : memref<128x64xf32, #tpu.memory_space<vmem>>) target(%dma_start3A_211 : memref<128x64xf32, #tpu.memory_space<vmem_shared>>) target_semaphore(%run_scoped3A_207 : memref<!tpu.dma_semaphore, #tpu.memory_space<semaphore_mem>>)
      %dma_wait3A_212 = arith.constant 0 : i32
      %dma_wait3A_213 = tpu.memref_slice %arg20[%add3A_12, %dma_wait3A_212] : memref<10240x64xf32, #tpu.memory_space<vmem_shared>> -> memref<128x64xf32, #tpu.memory_space<vmem_shared>>
      %dma_wait3A_214 = arith.constant 0 : i32
      %dma_wait3A_215 = tpu.memref_slice %arg20[%add3A_12, %dma_wait3A_214] : memref<10240x64xf32, #tpu.memory_space<vmem_shared>> -> memref<128x64xf32, #tpu.memory_space<vmem_shared>>
      tpu.wait_dma2 semaphore(%run_scoped3A_207 : memref<!tpu.dma_semaphore, #tpu.memory_space<semaphore_mem>>) src(%arg17 : memref<128x64xf32, #tpu.memory_space<vmem>>) dst(%dma_wait3A_215 : memref<128x64xf32, #tpu.memory_space<vmem_shared>>)
      tpu.yield
    }) : () -> ()
    %mul3A_13 = arith.constant 640 : i32
    %mul3A_14 = arith.muli %arg1, %mul3A_13 : i32
    %add3A_15 = arith.constant 128 : i32
    %add3A_16 = arith.addi %mul3A_14, %add3A_15 : i32
    "tpu.region"() ({
      %run_scoped3A_207 = tpu.sem_alloc : memref<!tpu.dma_semaphore, #tpu.memory_space<semaphore_mem>>
      %dma_start3A_208 = arith.constant 0 : i32
      %dma_start3A_209 = tpu.memref_slice %arg20[%add3A_16, %dma_start3A_208] : memref<10240x64xf32, #tpu.memory_space<vmem_shared>> -> memref<128x64xf32, #tpu.memory_space<vmem_shared>>
      %dma_start3A_210 = arith.constant 0 : i32
      %dma_start3A_211 = tpu.memref_slice %arg20[%add3A_16, %dma_start3A_210] : memref<10240x64xf32, #tpu.memory_space<vmem_shared>> -> memref<128x64xf32, #tpu.memory_space<vmem_shared>>
      tpu.enqueue_dma source(%arg17 : memref<128x64xf32, #tpu.memory_space<vmem>>) target(%dma_start3A_211 : memref<128x64xf32, #tpu.memory_space<vmem_shared>>) target_semaphore(%run_scoped3A_207 : memref<!tpu.dma_semaphore, #tpu.memory_space<semaphore_mem>>)
      %dma_wait3A_212 = arith.constant 0 : i32
      %dma_wait3A_213 = tpu.memref_slice %arg20[%add3A_16, %dma_wait3A_212] : memref<10240x64xf32, #tpu.memory_space<vmem_shared>> -> memref<128x64xf32, #tpu.memory_space<vmem_shared>>
      %dma_wait3A_214 = arith.constant 0 : i32
      %dma_wait3A_215 = tpu.memref_slice %arg20[%add3A_16, %dma_wait3A_214] : memref<10240x64xf32, #tpu.memory_space<vmem_shared>> -> memref<128x64xf32, #tpu.memory_space<vmem_shared>>
      tpu.wait_dma2 semaphore(%run_scoped3A_207 : memref<!tpu.dma_semaphore, #tpu.memory_space<semaphore_mem>>) src(%arg17 : memref<128x64xf32, #tpu.memory_space<vmem>>) dst(%dma_wait3A_215 : memref<128x64xf32, #tpu.memory_space<vmem_shared>>)
      tpu.yield
    }) : () -> ()
    %mul3A_17 = arith.constant 640 : i32
    %mul3A_18 = arith.muli %arg1, %mul3A_17 : i32
    %add3A_19 = arith.constant 256 : i32
    %add3A_20 = arith.addi %mul3A_18, %add3A_19 : i32
    "tpu.region"() ({
      %run_scoped3A_207 = tpu.sem_alloc : memref<!tpu.dma_semaphore, #tpu.memory_space<semaphore_mem>>
      %dma_start3A_208 = arith.constant 0 : i32
      %dma_start3A_209 = tpu.memref_slice %arg20[%add3A_20, %dma_start3A_208] : memref<10240x64xf32, #tpu.memory_space<vmem_shared>> -> memref<128x64xf32, #tpu.memory_space<vmem_shared>>
      %dma_start3A_210 = arith.constant 0 : i32
      %dma_start3A_211 = tpu.memref_slice %arg20[%add3A_20, %dma_start3A_210] : memref<10240x64xf32, #tpu.memory_space<vmem_shared>> -> memref<128x64xf32, #tpu.memory_space<vmem_shared>>
      tpu.enqueue_dma source(%arg17 : memref<128x64xf32, #tpu.memory_space<vmem>>) target(%dma_start3A_211 : memref<128x64xf32, #tpu.memory_space<vmem_shared>>) target_semaphore(%run_scoped3A_207 : memref<!tpu.dma_semaphore, #tpu.memory_space<semaphore_mem>>)
      %dma_wait3A_212 = arith.constant 0 : i32
      %dma_wait3A_213 = tpu.memref_slice %arg20[%add3A_20, %dma_wait3A_212] : memref<10240x64xf32, #tpu.memory_space<vmem_shared>> -> memref<128x64xf32, #tpu.memory_space<vmem_shared>>
      %dma_wait3A_214 = arith.constant 0 : i32
      %dma_wait3A_215 = tpu.memref_slice %arg20[%add3A_20, %dma_wait3A_214] : memref<10240x64xf32, #tpu.memory_space<vmem_shared>> -> memref<128x64xf32, #tpu.memory_space<vmem_shared>>
      tpu.wait_dma2 semaphore(%run_scoped3A_207 : memref<!tpu.dma_semaphore, #tpu.memory_space<semaphore_mem>>) src(%arg17 : memref<128x64xf32, #tpu.memory_space<vmem>>) dst(%dma_wait3A_215 : memref<128x64xf32, #tpu.memory_space<vmem_shared>>)
      tpu.yield
    }) : () -> ()
    %mul3A_21 = arith.constant 640 : i32
    %mul3A_22 = arith.muli %arg1, %mul3A_21 : i32
    %add3A_23 = arith.constant 384 : i32
    %add3A_24 = arith.addi %mul3A_22, %add3A_23 : i32
    "tpu.region"() ({
      %run_scoped3A_207 = tpu.sem_alloc : memref<!tpu.dma_semaphore, #tpu.memory_space<semaphore_mem>>
      %dma_start3A_208 = arith.constant 0 : i32
      %dma_start3A_209 = tpu.memref_slice %arg20[%add3A_24, %dma_start3A_208] : memref<10240x64xf32, #tpu.memory_space<vmem_shared>> -> memref<128x64xf32, #tpu.memory_space<vmem_shared>>
      %dma_start3A_210 = arith.constant 0 : i32
      %dma_start3A_211 = tpu.memref_slice %arg20[%add3A_24, %dma_start3A_210] : memref<10240x64xf32, #tpu.memory_space<vmem_shared>> -> memref<128x64xf32, #tpu.memory_space<vmem_shared>>
      tpu.enqueue_dma source(%arg17 : memref<128x64xf32, #tpu.memory_space<vmem>>) target(%dma_start3A_211 : memref<128x64xf32, #tpu.memory_space<vmem_shared>>) target_semaphore(%run_scoped3A_207 : memref<!tpu.dma_semaphore, #tpu.memory_space<semaphore_mem>>)
      %dma_wait3A_212 = arith.constant 0 : i32
      %dma_wait3A_213 = tpu.memref_slice %arg20[%add3A_24, %dma_wait3A_212] : memref<10240x64xf32, #tpu.memory_space<vmem_shared>> -> memref<128x64xf32, #tpu.memory_space<vmem_shared>>
      %dma_wait3A_214 = arith.constant 0 : i32
      %dma_wait3A_215 = tpu.memref_slice %arg20[%add3A_24, %dma_wait3A_214] : memref<10240x64xf32, #tpu.memory_space<vmem_shared>> -> memref<128x64xf32, #tpu.memory_space<vmem_shared>>
      tpu.wait_dma2 semaphore(%run_scoped3A_207 : memref<!tpu.dma_semaphore, #tpu.memory_space<semaphore_mem>>) src(%arg17 : memref<128x64xf32, #tpu.memory_space<vmem>>) dst(%dma_wait3A_215 : memref<128x64xf32, #tpu.memory_space<vmem_shared>>)
      tpu.yield
    }) : () -> ()
    %mul3A_25 = arith.constant 640 : i32
    %mul3A_26 = arith.muli %arg1, %mul3A_25 : i32
    %add3A_27 = arith.constant 512 : i32
    %add3A_28 = arith.addi %mul3A_26, %add3A_27 : i32
    "tpu.region"() ({
      %run_scoped3A_207 = tpu.sem_alloc : memref<!tpu.dma_semaphore, #tpu.memory_space<semaphore_mem>>
      %dma_start3A_208 = arith.constant 0 : i32
      %dma_start3A_209 = tpu.memref_slice %arg20[%add3A_28, %dma_start3A_208] : memref<10240x64xf32, #tpu.memory_space<vmem_shared>> -> memref<128x64xf32, #tpu.memory_space<vmem_shared>>
      %dma_start3A_210 = arith.constant 0 : i32
      %dma_start3A_211 = tpu.memref_slice %arg20[%add3A_28, %dma_start3A_210] : memref<10240x64xf32, #tpu.memory_space<vmem_shared>> -> memref<128x64xf32, #tpu.memory_space<vmem_shared>>
      tpu.enqueue_dma source(%arg17 : memref<128x64xf32, #tpu.memory_space<vmem>>) target(%dma_start3A_211 : memref<128x64xf32, #tpu.memory_space<vmem_shared>>) target_semaphore(%run_scoped3A_207 : memref<!tpu.dma_semaphore, #tpu.memory_space<semaphore_mem>>)
      %dma_wait3A_212 = arith.constant 0 : i32
      %dma_wait3A_213 = tpu.memref_slice %arg20[%add3A_28, %dma_wait3A_212] : memref<10240x64xf32, #tpu.memory_space<vmem_shared>> -> memref<128x64xf32, #tpu.memory_space<vmem_shared>>
      %dma_wait3A_214 = arith.constant 0 : i32
      %dma_wait3A_215 = tpu.memref_slice %arg20[%add3A_28, %dma_wait3A_214] : memref<10240x64xf32, #tpu.memory_space<vmem_shared>> -> memref<128x64xf32, #tpu.memory_space<vmem_shared>>
      tpu.wait_dma2 semaphore(%run_scoped3A_207 : memref<!tpu.dma_semaphore, #tpu.memory_space<semaphore_mem>>) src(%arg17 : memref<128x64xf32, #tpu.memory_space<vmem>>) dst(%dma_wait3A_215 : memref<128x64xf32, #tpu.memory_space<vmem_shared>>)
      tpu.yield
    }) : () -> ()
    %barrier3A = arith.constant 0 : index
    tpu.barrier barrier_id(%barrier3A)
    %mul3A_29 = arith.constant 0 : i32
    %mul3A_30 = arith.constant 128 : i32
    %mul3A_31 = arith.muli %mul3A_29, %mul3A_30 : i32
    %scan3A_32 = arith.constant 0 : i32
    %scan3A_33 = arith.constant 0 : i32
    %scan3A_34 = arith.constant 0 : i32
    %scan3A_35 = arith.constant 8 : i32
    %scan3A_36 = arith.addi %scan3A_34, %scan3A_35 : i32
    %scan3A_37 = arith.constant 1 : i32
    %scan3A_38 = scf.for %scan3A_207 = %scan3A_34 to %scan3A_36 step %scan3A_37 iter_args(%scan3A_208 = %scan3A_33) -> (i32)  : i32 {
      %mul3A_209 = arith.constant 16 : i32
      %mul3A_210 = arith.muli %scan3A_207, %mul3A_209 : i32
      %add3A_211 = arith.addi %mul3A_31, %mul3A_210 : i32
      %mul3A_212 = arith.constant 16 : i32
      %mul3A_213 = arith.muli %scan3A_207, %mul3A_212 : i32
      %get3A_214 = arith.index_cast %add3A_211 : i32 to index
      %get3A_215 = tpu.vector_load %arg10[%get3A_214] {strides = array<i32>} : memref<10000xi32, #tpu.memory_space<vmem>>, vector<16xi32>,
      %get3A_216 = arith.index_cast %add3A_211 : i32 to index
      %get3A_217 = tpu.vector_load %arg12[%get3A_216] {strides = array<i32>} : memref<10000xf32, #tpu.memory_space<vmem>>, vector<16xf32>,
      %swap3A_218 = arith.index_cast %scan3A_32 : i32 to index
      %swap3A_219 = arith.index_cast %mul3A_213 : i32 to index
      %swap3A_220 = tpu.vector_load %arg15[%swap3A_218, %swap3A_219] {strides = array<i32>} : memref<2x128xf32, #tpu.memory_space<vmem>>, vector<16xf32>,
      tpu.vector_store %arg15[%swap3A_218, %swap3A_219], %get3A_217 {strides = array<i32>} : memref<2x128xf32, #tpu.memory_space<vmem>>, vector<16xf32>,
      %mul3A_221 = arith.constant 2 : i32
      %mul3A_222 = vector.broadcast %mul3A_221 : i32 to vector<16xi32>
      %mul3A_223 = arith.muli %get3A_215, %mul3A_222 : vector<16xi32>
      %add3A_224 = arith.constant 0 : i32
      %add3A_225 = vector.broadcast %add3A_224 : i32 to vector<16xi32>
      %add3A_226 = arith.addi %mul3A_223, %add3A_225 : vector<16xi32>
      %swap3A_227 = arith.index_cast %scan3A_32 : i32 to index
      %swap3A_228 = arith.index_cast %mul3A_213 : i32 to index
      %swap3A_229 = tpu.vector_load %arg13[%swap3A_227, %swap3A_228] {strides = array<i32>} : memref<2x128xi32, #tpu.memory_space<vmem>>, vector<16xi32>,
      tpu.vector_store %arg13[%swap3A_227, %swap3A_228], %add3A_226 {strides = array<i32>} : memref<2x128xi32, #tpu.memory_space<vmem>>, vector<16xi32>,
      %get3A_230 = arith.index_cast %add3A_211 : i32 to index
      %get3A_231 = tpu.vector_load %arg11[%get3A_230] {strides = array<i32>} : memref<10000xi32, #tpu.memory_space<vmem>>, vector<16xi32>,
      %swap3A_232 = arith.index_cast %scan3A_32 : i32 to index
      %swap3A_233 = arith.index_cast %mul3A_213 : i32 to index
      %swap3A_234 = tpu.vector_load %arg14[%swap3A_232, %swap3A_233] {strides = array<i32>} : memref<2x128xi32, #tpu.memory_space<vmem>>, vector<16xi32>,
      tpu.vector_store %arg14[%swap3A_232, %swap3A_233], %get3A_231 {strides = array<i32>} : memref<2x128xi32, #tpu.memory_space<vmem>>, vector<16xi32>,
      %scan3A_235 = arith.constant 0 : i32
      scf.yield %scan3A_235 : i32
    }
    %scan3A_39 = arith.constant 8 : i32
    %dma_start3A = arith.constant 0 : i32
    %dma_start3A_40 = arith.constant 0 : i32
    %dma_start3A_41 = arith.constant 0 : i32
    %dma_start3A_42 = arith.constant 0 : i32
    %dma_start3A_43 = tpu.memref_slice %arg16[%dma_start3A_40, %dma_start3A_41, %dma_start3A_42] : memref<2x128x64xf32, #tpu.memory_space<vmem>> -> memref<1x128x64xf32, #tpu.memory_space<vmem>>
    %dma_start3A_44 = tpu.memref_squeeze %dma_start3A_43 : memref<1x128x64xf32, #tpu.memory_space<vmem>> -> memref<128x64xf32, #tpu.memory_space<vmem>>
    %dma_start3A_45 = arith.constant 0 : i32
    %dma_start3A_46 = tpu.memref_slice %arg13[%dma_start3A, %dma_start3A_45] : memref<2x128xi32, #tpu.memory_space<vmem>> -> memref<1x128xi32, #tpu.memory_space<vmem>>
    %dma_start3A_47 = tpu.memref_squeeze %dma_start3A_46 : memref<1x128xi32, #tpu.memory_space<vmem>> -> memref<128xi32, #tpu.memory_space<vmem>>
    %dma_start3A_48 = arith.constant 0 : i32
    %dma_start3A_49 = arith.constant 0 : i32
    %dma_start3A_50 = tpu.memref_slice %arg5[%dma_start3A_48, %dma_start3A_49] : memref<20000x64xf32, #tpu.memory_space<hbm>> -> memref<20000x64xf32, #tpu.memory_space<hbm>>
    tpu.enqueue_indirect_dma source(%dma_start3A_50 : memref<20000x64xf32, #tpu.memory_space<hbm>>) target(%dma_start3A_44 : memref<128x64xf32, #tpu.memory_space<vmem>>) offsets(%dma_start3A_47 : memref<128xi32, #tpu.memory_space<vmem>>) semaphore(%arg18 : memref<!tpu.dma_semaphore, #tpu.memory_space<semaphore_mem>>)
    %scan3A_51 = arith.constant 0 : i32
    %scan3A_52 = arith.constant 0 : i32
    %scan3A_53 = arith.constant 78 : i32
    %scan3A_54 = arith.addi %scan3A_52, %scan3A_53 : i32
    %scan3A_55 = arith.constant 1 : i32
    %scan3A_56 = scf.for %scan3A_207 = %scan3A_52 to %scan3A_54 step %scan3A_55 iter_args(%scan3A_208 = %scan3A_51) -> (i32)  : i32 {
      %rem3A_209 = arith.constant 2 : i32
      %rem3A_210 = arith.remsi %scan3A_207, %rem3A_209 : i32
      %add3A_211 = arith.constant 1 : i32
      %add3A_212 = arith.addi %scan3A_207, %add3A_211 : i32
      %rem3A_213 = arith.constant 2 : i32
      %rem3A_214 = arith.remsi %add3A_212, %rem3A_213 : i32
      %dma_wait3A_215 = arith.constant 0 : i32
      %dma_wait3A_216 = arith.constant 0 : i32
      %dma_wait3A_217 = tpu.memref_slice %arg16[%rem3A_210, %dma_wait3A_215, %dma_wait3A_216] : memref<2x128x64xf32, #tpu.memory_space<vmem>> -> memref<1x128x64xf32, #tpu.memory_space<vmem>>
      %dma_wait3A_218 = tpu.memref_squeeze %dma_wait3A_217 : memref<1x128x64xf32, #tpu.memory_space<vmem>> -> memref<128x64xf32, #tpu.memory_space<vmem>>
      %dma_wait3A_219 = arith.constant 0 : i32
      %dma_wait3A_220 = tpu.memref_slice %arg13[%rem3A_210, %dma_wait3A_219] : memref<2x128xi32, #tpu.memory_space<vmem>> -> memref<1x128xi32, #tpu.memory_space<vmem>>
      %dma_wait3A_221 = tpu.memref_squeeze %dma_wait3A_220 : memref<1x128xi32, #tpu.memory_space<vmem>> -> memref<128xi32, #tpu.memory_space<vmem>>
      %dma_wait3A_222 = arith.constant 0 : i32
      %dma_wait3A_223 = arith.constant 0 : i32
      %dma_wait3A_224 = tpu.memref_slice %arg5[%dma_wait3A_222, %dma_wait3A_223] : memref<20000x64xf32, #tpu.memory_space<hbm>> -> memref<20000x64xf32, #tpu.memory_space<hbm>>
      tpu.wait_indirect_dma semaphore(%arg18 : memref<!tpu.dma_semaphore, #tpu.memory_space<semaphore_mem>>) src(%dma_wait3A_224 : memref<20000x64xf32, #tpu.memory_space<hbm>>) dst(%dma_wait3A_218 : memref<128x64xf32, #tpu.memory_space<vmem>>)
      %ge3A = arith.constant 1 : i32
      %ge3A_225 = arith.cmpi sge, %scan3A_207, %ge3A : i32
      %convert_element_type3A_226 = arith.extui %ge3A_225 : i1 to i32
      %cond3A_227 = arith.constant 0 : i32
      %cond3A_228 = arith.cmpi ne, %convert_element_type3A_226, %cond3A_227 : i32
      scf.if %cond3A_228 {
        %dma_wait3A_253 = arith.constant 0 : i32
        %dma_wait3A_254 = arith.constant 0 : i32
        %dma_wait3A_255 = tpu.memref_slice %arg16[%rem3A_214, %dma_wait3A_253, %dma_wait3A_254] : memref<2x128x64xf32, #tpu.memory_space<vmem>> -> memref<1x128x64xf32, #tpu.memory_space<vmem>>
        %dma_wait3A_256 = tpu.memref_squeeze %dma_wait3A_255 : memref<1x128x64xf32, #tpu.memory_space<vmem>> -> memref<128x64xf32, #tpu.memory_space<vmem>>
        %dma_wait3A_257 = arith.constant 0 : i32
        %dma_wait3A_258 = tpu.memref_slice %arg14[%rem3A_214, %dma_wait3A_257] : memref<2x128xi32, #tpu.memory_space<vmem>> -> memref<1x128xi32, #tpu.memory_space<vmem>>
        %dma_wait3A_259 = tpu.memref_squeeze %dma_wait3A_258 : memref<1x128xi32, #tpu.memory_space<vmem>> -> memref<128xi32, #tpu.memory_space<vmem>>
        %dma_wait3A_260 = arith.constant 0 : i32
        %dma_wait3A_261 = arith.constant 0 : i32
        %dma_wait3A_262 = tpu.memref_slice %arg20[%dma_wait3A_260, %dma_wait3A_261] : memref<10240x64xf32, #tpu.memory_space<vmem_shared>> -> memref<10240x64xf32, #tpu.memory_space<vmem_shared>>
        tpu.wait_indirect_dma semaphore(%arg19 : memref<!tpu.dma_semaphore, #tpu.memory_space<semaphore_mem>>) src(%dma_wait3A_256 : memref<128x64xf32, #tpu.memory_space<vmem>>) dst(%dma_wait3A_262 : memref<10240x64xf32, #tpu.memory_space<vmem_shared>>)
      } else {
      }
      %add3A_229 = arith.constant 1 : i32
      %add3A_230 = arith.addi %scan3A_207, %add3A_229 : i32
      %lt3A = arith.constant 78 : i32
      %lt3A_231 = arith.cmpi slt, %add3A_230, %lt3A : i32
      %convert_element_type3A_232 = arith.extui %lt3A_231 : i1 to i32
      %cond3A_233 = arith.constant 0 : i32
      %cond3A_234 = arith.cmpi ne, %convert_element_type3A_232, %cond3A_233 : i32
      scf.if %cond3A_234 {
        %add3A_253 = arith.constant 1 : i32
        %add3A_254 = arith.addi %scan3A_207, %add3A_253 : i32
        %mul3A_255 = arith.constant 128 : i32
        %mul3A_256 = arith.muli %add3A_254, %mul3A_255 : i32
        %scan3A_257 = arith.constant 0 : i32
        %scan3A_258 = arith.constant 0 : i32
        %scan3A_259 = arith.constant 8 : i32
        %scan3A_260 = arith.addi %scan3A_258, %scan3A_259 : i32
        %scan3A_261 = arith.constant 1 : i32
        %scan3A_262 = scf.for %scan3A_274 = %scan3A_258 to %scan3A_260 step %scan3A_261 iter_args(%scan3A_275 = %scan3A_257) -> (i32)  : i32 {
          %mul3A_276 = arith.constant 16 : i32
          %mul3A_277 = arith.muli %scan3A_274, %mul3A_276 : i32
          %add3A_278 = arith.addi %mul3A_256, %mul3A_277 : i32
          %mul3A_279 = arith.constant 16 : i32
          %mul3A_280 = arith.muli %scan3A_274, %mul3A_279 : i32
          %get3A_281 = arith.index_cast %add3A_278 : i32 to index
          %get3A_282 = tpu.vector_load %arg10[%get3A_281] {strides = array<i32>} : memref<10000xi32, #tpu.memory_space<vmem>>, vector<16xi32>,
          %get3A_283 = arith.index_cast %add3A_278 : i32 to index
          %get3A_284 = tpu.vector_load %arg12[%get3A_283] {strides = array<i32>} : memref<10000xf32, #tpu.memory_space<vmem>>, vector<16xf32>,
          %swap3A_285 = arith.index_cast %rem3A_214 : i32 to index
          %swap3A_286 = arith.index_cast %mul3A_280 : i32 to index
          %swap3A_287 = tpu.vector_load %arg15[%swap3A_285, %swap3A_286] {strides = array<i32>} : memref<2x128xf32, #tpu.memory_space<vmem>>, vector<16xf32>,
          tpu.vector_store %arg15[%swap3A_285, %swap3A_286], %get3A_284 {strides = array<i32>} : memref<2x128xf32, #tpu.memory_space<vmem>>, vector<16xf32>,
          %mul3A_288 = arith.constant 2 : i32
          %mul3A_289 = vector.broadcast %mul3A_288 : i32 to vector<16xi32>
          %mul3A_290 = arith.muli %get3A_282, %mul3A_289 : vector<16xi32>
          %add3A_291 = arith.constant 0 : i32
          %add3A_292 = vector.broadcast %add3A_291 : i32 to vector<16xi32>
          %add3A_293 = arith.addi %mul3A_290, %add3A_292 : vector<16xi32>
          %swap3A_294 = arith.index_cast %rem3A_214 : i32 to index
          %swap3A_295 = arith.index_cast %mul3A_280 : i32 to index
          %swap3A_296 = tpu.vector_load %arg13[%swap3A_294, %swap3A_295] {strides = array<i32>} : memref<2x128xi32, #tpu.memory_space<vmem>>, vector<16xi32>,
          tpu.vector_store %arg13[%swap3A_294, %swap3A_295], %add3A_293 {strides = array<i32>} : memref<2x128xi32, #tpu.memory_space<vmem>>, vector<16xi32>,
          %get3A_297 = arith.index_cast %add3A_278 : i32 to index
          %get3A_298 = tpu.vector_load %arg11[%get3A_297] {strides = array<i32>} : memref<10000xi32, #tpu.memory_space<vmem>>, vector<16xi32>,
          %swap3A_299 = arith.index_cast %rem3A_214 : i32 to index
          %swap3A_300 = arith.index_cast %mul3A_280 : i32 to index
          %swap3A_301 = tpu.vector_load %arg14[%swap3A_299, %swap3A_300] {strides = array<i32>} : memref<2x128xi32, #tpu.memory_space<vmem>>, vector<16xi32>,
          tpu.vector_store %arg14[%swap3A_299, %swap3A_300], %get3A_298 {strides = array<i32>} : memref<2x128xi32, #tpu.memory_space<vmem>>, vector<16xi32>,
          %scan3A_302 = arith.constant 0 : i32
          scf.yield %scan3A_302 : i32
        }
        %scan3A_263 = arith.constant 8 : i32
        %dma_start3A_264 = arith.constant 0 : i32
        %dma_start3A_265 = arith.constant 0 : i32
        %dma_start3A_266 = tpu.memref_slice %arg16[%rem3A_214, %dma_start3A_264, %dma_start3A_265] : memref<2x128x64xf32, #tpu.memory_space<vmem>> -> memref<1x128x64xf32, #tpu.memory_space<vmem>>
        %dma_start3A_267 = tpu.memref_squeeze %dma_start3A_266 : memref<1x128x64xf32, #tpu.memory_space<vmem>> -> memref<128x64xf32, #tpu.memory_space<vmem>>
        %dma_start3A_268 = arith.constant 0 : i32
        %dma_start3A_269 = tpu.memref_slice %arg13[%rem3A_214, %dma_start3A_268] : memref<2x128xi32, #tpu.memory_space<vmem>> -> memref<1x128xi32, #tpu.memory_space<vmem>>
        %dma_start3A_270 = tpu.memref_squeeze %dma_start3A_269 : memref<1x128xi32, #tpu.memory_space<vmem>> -> memref<128xi32, #tpu.memory_space<vmem>>
        %dma_start3A_271 = arith.constant 0 : i32
        %dma_start3A_272 = arith.constant 0 : i32
        %dma_start3A_273 = tpu.memref_slice %arg5[%dma_start3A_271, %dma_start3A_272] : memref<20000x64xf32, #tpu.memory_space<hbm>> -> memref<20000x64xf32, #tpu.memory_space<hbm>>
        tpu.enqueue_indirect_dma source(%dma_start3A_273 : memref<20000x64xf32, #tpu.memory_space<hbm>>) target(%dma_start3A_267 : memref<128x64xf32, #tpu.memory_space<vmem>>) offsets(%dma_start3A_270 : memref<128xi32, #tpu.memory_space<vmem>>) semaphore(%arg18 : memref<!tpu.dma_semaphore, #tpu.memory_space<semaphore_mem>>)
      } else {
      }
      %scan3A_235 = arith.constant 0 : i32
      %scan3A_236 = arith.constant 0 : i32
      %scan3A_237 = arith.constant 128 : i32
      %scan3A_238 = arith.addi %scan3A_236, %scan3A_237 : i32
      %scan3A_239 = arith.constant 1 : i32
      %scan3A_240 = scf.for %scan3A_253 = %scan3A_236 to %scan3A_238 step %scan3A_239 iter_args(%scan3A_254 = %scan3A_235) -> (i32)  : i32 {
        %broadcast_in_dim3A = vector.broadcast %rem3A_210 : i32 to vector<16xi32>
        %broadcast_in_dim3A_255 = vector.broadcast %scan3A_253 : i32 to vector<16xi32>
        %gather3A = tpu.vector_load_idx %arg15[%broadcast_in_dim3A, %broadcast_in_dim3A_255] : memref<2x128xf32, #tpu.memory_space<vmem>>[vector<16xi32>, vector<16xi32>], vector<16xf32>,
        %get3A_256 = arith.index_cast %rem3A_210 : i32 to index
        %get3A_257 = arith.index_cast %scan3A_253 : i32 to index
        %get3A_258 = arith.constant 0 : index
        %get3A_259 = tpu.vector_load %arg16[%get3A_256, %get3A_257, %get3A_258] {strides = array<i32>} : memref<2x128x64xf32, #tpu.memory_space<vmem>>, vector<16xf32>,
        %mul3A_260 = arith.mulf %get3A_259, %gather3A : vector<16xf32>
        %swap3A_261 = arith.index_cast %rem3A_210 : i32 to index
        %swap3A_262 = arith.index_cast %scan3A_253 : i32 to index
        %swap3A_263 = arith.constant 0 : index
        %swap3A_264 = tpu.vector_load %arg16[%swap3A_261, %swap3A_262, %swap3A_263] {strides = array<i32>} : memref<2x128x64xf32, #tpu.memory_space<vmem>>, vector<16xf32>,
        tpu.vector_store %arg16[%swap3A_261, %swap3A_262, %swap3A_263], %mul3A_260 {strides = array<i32>} : memref<2x128x64xf32, #tpu.memory_space<vmem>>, vector<16xf32>,
        %get3A_265 = arith.index_cast %rem3A_210 : i32 to index
        %get3A_266 = arith.index_cast %scan3A_253 : i32 to index
        %get3A_267 = arith.constant 16 : index
        %get3A_268 = tpu.vector_load %arg16[%get3A_265, %get3A_266, %get3A_267] {strides = array<i32>} : memref<2x128x64xf32, #tpu.memory_space<vmem>>, vector<16xf32>,
        %mul3A_269 = arith.mulf %get3A_268, %gather3A : vector<16xf32>
        %swap3A_270 = arith.index_cast %rem3A_210 : i32 to index
        %swap3A_271 = arith.index_cast %scan3A_253 : i32 to index
        %swap3A_272 = arith.constant 16 : index
        %swap3A_273 = tpu.vector_load %arg16[%swap3A_270, %swap3A_271, %swap3A_272] {strides = array<i32>} : memref<2x128x64xf32, #tpu.memory_space<vmem>>, vector<16xf32>,
        tpu.vector_store %arg16[%swap3A_270, %swap3A_271, %swap3A_272], %mul3A_269 {strides = array<i32>} : memref<2x128x64xf32, #tpu.memory_space<vmem>>, vector<16xf32>,
        %get3A_274 = arith.index_cast %rem3A_210 : i32 to index
        %get3A_275 = arith.index_cast %scan3A_253 : i32 to index
        %get3A_276 = arith.constant 32 : index
        %get3A_277 = tpu.vector_load %arg16[%get3A_274, %get3A_275, %get3A_276] {strides = array<i32>} : memref<2x128x64xf32, #tpu.memory_space<vmem>>, vector<16xf32>,
        %mul3A_278 = arith.mulf %get3A_277, %gather3A : vector<16xf32>
        %swap3A_279 = arith.index_cast %rem3A_210 : i32 to index
        %swap3A_280 = arith.index_cast %scan3A_253 : i32 to index
        %swap3A_281 = arith.constant 32 : index
        %swap3A_282 = tpu.vector_load %arg16[%swap3A_279, %swap3A_280, %swap3A_281] {strides = array<i32>} : memref<2x128x64xf32, #tpu.memory_space<vmem>>, vector<16xf32>,
        tpu.vector_store %arg16[%swap3A_279, %swap3A_280, %swap3A_281], %mul3A_278 {strides = array<i32>} : memref<2x128x64xf32, #tpu.memory_space<vmem>>, vector<16xf32>,
        %get3A_283 = arith.index_cast %rem3A_210 : i32 to index
        %get3A_284 = arith.index_cast %scan3A_253 : i32 to index
        %get3A_285 = arith.constant 48 : index
        %get3A_286 = tpu.vector_load %arg16[%get3A_283, %get3A_284, %get3A_285] {strides = array<i32>} : memref<2x128x64xf32, #tpu.memory_space<vmem>>, vector<16xf32>,
        %mul3A_287 = arith.mulf %get3A_286, %gather3A : vector<16xf32>
        %swap3A_288 = arith.index_cast %rem3A_210 : i32 to index
        %swap3A_289 = arith.index_cast %scan3A_253 : i32 to index
        %swap3A_290 = arith.constant 48 : index
        %swap3A_291 = tpu.vector_load %arg16[%swap3A_288, %swap3A_289, %swap3A_290] {strides = array<i32>} : memref<2x128x64xf32, #tpu.memory_space<vmem>>, vector<16xf32>,
        tpu.vector_store %arg16[%swap3A_288, %swap3A_289, %swap3A_290], %mul3A_287 {strides = array<i32>} : memref<2x128x64xf32, #tpu.memory_space<vmem>>, vector<16xf32>,
        %scan3A_292 = arith.constant 0 : i32
        scf.yield %scan3A_292 : i32
      }
      %scan3A_241 = arith.constant 128 : i32
      %dma_start3A_242 = arith.constant 0 : i32
      %dma_start3A_243 = arith.constant 0 : i32
      %dma_start3A_244 = tpu.memref_slice %arg16[%rem3A_210, %dma_start3A_242, %dma_start3A_243] : memref<2x128x64xf32, #tpu.memory_space<vmem>> -> memref<1x128x64xf32, #tpu.memory_space<vmem>>
      %dma_start3A_245 = tpu.memref_squeeze %dma_start3A_244 : memref<1x128x64xf32, #tpu.memory_space<vmem>> -> memref<128x64xf32, #tpu.memory_space<vmem>>
      %dma_start3A_246 = arith.constant 0 : i32
      %dma_start3A_247 = tpu.memref_slice %arg14[%rem3A_210, %dma_start3A_246] : memref<2x128xi32, #tpu.memory_space<vmem>> -> memref<1x128xi32, #tpu.memory_space<vmem>>
      %dma_start3A_248 = tpu.memref_squeeze %dma_start3A_247 : memref<1x128xi32, #tpu.memory_space<vmem>> -> memref<128xi32, #tpu.memory_space<vmem>>
      %dma_start3A_249 = arith.constant 0 : i32
      %dma_start3A_250 = arith.constant 0 : i32
      %dma_start3A_251 = tpu.memref_slice %arg20[%dma_start3A_249, %dma_start3A_250] : memref<10240x64xf32, #tpu.memory_space<vmem_shared>> -> memref<10240x64xf32, #tpu.memory_space<vmem_shared>>
      tpu.enqueue_indirect_dma source(%dma_start3A_245 : memref<128x64xf32, #tpu.memory_space<vmem>>) target(%dma_start3A_251 : memref<10240x64xf32, #tpu.memory_space<vmem_shared>>) offsets(%dma_start3A_248 : memref<128xi32, #tpu.memory_space<vmem>>) semaphore(%arg19 : memref<!tpu.dma_semaphore, #tpu.memory_space<semaphore_mem>>) {add = true}
      %scan3A_252 = arith.constant 0 : i32
      scf.yield %scan3A_252 : i32
    }
    %scan3A_57 = arith.constant 78 : i32
    %rem3A = arith.constant 77 : i32
    %rem3A_58 = arith.constant 2 : i32
    %rem3A_59 = arith.remsi %rem3A, %rem3A_58 : i32
    %rem3A_60 = arith.constant 77 : i32
    %rem3A_61 = arith.constant 2 : i32
    %rem3A_62 = arith.remsi %rem3A_60, %rem3A_61 : i32
    %dma_wait3A = arith.constant 0 : i32
    %dma_wait3A_63 = arith.constant 0 : i32
    %dma_wait3A_64 = tpu.memref_slice %arg16[%rem3A_59, %dma_wait3A, %dma_wait3A_63] : memref<2x128x64xf32, #tpu.memory_space<vmem>> -> memref<1x128x64xf32, #tpu.memory_space<vmem>>
    %dma_wait3A_65 = tpu.memref_squeeze %dma_wait3A_64 : memref<1x128x64xf32, #tpu.memory_space<vmem>> -> memref<128x64xf32, #tpu.memory_space<vmem>>
    %dma_wait3A_66 = arith.constant 0 : i32
    %dma_wait3A_67 = tpu.memref_slice %arg14[%rem3A_62, %dma_wait3A_66] : memref<2x128xi32, #tpu.memory_space<vmem>> -> memref<1x128xi32, #tpu.memory_space<vmem>>
    %dma_wait3A_68 = tpu.memref_squeeze %dma_wait3A_67 : memref<1x128xi32, #tpu.memory_space<vmem>> -> memref<128xi32, #tpu.memory_space<vmem>>
    %dma_wait3A_69 = arith.constant 0 : i32
    %dma_wait3A_70 = arith.constant 0 : i32
    %dma_wait3A_71 = tpu.memref_slice %arg20[%dma_wait3A_69, %dma_wait3A_70] : memref<10240x64xf32, #tpu.memory_space<vmem_shared>> -> memref<10240x64xf32, #tpu.memory_space<vmem_shared>>
    tpu.wait_indirect_dma semaphore(%arg19 : memref<!tpu.dma_semaphore, #tpu.memory_space<semaphore_mem>>) src(%dma_wait3A_65 : memref<128x64xf32, #tpu.memory_space<vmem>>) dst(%dma_wait3A_71 : memref<10240x64xf32, #tpu.memory_space<vmem_shared>>)
    %get3A = arith.constant 9984 : index
    %get3A_72 = tpu.vector_load %arg10[%get3A] {strides = array<i32>} : memref<10000xi32, #tpu.memory_space<vmem>>, vector<16xi32>,
    %get3A_73 = arith.constant 9984 : index
    %get3A_74 = tpu.vector_load %arg11[%get3A_73] {strides = array<i32>} : memref<10000xi32, #tpu.memory_space<vmem>>, vector<16xi32>,
    %get3A_75 = arith.constant 9984 : index
    %get3A_76 = tpu.vector_load %arg12[%get3A_75] {strides = array<i32>} : memref<10000xf32, #tpu.memory_space<vmem>>, vector<16xf32>,
    %swap3A = arith.constant 0 : i32
    %swap3A_77 = arith.index_cast %swap3A : i32 to index
    %swap3A_78 = arith.constant 0 : index
    %swap3A_79 = tpu.vector_load %arg15[%swap3A_77, %swap3A_78] {strides = array<i32>} : memref<2x128xf32, #tpu.memory_space<vmem>>, vector<16xf32>,
    tpu.vector_store %arg15[%swap3A_77, %swap3A_78], %get3A_76 {strides = array<i32>} : memref<2x128xf32, #tpu.memory_space<vmem>>, vector<16xf32>,
    %mul3A_80 = arith.constant 2 : i32
    %mul3A_81 = vector.broadcast %mul3A_80 : i32 to vector<16xi32>
    %mul3A_82 = arith.muli %get3A_72, %mul3A_81 : vector<16xi32>
    %add3A_83 = arith.constant 0 : i32
    %add3A_84 = vector.broadcast %add3A_83 : i32 to vector<16xi32>
    %add3A_85 = arith.addi %mul3A_82, %add3A_84 : vector<16xi32>
    %run_scoped3A = arith.constant 0 : i32
    "tpu.region"() ({
      %run_scoped3A_207 = tpu.sem_alloc : memref<!tpu.dma_semaphore, #tpu.memory_space<semaphore_mem>>
      %dma_start3A_208 = arith.constant 0 : i32
      %dma_start3A_209 = arith.constant 0 : i32
      %dma_start3A_210 = tpu.memref_slice %arg16[%run_scoped3A, %dma_start3A_208, %dma_start3A_209] : memref<2x128x64xf32, #tpu.memory_space<vmem>> -> memref<1x16x64xf32, #tpu.memory_space<vmem>>
      %dma_start3A_211 = tpu.memref_squeeze %dma_start3A_210 : memref<1x16x64xf32, #tpu.memory_space<vmem>> -> memref<16x64xf32, #tpu.memory_space<vmem>>
      %dma_start3A_212 = arith.constant 0 : i32
      %dma_start3A_213 = arith.constant 0 : i32
      %dma_start3A_214 = tpu.memref_slice %arg5[%dma_start3A_212, %dma_start3A_213] : memref<20000x64xf32, #tpu.memory_space<hbm>> -> memref<20000x64xf32, #tpu.memory_space<hbm>>
      tpu.enqueue_indirect_dma source(%dma_start3A_214 : memref<20000x64xf32, #tpu.memory_space<hbm>>) target(%dma_start3A_211 : memref<16x64xf32, #tpu.memory_space<vmem>>) offsets(%add3A_85 : vector<16xi32>) semaphore(%run_scoped3A_207 : memref<!tpu.dma_semaphore, #tpu.memory_space<semaphore_mem>>)
      %dma_wait3A_215 = arith.constant 0 : i32
      %dma_wait3A_216 = arith.constant 0 : i32
      %dma_wait3A_217 = tpu.memref_slice %arg16[%run_scoped3A, %dma_wait3A_215, %dma_wait3A_216] : memref<2x128x64xf32, #tpu.memory_space<vmem>> -> memref<1x16x64xf32, #tpu.memory_space<vmem>>
      %dma_wait3A_218 = tpu.memref_squeeze %dma_wait3A_217 : memref<1x16x64xf32, #tpu.memory_space<vmem>> -> memref<16x64xf32, #tpu.memory_space<vmem>>
      %dma_wait3A_219 = arith.constant 0 : i32
      %dma_wait3A_220 = arith.constant 0 : i32
      %dma_wait3A_221 = tpu.memref_slice %arg5[%dma_wait3A_219, %dma_wait3A_220] : memref<20000x64xf32, #tpu.memory_space<hbm>> -> memref<20000x64xf32, #tpu.memory_space<hbm>>
      tpu.wait_indirect_dma semaphore(%run_scoped3A_207 : memref<!tpu.dma_semaphore, #tpu.memory_space<semaphore_mem>>) src(%dma_wait3A_221 : memref<20000x64xf32, #tpu.memory_space<hbm>>) dst(%dma_wait3A_218 : memref<16x64xf32, #tpu.memory_space<vmem>>)
      tpu.yield
    }) : () -> ()
    %scan3A_86 = arith.constant 0 : i32
    %scan3A_87 = arith.constant 0 : i32
    %scan3A_88 = arith.constant 16 : i32
    %scan3A_89 = arith.addi %scan3A_87, %scan3A_88 : i32
    %scan3A_90 = arith.constant 1 : i32
    %scan3A_91 = scf.for %scan3A_207 = %scan3A_87 to %scan3A_89 step %scan3A_90 iter_args(%scan3A_208 = %scan3A_86) -> (i32)  : i32 {
      %broadcast_in_dim3A = arith.constant 0 : i32
      %broadcast_in_dim3A_209 = vector.broadcast %broadcast_in_dim3A : i32 to vector<16xi32>
      %broadcast_in_dim3A_210 = vector.broadcast %scan3A_207 : i32 to vector<16xi32>
      %gather3A = tpu.vector_load_idx %arg15[%broadcast_in_dim3A_209, %broadcast_in_dim3A_210] : memref<2x128xf32, #tpu.memory_space<vmem>>[vector<16xi32>, vector<16xi32>], vector<16xf32>,
      %get3A_211 = arith.constant 0 : i32
      %get3A_212 = arith.index_cast %get3A_211 : i32 to index
      %get3A_213 = arith.index_cast %scan3A_207 : i32 to index
      %get3A_214 = arith.constant 0 : index
      %get3A_215 = tpu.vector_load %arg16[%get3A_212, %get3A_213, %get3A_214] {strides = array<i32>} : memref<2x128x64xf32, #tpu.memory_space<vmem>>, vector<16xf32>,
      %mul3A_216 = arith.mulf %get3A_215, %gather3A : vector<16xf32>
      %swap3A_217 = arith.constant 0 : i32
      %swap3A_218 = arith.index_cast %swap3A_217 : i32 to index
      %swap3A_219 = arith.index_cast %scan3A_207 : i32 to index
      %swap3A_220 = arith.constant 0 : index
      %swap3A_221 = tpu.vector_load %arg16[%swap3A_218, %swap3A_219, %swap3A_220] {strides = array<i32>} : memref<2x128x64xf32, #tpu.memory_space<vmem>>, vector<16xf32>,
      tpu.vector_store %arg16[%swap3A_218, %swap3A_219, %swap3A_220], %mul3A_216 {strides = array<i32>} : memref<2x128x64xf32, #tpu.memory_space<vmem>>, vector<16xf32>,
      %get3A_222 = arith.constant 0 : i32
      %get3A_223 = arith.index_cast %get3A_222 : i32 to index
      %get3A_224 = arith.index_cast %scan3A_207 : i32 to index
      %get3A_225 = arith.constant 16 : index
      %get3A_226 = tpu.vector_load %arg16[%get3A_223, %get3A_224, %get3A_225] {strides = array<i32>} : memref<2x128x64xf32, #tpu.memory_space<vmem>>, vector<16xf32>,
      %mul3A_227 = arith.mulf %get3A_226, %gather3A : vector<16xf32>
      %swap3A_228 = arith.constant 0 : i32
      %swap3A_229 = arith.index_cast %swap3A_228 : i32 to index
      %swap3A_230 = arith.index_cast %scan3A_207 : i32 to index
      %swap3A_231 = arith.constant 16 : index
      %swap3A_232 = tpu.vector_load %arg16[%swap3A_229, %swap3A_230, %swap3A_231] {strides = array<i32>} : memref<2x128x64xf32, #tpu.memory_space<vmem>>, vector<16xf32>,
      tpu.vector_store %arg16[%swap3A_229, %swap3A_230, %swap3A_231], %mul3A_227 {strides = array<i32>} : memref<2x128x64xf32, #tpu.memory_space<vmem>>, vector<16xf32>,
      %get3A_233 = arith.constant 0 : i32
      %get3A_234 = arith.index_cast %get3A_233 : i32 to index
      %get3A_235 = arith.index_cast %scan3A_207 : i32 to index
      %get3A_236 = arith.constant 32 : index
      %get3A_237 = tpu.vector_load %arg16[%get3A_234, %get3A_235, %get3A_236] {strides = array<i32>} : memref<2x128x64xf32, #tpu.memory_space<vmem>>, vector<16xf32>,
      %mul3A_238 = arith.mulf %get3A_237, %gather3A : vector<16xf32>
      %swap3A_239 = arith.constant 0 : i32
      %swap3A_240 = arith.index_cast %swap3A_239 : i32 to index
      %swap3A_241 = arith.index_cast %scan3A_207 : i32 to index
      %swap3A_242 = arith.constant 32 : index
      %swap3A_243 = tpu.vector_load %arg16[%swap3A_240, %swap3A_241, %swap3A_242] {strides = array<i32>} : memref<2x128x64xf32, #tpu.memory_space<vmem>>, vector<16xf32>,
      tpu.vector_store %arg16[%swap3A_240, %swap3A_241, %swap3A_242], %mul3A_238 {strides = array<i32>} : memref<2x128x64xf32, #tpu.memory_space<vmem>>, vector<16xf32>,
      %get3A_244 = arith.constant 0 : i32
      %get3A_245 = arith.index_cast %get3A_244 : i32 to index
      %get3A_246 = arith.index_cast %scan3A_207 : i32 to index
      %get3A_247 = arith.constant 48 : index
      %get3A_248 = tpu.vector_load %arg16[%get3A_245, %get3A_246, %get3A_247] {strides = array<i32>} : memref<2x128x64xf32, #tpu.memory_space<vmem>>, vector<16xf32>,
      %mul3A_249 = arith.mulf %get3A_248, %gather3A : vector<16xf32>
      %swap3A_250 = arith.constant 0 : i32
      %swap3A_251 = arith.index_cast %swap3A_250 : i32 to index
      %swap3A_252 = arith.index_cast %scan3A_207 : i32 to index
      %swap3A_253 = arith.constant 48 : index
      %swap3A_254 = tpu.vector_load %arg16[%swap3A_251, %swap3A_252, %swap3A_253] {strides = array<i32>} : memref<2x128x64xf32, #tpu.memory_space<vmem>>, vector<16xf32>,
      tpu.vector_store %arg16[%swap3A_251, %swap3A_252, %swap3A_253], %mul3A_249 {strides = array<i32>} : memref<2x128x64xf32, #tpu.memory_space<vmem>>, vector<16xf32>,
      %scan3A_255 = arith.constant 0 : i32
      scf.yield %scan3A_255 : i32
    }
    %scan3A_92 = arith.constant 16 : i32
    %run_scoped3A_93 = arith.constant 0 : i32
    "tpu.region"() ({
      %run_scoped3A_207 = tpu.sem_alloc : memref<!tpu.dma_semaphore, #tpu.memory_space<semaphore_mem>>
      %dma_start3A_208 = arith.constant 0 : i32
      %dma_start3A_209 = arith.constant 0 : i32
      %dma_start3A_210 = tpu.memref_slice %arg16[%run_scoped3A_93, %dma_start3A_208, %dma_start3A_209] : memref<2x128x64xf32, #tpu.memory_space<vmem>> -> memref<1x16x64xf32, #tpu.memory_space<vmem>>
      %dma_start3A_211 = tpu.memref_squeeze %dma_start3A_210 : memref<1x16x64xf32, #tpu.memory_space<vmem>> -> memref<16x64xf32, #tpu.memory_space<vmem>>
      %dma_start3A_212 = arith.constant 0 : i32
      %dma_start3A_213 = arith.constant 0 : i32
      %dma_start3A_214 = tpu.memref_slice %arg20[%dma_start3A_212, %dma_start3A_213] : memref<10240x64xf32, #tpu.memory_space<vmem_shared>> -> memref<10240x64xf32, #tpu.memory_space<vmem_shared>>
      tpu.enqueue_indirect_dma source(%dma_start3A_211 : memref<16x64xf32, #tpu.memory_space<vmem>>) target(%dma_start3A_214 : memref<10240x64xf32, #tpu.memory_space<vmem_shared>>) offsets(%get3A_74 : vector<16xi32>) semaphore(%run_scoped3A_207 : memref<!tpu.dma_semaphore, #tpu.memory_space<semaphore_mem>>) {add = true}
      %dma_wait3A_215 = arith.constant 0 : i32
      %dma_wait3A_216 = arith.constant 0 : i32
      %dma_wait3A_217 = tpu.memref_slice %arg16[%run_scoped3A_93, %dma_wait3A_215, %dma_wait3A_216] : memref<2x128x64xf32, #tpu.memory_space<vmem>> -> memref<1x16x64xf32, #tpu.memory_space<vmem>>
      %dma_wait3A_218 = tpu.memref_squeeze %dma_wait3A_217 : memref<1x16x64xf32, #tpu.memory_space<vmem>> -> memref<16x64xf32, #tpu.memory_space<vmem>>
      %dma_wait3A_219 = arith.constant 0 : i32
      %dma_wait3A_220 = arith.constant 0 : i32
      %dma_wait3A_221 = tpu.memref_slice %arg20[%dma_wait3A_219, %dma_wait3A_220] : memref<10240x64xf32, #tpu.memory_space<vmem_shared>> -> memref<10240x64xf32, #tpu.memory_space<vmem_shared>>
      tpu.wait_indirect_dma semaphore(%run_scoped3A_207 : memref<!tpu.dma_semaphore, #tpu.memory_space<semaphore_mem>>) src(%dma_wait3A_218 : memref<16x64xf32, #tpu.memory_space<vmem>>) dst(%dma_wait3A_221 : memref<10240x64xf32, #tpu.memory_space<vmem_shared>>)
      tpu.yield
    }) : () -> ()
    %barrier3A_94 = arith.constant 0 : index
    tpu.barrier barrier_id(%barrier3A_94)
    %eq3A = arith.constant 0 : i32
    %eq3A_95 = arith.cmpi eq, %arg0, %eq3A : i32
    %convert_element_type3A = arith.extui %eq3A_95 : i1 to i32
    %cond3A = arith.constant 0 : i32
    %cond3A_96 = arith.cmpi ne, %convert_element_type3A, %cond3A : i32
    scf.if %cond3A_96 {
      %mul3A_207 = arith.constant 640 : i32
      %mul3A_208 = arith.muli %arg1, %mul3A_207 : i32
      %mul3A_209 = arith.constant 640 : i32
      %mul3A_210 = arith.muli %arg1, %mul3A_209 : i32
      "tpu.region"() ({
        %run_scoped3A_211 = tpu.sem_alloc : memref<!tpu.dma_semaphore, #tpu.memory_space<semaphore_mem>>
        %dma_start3A_212 = arith.constant 0 : i32
        %dma_start3A_213 = tpu.memref_slice %arg6[%mul3A_210, %dma_start3A_212] : memref<10240x64xf32, #tpu.memory_space<hbm>> -> memref<640x64xf32, #tpu.memory_space<hbm>>
        %dma_start3A_214 = arith.constant 0 : i32
        %dma_start3A_215 = tpu.memref_slice %arg20[%mul3A_208, %dma_start3A_214] : memref<10240x64xf32, #tpu.memory_space<vmem_shared>> -> memref<640x64xf32, #tpu.memory_space<vmem_shared>>
        tpu.enqueue_dma source(%dma_start3A_215 : memref<640x64xf32, #tpu.memory_space<vmem_shared>>) target(%dma_start3A_213 : memref<640x64xf32, #tpu.memory_space<hbm>>) target_semaphore(%run_scoped3A_211 : memref<!tpu.dma_semaphore, #tpu.memory_space<semaphore_mem>>)
        %dma_wait3A_216 = arith.constant 0 : i32
        %dma_wait3A_217 = tpu.memref_slice %arg6[%mul3A_210, %dma_wait3A_216] : memref<10240x64xf32, #tpu.memory_space<hbm>> -> memref<640x64xf32, #tpu.memory_space<hbm>>
        %dma_wait3A_218 = arith.constant 0 : i32
        %dma_wait3A_219 = tpu.memref_slice %arg20[%mul3A_208, %dma_wait3A_218] : memref<10240x64xf32, #tpu.memory_space<vmem_shared>> -> memref<640x64xf32, #tpu.memory_space<vmem_shared>>
        tpu.wait_dma2 semaphore(%run_scoped3A_211 : memref<!tpu.dma_semaphore, #tpu.memory_space<semaphore_mem>>) src(%dma_wait3A_219 : memref<640x64xf32, #tpu.memory_space<vmem_shared>>) dst(%dma_wait3A_217 : memref<640x64xf32, #tpu.memory_space<hbm>>)
        tpu.yield
      }) : () -> ()
    } else {
    }
    %eq3A_97 = arith.constant 1 : i32
    %eq3A_98 = arith.cmpi eq, %arg0, %eq3A_97 : i32
    %convert_element_type3A_99 = arith.extui %eq3A_98 : i1 to i32
    %cond3A_100 = arith.constant 0 : i32
    %cond3A_101 = arith.cmpi ne, %convert_element_type3A_99, %cond3A_100 : i32
    scf.if %cond3A_101 {
      %mul3A_207 = arith.constant 640 : i32
      %mul3A_208 = arith.muli %arg1, %mul3A_207 : i32
      %mul3A_209 = arith.constant 640 : i32
      %mul3A_210 = arith.muli %arg1, %mul3A_209 : i32
      "tpu.region"() ({
        %run_scoped3A_211 = tpu.sem_alloc : memref<!tpu.dma_semaphore, #tpu.memory_space<semaphore_mem>>
        %dma_start3A_212 = arith.constant 0 : i32
        %dma_start3A_213 = tpu.memref_slice %arg8[%mul3A_210, %dma_start3A_212] : memref<10240x64xf32, #tpu.memory_space<hbm>> -> memref<640x64xf32, #tpu.memory_space<hbm>>
        %dma_start3A_214 = arith.constant 0 : i32
        %dma_start3A_215 = tpu.memref_slice %arg20[%mul3A_208, %dma_start3A_214] : memref<10240x64xf32, #tpu.memory_space<vmem_shared>> -> memref<640x64xf32, #tpu.memory_space<vmem_shared>>
        tpu.enqueue_dma source(%dma_start3A_215 : memref<640x64xf32, #tpu.memory_space<vmem_shared>>) target(%dma_start3A_213 : memref<640x64xf32, #tpu.memory_space<hbm>>) target_semaphore(%run_scoped3A_211 : memref<!tpu.dma_semaphore, #tpu.memory_space<semaphore_mem>>)
        %dma_wait3A_216 = arith.constant 0 : i32
        %dma_wait3A_217 = tpu.memref_slice %arg8[%mul3A_210, %dma_wait3A_216] : memref<10240x64xf32, #tpu.memory_space<hbm>> -> memref<640x64xf32, #tpu.memory_space<hbm>>
        %dma_wait3A_218 = arith.constant 0 : i32
        %dma_wait3A_219 = tpu.memref_slice %arg20[%mul3A_208, %dma_wait3A_218] : memref<10240x64xf32, #tpu.memory_space<vmem_shared>> -> memref<640x64xf32, #tpu.memory_space<vmem_shared>>
        tpu.wait_dma2 semaphore(%run_scoped3A_211 : memref<!tpu.dma_semaphore, #tpu.memory_space<semaphore_mem>>) src(%dma_wait3A_219 : memref<640x64xf32, #tpu.memory_space<vmem_shared>>) dst(%dma_wait3A_217 : memref<640x64xf32, #tpu.memory_space<hbm>>)
        tpu.yield
      }) : () -> ()
    } else {
    }
    %barrier3A_102 = arith.constant 0 : index
    tpu.barrier barrier_id(%barrier3A_102)
    %mul3A_103 = arith.constant 640 : i32
    %mul3A_104 = arith.muli %arg1, %mul3A_103 : i32
    %add3A_105 = arith.constant 0 : i32
    %add3A_106 = arith.addi %mul3A_104, %add3A_105 : i32
    "tpu.region"() ({
      %run_scoped3A_207 = tpu.sem_alloc : memref<!tpu.dma_semaphore, #tpu.memory_space<semaphore_mem>>
      %dma_start3A_208 = arith.constant 0 : i32
      %dma_start3A_209 = tpu.memref_slice %arg20[%add3A_106, %dma_start3A_208] : memref<10240x64xf32, #tpu.memory_space<vmem_shared>> -> memref<128x64xf32, #tpu.memory_space<vmem_shared>>
      %dma_start3A_210 = arith.constant 0 : i32
      %dma_start3A_211 = tpu.memref_slice %arg20[%add3A_106, %dma_start3A_210] : memref<10240x64xf32, #tpu.memory_space<vmem_shared>> -> memref<128x64xf32, #tpu.memory_space<vmem_shared>>
      tpu.enqueue_dma source(%arg17 : memref<128x64xf32, #tpu.memory_space<vmem>>) target(%dma_start3A_211 : memref<128x64xf32, #tpu.memory_space<vmem_shared>>) target_semaphore(%run_scoped3A_207 : memref<!tpu.dma_semaphore, #tpu.memory_space<semaphore_mem>>)
      %dma_wait3A_212 = arith.constant 0 : i32
      %dma_wait3A_213 = tpu.memref_slice %arg20[%add3A_106, %dma_wait3A_212] : memref<10240x64xf32, #tpu.memory_space<vmem_shared>> -> memref<128x64xf32, #tpu.memory_space<vmem_shared>>
      %dma_wait3A_214 = arith.constant 0 : i32
      %dma_wait3A_215 = tpu.memref_slice %arg20[%add3A_106, %dma_wait3A_214] : memref<10240x64xf32, #tpu.memory_space<vmem_shared>> -> memref<128x64xf32, #tpu.memory_space<vmem_shared>>
      tpu.wait_dma2 semaphore(%run_scoped3A_207 : memref<!tpu.dma_semaphore, #tpu.memory_space<semaphore_mem>>) src(%arg17 : memref<128x64xf32, #tpu.memory_space<vmem>>) dst(%dma_wait3A_215 : memref<128x64xf32, #tpu.memory_space<vmem_shared>>)
      tpu.yield
    }) : () -> ()
    %mul3A_107 = arith.constant 640 : i32
    %mul3A_108 = arith.muli %arg1, %mul3A_107 : i32
    %add3A_109 = arith.constant 128 : i32
    %add3A_110 = arith.addi %mul3A_108, %add3A_109 : i32
    "tpu.region"() ({
      %run_scoped3A_207 = tpu.sem_alloc : memref<!tpu.dma_semaphore, #tpu.memory_space<semaphore_mem>>
      %dma_start3A_208 = arith.constant 0 : i32
      %dma_start3A_209 = tpu.memref_slice %arg20[%add3A_110, %dma_start3A_208] : memref<10240x64xf32, #tpu.memory_space<vmem_shared>> -> memref<128x64xf32, #tpu.memory_space<vmem_shared>>
      %dma_start3A_210 = arith.constant 0 : i32
      %dma_start3A_211 = tpu.memref_slice %arg20[%add3A_110, %dma_start3A_210] : memref<10240x64xf32, #tpu.memory_space<vmem_shared>> -> memref<128x64xf32, #tpu.memory_space<vmem_shared>>
      tpu.enqueue_dma source(%arg17 : memref<128x64xf32, #tpu.memory_space<vmem>>) target(%dma_start3A_211 : memref<128x64xf32, #tpu.memory_space<vmem_shared>>) target_semaphore(%run_scoped3A_207 : memref<!tpu.dma_semaphore, #tpu.memory_space<semaphore_mem>>)
      %dma_wait3A_212 = arith.constant 0 : i32
      %dma_wait3A_213 = tpu.memref_slice %arg20[%add3A_110, %dma_wait3A_212] : memref<10240x64xf32, #tpu.memory_space<vmem_shared>> -> memref<128x64xf32, #tpu.memory_space<vmem_shared>>
      %dma_wait3A_214 = arith.constant 0 : i32
      %dma_wait3A_215 = tpu.memref_slice %arg20[%add3A_110, %dma_wait3A_214] : memref<10240x64xf32, #tpu.memory_space<vmem_shared>> -> memref<128x64xf32, #tpu.memory_space<vmem_shared>>
      tpu.wait_dma2 semaphore(%run_scoped3A_207 : memref<!tpu.dma_semaphore, #tpu.memory_space<semaphore_mem>>) src(%arg17 : memref<128x64xf32, #tpu.memory_space<vmem>>) dst(%dma_wait3A_215 : memref<128x64xf32, #tpu.memory_space<vmem_shared>>)
      tpu.yield
    }) : () -> ()
    %mul3A_111 = arith.constant 640 : i32
    %mul3A_112 = arith.muli %arg1, %mul3A_111 : i32
    %add3A_113 = arith.constant 256 : i32
    %add3A_114 = arith.addi %mul3A_112, %add3A_113 : i32
    "tpu.region"() ({
      %run_scoped3A_207 = tpu.sem_alloc : memref<!tpu.dma_semaphore, #tpu.memory_space<semaphore_mem>>
      %dma_start3A_208 = arith.constant 0 : i32
      %dma_start3A_209 = tpu.memref_slice %arg20[%add3A_114, %dma_start3A_208] : memref<10240x64xf32, #tpu.memory_space<vmem_shared>> -> memref<128x64xf32, #tpu.memory_space<vmem_shared>>
      %dma_start3A_210 = arith.constant 0 : i32
      %dma_start3A_211 = tpu.memref_slice %arg20[%add3A_114, %dma_start3A_210] : memref<10240x64xf32, #tpu.memory_space<vmem_shared>> -> memref<128x64xf32, #tpu.memory_space<vmem_shared>>
      tpu.enqueue_dma source(%arg17 : memref<128x64xf32, #tpu.memory_space<vmem>>) target(%dma_start3A_211 : memref<128x64xf32, #tpu.memory_space<vmem_shared>>) target_semaphore(%run_scoped3A_207 : memref<!tpu.dma_semaphore, #tpu.memory_space<semaphore_mem>>)
      %dma_wait3A_212 = arith.constant 0 : i32
      %dma_wait3A_213 = tpu.memref_slice %arg20[%add3A_114, %dma_wait3A_212] : memref<10240x64xf32, #tpu.memory_space<vmem_shared>> -> memref<128x64xf32, #tpu.memory_space<vmem_shared>>
      %dma_wait3A_214 = arith.constant 0 : i32
      %dma_wait3A_215 = tpu.memref_slice %arg20[%add3A_114, %dma_wait3A_214] : memref<10240x64xf32, #tpu.memory_space<vmem_shared>> -> memref<128x64xf32, #tpu.memory_space<vmem_shared>>
      tpu.wait_dma2 semaphore(%run_scoped3A_207 : memref<!tpu.dma_semaphore, #tpu.memory_space<semaphore_mem>>) src(%arg17 : memref<128x64xf32, #tpu.memory_space<vmem>>) dst(%dma_wait3A_215 : memref<128x64xf32, #tpu.memory_space<vmem_shared>>)
      tpu.yield
    }) : () -> ()
    %mul3A_115 = arith.constant 640 : i32
    %mul3A_116 = arith.muli %arg1, %mul3A_115 : i32
    %add3A_117 = arith.constant 384 : i32
    %add3A_118 = arith.addi %mul3A_116, %add3A_117 : i32
    "tpu.region"() ({
      %run_scoped3A_207 = tpu.sem_alloc : memref<!tpu.dma_semaphore, #tpu.memory_space<semaphore_mem>>
      %dma_start3A_208 = arith.constant 0 : i32
      %dma_start3A_209 = tpu.memref_slice %arg20[%add3A_118, %dma_start3A_208] : memref<10240x64xf32, #tpu.memory_space<vmem_shared>> -> memref<128x64xf32, #tpu.memory_space<vmem_shared>>
      %dma_start3A_210 = arith.constant 0 : i32
      %dma_start3A_211 = tpu.memref_slice %arg20[%add3A_118, %dma_start3A_210] : memref<10240x64xf32, #tpu.memory_space<vmem_shared>> -> memref<128x64xf32, #tpu.memory_space<vmem_shared>>
      tpu.enqueue_dma source(%arg17 : memref<128x64xf32, #tpu.memory_space<vmem>>) target(%dma_start3A_211 : memref<128x64xf32, #tpu.memory_space<vmem_shared>>) target_semaphore(%run_scoped3A_207 : memref<!tpu.dma_semaphore, #tpu.memory_space<semaphore_mem>>)
      %dma_wait3A_212 = arith.constant 0 : i32
      %dma_wait3A_213 = tpu.memref_slice %arg20[%add3A_118, %dma_wait3A_212] : memref<10240x64xf32, #tpu.memory_space<vmem_shared>> -> memref<128x64xf32, #tpu.memory_space<vmem_shared>>
      %dma_wait3A_214 = arith.constant 0 : i32
      %dma_wait3A_215 = tpu.memref_slice %arg20[%add3A_118, %dma_wait3A_214] : memref<10240x64xf32, #tpu.memory_space<vmem_shared>> -> memref<128x64xf32, #tpu.memory_space<vmem_shared>>
      tpu.wait_dma2 semaphore(%run_scoped3A_207 : memref<!tpu.dma_semaphore, #tpu.memory_space<semaphore_mem>>) src(%arg17 : memref<128x64xf32, #tpu.memory_space<vmem>>) dst(%dma_wait3A_215 : memref<128x64xf32, #tpu.memory_space<vmem_shared>>)
      tpu.yield
    }) : () -> ()
    %mul3A_119 = arith.constant 640 : i32
    %mul3A_120 = arith.muli %arg1, %mul3A_119 : i32
    %add3A_121 = arith.constant 512 : i32
    %add3A_122 = arith.addi %mul3A_120, %add3A_121 : i32
    "tpu.region"() ({
      %run_scoped3A_207 = tpu.sem_alloc : memref<!tpu.dma_semaphore, #tpu.memory_space<semaphore_mem>>
      %dma_start3A_208 = arith.constant 0 : i32
      %dma_start3A_209 = tpu.memref_slice %arg20[%add3A_122, %dma_start3A_208] : memref<10240x64xf32, #tpu.memory_space<vmem_shared>> -> memref<128x64xf32, #tpu.memory_space<vmem_shared>>
      %dma_start3A_210 = arith.constant 0 : i32
      %dma_start3A_211 = tpu.memref_slice %arg20[%add3A_122, %dma_start3A_210] : memref<10240x64xf32, #tpu.memory_space<vmem_shared>> -> memref<128x64xf32, #tpu.memory_space<vmem_shared>>
      tpu.enqueue_dma source(%arg17 : memref<128x64xf32, #tpu.memory_space<vmem>>) target(%dma_start3A_211 : memref<128x64xf32, #tpu.memory_space<vmem_shared>>) target_semaphore(%run_scoped3A_207 : memref<!tpu.dma_semaphore, #tpu.memory_space<semaphore_mem>>)
      %dma_wait3A_212 = arith.constant 0 : i32
      %dma_wait3A_213 = tpu.memref_slice %arg20[%add3A_122, %dma_wait3A_212] : memref<10240x64xf32, #tpu.memory_space<vmem_shared>> -> memref<128x64xf32, #tpu.memory_space<vmem_shared>>
      %dma_wait3A_214 = arith.constant 0 : i32
      %dma_wait3A_215 = tpu.memref_slice %arg20[%add3A_122, %dma_wait3A_214] : memref<10240x64xf32, #tpu.memory_space<vmem_shared>> -> memref<128x64xf32, #tpu.memory_space<vmem_shared>>
      tpu.wait_dma2 semaphore(%run_scoped3A_207 : memref<!tpu.dma_semaphore, #tpu.memory_space<semaphore_mem>>) src(%arg17 : memref<128x64xf32, #tpu.memory_space<vmem>>) dst(%dma_wait3A_215 : memref<128x64xf32, #tpu.memory_space<vmem_shared>>)
      tpu.yield
    }) : () -> ()
    %barrier3A_123 = arith.constant 0 : index
    tpu.barrier barrier_id(%barrier3A_123)
    %mul3A_124 = arith.constant 0 : i32
    %mul3A_125 = arith.constant 128 : i32
    %mul3A_126 = arith.muli %mul3A_124, %mul3A_125 : i32
    %scan3A_127 = arith.constant 0 : i32
    %scan3A_128 = arith.constant 0 : i32
    %scan3A_129 = arith.constant 0 : i32
    %scan3A_130 = arith.constant 8 : i32
    %scan3A_131 = arith.addi %scan3A_129, %scan3A_130 : i32
    %scan3A_132 = arith.constant 1 : i32
    %scan3A_133 = scf.for %scan3A_207 = %scan3A_129 to %scan3A_131 step %scan3A_132 iter_args(%scan3A_208 = %scan3A_128) -> (i32)  : i32 {
      %mul3A_209 = arith.constant 16 : i32
      %mul3A_210 = arith.muli %scan3A_207, %mul3A_209 : i32
      %add3A_211 = arith.addi %mul3A_126, %mul3A_210 : i32
      %mul3A_212 = arith.constant 16 : i32
      %mul3A_213 = arith.muli %scan3A_207, %mul3A_212 : i32
      %get3A_214 = arith.index_cast %add3A_211 : i32 to index
      %get3A_215 = tpu.vector_load %arg10[%get3A_214] {strides = array<i32>} : memref<10000xi32, #tpu.memory_space<vmem>>, vector<16xi32>,
      %get3A_216 = arith.index_cast %add3A_211 : i32 to index
      %get3A_217 = tpu.vector_load %arg12[%get3A_216] {strides = array<i32>} : memref<10000xf32, #tpu.memory_space<vmem>>, vector<16xf32>,
      %swap3A_218 = arith.index_cast %scan3A_127 : i32 to index
      %swap3A_219 = arith.index_cast %mul3A_213 : i32 to index
      %swap3A_220 = tpu.vector_load %arg15[%swap3A_218, %swap3A_219] {strides = array<i32>} : memref<2x128xf32, #tpu.memory_space<vmem>>, vector<16xf32>,
      tpu.vector_store %arg15[%swap3A_218, %swap3A_219], %get3A_217 {strides = array<i32>} : memref<2x128xf32, #tpu.memory_space<vmem>>, vector<16xf32>,
      %mul3A_221 = arith.constant 2 : i32
      %mul3A_222 = vector.broadcast %mul3A_221 : i32 to vector<16xi32>
      %mul3A_223 = arith.muli %get3A_215, %mul3A_222 : vector<16xi32>
      %add3A_224 = arith.constant 1 : i32
      %add3A_225 = vector.broadcast %add3A_224 : i32 to vector<16xi32>
      %add3A_226 = arith.addi %mul3A_223, %add3A_225 : vector<16xi32>
      %swap3A_227 = arith.index_cast %scan3A_127 : i32 to index
      %swap3A_228 = arith.index_cast %mul3A_213 : i32 to index
      %swap3A_229 = tpu.vector_load %arg13[%swap3A_227, %swap3A_228] {strides = array<i32>} : memref<2x128xi32, #tpu.memory_space<vmem>>, vector<16xi32>,
      tpu.vector_store %arg13[%swap3A_227, %swap3A_228], %add3A_226 {strides = array<i32>} : memref<2x128xi32, #tpu.memory_space<vmem>>, vector<16xi32>,
      %get3A_230 = arith.index_cast %add3A_211 : i32 to index
      %get3A_231 = tpu.vector_load %arg11[%get3A_230] {strides = array<i32>} : memref<10000xi32, #tpu.memory_space<vmem>>, vector<16xi32>,
      %swap3A_232 = arith.index_cast %scan3A_127 : i32 to index
      %swap3A_233 = arith.index_cast %mul3A_213 : i32 to index
      %swap3A_234 = tpu.vector_load %arg14[%swap3A_232, %swap3A_233] {strides = array<i32>} : memref<2x128xi32, #tpu.memory_space<vmem>>, vector<16xi32>,
      tpu.vector_store %arg14[%swap3A_232, %swap3A_233], %get3A_231 {strides = array<i32>} : memref<2x128xi32, #tpu.memory_space<vmem>>, vector<16xi32>,
      %scan3A_235 = arith.constant 0 : i32
      scf.yield %scan3A_235 : i32
    }
    %scan3A_134 = arith.constant 8 : i32
    %dma_start3A_135 = arith.constant 0 : i32
    %dma_start3A_136 = arith.constant 0 : i32
    %dma_start3A_137 = arith.constant 0 : i32
    %dma_start3A_138 = arith.constant 0 : i32
    %dma_start3A_139 = tpu.memref_slice %arg16[%dma_start3A_136, %dma_start3A_137, %dma_start3A_138] : memref<2x128x64xf32, #tpu.memory_space<vmem>> -> memref<1x128x64xf32, #tpu.memory_space<vmem>>
    %dma_start3A_140 = tpu.memref_squeeze %dma_start3A_139 : memref<1x128x64xf32, #tpu.memory_space<vmem>> -> memref<128x64xf32, #tpu.memory_space<vmem>>
    %dma_start3A_141 = arith.constant 0 : i32
    %dma_start3A_142 = tpu.memref_slice %arg13[%dma_start3A_135, %dma_start3A_141] : memref<2x128xi32, #tpu.memory_space<vmem>> -> memref<1x128xi32, #tpu.memory_space<vmem>>
    %dma_start3A_143 = tpu.memref_squeeze %dma_start3A_142 : memref<1x128xi32, #tpu.memory_space<vmem>> -> memref<128xi32, #tpu.memory_space<vmem>>
    %dma_start3A_144 = arith.constant 0 : i32
    %dma_start3A_145 = arith.constant 0 : i32
    %dma_start3A_146 = tpu.memref_slice %arg5[%dma_start3A_144, %dma_start3A_145] : memref<20000x64xf32, #tpu.memory_space<hbm>> -> memref<20000x64xf32, #tpu.memory_space<hbm>>
    tpu.enqueue_indirect_dma source(%dma_start3A_146 : memref<20000x64xf32, #tpu.memory_space<hbm>>) target(%dma_start3A_140 : memref<128x64xf32, #tpu.memory_space<vmem>>) offsets(%dma_start3A_143 : memref<128xi32, #tpu.memory_space<vmem>>) semaphore(%arg18 : memref<!tpu.dma_semaphore, #tpu.memory_space<semaphore_mem>>)
    %scan3A_147 = arith.constant 0 : i32
    %scan3A_148 = arith.constant 0 : i32
    %scan3A_149 = arith.constant 78 : i32
    %scan3A_150 = arith.addi %scan3A_148, %scan3A_149 : i32
    %scan3A_151 = arith.constant 1 : i32
    %scan3A_152 = scf.for %scan3A_207 = %scan3A_148 to %scan3A_150 step %scan3A_151 iter_args(%scan3A_208 = %scan3A_147) -> (i32)  : i32 {
      %rem3A_209 = arith.constant 2 : i32
      %rem3A_210 = arith.remsi %scan3A_207, %rem3A_209 : i32
      %add3A_211 = arith.constant 1 : i32
      %add3A_212 = arith.addi %scan3A_207, %add3A_211 : i32
      %rem3A_213 = arith.constant 2 : i32
      %rem3A_214 = arith.remsi %add3A_212, %rem3A_213 : i32
      %dma_wait3A_215 = arith.constant 0 : i32
      %dma_wait3A_216 = arith.constant 0 : i32
      %dma_wait3A_217 = tpu.memref_slice %arg16[%rem3A_210, %dma_wait3A_215, %dma_wait3A_216] : memref<2x128x64xf32, #tpu.memory_space<vmem>> -> memref<1x128x64xf32, #tpu.memory_space<vmem>>
      %dma_wait3A_218 = tpu.memref_squeeze %dma_wait3A_217 : memref<1x128x64xf32, #tpu.memory_space<vmem>> -> memref<128x64xf32, #tpu.memory_space<vmem>>
      %dma_wait3A_219 = arith.constant 0 : i32
      %dma_wait3A_220 = tpu.memref_slice %arg13[%rem3A_210, %dma_wait3A_219] : memref<2x128xi32, #tpu.memory_space<vmem>> -> memref<1x128xi32, #tpu.memory_space<vmem>>
      %dma_wait3A_221 = tpu.memref_squeeze %dma_wait3A_220 : memref<1x128xi32, #tpu.memory_space<vmem>> -> memref<128xi32, #tpu.memory_space<vmem>>
      %dma_wait3A_222 = arith.constant 0 : i32
      %dma_wait3A_223 = arith.constant 0 : i32
      %dma_wait3A_224 = tpu.memref_slice %arg5[%dma_wait3A_222, %dma_wait3A_223] : memref<20000x64xf32, #tpu.memory_space<hbm>> -> memref<20000x64xf32, #tpu.memory_space<hbm>>
      tpu.wait_indirect_dma semaphore(%arg18 : memref<!tpu.dma_semaphore, #tpu.memory_space<semaphore_mem>>) src(%dma_wait3A_224 : memref<20000x64xf32, #tpu.memory_space<hbm>>) dst(%dma_wait3A_218 : memref<128x64xf32, #tpu.memory_space<vmem>>)
      %ge3A = arith.constant 1 : i32
      %ge3A_225 = arith.cmpi sge, %scan3A_207, %ge3A : i32
      %convert_element_type3A_226 = arith.extui %ge3A_225 : i1 to i32
      %cond3A_227 = arith.constant 0 : i32
      %cond3A_228 = arith.cmpi ne, %convert_element_type3A_226, %cond3A_227 : i32
      scf.if %cond3A_228 {
        %dma_wait3A_253 = arith.constant 0 : i32
        %dma_wait3A_254 = arith.constant 0 : i32
        %dma_wait3A_255 = tpu.memref_slice %arg16[%rem3A_214, %dma_wait3A_253, %dma_wait3A_254] : memref<2x128x64xf32, #tpu.memory_space<vmem>> -> memref<1x128x64xf32, #tpu.memory_space<vmem>>
        %dma_wait3A_256 = tpu.memref_squeeze %dma_wait3A_255 : memref<1x128x64xf32, #tpu.memory_space<vmem>> -> memref<128x64xf32, #tpu.memory_space<vmem>>
        %dma_wait3A_257 = arith.constant 0 : i32
        %dma_wait3A_258 = tpu.memref_slice %arg14[%rem3A_214, %dma_wait3A_257] : memref<2x128xi32, #tpu.memory_space<vmem>> -> memref<1x128xi32, #tpu.memory_space<vmem>>
        %dma_wait3A_259 = tpu.memref_squeeze %dma_wait3A_258 : memref<1x128xi32, #tpu.memory_space<vmem>> -> memref<128xi32, #tpu.memory_space<vmem>>
        %dma_wait3A_260 = arith.constant 0 : i32
        %dma_wait3A_261 = arith.constant 0 : i32
        %dma_wait3A_262 = tpu.memref_slice %arg20[%dma_wait3A_260, %dma_wait3A_261] : memref<10240x64xf32, #tpu.memory_space<vmem_shared>> -> memref<10240x64xf32, #tpu.memory_space<vmem_shared>>
        tpu.wait_indirect_dma semaphore(%arg19 : memref<!tpu.dma_semaphore, #tpu.memory_space<semaphore_mem>>) src(%dma_wait3A_256 : memref<128x64xf32, #tpu.memory_space<vmem>>) dst(%dma_wait3A_262 : memref<10240x64xf32, #tpu.memory_space<vmem_shared>>)
      } else {
      }
      %add3A_229 = arith.constant 1 : i32
      %add3A_230 = arith.addi %scan3A_207, %add3A_229 : i32
      %lt3A = arith.constant 78 : i32
      %lt3A_231 = arith.cmpi slt, %add3A_230, %lt3A : i32
      %convert_element_type3A_232 = arith.extui %lt3A_231 : i1 to i32
      %cond3A_233 = arith.constant 0 : i32
      %cond3A_234 = arith.cmpi ne, %convert_element_type3A_232, %cond3A_233 : i32
      scf.if %cond3A_234 {
        %add3A_253 = arith.constant 1 : i32
        %add3A_254 = arith.addi %scan3A_207, %add3A_253 : i32
        %mul3A_255 = arith.constant 128 : i32
        %mul3A_256 = arith.muli %add3A_254, %mul3A_255 : i32
        %scan3A_257 = arith.constant 0 : i32
        %scan3A_258 = arith.constant 0 : i32
        %scan3A_259 = arith.constant 8 : i32
        %scan3A_260 = arith.addi %scan3A_258, %scan3A_259 : i32
        %scan3A_261 = arith.constant 1 : i32
        %scan3A_262 = scf.for %scan3A_274 = %scan3A_258 to %scan3A_260 step %scan3A_261 iter_args(%scan3A_275 = %scan3A_257) -> (i32)  : i32 {
          %mul3A_276 = arith.constant 16 : i32
          %mul3A_277 = arith.muli %scan3A_274, %mul3A_276 : i32
          %add3A_278 = arith.addi %mul3A_256, %mul3A_277 : i32
          %mul3A_279 = arith.constant 16 : i32
          %mul3A_280 = arith.muli %scan3A_274, %mul3A_279 : i32
          %get3A_281 = arith.index_cast %add3A_278 : i32 to index
          %get3A_282 = tpu.vector_load %arg10[%get3A_281] {strides = array<i32>} : memref<10000xi32, #tpu.memory_space<vmem>>, vector<16xi32>,
          %get3A_283 = arith.index_cast %add3A_278 : i32 to index
          %get3A_284 = tpu.vector_load %arg12[%get3A_283] {strides = array<i32>} : memref<10000xf32, #tpu.memory_space<vmem>>, vector<16xf32>,
          %swap3A_285 = arith.index_cast %rem3A_214 : i32 to index
          %swap3A_286 = arith.index_cast %mul3A_280 : i32 to index
          %swap3A_287 = tpu.vector_load %arg15[%swap3A_285, %swap3A_286] {strides = array<i32>} : memref<2x128xf32, #tpu.memory_space<vmem>>, vector<16xf32>,
          tpu.vector_store %arg15[%swap3A_285, %swap3A_286], %get3A_284 {strides = array<i32>} : memref<2x128xf32, #tpu.memory_space<vmem>>, vector<16xf32>,
          %mul3A_288 = arith.constant 2 : i32
          %mul3A_289 = vector.broadcast %mul3A_288 : i32 to vector<16xi32>
          %mul3A_290 = arith.muli %get3A_282, %mul3A_289 : vector<16xi32>
          %add3A_291 = arith.constant 1 : i32
          %add3A_292 = vector.broadcast %add3A_291 : i32 to vector<16xi32>
          %add3A_293 = arith.addi %mul3A_290, %add3A_292 : vector<16xi32>
          %swap3A_294 = arith.index_cast %rem3A_214 : i32 to index
          %swap3A_295 = arith.index_cast %mul3A_280 : i32 to index
          %swap3A_296 = tpu.vector_load %arg13[%swap3A_294, %swap3A_295] {strides = array<i32>} : memref<2x128xi32, #tpu.memory_space<vmem>>, vector<16xi32>,
          tpu.vector_store %arg13[%swap3A_294, %swap3A_295], %add3A_293 {strides = array<i32>} : memref<2x128xi32, #tpu.memory_space<vmem>>, vector<16xi32>,
          %get3A_297 = arith.index_cast %add3A_278 : i32 to index
          %get3A_298 = tpu.vector_load %arg11[%get3A_297] {strides = array<i32>} : memref<10000xi32, #tpu.memory_space<vmem>>, vector<16xi32>,
          %swap3A_299 = arith.index_cast %rem3A_214 : i32 to index
          %swap3A_300 = arith.index_cast %mul3A_280 : i32 to index
          %swap3A_301 = tpu.vector_load %arg14[%swap3A_299, %swap3A_300] {strides = array<i32>} : memref<2x128xi32, #tpu.memory_space<vmem>>, vector<16xi32>,
          tpu.vector_store %arg14[%swap3A_299, %swap3A_300], %get3A_298 {strides = array<i32>} : memref<2x128xi32, #tpu.memory_space<vmem>>, vector<16xi32>,
          %scan3A_302 = arith.constant 0 : i32
          scf.yield %scan3A_302 : i32
        }
        %scan3A_263 = arith.constant 8 : i32
        %dma_start3A_264 = arith.constant 0 : i32
        %dma_start3A_265 = arith.constant 0 : i32
        %dma_start3A_266 = tpu.memref_slice %arg16[%rem3A_214, %dma_start3A_264, %dma_start3A_265] : memref<2x128x64xf32, #tpu.memory_space<vmem>> -> memref<1x128x64xf32, #tpu.memory_space<vmem>>
        %dma_start3A_267 = tpu.memref_squeeze %dma_start3A_266 : memref<1x128x64xf32, #tpu.memory_space<vmem>> -> memref<128x64xf32, #tpu.memory_space<vmem>>
        %dma_start3A_268 = arith.constant 0 : i32
        %dma_start3A_269 = tpu.memref_slice %arg13[%rem3A_214, %dma_start3A_268] : memref<2x128xi32, #tpu.memory_space<vmem>> -> memref<1x128xi32, #tpu.memory_space<vmem>>
        %dma_start3A_270 = tpu.memref_squeeze %dma_start3A_269 : memref<1x128xi32, #tpu.memory_space<vmem>> -> memref<128xi32, #tpu.memory_space<vmem>>
        %dma_start3A_271 = arith.constant 0 : i32
        %dma_start3A_272 = arith.constant 0 : i32
        %dma_start3A_273 = tpu.memref_slice %arg5[%dma_start3A_271, %dma_start3A_272] : memref<20000x64xf32, #tpu.memory_space<hbm>> -> memref<20000x64xf32, #tpu.memory_space<hbm>>
        tpu.enqueue_indirect_dma source(%dma_start3A_273 : memref<20000x64xf32, #tpu.memory_space<hbm>>) target(%dma_start3A_267 : memref<128x64xf32, #tpu.memory_space<vmem>>) offsets(%dma_start3A_270 : memref<128xi32, #tpu.memory_space<vmem>>) semaphore(%arg18 : memref<!tpu.dma_semaphore, #tpu.memory_space<semaphore_mem>>)
      } else {
      }
      %scan3A_235 = arith.constant 0 : i32
      %scan3A_236 = arith.constant 0 : i32
      %scan3A_237 = arith.constant 128 : i32
      %scan3A_238 = arith.addi %scan3A_236, %scan3A_237 : i32
      %scan3A_239 = arith.constant 1 : i32
      %scan3A_240 = scf.for %scan3A_253 = %scan3A_236 to %scan3A_238 step %scan3A_239 iter_args(%scan3A_254 = %scan3A_235) -> (i32)  : i32 {
        %broadcast_in_dim3A = vector.broadcast %rem3A_210 : i32 to vector<16xi32>
        %broadcast_in_dim3A_255 = vector.broadcast %scan3A_253 : i32 to vector<16xi32>
        %gather3A = tpu.vector_load_idx %arg15[%broadcast_in_dim3A, %broadcast_in_dim3A_255] : memref<2x128xf32, #tpu.memory_space<vmem>>[vector<16xi32>, vector<16xi32>], vector<16xf32>,
        %get3A_256 = arith.index_cast %rem3A_210 : i32 to index
        %get3A_257 = arith.index_cast %scan3A_253 : i32 to index
        %get3A_258 = arith.constant 0 : index
        %get3A_259 = tpu.vector_load %arg16[%get3A_256, %get3A_257, %get3A_258] {strides = array<i32>} : memref<2x128x64xf32, #tpu.memory_space<vmem>>, vector<16xf32>,
        %mul3A_260 = arith.mulf %get3A_259, %gather3A : vector<16xf32>
        %swap3A_261 = arith.index_cast %rem3A_210 : i32 to index
        %swap3A_262 = arith.index_cast %scan3A_253 : i32 to index
        %swap3A_263 = arith.constant 0 : index
        %swap3A_264 = tpu.vector_load %arg16[%swap3A_261, %swap3A_262, %swap3A_263] {strides = array<i32>} : memref<2x128x64xf32, #tpu.memory_space<vmem>>, vector<16xf32>,
        tpu.vector_store %arg16[%swap3A_261, %swap3A_262, %swap3A_263], %mul3A_260 {strides = array<i32>} : memref<2x128x64xf32, #tpu.memory_space<vmem>>, vector<16xf32>,
        %get3A_265 = arith.index_cast %rem3A_210 : i32 to index
        %get3A_266 = arith.index_cast %scan3A_253 : i32 to index
        %get3A_267 = arith.constant 16 : index
        %get3A_268 = tpu.vector_load %arg16[%get3A_265, %get3A_266, %get3A_267] {strides = array<i32>} : memref<2x128x64xf32, #tpu.memory_space<vmem>>, vector<16xf32>,
        %mul3A_269 = arith.mulf %get3A_268, %gather3A : vector<16xf32>
        %swap3A_270 = arith.index_cast %rem3A_210 : i32 to index
        %swap3A_271 = arith.index_cast %scan3A_253 : i32 to index
        %swap3A_272 = arith.constant 16 : index
        %swap3A_273 = tpu.vector_load %arg16[%swap3A_270, %swap3A_271, %swap3A_272] {strides = array<i32>} : memref<2x128x64xf32, #tpu.memory_space<vmem>>, vector<16xf32>,
        tpu.vector_store %arg16[%swap3A_270, %swap3A_271, %swap3A_272], %mul3A_269 {strides = array<i32>} : memref<2x128x64xf32, #tpu.memory_space<vmem>>, vector<16xf32>,
        %get3A_274 = arith.index_cast %rem3A_210 : i32 to index
        %get3A_275 = arith.index_cast %scan3A_253 : i32 to index
        %get3A_276 = arith.constant 32 : index
        %get3A_277 = tpu.vector_load %arg16[%get3A_274, %get3A_275, %get3A_276] {strides = array<i32>} : memref<2x128x64xf32, #tpu.memory_space<vmem>>, vector<16xf32>,
        %mul3A_278 = arith.mulf %get3A_277, %gather3A : vector<16xf32>
        %swap3A_279 = arith.index_cast %rem3A_210 : i32 to index
        %swap3A_280 = arith.index_cast %scan3A_253 : i32 to index
        %swap3A_281 = arith.constant 32 : index
        %swap3A_282 = tpu.vector_load %arg16[%swap3A_279, %swap3A_280, %swap3A_281] {strides = array<i32>} : memref<2x128x64xf32, #tpu.memory_space<vmem>>, vector<16xf32>,
        tpu.vector_store %arg16[%swap3A_279, %swap3A_280, %swap3A_281], %mul3A_278 {strides = array<i32>} : memref<2x128x64xf32, #tpu.memory_space<vmem>>, vector<16xf32>,
        %get3A_283 = arith.index_cast %rem3A_210 : i32 to index
        %get3A_284 = arith.index_cast %scan3A_253 : i32 to index
        %get3A_285 = arith.constant 48 : index
        %get3A_286 = tpu.vector_load %arg16[%get3A_283, %get3A_284, %get3A_285] {strides = array<i32>} : memref<2x128x64xf32, #tpu.memory_space<vmem>>, vector<16xf32>,
        %mul3A_287 = arith.mulf %get3A_286, %gather3A : vector<16xf32>
        %swap3A_288 = arith.index_cast %rem3A_210 : i32 to index
        %swap3A_289 = arith.index_cast %scan3A_253 : i32 to index
        %swap3A_290 = arith.constant 48 : index
        %swap3A_291 = tpu.vector_load %arg16[%swap3A_288, %swap3A_289, %swap3A_290] {strides = array<i32>} : memref<2x128x64xf32, #tpu.memory_space<vmem>>, vector<16xf32>,
        tpu.vector_store %arg16[%swap3A_288, %swap3A_289, %swap3A_290], %mul3A_287 {strides = array<i32>} : memref<2x128x64xf32, #tpu.memory_space<vmem>>, vector<16xf32>,
        %scan3A_292 = arith.constant 0 : i32
        scf.yield %scan3A_292 : i32
      }
      %scan3A_241 = arith.constant 128 : i32
      %dma_start3A_242 = arith.constant 0 : i32
      %dma_start3A_243 = arith.constant 0 : i32
      %dma_start3A_244 = tpu.memref_slice %arg16[%rem3A_210, %dma_start3A_242, %dma_start3A_243] : memref<2x128x64xf32, #tpu.memory_space<vmem>> -> memref<1x128x64xf32, #tpu.memory_space<vmem>>
      %dma_start3A_245 = tpu.memref_squeeze %dma_start3A_244 : memref<1x128x64xf32, #tpu.memory_space<vmem>> -> memref<128x64xf32, #tpu.memory_space<vmem>>
      %dma_start3A_246 = arith.constant 0 : i32
      %dma_start3A_247 = tpu.memref_slice %arg14[%rem3A_210, %dma_start3A_246] : memref<2x128xi32, #tpu.memory_space<vmem>> -> memref<1x128xi32, #tpu.memory_space<vmem>>
      %dma_start3A_248 = tpu.memref_squeeze %dma_start3A_247 : memref<1x128xi32, #tpu.memory_space<vmem>> -> memref<128xi32, #tpu.memory_space<vmem>>
      %dma_start3A_249 = arith.constant 0 : i32
      %dma_start3A_250 = arith.constant 0 : i32
      %dma_start3A_251 = tpu.memref_slice %arg20[%dma_start3A_249, %dma_start3A_250] : memref<10240x64xf32, #tpu.memory_space<vmem_shared>> -> memref<10240x64xf32, #tpu.memory_space<vmem_shared>>
      tpu.enqueue_indirect_dma source(%dma_start3A_245 : memref<128x64xf32, #tpu.memory_space<vmem>>) target(%dma_start3A_251 : memref<10240x64xf32, #tpu.memory_space<vmem_shared>>) offsets(%dma_start3A_248 : memref<128xi32, #tpu.memory_space<vmem>>) semaphore(%arg19 : memref<!tpu.dma_semaphore, #tpu.memory_space<semaphore_mem>>) {add = true}
      %scan3A_252 = arith.constant 0 : i32
      scf.yield %scan3A_252 : i32
    }
    %scan3A_153 = arith.constant 78 : i32
    %rem3A_154 = arith.constant 77 : i32
    %rem3A_155 = arith.constant 2 : i32
    %rem3A_156 = arith.remsi %rem3A_154, %rem3A_155 : i32
    %rem3A_157 = arith.constant 77 : i32
    %rem3A_158 = arith.constant 2 : i32
    %rem3A_159 = arith.remsi %rem3A_157, %rem3A_158 : i32
    %dma_wait3A_160 = arith.constant 0 : i32
    %dma_wait3A_161 = arith.constant 0 : i32
    %dma_wait3A_162 = tpu.memref_slice %arg16[%rem3A_156, %dma_wait3A_160, %dma_wait3A_161] : memref<2x128x64xf32, #tpu.memory_space<vmem>> -> memref<1x128x64xf32, #tpu.memory_space<vmem>>
    %dma_wait3A_163 = tpu.memref_squeeze %dma_wait3A_162 : memref<1x128x64xf32, #tpu.memory_space<vmem>> -> memref<128x64xf32, #tpu.memory_space<vmem>>
    %dma_wait3A_164 = arith.constant 0 : i32
    %dma_wait3A_165 = tpu.memref_slice %arg14[%rem3A_159, %dma_wait3A_164] : memref<2x128xi32, #tpu.memory_space<vmem>> -> memref<1x128xi32, #tpu.memory_space<vmem>>
    %dma_wait3A_166 = tpu.memref_squeeze %dma_wait3A_165 : memref<1x128xi32, #tpu.memory_space<vmem>> -> memref<128xi32, #tpu.memory_space<vmem>>
    %dma_wait3A_167 = arith.constant 0 : i32
    %dma_wait3A_168 = arith.constant 0 : i32
    %dma_wait3A_169 = tpu.memref_slice %arg20[%dma_wait3A_167, %dma_wait3A_168] : memref<10240x64xf32, #tpu.memory_space<vmem_shared>> -> memref<10240x64xf32, #tpu.memory_space<vmem_shared>>
    tpu.wait_indirect_dma semaphore(%arg19 : memref<!tpu.dma_semaphore, #tpu.memory_space<semaphore_mem>>) src(%dma_wait3A_163 : memref<128x64xf32, #tpu.memory_space<vmem>>) dst(%dma_wait3A_169 : memref<10240x64xf32, #tpu.memory_space<vmem_shared>>)
    %get3A_170 = arith.constant 9984 : index
    %get3A_171 = tpu.vector_load %arg10[%get3A_170] {strides = array<i32>} : memref<10000xi32, #tpu.memory_space<vmem>>, vector<16xi32>,
    %get3A_172 = arith.constant 9984 : index
    %get3A_173 = tpu.vector_load %arg11[%get3A_172] {strides = array<i32>} : memref<10000xi32, #tpu.memory_space<vmem>>, vector<16xi32>,
    %get3A_174 = arith.constant 9984 : index
    %get3A_175 = tpu.vector_load %arg12[%get3A_174] {strides = array<i32>} : memref<10000xf32, #tpu.memory_space<vmem>>, vector<16xf32>,
    %swap3A_176 = arith.constant 0 : i32
    %swap3A_177 = arith.index_cast %swap3A_176 : i32 to index
    %swap3A_178 = arith.constant 0 : index
    %swap3A_179 = tpu.vector_load %arg15[%swap3A_177, %swap3A_178] {strides = array<i32>} : memref<2x128xf32, #tpu.memory_space<vmem>>, vector<16xf32>,
    tpu.vector_store %arg15[%swap3A_177, %swap3A_178], %get3A_175 {strides = array<i32>} : memref<2x128xf32, #tpu.memory_space<vmem>>, vector<16xf32>,
    %mul3A_180 = arith.constant 2 : i32
    %mul3A_181 = vector.broadcast %mul3A_180 : i32 to vector<16xi32>
    %mul3A_182 = arith.muli %get3A_171, %mul3A_181 : vector<16xi32>
    %add3A_183 = arith.constant 1 : i32
    %add3A_184 = vector.broadcast %add3A_183 : i32 to vector<16xi32>
    %add3A_185 = arith.addi %mul3A_182, %add3A_184 : vector<16xi32>
    %run_scoped3A_186 = arith.constant 0 : i32
    "tpu.region"() ({
      %run_scoped3A_207 = tpu.sem_alloc : memref<!tpu.dma_semaphore, #tpu.memory_space<semaphore_mem>>
      %dma_start3A_208 = arith.constant 0 : i32
      %dma_start3A_209 = arith.constant 0 : i32
      %dma_start3A_210 = tpu.memref_slice %arg16[%run_scoped3A_186, %dma_start3A_208, %dma_start3A_209] : memref<2x128x64xf32, #tpu.memory_space<vmem>> -> memref<1x16x64xf32, #tpu.memory_space<vmem>>
      %dma_start3A_211 = tpu.memref_squeeze %dma_start3A_210 : memref<1x16x64xf32, #tpu.memory_space<vmem>> -> memref<16x64xf32, #tpu.memory_space<vmem>>
      %dma_start3A_212 = arith.constant 0 : i32
      %dma_start3A_213 = arith.constant 0 : i32
      %dma_start3A_214 = tpu.memref_slice %arg5[%dma_start3A_212, %dma_start3A_213] : memref<20000x64xf32, #tpu.memory_space<hbm>> -> memref<20000x64xf32, #tpu.memory_space<hbm>>
      tpu.enqueue_indirect_dma source(%dma_start3A_214 : memref<20000x64xf32, #tpu.memory_space<hbm>>) target(%dma_start3A_211 : memref<16x64xf32, #tpu.memory_space<vmem>>) offsets(%add3A_185 : vector<16xi32>) semaphore(%run_scoped3A_207 : memref<!tpu.dma_semaphore, #tpu.memory_space<semaphore_mem>>)
      %dma_wait3A_215 = arith.constant 0 : i32
      %dma_wait3A_216 = arith.constant 0 : i32
      %dma_wait3A_217 = tpu.memref_slice %arg16[%run_scoped3A_186, %dma_wait3A_215, %dma_wait3A_216] : memref<2x128x64xf32, #tpu.memory_space<vmem>> -> memref<1x16x64xf32, #tpu.memory_space<vmem>>
      %dma_wait3A_218 = tpu.memref_squeeze %dma_wait3A_217 : memref<1x16x64xf32, #tpu.memory_space<vmem>> -> memref<16x64xf32, #tpu.memory_space<vmem>>
      %dma_wait3A_219 = arith.constant 0 : i32
      %dma_wait3A_220 = arith.constant 0 : i32
      %dma_wait3A_221 = tpu.memref_slice %arg5[%dma_wait3A_219, %dma_wait3A_220] : memref<20000x64xf32, #tpu.memory_space<hbm>> -> memref<20000x64xf32, #tpu.memory_space<hbm>>
      tpu.wait_indirect_dma semaphore(%run_scoped3A_207 : memref<!tpu.dma_semaphore, #tpu.memory_space<semaphore_mem>>) src(%dma_wait3A_221 : memref<20000x64xf32, #tpu.memory_space<hbm>>) dst(%dma_wait3A_218 : memref<16x64xf32, #tpu.memory_space<vmem>>)
      tpu.yield
    }) : () -> ()
    %scan3A_187 = arith.constant 0 : i32
    %scan3A_188 = arith.constant 0 : i32
    %scan3A_189 = arith.constant 16 : i32
    %scan3A_190 = arith.addi %scan3A_188, %scan3A_189 : i32
    %scan3A_191 = arith.constant 1 : i32
    %scan3A_192 = scf.for %scan3A_207 = %scan3A_188 to %scan3A_190 step %scan3A_191 iter_args(%scan3A_208 = %scan3A_187) -> (i32)  : i32 {
      %broadcast_in_dim3A = arith.constant 0 : i32
      %broadcast_in_dim3A_209 = vector.broadcast %broadcast_in_dim3A : i32 to vector<16xi32>
      %broadcast_in_dim3A_210 = vector.broadcast %scan3A_207 : i32 to vector<16xi32>
      %gather3A = tpu.vector_load_idx %arg15[%broadcast_in_dim3A_209, %broadcast_in_dim3A_210] : memref<2x128xf32, #tpu.memory_space<vmem>>[vector<16xi32>, vector<16xi32>], vector<16xf32>,
      %get3A_211 = arith.constant 0 : i32
      %get3A_212 = arith.index_cast %get3A_211 : i32 to index
      %get3A_213 = arith.index_cast %scan3A_207 : i32 to index
      %get3A_214 = arith.constant 0 : index
      %get3A_215 = tpu.vector_load %arg16[%get3A_212, %get3A_213, %get3A_214] {strides = array<i32>} : memref<2x128x64xf32, #tpu.memory_space<vmem>>, vector<16xf32>,
      %mul3A_216 = arith.mulf %get3A_215, %gather3A : vector<16xf32>
      %swap3A_217 = arith.constant 0 : i32
      %swap3A_218 = arith.index_cast %swap3A_217 : i32 to index
      %swap3A_219 = arith.index_cast %scan3A_207 : i32 to index
      %swap3A_220 = arith.constant 0 : index
      %swap3A_221 = tpu.vector_load %arg16[%swap3A_218, %swap3A_219, %swap3A_220] {strides = array<i32>} : memref<2x128x64xf32, #tpu.memory_space<vmem>>, vector<16xf32>,
      tpu.vector_store %arg16[%swap3A_218, %swap3A_219, %swap3A_220], %mul3A_216 {strides = array<i32>} : memref<2x128x64xf32, #tpu.memory_space<vmem>>, vector<16xf32>,
      %get3A_222 = arith.constant 0 : i32
      %get3A_223 = arith.index_cast %get3A_222 : i32 to index
      %get3A_224 = arith.index_cast %scan3A_207 : i32 to index
      %get3A_225 = arith.constant 16 : index
      %get3A_226 = tpu.vector_load %arg16[%get3A_223, %get3A_224, %get3A_225] {strides = array<i32>} : memref<2x128x64xf32, #tpu.memory_space<vmem>>, vector<16xf32>,
      %mul3A_227 = arith.mulf %get3A_226, %gather3A : vector<16xf32>
      %swap3A_228 = arith.constant 0 : i32
      %swap3A_229 = arith.index_cast %swap3A_228 : i32 to index
      %swap3A_230 = arith.index_cast %scan3A_207 : i32 to index
      %swap3A_231 = arith.constant 16 : index
      %swap3A_232 = tpu.vector_load %arg16[%swap3A_229, %swap3A_230, %swap3A_231] {strides = array<i32>} : memref<2x128x64xf32, #tpu.memory_space<vmem>>, vector<16xf32>,
      tpu.vector_store %arg16[%swap3A_229, %swap3A_230, %swap3A_231], %mul3A_227 {strides = array<i32>} : memref<2x128x64xf32, #tpu.memory_space<vmem>>, vector<16xf32>,
      %get3A_233 = arith.constant 0 : i32
      %get3A_234 = arith.index_cast %get3A_233 : i32 to index
      %get3A_235 = arith.index_cast %scan3A_207 : i32 to index
      %get3A_236 = arith.constant 32 : index
      %get3A_237 = tpu.vector_load %arg16[%get3A_234, %get3A_235, %get3A_236] {strides = array<i32>} : memref<2x128x64xf32, #tpu.memory_space<vmem>>, vector<16xf32>,
      %mul3A_238 = arith.mulf %get3A_237, %gather3A : vector<16xf32>
      %swap3A_239 = arith.constant 0 : i32
      %swap3A_240 = arith.index_cast %swap3A_239 : i32 to index
      %swap3A_241 = arith.index_cast %scan3A_207 : i32 to index
      %swap3A_242 = arith.constant 32 : index
      %swap3A_243 = tpu.vector_load %arg16[%swap3A_240, %swap3A_241, %swap3A_242] {strides = array<i32>} : memref<2x128x64xf32, #tpu.memory_space<vmem>>, vector<16xf32>,
      tpu.vector_store %arg16[%swap3A_240, %swap3A_241, %swap3A_242], %mul3A_238 {strides = array<i32>} : memref<2x128x64xf32, #tpu.memory_space<vmem>>, vector<16xf32>,
      %get3A_244 = arith.constant 0 : i32
      %get3A_245 = arith.index_cast %get3A_244 : i32 to index
      %get3A_246 = arith.index_cast %scan3A_207 : i32 to index
      %get3A_247 = arith.constant 48 : index
      %get3A_248 = tpu.vector_load %arg16[%get3A_245, %get3A_246, %get3A_247] {strides = array<i32>} : memref<2x128x64xf32, #tpu.memory_space<vmem>>, vector<16xf32>,
      %mul3A_249 = arith.mulf %get3A_248, %gather3A : vector<16xf32>
      %swap3A_250 = arith.constant 0 : i32
      %swap3A_251 = arith.index_cast %swap3A_250 : i32 to index
      %swap3A_252 = arith.index_cast %scan3A_207 : i32 to index
      %swap3A_253 = arith.constant 48 : index
      %swap3A_254 = tpu.vector_load %arg16[%swap3A_251, %swap3A_252, %swap3A_253] {strides = array<i32>} : memref<2x128x64xf32, #tpu.memory_space<vmem>>, vector<16xf32>,
      tpu.vector_store %arg16[%swap3A_251, %swap3A_252, %swap3A_253], %mul3A_249 {strides = array<i32>} : memref<2x128x64xf32, #tpu.memory_space<vmem>>, vector<16xf32>,
      %scan3A_255 = arith.constant 0 : i32
      scf.yield %scan3A_255 : i32
    }
    %scan3A_193 = arith.constant 16 : i32
    %run_scoped3A_194 = arith.constant 0 : i32
    "tpu.region"() ({
      %run_scoped3A_207 = tpu.sem_alloc : memref<!tpu.dma_semaphore, #tpu.memory_space<semaphore_mem>>
      %dma_start3A_208 = arith.constant 0 : i32
      %dma_start3A_209 = arith.constant 0 : i32
      %dma_start3A_210 = tpu.memref_slice %arg16[%run_scoped3A_194, %dma_start3A_208, %dma_start3A_209] : memref<2x128x64xf32, #tpu.memory_space<vmem>> -> memref<1x16x64xf32, #tpu.memory_space<vmem>>
      %dma_start3A_211 = tpu.memref_squeeze %dma_start3A_210 : memref<1x16x64xf32, #tpu.memory_space<vmem>> -> memref<16x64xf32, #tpu.memory_space<vmem>>
      %dma_start3A_212 = arith.constant 0 : i32
      %dma_start3A_213 = arith.constant 0 : i32
      %dma_start3A_214 = tpu.memref_slice %arg20[%dma_start3A_212, %dma_start3A_213] : memref<10240x64xf32, #tpu.memory_space<vmem_shared>> -> memref<10240x64xf32, #tpu.memory_space<vmem_shared>>
      tpu.enqueue_indirect_dma source(%dma_start3A_211 : memref<16x64xf32, #tpu.memory_space<vmem>>) target(%dma_start3A_214 : memref<10240x64xf32, #tpu.memory_space<vmem_shared>>) offsets(%get3A_173 : vector<16xi32>) semaphore(%run_scoped3A_207 : memref<!tpu.dma_semaphore, #tpu.memory_space<semaphore_mem>>) {add = true}
      %dma_wait3A_215 = arith.constant 0 : i32
      %dma_wait3A_216 = arith.constant 0 : i32
      %dma_wait3A_217 = tpu.memref_slice %arg16[%run_scoped3A_194, %dma_wait3A_215, %dma_wait3A_216] : memref<2x128x64xf32, #tpu.memory_space<vmem>> -> memref<1x16x64xf32, #tpu.memory_space<vmem>>
      %dma_wait3A_218 = tpu.memref_squeeze %dma_wait3A_217 : memref<1x16x64xf32, #tpu.memory_space<vmem>> -> memref<16x64xf32, #tpu.memory_space<vmem>>
      %dma_wait3A_219 = arith.constant 0 : i32
      %dma_wait3A_220 = arith.constant 0 : i32
      %dma_wait3A_221 = tpu.memref_slice %arg20[%dma_wait3A_219, %dma_wait3A_220] : memref<10240x64xf32, #tpu.memory_space<vmem_shared>> -> memref<10240x64xf32, #tpu.memory_space<vmem_shared>>
      tpu.wait_indirect_dma semaphore(%run_scoped3A_207 : memref<!tpu.dma_semaphore, #tpu.memory_space<semaphore_mem>>) src(%dma_wait3A_218 : memref<16x64xf32, #tpu.memory_space<vmem>>) dst(%dma_wait3A_221 : memref<10240x64xf32, #tpu.memory_space<vmem_shared>>)
      tpu.yield
    }) : () -> ()
    %barrier3A_195 = arith.constant 0 : index
    tpu.barrier barrier_id(%barrier3A_195)
    %eq3A_196 = arith.constant 0 : i32
    %eq3A_197 = arith.cmpi eq, %arg0, %eq3A_196 : i32
    %convert_element_type3A_198 = arith.extui %eq3A_197 : i1 to i32
    %cond3A_199 = arith.constant 0 : i32
    %cond3A_200 = arith.cmpi ne, %convert_element_type3A_198, %cond3A_199 : i32
    scf.if %cond3A_200 {
      %mul3A_207 = arith.constant 640 : i32
      %mul3A_208 = arith.muli %arg1, %mul3A_207 : i32
      %mul3A_209 = arith.constant 640 : i32
      %mul3A_210 = arith.muli %arg1, %mul3A_209 : i32
      "tpu.region"() ({
        %run_scoped3A_211 = tpu.sem_alloc : memref<!tpu.dma_semaphore, #tpu.memory_space<semaphore_mem>>
        %dma_start3A_212 = arith.constant 0 : i32
        %dma_start3A_213 = tpu.memref_slice %arg7[%mul3A_210, %dma_start3A_212] : memref<10240x64xf32, #tpu.memory_space<hbm>> -> memref<640x64xf32, #tpu.memory_space<hbm>>
        %dma_start3A_214 = arith.constant 0 : i32
        %dma_start3A_215 = tpu.memref_slice %arg20[%mul3A_208, %dma_start3A_214] : memref<10240x64xf32, #tpu.memory_space<vmem_shared>> -> memref<640x64xf32, #tpu.memory_space<vmem_shared>>
        tpu.enqueue_dma source(%dma_start3A_215 : memref<640x64xf32, #tpu.memory_space<vmem_shared>>) target(%dma_start3A_213 : memref<640x64xf32, #tpu.memory_space<hbm>>) target_semaphore(%run_scoped3A_211 : memref<!tpu.dma_semaphore, #tpu.memory_space<semaphore_mem>>)
        %dma_wait3A_216 = arith.constant 0 : i32
        %dma_wait3A_217 = tpu.memref_slice %arg7[%mul3A_210, %dma_wait3A_216] : memref<10240x64xf32, #tpu.memory_space<hbm>> -> memref<640x64xf32, #tpu.memory_space<hbm>>
        %dma_wait3A_218 = arith.constant 0 : i32
        %dma_wait3A_219 = tpu.memref_slice %arg20[%mul3A_208, %dma_wait3A_218] : memref<10240x64xf32, #tpu.memory_space<vmem_shared>> -> memref<640x64xf32, #tpu.memory_space<vmem_shared>>
        tpu.wait_dma2 semaphore(%run_scoped3A_211 : memref<!tpu.dma_semaphore, #tpu.memory_space<semaphore_mem>>) src(%dma_wait3A_219 : memref<640x64xf32, #tpu.memory_space<vmem_shared>>) dst(%dma_wait3A_217 : memref<640x64xf32, #tpu.memory_space<hbm>>)
        tpu.yield
      }) : () -> ()
    } else {
    }
    %eq3A_201 = arith.constant 1 : i32
    %eq3A_202 = arith.cmpi eq, %arg0, %eq3A_201 : i32
    %convert_element_type3A_203 = arith.extui %eq3A_202 : i1 to i32
    %cond3A_204 = arith.constant 0 : i32
    %cond3A_205 = arith.cmpi ne, %convert_element_type3A_203, %cond3A_204 : i32
    scf.if %cond3A_205 {
      %mul3A_207 = arith.constant 640 : i32
      %mul3A_208 = arith.muli %arg1, %mul3A_207 : i32
      %mul3A_209 = arith.constant 640 : i32
      %mul3A_210 = arith.muli %arg1, %mul3A_209 : i32
      "tpu.region"() ({
        %run_scoped3A_211 = tpu.sem_alloc : memref<!tpu.dma_semaphore, #tpu.memory_space<semaphore_mem>>
        %dma_start3A_212 = arith.constant 0 : i32
        %dma_start3A_213 = tpu.memref_slice %arg9[%mul3A_210, %dma_start3A_212] : memref<10240x64xf32, #tpu.memory_space<hbm>> -> memref<640x64xf32, #tpu.memory_space<hbm>>
        %dma_start3A_214 = arith.constant 0 : i32
        %dma_start3A_215 = tpu.memref_slice %arg20[%mul3A_208, %dma_start3A_214] : memref<10240x64xf32, #tpu.memory_space<vmem_shared>> -> memref<640x64xf32, #tpu.memory_space<vmem_shared>>
        tpu.enqueue_dma source(%dma_start3A_215 : memref<640x64xf32, #tpu.memory_space<vmem_shared>>) target(%dma_start3A_213 : memref<640x64xf32, #tpu.memory_space<hbm>>) target_semaphore(%run_scoped3A_211 : memref<!tpu.dma_semaphore, #tpu.memory_space<semaphore_mem>>)
        %dma_wait3A_216 = arith.constant 0 : i32
        %dma_wait3A_217 = tpu.memref_slice %arg9[%mul3A_210, %dma_wait3A_216] : memref<10240x64xf32, #tpu.memory_space<hbm>> -> memref<640x64xf32, #tpu.memory_space<hbm>>
        %dma_wait3A_218 = arith.constant 0 : i32
        %dma_wait3A_219 = tpu.memref_slice %arg20[%mul3A_208, %dma_wait3A_218] : memref<10240x64xf32, #tpu.memory_space<vmem_shared>> -> memref<640x64xf32, #tpu.memory_space<vmem_shared>>
        tpu.wait_dma2 semaphore(%run_scoped3A_211 : memref<!tpu.dma_semaphore, #tpu.memory_space<semaphore_mem>>) src(%dma_wait3A_219 : memref<640x64xf32, #tpu.memory_space<vmem_shared>>) dst(%dma_wait3A_217 : memref<640x64xf32, #tpu.memory_space<hbm>>)
        tpu.yield
      }) : () -> ()
    } else {
    }
    %barrier3A_206 = arith.constant 0 : index
    tpu.barrier barrier_id(%barrier3A_206)
    return
  }
}

#map = affine_map<(d0, d1) -> (0)>
module attributes {stable_mosaic.version = 14 : i64} {
  func.func @_sc2a_body(%arg0: i32, %arg1: i32, %arg2: memref<320000xi32, #tpu.memory_space<hbm>>, %arg3: memref<320000xi32, #tpu.memory_space<hbm>>, %arg4: memref<320000xf32, #tpu.memory_space<hbm>>, %arg5: memref<10240xf32, #tpu.memory_space<hbm>>, %arg6: memref<10240xf32, #tpu.memory_space<hbm>>, %arg7: memref<100000000xf32, #tpu.memory_space<hbm>>, %arg8: memref<100000000xf32, #tpu.memory_space<hbm>>, %arg9: memref<320000xf32, #tpu.memory_space<hbm>>, %arg10: memref<10240xf32, #tpu.memory_space<hbm>>, %arg11: memref<10240xf32, #tpu.memory_space<vmem>>, %arg12: memref<10240xf32, #tpu.memory_space<vmem>>, %arg13: memref<10000xi32, #tpu.memory_space<vmem>>, %arg14: memref<10000xi32, #tpu.memory_space<vmem>>, %arg15: memref<10000xf32, #tpu.memory_space<vmem>>, %arg16: memref<10000xf32, #tpu.memory_space<vmem>>, %arg17: memref<2x128xi32, #tpu.memory_space<vmem>>, %arg18: memref<!tpu.dma_semaphore, #tpu.memory_space<semaphore_mem>>) attributes {dimension_semantics = [#tpu.dimension_semantics<core_parallel>, #tpu.dimension_semantics<subcore_parallel>], iteration_bounds = array<i64: 2, 16>, scalar_prefetch = 0 : i64, scratch_operands = 8 : i64, tpu.core_type = #tpu.core_type<sc_vector_subcore>, window_params = [{transform_indices = #map}, {transform_indices = #map}, {transform_indices = #map}, {transform_indices = #map}, {transform_indices = #map}, {transform_indices = #map}, {transform_indices = #map}, {transform_indices = #map}, {transform_indices = #map}]} {
    %mul3A = arith.constant 16 : i32
    %mul3A_0 = arith.muli %arg0, %mul3A : i32
    %add3A = arith.addi %mul3A_0, %arg1 : i32
    %mul3A_1 = arith.constant 10000 : i32
    %mul3A_2 = arith.muli %add3A, %mul3A_1 : i32
    "tpu.region"() ({
      %run_scoped3A = tpu.sem_alloc : memref<!tpu.dma_semaphore, #tpu.memory_space<semaphore_mem>>
      tpu.enqueue_dma source(%arg5 : memref<10240xf32, #tpu.memory_space<hbm>>) target(%arg11 : memref<10240xf32, #tpu.memory_space<vmem>>) target_semaphore(%run_scoped3A : memref<!tpu.dma_semaphore, #tpu.memory_space<semaphore_mem>>)
      tpu.wait_dma2 semaphore(%run_scoped3A : memref<!tpu.dma_semaphore, #tpu.memory_space<semaphore_mem>>) src(%arg5 : memref<10240xf32, #tpu.memory_space<hbm>>) dst(%arg11 : memref<10240xf32, #tpu.memory_space<vmem>>)
      tpu.yield
    }) : () -> ()
    "tpu.region"() ({
      %run_scoped3A = tpu.sem_alloc : memref<!tpu.dma_semaphore, #tpu.memory_space<semaphore_mem>>
      tpu.enqueue_dma source(%arg6 : memref<10240xf32, #tpu.memory_space<hbm>>) target(%arg12 : memref<10240xf32, #tpu.memory_space<vmem>>) target_semaphore(%run_scoped3A : memref<!tpu.dma_semaphore, #tpu.memory_space<semaphore_mem>>)
      tpu.wait_dma2 semaphore(%run_scoped3A : memref<!tpu.dma_semaphore, #tpu.memory_space<semaphore_mem>>) src(%arg6 : memref<10240xf32, #tpu.memory_space<hbm>>) dst(%arg12 : memref<10240xf32, #tpu.memory_space<vmem>>)
      tpu.yield
    }) : () -> ()
    %scan3A = arith.constant 0 : i32
    %scan3A_3 = arith.constant 0 : i32
    %scan3A_4 = arith.constant 640 : i32
    %scan3A_5 = arith.addi %scan3A_3, %scan3A_4 : i32
    %scan3A_6 = arith.constant 1 : i32
    %scan3A_7 = scf.for %scan3A_35 = %scan3A_3 to %scan3A_5 step %scan3A_6 iter_args(%scan3A_36 = %scan3A) -> (i32)  : i32 {
      %mul3A_37 = arith.constant 16 : i32
      %mul3A_38 = arith.muli %scan3A_35, %mul3A_37 : i32
      %get3A_39 = arith.index_cast %mul3A_38 : i32 to index
      %get3A_40 = tpu.vector_load %arg11[%get3A_39] {strides = array<i32>} : memref<10240xf32, #tpu.memory_space<vmem>>, vector<16xf32>,
      %mul3A_41 = arith.constant 16 : i32
      %mul3A_42 = arith.muli %scan3A_35, %mul3A_41 : i32
      %get3A_43 = arith.index_cast %mul3A_42 : i32 to index
      %get3A_44 = tpu.vector_load %arg12[%get3A_43] {strides = array<i32>} : memref<10240xf32, #tpu.memory_space<vmem>>, vector<16xf32>,
      %add3A_45 = arith.addf %get3A_40, %get3A_44 : vector<16xf32>
      %mul3A_46 = arith.constant 16 : i32
      %mul3A_47 = arith.muli %scan3A_35, %mul3A_46 : i32
      %swap3A_48 = arith.index_cast %mul3A_47 : i32 to index
      %swap3A_49 = tpu.vector_load %arg11[%swap3A_48] {strides = array<i32>} : memref<10240xf32, #tpu.memory_space<vmem>>, vector<16xf32>,
      tpu.vector_store %arg11[%swap3A_48], %add3A_45 {strides = array<i32>} : memref<10240xf32, #tpu.memory_space<vmem>>, vector<16xf32>,
      %scan3A_50 = arith.constant 0 : i32
      scf.yield %scan3A_50 : i32
    }
    %scan3A_8 = arith.constant 640 : i32
    %eq3A = arith.constant 0 : i32
    %eq3A_9 = arith.cmpi eq, %arg0, %eq3A : i32
    %convert_element_type3A = arith.extui %eq3A_9 : i1 to i32
    %cond3A = arith.constant 0 : i32
    %cond3A_10 = arith.cmpi ne, %convert_element_type3A, %cond3A : i32
    scf.if %cond3A_10 {
      %mul3A_35 = arith.constant 640 : i32
      %mul3A_36 = arith.muli %arg1, %mul3A_35 : i32
      %mul3A_37 = arith.constant 640 : i32
      %mul3A_38 = arith.muli %arg1, %mul3A_37 : i32
      "tpu.region"() ({
        %run_scoped3A = tpu.sem_alloc : memref<!tpu.dma_semaphore, #tpu.memory_space<semaphore_mem>>
        %dma_start3A = tpu.memref_slice %arg11[%mul3A_36] : memref<10240xf32, #tpu.memory_space<vmem>> -> memref<640xf32, #tpu.memory_space<vmem>>
        %dma_start3A_39 = tpu.memref_slice %arg10[%mul3A_38] : memref<10240xf32, #tpu.memory_space<hbm>> -> memref<640xf32, #tpu.memory_space<hbm>>
        %dma_start3A_40 = tpu.memref_slice %arg10[%mul3A_38] : memref<10240xf32, #tpu.memory_space<hbm>> -> memref<640xf32, #tpu.memory_space<hbm>>
        %dma_start3A_41 = tpu.memref_slice %arg11[%mul3A_36] : memref<10240xf32, #tpu.memory_space<vmem>> -> memref<640xf32, #tpu.memory_space<vmem>>
        tpu.enqueue_dma source(%dma_start3A_41 : memref<640xf32, #tpu.memory_space<vmem>>) target(%dma_start3A_40 : memref<640xf32, #tpu.memory_space<hbm>>) target_semaphore(%run_scoped3A : memref<!tpu.dma_semaphore, #tpu.memory_space<semaphore_mem>>)
        %dma_wait3A_42 = tpu.memref_slice %arg11[%mul3A_36] : memref<10240xf32, #tpu.memory_space<vmem>> -> memref<640xf32, #tpu.memory_space<vmem>>
        %dma_wait3A_43 = tpu.memref_slice %arg10[%mul3A_38] : memref<10240xf32, #tpu.memory_space<hbm>> -> memref<640xf32, #tpu.memory_space<hbm>>
        %dma_wait3A_44 = tpu.memref_slice %arg10[%mul3A_38] : memref<10240xf32, #tpu.memory_space<hbm>> -> memref<640xf32, #tpu.memory_space<hbm>>
        %dma_wait3A_45 = tpu.memref_slice %arg11[%mul3A_36] : memref<10240xf32, #tpu.memory_space<vmem>> -> memref<640xf32, #tpu.memory_space<vmem>>
        tpu.wait_dma2 semaphore(%run_scoped3A : memref<!tpu.dma_semaphore, #tpu.memory_space<semaphore_mem>>) src(%dma_wait3A_45 : memref<640xf32, #tpu.memory_space<vmem>>) dst(%dma_wait3A_44 : memref<640xf32, #tpu.memory_space<hbm>>)
        tpu.yield
      }) : () -> ()
    } else {
    }
    "tpu.region"() ({
      %run_scoped3A = tpu.sem_alloc : memref<!tpu.dma_semaphore, #tpu.memory_space<semaphore_mem>>
      %dma_start3A = tpu.memref_slice %arg2[%mul3A_2] : memref<320000xi32, #tpu.memory_space<hbm>> -> memref<10000xi32, #tpu.memory_space<hbm>>
      %dma_start3A_35 = tpu.memref_slice %arg2[%mul3A_2] : memref<320000xi32, #tpu.memory_space<hbm>> -> memref<10000xi32, #tpu.memory_space<hbm>>
      tpu.enqueue_dma source(%dma_start3A_35 : memref<10000xi32, #tpu.memory_space<hbm>>) target(%arg13 : memref<10000xi32, #tpu.memory_space<vmem>>) target_semaphore(%run_scoped3A : memref<!tpu.dma_semaphore, #tpu.memory_space<semaphore_mem>>)
      %dma_wait3A_36 = tpu.memref_slice %arg2[%mul3A_2] : memref<320000xi32, #tpu.memory_space<hbm>> -> memref<10000xi32, #tpu.memory_space<hbm>>
      %dma_wait3A_37 = tpu.memref_slice %arg2[%mul3A_2] : memref<320000xi32, #tpu.memory_space<hbm>> -> memref<10000xi32, #tpu.memory_space<hbm>>
      tpu.wait_dma2 semaphore(%run_scoped3A : memref<!tpu.dma_semaphore, #tpu.memory_space<semaphore_mem>>) src(%dma_wait3A_37 : memref<10000xi32, #tpu.memory_space<hbm>>) dst(%arg13 : memref<10000xi32, #tpu.memory_space<vmem>>)
      tpu.yield
    }) : () -> ()
    "tpu.region"() ({
      %run_scoped3A = tpu.sem_alloc : memref<!tpu.dma_semaphore, #tpu.memory_space<semaphore_mem>>
      %dma_start3A = tpu.memref_slice %arg3[%mul3A_2] : memref<320000xi32, #tpu.memory_space<hbm>> -> memref<10000xi32, #tpu.memory_space<hbm>>
      %dma_start3A_35 = tpu.memref_slice %arg3[%mul3A_2] : memref<320000xi32, #tpu.memory_space<hbm>> -> memref<10000xi32, #tpu.memory_space<hbm>>
      tpu.enqueue_dma source(%dma_start3A_35 : memref<10000xi32, #tpu.memory_space<hbm>>) target(%arg14 : memref<10000xi32, #tpu.memory_space<vmem>>) target_semaphore(%run_scoped3A : memref<!tpu.dma_semaphore, #tpu.memory_space<semaphore_mem>>)
      %dma_wait3A_36 = tpu.memref_slice %arg3[%mul3A_2] : memref<320000xi32, #tpu.memory_space<hbm>> -> memref<10000xi32, #tpu.memory_space<hbm>>
      %dma_wait3A_37 = tpu.memref_slice %arg3[%mul3A_2] : memref<320000xi32, #tpu.memory_space<hbm>> -> memref<10000xi32, #tpu.memory_space<hbm>>
      tpu.wait_dma2 semaphore(%run_scoped3A : memref<!tpu.dma_semaphore, #tpu.memory_space<semaphore_mem>>) src(%dma_wait3A_37 : memref<10000xi32, #tpu.memory_space<hbm>>) dst(%arg14 : memref<10000xi32, #tpu.memory_space<vmem>>)
      tpu.yield
    }) : () -> ()
    "tpu.region"() ({
      %run_scoped3A = tpu.sem_alloc : memref<!tpu.dma_semaphore, #tpu.memory_space<semaphore_mem>>
      %dma_start3A = tpu.memref_slice %arg4[%mul3A_2] : memref<320000xf32, #tpu.memory_space<hbm>> -> memref<10000xf32, #tpu.memory_space<hbm>>
      %dma_start3A_35 = tpu.memref_slice %arg4[%mul3A_2] : memref<320000xf32, #tpu.memory_space<hbm>> -> memref<10000xf32, #tpu.memory_space<hbm>>
      tpu.enqueue_dma source(%dma_start3A_35 : memref<10000xf32, #tpu.memory_space<hbm>>) target(%arg15 : memref<10000xf32, #tpu.memory_space<vmem>>) target_semaphore(%run_scoped3A : memref<!tpu.dma_semaphore, #tpu.memory_space<semaphore_mem>>)
      %dma_wait3A_36 = tpu.memref_slice %arg4[%mul3A_2] : memref<320000xf32, #tpu.memory_space<hbm>> -> memref<10000xf32, #tpu.memory_space<hbm>>
      %dma_wait3A_37 = tpu.memref_slice %arg4[%mul3A_2] : memref<320000xf32, #tpu.memory_space<hbm>> -> memref<10000xf32, #tpu.memory_space<hbm>>
      tpu.wait_dma2 semaphore(%run_scoped3A : memref<!tpu.dma_semaphore, #tpu.memory_space<semaphore_mem>>) src(%dma_wait3A_37 : memref<10000xf32, #tpu.memory_space<hbm>>) dst(%arg15 : memref<10000xf32, #tpu.memory_space<vmem>>)
      tpu.yield
    }) : () -> ()
    %scan3A_11 = arith.constant 0 : i32
    %scan3A_12 = arith.constant 0 : i32
    %scan3A_13 = arith.constant 78 : i32
    %scan3A_14 = arith.addi %scan3A_12, %scan3A_13 : i32
    %scan3A_15 = arith.constant 1 : i32
    %scan3A_16 = scf.for %scan3A_35 = %scan3A_12 to %scan3A_14 step %scan3A_15 iter_args(%scan3A_36 = %scan3A_11) -> (i32)  : i32 {
      %rem3A = arith.constant 2 : i32
      %rem3A_37 = arith.remsi %scan3A_35, %rem3A : i32
      %add3A_38 = arith.constant 1 : i32
      %add3A_39 = arith.addi %scan3A_35, %add3A_38 : i32
      %rem3A_40 = arith.constant 2 : i32
      %rem3A_41 = arith.remsi %add3A_39, %rem3A_40 : i32
      %mul3A_42 = arith.constant 128 : i32
      %mul3A_43 = arith.muli %scan3A_35, %mul3A_42 : i32
      %scan3A_44 = arith.constant 0 : i32
      %scan3A_45 = arith.constant 0 : i32
      %scan3A_46 = arith.constant 8 : i32
      %scan3A_47 = arith.addi %scan3A_45, %scan3A_46 : i32
      %scan3A_48 = arith.constant 1 : i32
      %scan3A_49 = scf.for %scan3A_61 = %scan3A_45 to %scan3A_47 step %scan3A_48 iter_args(%scan3A_62 = %scan3A_44) -> (i32)  : i32 {
        %mul3A_63 = arith.constant 16 : i32
        %mul3A_64 = arith.muli %scan3A_61, %mul3A_63 : i32
        %add3A_65 = arith.addi %mul3A_43, %mul3A_64 : i32
        %get3A_66 = arith.index_cast %add3A_65 : i32 to index
        %get3A_67 = tpu.vector_load %arg13[%get3A_66] {strides = array<i32>} : memref<10000xi32, #tpu.memory_space<vmem>>, vector<16xi32>,
        %get3A_68 = arith.index_cast %add3A_65 : i32 to index
        %get3A_69 = tpu.vector_load %arg14[%get3A_68] {strides = array<i32>} : memref<10000xi32, #tpu.memory_space<vmem>>, vector<16xi32>,
        %get3A_70 = arith.index_cast %add3A_65 : i32 to index
        %get3A_71 = tpu.vector_load %arg15[%get3A_70] {strides = array<i32>} : memref<10000xf32, #tpu.memory_space<vmem>>, vector<16xf32>,
        %gather3A_72 = tpu.vector_load_idx %arg11[%get3A_69] : memref<10240xf32, #tpu.memory_space<vmem>>[vector<16xi32>], vector<16xf32>,
        %div3A_73 = arith.divf %get3A_71, %gather3A_72 : vector<16xf32>
        %swap3A_74 = arith.index_cast %add3A_65 : i32 to index
        %swap3A_75 = tpu.vector_load %arg16[%swap3A_74] {strides = array<i32>} : memref<10000xf32, #tpu.memory_space<vmem>>, vector<16xf32>,
        tpu.vector_store %arg16[%swap3A_74], %div3A_73 {strides = array<i32>} : memref<10000xf32, #tpu.memory_space<vmem>>, vector<16xf32>,
        %mul3A_76 = arith.constant 10000 : i32
        %mul3A_77 = vector.broadcast %mul3A_76 : i32 to vector<16xi32>
        %mul3A_78 = arith.muli %get3A_67, %mul3A_77 : vector<16xi32>
        %add3A_79 = arith.addi %mul3A_78, %get3A_69 : vector<16xi32>
        %mul3A_80 = arith.constant 16 : i32
        %mul3A_81 = arith.muli %scan3A_61, %mul3A_80 : i32
        %swap3A_82 = arith.index_cast %rem3A_37 : i32 to index
        %swap3A_83 = arith.index_cast %mul3A_81 : i32 to index
        %swap3A_84 = tpu.vector_load %arg17[%swap3A_82, %swap3A_83] {strides = array<i32>} : memref<2x128xi32, #tpu.memory_space<vmem>>, vector<16xi32>,
        tpu.vector_store %arg17[%swap3A_82, %swap3A_83], %add3A_79 {strides = array<i32>} : memref<2x128xi32, #tpu.memory_space<vmem>>, vector<16xi32>,
        %scan3A_85 = arith.constant 0 : i32
        scf.yield %scan3A_85 : i32
      }
      %scan3A_50 = arith.constant 8 : i32
      %ge3A = arith.constant 1 : i32
      %ge3A_51 = arith.cmpi sge, %scan3A_35, %ge3A : i32
      %convert_element_type3A_52 = arith.extui %ge3A_51 : i1 to i32
      %cond3A_53 = arith.constant 0 : i32
      %cond3A_54 = arith.cmpi ne, %convert_element_type3A_52, %cond3A_53 : i32
      scf.if %cond3A_54 {
        %dma_wait3A_61 = arith.constant 0 : i32
        %dma_wait3A_62 = tpu.memref_slice %arg16[%dma_wait3A_61] : memref<10000xf32, #tpu.memory_space<vmem>> -> memref<128xf32, #tpu.memory_space<vmem>>
        %dma_wait3A_63 = arith.constant 0 : i32
        %dma_wait3A_64 = tpu.memref_slice %arg17[%rem3A_41, %dma_wait3A_63] : memref<2x128xi32, #tpu.memory_space<vmem>> -> memref<1x128xi32, #tpu.memory_space<vmem>>
        %dma_wait3A_65 = tpu.memref_squeeze %dma_wait3A_64 : memref<1x128xi32, #tpu.memory_space<vmem>> -> memref<128xi32, #tpu.memory_space<vmem>>
        %dma_wait3A_66 = arith.constant 0 : i32
        %dma_wait3A_67 = tpu.memref_slice %arg8[%dma_wait3A_66] : memref<100000000xf32, #tpu.memory_space<hbm>> -> memref<100000000xf32, #tpu.memory_space<hbm>>
        tpu.wait_indirect_dma semaphore(%arg18 : memref<!tpu.dma_semaphore, #tpu.memory_space<semaphore_mem>>) src(%dma_wait3A_62 : memref<128xf32, #tpu.memory_space<vmem>>) dst(%dma_wait3A_67 : memref<100000000xf32, #tpu.memory_space<hbm>>)
      } else {
      }
      %dma_start3A = tpu.memref_slice %arg16[%mul3A_43] : memref<10000xf32, #tpu.memory_space<vmem>> -> memref<128xf32, #tpu.memory_space<vmem>>
      %dma_start3A_55 = arith.constant 0 : i32
      %dma_start3A_56 = tpu.memref_slice %arg17[%rem3A_37, %dma_start3A_55] : memref<2x128xi32, #tpu.memory_space<vmem>> -> memref<1x128xi32, #tpu.memory_space<vmem>>
      %dma_start3A_57 = tpu.memref_squeeze %dma_start3A_56 : memref<1x128xi32, #tpu.memory_space<vmem>> -> memref<128xi32, #tpu.memory_space<vmem>>
      %dma_start3A_58 = arith.constant 0 : i32
      %dma_start3A_59 = tpu.memref_slice %arg8[%dma_start3A_58] : memref<100000000xf32, #tpu.memory_space<hbm>> -> memref<100000000xf32, #tpu.memory_space<hbm>>
      tpu.enqueue_indirect_dma source(%dma_start3A : memref<128xf32, #tpu.memory_space<vmem>>) target(%dma_start3A_59 : memref<100000000xf32, #tpu.memory_space<hbm>>) offsets(%dma_start3A_57 : memref<128xi32, #tpu.memory_space<vmem>>) semaphore(%arg18 : memref<!tpu.dma_semaphore, #tpu.memory_space<semaphore_mem>>)
      %scan3A_60 = arith.constant 0 : i32
      scf.yield %scan3A_60 : i32
    }
    %scan3A_17 = arith.constant 78 : i32
    %dma_wait3A = arith.constant 0 : i32
    %dma_wait3A_18 = arith.constant 0 : i32
    %dma_wait3A_19 = tpu.memref_slice %arg16[%dma_wait3A_18] : memref<10000xf32, #tpu.memory_space<vmem>> -> memref<128xf32, #tpu.memory_space<vmem>>
    %dma_wait3A_20 = arith.constant 0 : i32
    %dma_wait3A_21 = tpu.memref_slice %arg17[%dma_wait3A, %dma_wait3A_20] : memref<2x128xi32, #tpu.memory_space<vmem>> -> memref<1x128xi32, #tpu.memory_space<vmem>>
    %dma_wait3A_22 = tpu.memref_squeeze %dma_wait3A_21 : memref<1x128xi32, #tpu.memory_space<vmem>> -> memref<128xi32, #tpu.memory_space<vmem>>
    %dma_wait3A_23 = arith.constant 0 : i32
    %dma_wait3A_24 = tpu.memref_slice %arg8[%dma_wait3A_23] : memref<100000000xf32, #tpu.memory_space<hbm>> -> memref<100000000xf32, #tpu.memory_space<hbm>>
    tpu.wait_indirect_dma semaphore(%arg18 : memref<!tpu.dma_semaphore, #tpu.memory_space<semaphore_mem>>) src(%dma_wait3A_19 : memref<128xf32, #tpu.memory_space<vmem>>) dst(%dma_wait3A_24 : memref<100000000xf32, #tpu.memory_space<hbm>>)
    %get3A = arith.constant 9984 : index
    %get3A_25 = tpu.vector_load %arg13[%get3A] {strides = array<i32>} : memref<10000xi32, #tpu.memory_space<vmem>>, vector<16xi32>,
    %get3A_26 = arith.constant 9984 : index
    %get3A_27 = tpu.vector_load %arg14[%get3A_26] {strides = array<i32>} : memref<10000xi32, #tpu.memory_space<vmem>>, vector<16xi32>,
    %get3A_28 = arith.constant 9984 : index
    %get3A_29 = tpu.vector_load %arg15[%get3A_28] {strides = array<i32>} : memref<10000xf32, #tpu.memory_space<vmem>>, vector<16xf32>,
    %gather3A = tpu.vector_load_idx %arg11[%get3A_27] : memref<10240xf32, #tpu.memory_space<vmem>>[vector<16xi32>], vector<16xf32>,
    %div3A = arith.divf %get3A_29, %gather3A : vector<16xf32>
    %swap3A = arith.constant 9984 : index
    %swap3A_30 = tpu.vector_load %arg16[%swap3A] {strides = array<i32>} : memref<10000xf32, #tpu.memory_space<vmem>>, vector<16xf32>,
    tpu.vector_store %arg16[%swap3A], %div3A {strides = array<i32>} : memref<10000xf32, #tpu.memory_space<vmem>>, vector<16xf32>,
    %mul3A_31 = arith.constant 10000 : i32
    %mul3A_32 = vector.broadcast %mul3A_31 : i32 to vector<16xi32>
    %mul3A_33 = arith.muli %get3A_25, %mul3A_32 : vector<16xi32>
    %add3A_34 = arith.addi %mul3A_33, %get3A_27 : vector<16xi32>
    "tpu.region"() ({
      %run_scoped3A = tpu.sem_alloc : memref<!tpu.dma_semaphore, #tpu.memory_space<semaphore_mem>>
      %dma_start3A = arith.constant 9984 : i32
      %dma_start3A_35 = tpu.memref_slice %arg16[%dma_start3A] : memref<10000xf32, #tpu.memory_space<vmem>> -> memref<16xf32, #tpu.memory_space<vmem>>
      %dma_start3A_36 = arith.constant 0 : i32
      %dma_start3A_37 = tpu.memref_slice %arg8[%dma_start3A_36] : memref<100000000xf32, #tpu.memory_space<hbm>> -> memref<100000000xf32, #tpu.memory_space<hbm>>
      tpu.enqueue_indirect_dma source(%dma_start3A_35 : memref<16xf32, #tpu.memory_space<vmem>>) target(%dma_start3A_37 : memref<100000000xf32, #tpu.memory_space<hbm>>) offsets(%add3A_34 : vector<16xi32>) semaphore(%run_scoped3A : memref<!tpu.dma_semaphore, #tpu.memory_space<semaphore_mem>>)
      %dma_wait3A_38 = arith.constant 9984 : i32
      %dma_wait3A_39 = tpu.memref_slice %arg16[%dma_wait3A_38] : memref<10000xf32, #tpu.memory_space<vmem>> -> memref<16xf32, #tpu.memory_space<vmem>>
      %dma_wait3A_40 = arith.constant 0 : i32
      %dma_wait3A_41 = tpu.memref_slice %arg8[%dma_wait3A_40] : memref<100000000xf32, #tpu.memory_space<hbm>> -> memref<100000000xf32, #tpu.memory_space<hbm>>
      tpu.wait_indirect_dma semaphore(%run_scoped3A : memref<!tpu.dma_semaphore, #tpu.memory_space<semaphore_mem>>) src(%dma_wait3A_39 : memref<16xf32, #tpu.memory_space<vmem>>) dst(%dma_wait3A_41 : memref<100000000xf32, #tpu.memory_space<hbm>>)
      tpu.yield
    }) : () -> ()
    "tpu.region"() ({
      %run_scoped3A = tpu.sem_alloc : memref<!tpu.dma_semaphore, #tpu.memory_space<semaphore_mem>>
      %dma_start3A = tpu.memref_slice %arg9[%mul3A_2] : memref<320000xf32, #tpu.memory_space<hbm>> -> memref<10000xf32, #tpu.memory_space<hbm>>
      %dma_start3A_35 = tpu.memref_slice %arg9[%mul3A_2] : memref<320000xf32, #tpu.memory_space<hbm>> -> memref<10000xf32, #tpu.memory_space<hbm>>
      tpu.enqueue_dma source(%arg16 : memref<10000xf32, #tpu.memory_space<vmem>>) target(%dma_start3A_35 : memref<10000xf32, #tpu.memory_space<hbm>>) target_semaphore(%run_scoped3A : memref<!tpu.dma_semaphore, #tpu.memory_space<semaphore_mem>>)
      %dma_wait3A_36 = tpu.memref_slice %arg9[%mul3A_2] : memref<320000xf32, #tpu.memory_space<hbm>> -> memref<10000xf32, #tpu.memory_space<hbm>>
      %dma_wait3A_37 = tpu.memref_slice %arg9[%mul3A_2] : memref<320000xf32, #tpu.memory_space<hbm>> -> memref<10000xf32, #tpu.memory_space<hbm>>
      tpu.wait_dma2 semaphore(%run_scoped3A : memref<!tpu.dma_semaphore, #tpu.memory_space<semaphore_mem>>) src(%arg16 : memref<10000xf32, #tpu.memory_space<vmem>>) dst(%dma_wait3A_37 : memref<10000xf32, #tpu.memory_space<hbm>>)
      tpu.yield
    }) : () -> ()
    return
  }
}

#map = affine_map<(d0, d1) -> (0)>
module attributes {stable_mosaic.version = 14 : i64} {
  func.func @_sc1_body(%arg0: i32, %arg1: i32, %arg2: memref<320000xi32, #tpu.memory_space<hbm>>, %arg3: memref<320000xi32, #tpu.memory_space<hbm>>, %arg4: memref<10000xf32, #tpu.memory_space<hbm>>, %arg5: memref<10000xf32, #tpu.memory_space<hbm>>, %arg6: memref<320000xf32, #tpu.memory_space<hbm>>, %arg7: memref<10240xf32, #tpu.memory_space<hbm>>, %arg8: memref<10240xf32, #tpu.memory_space<hbm>>, %arg9: memref<10000xf32, #tpu.memory_space<vmem>>, %arg10: memref<10000xf32, #tpu.memory_space<vmem>>, %arg11: memref<10000xi32, #tpu.memory_space<vmem>>, %arg12: memref<10000xi32, #tpu.memory_space<vmem>>, %arg13: memref<10000xf32, #tpu.memory_space<vmem>>, %arg14: memref<10240xf32, #tpu.memory_space<vmem>>, %arg15: memref<640xf32, #tpu.memory_space<vmem>>, %arg16: memref<640xf32, #tpu.memory_space<vmem>>, %arg17: memref<16x10240xf32, #tpu.memory_space<vmem_shared>>) attributes {dimension_semantics = [#tpu.dimension_semantics<core_parallel>, #tpu.dimension_semantics<subcore_parallel>], iteration_bounds = array<i64: 2, 16>, scalar_prefetch = 0 : i64, scratch_operands = 9 : i64, tpu.core_type = #tpu.core_type<sc_vector_subcore>, window_params = [{transform_indices = #map}, {transform_indices = #map}, {transform_indices = #map}, {transform_indices = #map}, {transform_indices = #map}, {transform_indices = #map}, {transform_indices = #map}]} {
    %mul3A = arith.constant 16 : i32
    %mul3A_0 = arith.muli %arg0, %mul3A : i32
    %add3A = arith.addi %mul3A_0, %arg1 : i32
    %mul3A_1 = arith.constant 10000 : i32
    %mul3A_2 = arith.muli %add3A, %mul3A_1 : i32
    "tpu.region"() ({
      %run_scoped3A_189 = tpu.sem_alloc : memref<!tpu.dma_semaphore, #tpu.memory_space<semaphore_mem>>
      tpu.enqueue_dma source(%arg4 : memref<10000xf32, #tpu.memory_space<hbm>>) target(%arg9 : memref<10000xf32, #tpu.memory_space<vmem>>) target_semaphore(%run_scoped3A_189 : memref<!tpu.dma_semaphore, #tpu.memory_space<semaphore_mem>>)
      tpu.wait_dma2 semaphore(%run_scoped3A_189 : memref<!tpu.dma_semaphore, #tpu.memory_space<semaphore_mem>>) src(%arg4 : memref<10000xf32, #tpu.memory_space<hbm>>) dst(%arg9 : memref<10000xf32, #tpu.memory_space<vmem>>)
      tpu.yield
    }) : () -> ()
    "tpu.region"() ({
      %run_scoped3A_189 = tpu.sem_alloc : memref<!tpu.dma_semaphore, #tpu.memory_space<semaphore_mem>>
      tpu.enqueue_dma source(%arg5 : memref<10000xf32, #tpu.memory_space<hbm>>) target(%arg10 : memref<10000xf32, #tpu.memory_space<vmem>>) target_semaphore(%run_scoped3A_189 : memref<!tpu.dma_semaphore, #tpu.memory_space<semaphore_mem>>)
      tpu.wait_dma2 semaphore(%run_scoped3A_189 : memref<!tpu.dma_semaphore, #tpu.memory_space<semaphore_mem>>) src(%arg5 : memref<10000xf32, #tpu.memory_space<hbm>>) dst(%arg10 : memref<10000xf32, #tpu.memory_space<vmem>>)
      tpu.yield
    }) : () -> ()
    "tpu.region"() ({
      %run_scoped3A_189 = tpu.sem_alloc : memref<!tpu.dma_semaphore, #tpu.memory_space<semaphore_mem>>
      %dma_start3A = tpu.memref_slice %arg2[%mul3A_2] : memref<320000xi32, #tpu.memory_space<hbm>> -> memref<10000xi32, #tpu.memory_space<hbm>>
      %dma_start3A_190 = tpu.memref_slice %arg2[%mul3A_2] : memref<320000xi32, #tpu.memory_space<hbm>> -> memref<10000xi32, #tpu.memory_space<hbm>>
      tpu.enqueue_dma source(%dma_start3A_190 : memref<10000xi32, #tpu.memory_space<hbm>>) target(%arg11 : memref<10000xi32, #tpu.memory_space<vmem>>) target_semaphore(%run_scoped3A_189 : memref<!tpu.dma_semaphore, #tpu.memory_space<semaphore_mem>>)
      %dma_wait3A = tpu.memref_slice %arg2[%mul3A_2] : memref<320000xi32, #tpu.memory_space<hbm>> -> memref<10000xi32, #tpu.memory_space<hbm>>
      %dma_wait3A_191 = tpu.memref_slice %arg2[%mul3A_2] : memref<320000xi32, #tpu.memory_space<hbm>> -> memref<10000xi32, #tpu.memory_space<hbm>>
      tpu.wait_dma2 semaphore(%run_scoped3A_189 : memref<!tpu.dma_semaphore, #tpu.memory_space<semaphore_mem>>) src(%dma_wait3A_191 : memref<10000xi32, #tpu.memory_space<hbm>>) dst(%arg11 : memref<10000xi32, #tpu.memory_space<vmem>>)
      tpu.yield
    }) : () -> ()
    "tpu.region"() ({
      %run_scoped3A_189 = tpu.sem_alloc : memref<!tpu.dma_semaphore, #tpu.memory_space<semaphore_mem>>
      %dma_start3A = tpu.memref_slice %arg3[%mul3A_2] : memref<320000xi32, #tpu.memory_space<hbm>> -> memref<10000xi32, #tpu.memory_space<hbm>>
      %dma_start3A_190 = tpu.memref_slice %arg3[%mul3A_2] : memref<320000xi32, #tpu.memory_space<hbm>> -> memref<10000xi32, #tpu.memory_space<hbm>>
      tpu.enqueue_dma source(%dma_start3A_190 : memref<10000xi32, #tpu.memory_space<hbm>>) target(%arg12 : memref<10000xi32, #tpu.memory_space<vmem>>) target_semaphore(%run_scoped3A_189 : memref<!tpu.dma_semaphore, #tpu.memory_space<semaphore_mem>>)
      %dma_wait3A = tpu.memref_slice %arg3[%mul3A_2] : memref<320000xi32, #tpu.memory_space<hbm>> -> memref<10000xi32, #tpu.memory_space<hbm>>
      %dma_wait3A_191 = tpu.memref_slice %arg3[%mul3A_2] : memref<320000xi32, #tpu.memory_space<hbm>> -> memref<10000xi32, #tpu.memory_space<hbm>>
      tpu.wait_dma2 semaphore(%run_scoped3A_189 : memref<!tpu.dma_semaphore, #tpu.memory_space<semaphore_mem>>) src(%dma_wait3A_191 : memref<10000xi32, #tpu.memory_space<hbm>>) dst(%arg12 : memref<10000xi32, #tpu.memory_space<vmem>>)
      tpu.yield
    }) : () -> ()
    %scan3A = arith.constant 0 : i32
    %scan3A_3 = arith.constant 0 : i32
    %scan3A_4 = arith.constant 640 : i32
    %scan3A_5 = arith.addi %scan3A_3, %scan3A_4 : i32
    %scan3A_6 = arith.constant 1 : i32
    %scan3A_7 = scf.for %scan3A_189 = %scan3A_3 to %scan3A_5 step %scan3A_6 iter_args(%scan3A_190 = %scan3A) -> (i32)  : i32 {
      %broadcast_in_dim3A = arith.constant 0.000000e+00 : f32
      %broadcast_in_dim3A_191 = vector.broadcast %broadcast_in_dim3A : f32 to vector<16xf32>
      %mul3A_192 = arith.constant 16 : i32
      %mul3A_193 = arith.muli %scan3A_189, %mul3A_192 : i32
      %swap3A = arith.index_cast %mul3A_193 : i32 to index
      %swap3A_194 = tpu.vector_load %arg14[%swap3A] {strides = array<i32>} : memref<10240xf32, #tpu.memory_space<vmem>>, vector<16xf32>,
      tpu.vector_store %arg14[%swap3A], %broadcast_in_dim3A_191 {strides = array<i32>} : memref<10240xf32, #tpu.memory_space<vmem>>, vector<16xf32>,
      %scan3A_195 = arith.constant 0 : i32
      scf.yield %scan3A_195 : i32
    }
    %scan3A_8 = arith.constant 640 : i32
    %scan3A_9 = arith.constant 0 : i32
    %scan3A_10 = arith.constant 0 : i32
    %scan3A_11 = arith.constant 625 : i32
    %scan3A_12 = arith.addi %scan3A_10, %scan3A_11 : i32
    %scan3A_13 = arith.constant 1 : i32
    %scan3A_14 = scf.for %scan3A_189 = %scan3A_10 to %scan3A_12 step %scan3A_13 iter_args(%scan3A_190 = %scan3A_9) -> (i32)  : i32 {
      %mul3A_191 = arith.constant 16 : i32
      %mul3A_192 = arith.muli %scan3A_189, %mul3A_191 : i32
      %get3A = arith.index_cast %mul3A_192 : i32 to index
      %get3A_193 = tpu.vector_load %arg11[%get3A] {strides = array<i32>} : memref<10000xi32, #tpu.memory_space<vmem>>, vector<16xi32>,
      %get3A_194 = arith.index_cast %mul3A_192 : i32 to index
      %get3A_195 = tpu.vector_load %arg12[%get3A_194] {strides = array<i32>} : memref<10000xi32, #tpu.memory_space<vmem>>, vector<16xi32>,
      %gather3A = tpu.vector_load_idx %arg9[%get3A_193] : memref<10000xf32, #tpu.memory_space<vmem>>[vector<16xi32>], vector<16xf32>,
      %gather3A_196 = tpu.vector_load_idx %arg10[%get3A_195] : memref<10000xf32, #tpu.memory_space<vmem>>[vector<16xi32>], vector<16xf32>,
      %add3A_197 = arith.addf %gather3A, %gather3A_196 : vector<16xf32>
      %gt3A = arith.constant 0.000000e+00 : f32
      %gt3A_198 = vector.broadcast %gt3A : f32 to vector<16xf32>
      %gt3A_199 = arith.cmpf ogt, %add3A_197, %gt3A_198 : vector<16xf32>
      %mul3A_200 = arith.constant 2.000000e-01 : f32
      %mul3A_201 = vector.broadcast %mul3A_200 : f32 to vector<16xf32>
      %mul3A_202 = arith.mulf %add3A_197, %mul3A_201 : vector<16xf32>
      %select_n3A = arith.select %gt3A_199, %add3A_197, %mul3A_202 : vector<16xi1>, vector<16xf32>
      %exp3A = math.exp %select_n3A : vector<16xf32>
      %swap3A = arith.index_cast %mul3A_192 : i32 to index
      %swap3A_203 = tpu.vector_load %arg13[%swap3A] {strides = array<i32>} : memref<10000xf32, #tpu.memory_space<vmem>>, vector<16xf32>,
      tpu.vector_store %arg13[%swap3A], %exp3A {strides = array<i32>} : memref<10000xf32, #tpu.memory_space<vmem>>, vector<16xf32>,
      tpu.vector_store_idx %arg14[%get3A_195], %exp3A {add = true} : memref<10240xf32, #tpu.memory_space<vmem>>[vector<16xi32>], vector<16xf32>,
      %scan3A_204 = arith.constant 0 : i32
      scf.yield %scan3A_204 : i32
    }
    %scan3A_15 = arith.constant 625 : i32
    "tpu.region"() ({
      %run_scoped3A_189 = tpu.sem_alloc : memref<!tpu.dma_semaphore, #tpu.memory_space<semaphore_mem>>
      %dma_start3A = tpu.memref_slice %arg6[%mul3A_2] : memref<320000xf32, #tpu.memory_space<hbm>> -> memref<10000xf32, #tpu.memory_space<hbm>>
      %dma_start3A_190 = tpu.memref_slice %arg6[%mul3A_2] : memref<320000xf32, #tpu.memory_space<hbm>> -> memref<10000xf32, #tpu.memory_space<hbm>>
      tpu.enqueue_dma source(%arg13 : memref<10000xf32, #tpu.memory_space<vmem>>) target(%dma_start3A_190 : memref<10000xf32, #tpu.memory_space<hbm>>) target_semaphore(%run_scoped3A_189 : memref<!tpu.dma_semaphore, #tpu.memory_space<semaphore_mem>>)
      %dma_wait3A = tpu.memref_slice %arg6[%mul3A_2] : memref<320000xf32, #tpu.memory_space<hbm>> -> memref<10000xf32, #tpu.memory_space<hbm>>
      %dma_wait3A_191 = tpu.memref_slice %arg6[%mul3A_2] : memref<320000xf32, #tpu.memory_space<hbm>> -> memref<10000xf32, #tpu.memory_space<hbm>>
      tpu.wait_dma2 semaphore(%run_scoped3A_189 : memref<!tpu.dma_semaphore, #tpu.memory_space<semaphore_mem>>) src(%arg13 : memref<10000xf32, #tpu.memory_space<vmem>>) dst(%dma_wait3A_191 : memref<10000xf32, #tpu.memory_space<hbm>>)
      tpu.yield
    }) : () -> ()
    "tpu.region"() ({
      %run_scoped3A_189 = tpu.sem_alloc : memref<!tpu.dma_semaphore, #tpu.memory_space<semaphore_mem>>
      %dma_start3A = arith.constant 0 : i32
      %dma_start3A_190 = tpu.memref_slice %arg17[%arg1, %dma_start3A] : memref<16x10240xf32, #tpu.memory_space<vmem_shared>> -> memref<1x10240xf32, #tpu.memory_space<vmem_shared>>
      %dma_start3A_191 = tpu.memref_squeeze %dma_start3A_190 : memref<1x10240xf32, #tpu.memory_space<vmem_shared>> -> memref<10240xf32, #tpu.memory_space<vmem_shared>>
      %dma_start3A_192 = arith.constant 0 : i32
      %dma_start3A_193 = tpu.memref_slice %arg17[%arg1, %dma_start3A_192] : memref<16x10240xf32, #tpu.memory_space<vmem_shared>> -> memref<1x10240xf32, #tpu.memory_space<vmem_shared>>
      %dma_start3A_194 = tpu.memref_squeeze %dma_start3A_193 : memref<1x10240xf32, #tpu.memory_space<vmem_shared>> -> memref<10240xf32, #tpu.memory_space<vmem_shared>>
      tpu.enqueue_dma source(%arg14 : memref<10240xf32, #tpu.memory_space<vmem>>) target(%dma_start3A_194 : memref<10240xf32, #tpu.memory_space<vmem_shared>>) target_semaphore(%run_scoped3A_189 : memref<!tpu.dma_semaphore, #tpu.memory_space<semaphore_mem>>)
      %dma_wait3A = arith.constant 0 : i32
      %dma_wait3A_195 = tpu.memref_slice %arg17[%arg1, %dma_wait3A] : memref<16x10240xf32, #tpu.memory_space<vmem_shared>> -> memref<1x10240xf32, #tpu.memory_space<vmem_shared>>
      %dma_wait3A_196 = tpu.memref_squeeze %dma_wait3A_195 : memref<1x10240xf32, #tpu.memory_space<vmem_shared>> -> memref<10240xf32, #tpu.memory_space<vmem_shared>>
      %dma_wait3A_197 = arith.constant 0 : i32
      %dma_wait3A_198 = tpu.memref_slice %arg17[%arg1, %dma_wait3A_197] : memref<16x10240xf32, #tpu.memory_space<vmem_shared>> -> memref<1x10240xf32, #tpu.memory_space<vmem_shared>>
      %dma_wait3A_199 = tpu.memref_squeeze %dma_wait3A_198 : memref<1x10240xf32, #tpu.memory_space<vmem_shared>> -> memref<10240xf32, #tpu.memory_space<vmem_shared>>
      tpu.wait_dma2 semaphore(%run_scoped3A_189 : memref<!tpu.dma_semaphore, #tpu.memory_space<semaphore_mem>>) src(%arg14 : memref<10240xf32, #tpu.memory_space<vmem>>) dst(%dma_wait3A_199 : memref<10240xf32, #tpu.memory_space<vmem_shared>>)
      tpu.yield
    }) : () -> ()
    %barrier3A = arith.constant 0 : index
    tpu.barrier barrier_id(%barrier3A)
    %scan3A_16 = arith.constant 0 : i32
    %scan3A_17 = arith.constant 0 : i32
    %scan3A_18 = arith.constant 40 : i32
    %scan3A_19 = arith.addi %scan3A_17, %scan3A_18 : i32
    %scan3A_20 = arith.constant 1 : i32
    %scan3A_21 = scf.for %scan3A_189 = %scan3A_17 to %scan3A_19 step %scan3A_20 iter_args(%scan3A_190 = %scan3A_16) -> (i32)  : i32 {
      %broadcast_in_dim3A = arith.constant 0.000000e+00 : f32
      %broadcast_in_dim3A_191 = vector.broadcast %broadcast_in_dim3A : f32 to vector<16xf32>
      %mul3A_192 = arith.constant 16 : i32
      %mul3A_193 = arith.muli %scan3A_189, %mul3A_192 : i32
      %swap3A = arith.index_cast %mul3A_193 : i32 to index
      %swap3A_194 = tpu.vector_load %arg15[%swap3A] {strides = array<i32>} : memref<640xf32, #tpu.memory_space<vmem>>, vector<16xf32>,
      tpu.vector_store %arg15[%swap3A], %broadcast_in_dim3A_191 {strides = array<i32>} : memref<640xf32, #tpu.memory_space<vmem>>, vector<16xf32>,
      %scan3A_195 = arith.constant 0 : i32
      scf.yield %scan3A_195 : i32
    }
    %scan3A_22 = arith.constant 40 : i32
    %mul3A_23 = arith.constant 640 : i32
    %mul3A_24 = arith.muli %arg1, %mul3A_23 : i32
    %run_scoped3A = arith.constant 0 : i32
    "tpu.region"() ({
      %run_scoped3A_189 = tpu.sem_alloc : memref<!tpu.dma_semaphore, #tpu.memory_space<semaphore_mem>>
      %dma_start3A = tpu.memref_slice %arg17[%run_scoped3A, %mul3A_24] : memref<16x10240xf32, #tpu.memory_space<vmem_shared>> -> memref<1x640xf32, #tpu.memory_space<vmem_shared>>
      %dma_start3A_190 = tpu.memref_squeeze %dma_start3A : memref<1x640xf32, #tpu.memory_space<vmem_shared>> -> memref<640xf32, #tpu.memory_space<vmem_shared>>
      %dma_start3A_191 = tpu.memref_slice %arg17[%run_scoped3A, %mul3A_24] : memref<16x10240xf32, #tpu.memory_space<vmem_shared>> -> memref<1x640xf32, #tpu.memory_space<vmem_shared>>
      %dma_start3A_192 = tpu.memref_squeeze %dma_start3A_191 : memref<1x640xf32, #tpu.memory_space<vmem_shared>> -> memref<640xf32, #tpu.memory_space<vmem_shared>>
      tpu.enqueue_dma source(%dma_start3A_192 : memref<640xf32, #tpu.memory_space<vmem_shared>>) target(%arg16 : memref<640xf32, #tpu.memory_space<vmem>>) target_semaphore(%run_scoped3A_189 : memref<!tpu.dma_semaphore, #tpu.memory_space<semaphore_mem>>)
      %dma_wait3A = tpu.memref_slice %arg17[%run_scoped3A, %mul3A_24] : memref<16x10240xf32, #tpu.memory_space<vmem_shared>> -> memref<1x640xf32, #tpu.memory_space<vmem_shared>>
      %dma_wait3A_193 = tpu.memref_squeeze %dma_wait3A : memref<1x640xf32, #tpu.memory_space<vmem_shared>> -> memref<640xf32, #tpu.memory_space<vmem_shared>>
      %dma_wait3A_194 = tpu.memref_slice %arg17[%run_scoped3A, %mul3A_24] : memref<16x10240xf32, #tpu.memory_space<vmem_shared>> -> memref<1x640xf32, #tpu.memory_space<vmem_shared>>
      %dma_wait3A_195 = tpu.memref_squeeze %dma_wait3A_194 : memref<1x640xf32, #tpu.memory_space<vmem_shared>> -> memref<640xf32, #tpu.memory_space<vmem_shared>>
      tpu.wait_dma2 semaphore(%run_scoped3A_189 : memref<!tpu.dma_semaphore, #tpu.memory_space<semaphore_mem>>) src(%dma_wait3A_195 : memref<640xf32, #tpu.memory_space<vmem_shared>>) dst(%arg16 : memref<640xf32, #tpu.memory_space<vmem>>)
      tpu.yield
    }) : () -> ()
    %scan3A_25 = arith.constant 0 : i32
    %scan3A_26 = arith.constant 0 : i32
    %scan3A_27 = arith.constant 40 : i32
    %scan3A_28 = arith.addi %scan3A_26, %scan3A_27 : i32
    %scan3A_29 = arith.constant 1 : i32
    %scan3A_30 = scf.for %scan3A_189 = %scan3A_26 to %scan3A_28 step %scan3A_29 iter_args(%scan3A_190 = %scan3A_25) -> (i32)  : i32 {
      %mul3A_191 = arith.constant 16 : i32
      %mul3A_192 = arith.muli %scan3A_189, %mul3A_191 : i32
      %get3A = arith.index_cast %mul3A_192 : i32 to index
      %get3A_193 = tpu.vector_load %arg15[%get3A] {strides = array<i32>} : memref<640xf32, #tpu.memory_space<vmem>>, vector<16xf32>,
      %mul3A_194 = arith.constant 16 : i32
      %mul3A_195 = arith.muli %scan3A_189, %mul3A_194 : i32
      %get3A_196 = arith.index_cast %mul3A_195 : i32 to index
      %get3A_197 = tpu.vector_load %arg16[%get3A_196] {strides = array<i32>} : memref<640xf32, #tpu.memory_space<vmem>>, vector<16xf32>,
      %add3A_198 = arith.addf %get3A_193, %get3A_197 : vector<16xf32>
      %mul3A_199 = arith.constant 16 : i32
      %mul3A_200 = arith.muli %scan3A_189, %mul3A_199 : i32
      %swap3A = arith.index_cast %mul3A_200 : i32 to index
      %swap3A_201 = tpu.vector_load %arg15[%swap3A] {strides = array<i32>} : memref<640xf32, #tpu.memory_space<vmem>>, vector<16xf32>,
      tpu.vector_store %arg15[%swap3A], %add3A_198 {strides = array<i32>} : memref<640xf32, #tpu.memory_space<vmem>>, vector<16xf32>,
      %scan3A_202 = arith.constant 0 : i32
      scf.yield %scan3A_202 : i32
    }
    %scan3A_31 = arith.constant 40 : i32
    %mul3A_32 = arith.constant 640 : i32
    %mul3A_33 = arith.muli %arg1, %mul3A_32 : i32
    %run_scoped3A_34 = arith.constant 1 : i32
    "tpu.region"() ({
      %run_scoped3A_189 = tpu.sem_alloc : memref<!tpu.dma_semaphore, #tpu.memory_space<semaphore_mem>>
      %dma_start3A = tpu.memref_slice %arg17[%run_scoped3A_34, %mul3A_33] : memref<16x10240xf32, #tpu.memory_space<vmem_shared>> -> memref<1x640xf32, #tpu.memory_space<vmem_shared>>
      %dma_start3A_190 = tpu.memref_squeeze %dma_start3A : memref<1x640xf32, #tpu.memory_space<vmem_shared>> -> memref<640xf32, #tpu.memory_space<vmem_shared>>
      %dma_start3A_191 = tpu.memref_slice %arg17[%run_scoped3A_34, %mul3A_33] : memref<16x10240xf32, #tpu.memory_space<vmem_shared>> -> memref<1x640xf32, #tpu.memory_space<vmem_shared>>
      %dma_start3A_192 = tpu.memref_squeeze %dma_start3A_191 : memref<1x640xf32, #tpu.memory_space<vmem_shared>> -> memref<640xf32, #tpu.memory_space<vmem_shared>>
      tpu.enqueue_dma source(%dma_start3A_192 : memref<640xf32, #tpu.memory_space<vmem_shared>>) target(%arg16 : memref<640xf32, #tpu.memory_space<vmem>>) target_semaphore(%run_scoped3A_189 : memref<!tpu.dma_semaphore, #tpu.memory_space<semaphore_mem>>)
      %dma_wait3A = tpu.memref_slice %arg17[%run_scoped3A_34, %mul3A_33] : memref<16x10240xf32, #tpu.memory_space<vmem_shared>> -> memref<1x640xf32, #tpu.memory_space<vmem_shared>>
      %dma_wait3A_193 = tpu.memref_squeeze %dma_wait3A : memref<1x640xf32, #tpu.memory_space<vmem_shared>> -> memref<640xf32, #tpu.memory_space<vmem_shared>>
      %dma_wait3A_194 = tpu.memref_slice %arg17[%run_scoped3A_34, %mul3A_33] : memref<16x10240xf32, #tpu.memory_space<vmem_shared>> -> memref<1x640xf32, #tpu.memory_space<vmem_shared>>
      %dma_wait3A_195 = tpu.memref_squeeze %dma_wait3A_194 : memref<1x640xf32, #tpu.memory_space<vmem_shared>> -> memref<640xf32, #tpu.memory_space<vmem_shared>>
      tpu.wait_dma2 semaphore(%run_scoped3A_189 : memref<!tpu.dma_semaphore, #tpu.memory_space<semaphore_mem>>) src(%dma_wait3A_195 : memref<640xf32, #tpu.memory_space<vmem_shared>>) dst(%arg16 : memref<640xf32, #tpu.memory_space<vmem>>)
      tpu.yield
    }) : () -> ()
    %scan3A_35 = arith.constant 0 : i32
    %scan3A_36 = arith.constant 0 : i32
    %scan3A_37 = arith.constant 40 : i32
    %scan3A_38 = arith.addi %scan3A_36, %scan3A_37 : i32
    %scan3A_39 = arith.constant 1 : i32
    %scan3A_40 = scf.for %scan3A_189 = %scan3A_36 to %scan3A_38 step %scan3A_39 iter_args(%scan3A_190 = %scan3A_35) -> (i32)  : i32 {
      %mul3A_191 = arith.constant 16 : i32
      %mul3A_192 = arith.muli %scan3A_189, %mul3A_191 : i32
      %get3A = arith.index_cast %mul3A_192 : i32 to index
      %get3A_193 = tpu.vector_load %arg15[%get3A] {strides = array<i32>} : memref<640xf32, #tpu.memory_space<vmem>>, vector<16xf32>,
      %mul3A_194 = arith.constant 16 : i32
      %mul3A_195 = arith.muli %scan3A_189, %mul3A_194 : i32
      %get3A_196 = arith.index_cast %mul3A_195 : i32 to index
      %get3A_197 = tpu.vector_load %arg16[%get3A_196] {strides = array<i32>} : memref<640xf32, #tpu.memory_space<vmem>>, vector<16xf32>,
      %add3A_198 = arith.addf %get3A_193, %get3A_197 : vector<16xf32>
      %mul3A_199 = arith.constant 16 : i32
      %mul3A_200 = arith.muli %scan3A_189, %mul3A_199 : i32
      %swap3A = arith.index_cast %mul3A_200 : i32 to index
      %swap3A_201 = tpu.vector_load %arg15[%swap3A] {strides = array<i32>} : memref<640xf32, #tpu.memory_space<vmem>>, vector<16xf32>,
      tpu.vector_store %arg15[%swap3A], %add3A_198 {strides = array<i32>} : memref<640xf32, #tpu.memory_space<vmem>>, vector<16xf32>,
      %scan3A_202 = arith.constant 0 : i32
      scf.yield %scan3A_202 : i32
    }
    %scan3A_41 = arith.constant 40 : i32
    %mul3A_42 = arith.constant 640 : i32
    %mul3A_43 = arith.muli %arg1, %mul3A_42 : i32
    %run_scoped3A_44 = arith.constant 2 : i32
    "tpu.region"() ({
      %run_scoped3A_189 = tpu.sem_alloc : memref<!tpu.dma_semaphore, #tpu.memory_space<semaphore_mem>>
      %dma_start3A = tpu.memref_slice %arg17[%run_scoped3A_44, %mul3A_43] : memref<16x10240xf32, #tpu.memory_space<vmem_shared>> -> memref<1x640xf32, #tpu.memory_space<vmem_shared>>
      %dma_start3A_190 = tpu.memref_squeeze %dma_start3A : memref<1x640xf32, #tpu.memory_space<vmem_shared>> -> memref<640xf32, #tpu.memory_space<vmem_shared>>
      %dma_start3A_191 = tpu.memref_slice %arg17[%run_scoped3A_44, %mul3A_43] : memref<16x10240xf32, #tpu.memory_space<vmem_shared>> -> memref<1x640xf32, #tpu.memory_space<vmem_shared>>
      %dma_start3A_192 = tpu.memref_squeeze %dma_start3A_191 : memref<1x640xf32, #tpu.memory_space<vmem_shared>> -> memref<640xf32, #tpu.memory_space<vmem_shared>>
      tpu.enqueue_dma source(%dma_start3A_192 : memref<640xf32, #tpu.memory_space<vmem_shared>>) target(%arg16 : memref<640xf32, #tpu.memory_space<vmem>>) target_semaphore(%run_scoped3A_189 : memref<!tpu.dma_semaphore, #tpu.memory_space<semaphore_mem>>)
      %dma_wait3A = tpu.memref_slice %arg17[%run_scoped3A_44, %mul3A_43] : memref<16x10240xf32, #tpu.memory_space<vmem_shared>> -> memref<1x640xf32, #tpu.memory_space<vmem_shared>>
      %dma_wait3A_193 = tpu.memref_squeeze %dma_wait3A : memref<1x640xf32, #tpu.memory_space<vmem_shared>> -> memref<640xf32, #tpu.memory_space<vmem_shared>>
      %dma_wait3A_194 = tpu.memref_slice %arg17[%run_scoped3A_44, %mul3A_43] : memref<16x10240xf32, #tpu.memory_space<vmem_shared>> -> memref<1x640xf32, #tpu.memory_space<vmem_shared>>
      %dma_wait3A_195 = tpu.memref_squeeze %dma_wait3A_194 : memref<1x640xf32, #tpu.memory_space<vmem_shared>> -> memref<640xf32, #tpu.memory_space<vmem_shared>>
      tpu.wait_dma2 semaphore(%run_scoped3A_189 : memref<!tpu.dma_semaphore, #tpu.memory_space<semaphore_mem>>) src(%dma_wait3A_195 : memref<640xf32, #tpu.memory_space<vmem_shared>>) dst(%arg16 : memref<640xf32, #tpu.memory_space<vmem>>)
      tpu.yield
    }) : () -> ()
    %scan3A_45 = arith.constant 0 : i32
    %scan3A_46 = arith.constant 0 : i32
    %scan3A_47 = arith.constant 40 : i32
    %scan3A_48 = arith.addi %scan3A_46, %scan3A_47 : i32
    %scan3A_49 = arith.constant 1 : i32
    %scan3A_50 = scf.for %scan3A_189 = %scan3A_46 to %scan3A_48 step %scan3A_49 iter_args(%scan3A_190 = %scan3A_45) -> (i32)  : i32 {
      %mul3A_191 = arith.constant 16 : i32
      %mul3A_192 = arith.muli %scan3A_189, %mul3A_191 : i32
      %get3A = arith.index_cast %mul3A_192 : i32 to index
      %get3A_193 = tpu.vector_load %arg15[%get3A] {strides = array<i32>} : memref<640xf32, #tpu.memory_space<vmem>>, vector<16xf32>,
      %mul3A_194 = arith.constant 16 : i32
      %mul3A_195 = arith.muli %scan3A_189, %mul3A_194 : i32
      %get3A_196 = arith.index_cast %mul3A_195 : i32 to index
      %get3A_197 = tpu.vector_load %arg16[%get3A_196] {strides = array<i32>} : memref<640xf32, #tpu.memory_space<vmem>>, vector<16xf32>,
      %add3A_198 = arith.addf %get3A_193, %get3A_197 : vector<16xf32>
      %mul3A_199 = arith.constant 16 : i32
      %mul3A_200 = arith.muli %scan3A_189, %mul3A_199 : i32
      %swap3A = arith.index_cast %mul3A_200 : i32 to index
      %swap3A_201 = tpu.vector_load %arg15[%swap3A] {strides = array<i32>} : memref<640xf32, #tpu.memory_space<vmem>>, vector<16xf32>,
      tpu.vector_store %arg15[%swap3A], %add3A_198 {strides = array<i32>} : memref<640xf32, #tpu.memory_space<vmem>>, vector<16xf32>,
      %scan3A_202 = arith.constant 0 : i32
      scf.yield %scan3A_202 : i32
    }
    %scan3A_51 = arith.constant 40 : i32
    %mul3A_52 = arith.constant 640 : i32
    %mul3A_53 = arith.muli %arg1, %mul3A_52 : i32
    %run_scoped3A_54 = arith.constant 3 : i32
    "tpu.region"() ({
      %run_scoped3A_189 = tpu.sem_alloc : memref<!tpu.dma_semaphore, #tpu.memory_space<semaphore_mem>>
      %dma_start3A = tpu.memref_slice %arg17[%run_scoped3A_54, %mul3A_53] : memref<16x10240xf32, #tpu.memory_space<vmem_shared>> -> memref<1x640xf32, #tpu.memory_space<vmem_shared>>
      %dma_start3A_190 = tpu.memref_squeeze %dma_start3A : memref<1x640xf32, #tpu.memory_space<vmem_shared>> -> memref<640xf32, #tpu.memory_space<vmem_shared>>
      %dma_start3A_191 = tpu.memref_slice %arg17[%run_scoped3A_54, %mul3A_53] : memref<16x10240xf32, #tpu.memory_space<vmem_shared>> -> memref<1x640xf32, #tpu.memory_space<vmem_shared>>
      %dma_start3A_192 = tpu.memref_squeeze %dma_start3A_191 : memref<1x640xf32, #tpu.memory_space<vmem_shared>> -> memref<640xf32, #tpu.memory_space<vmem_shared>>
      tpu.enqueue_dma source(%dma_start3A_192 : memref<640xf32, #tpu.memory_space<vmem_shared>>) target(%arg16 : memref<640xf32, #tpu.memory_space<vmem>>) target_semaphore(%run_scoped3A_189 : memref<!tpu.dma_semaphore, #tpu.memory_space<semaphore_mem>>)
      %dma_wait3A = tpu.memref_slice %arg17[%run_scoped3A_54, %mul3A_53] : memref<16x10240xf32, #tpu.memory_space<vmem_shared>> -> memref<1x640xf32, #tpu.memory_space<vmem_shared>>
      %dma_wait3A_193 = tpu.memref_squeeze %dma_wait3A : memref<1x640xf32, #tpu.memory_space<vmem_shared>> -> memref<640xf32, #tpu.memory_space<vmem_shared>>
      %dma_wait3A_194 = tpu.memref_slice %arg17[%run_scoped3A_54, %mul3A_53] : memref<16x10240xf32, #tpu.memory_space<vmem_shared>> -> memref<1x640xf32, #tpu.memory_space<vmem_shared>>
      %dma_wait3A_195 = tpu.memref_squeeze %dma_wait3A_194 : memref<1x640xf32, #tpu.memory_space<vmem_shared>> -> memref<640xf32, #tpu.memory_space<vmem_shared>>
      tpu.wait_dma2 semaphore(%run_scoped3A_189 : memref<!tpu.dma_semaphore, #tpu.memory_space<semaphore_mem>>) src(%dma_wait3A_195 : memref<640xf32, #tpu.memory_space<vmem_shared>>) dst(%arg16 : memref<640xf32, #tpu.memory_space<vmem>>)
      tpu.yield
    }) : () -> ()
    %scan3A_55 = arith.constant 0 : i32
    %scan3A_56 = arith.constant 0 : i32
    %scan3A_57 = arith.constant 40 : i32
    %scan3A_58 = arith.addi %scan3A_56, %scan3A_57 : i32
    %scan3A_59 = arith.constant 1 : i32
    %scan3A_60 = scf.for %scan3A_189 = %scan3A_56 to %scan3A_58 step %scan3A_59 iter_args(%scan3A_190 = %scan3A_55) -> (i32)  : i32 {
      %mul3A_191 = arith.constant 16 : i32
      %mul3A_192 = arith.muli %scan3A_189, %mul3A_191 : i32
      %get3A = arith.index_cast %mul3A_192 : i32 to index
      %get3A_193 = tpu.vector_load %arg15[%get3A] {strides = array<i32>} : memref<640xf32, #tpu.memory_space<vmem>>, vector<16xf32>,
      %mul3A_194 = arith.constant 16 : i32
      %mul3A_195 = arith.muli %scan3A_189, %mul3A_194 : i32
      %get3A_196 = arith.index_cast %mul3A_195 : i32 to index
      %get3A_197 = tpu.vector_load %arg16[%get3A_196] {strides = array<i32>} : memref<640xf32, #tpu.memory_space<vmem>>, vector<16xf32>,
      %add3A_198 = arith.addf %get3A_193, %get3A_197 : vector<16xf32>
      %mul3A_199 = arith.constant 16 : i32
      %mul3A_200 = arith.muli %scan3A_189, %mul3A_199 : i32
      %swap3A = arith.index_cast %mul3A_200 : i32 to index
      %swap3A_201 = tpu.vector_load %arg15[%swap3A] {strides = array<i32>} : memref<640xf32, #tpu.memory_space<vmem>>, vector<16xf32>,
      tpu.vector_store %arg15[%swap3A], %add3A_198 {strides = array<i32>} : memref<640xf32, #tpu.memory_space<vmem>>, vector<16xf32>,
      %scan3A_202 = arith.constant 0 : i32
      scf.yield %scan3A_202 : i32
    }
    %scan3A_61 = arith.constant 40 : i32
    %mul3A_62 = arith.constant 640 : i32
    %mul3A_63 = arith.muli %arg1, %mul3A_62 : i32
    %run_scoped3A_64 = arith.constant 4 : i32
    "tpu.region"() ({
      %run_scoped3A_189 = tpu.sem_alloc : memref<!tpu.dma_semaphore, #tpu.memory_space<semaphore_mem>>
      %dma_start3A = tpu.memref_slice %arg17[%run_scoped3A_64, %mul3A_63] : memref<16x10240xf32, #tpu.memory_space<vmem_shared>> -> memref<1x640xf32, #tpu.memory_space<vmem_shared>>
      %dma_start3A_190 = tpu.memref_squeeze %dma_start3A : memref<1x640xf32, #tpu.memory_space<vmem_shared>> -> memref<640xf32, #tpu.memory_space<vmem_shared>>
      %dma_start3A_191 = tpu.memref_slice %arg17[%run_scoped3A_64, %mul3A_63] : memref<16x10240xf32, #tpu.memory_space<vmem_shared>> -> memref<1x640xf32, #tpu.memory_space<vmem_shared>>
      %dma_start3A_192 = tpu.memref_squeeze %dma_start3A_191 : memref<1x640xf32, #tpu.memory_space<vmem_shared>> -> memref<640xf32, #tpu.memory_space<vmem_shared>>
      tpu.enqueue_dma source(%dma_start3A_192 : memref<640xf32, #tpu.memory_space<vmem_shared>>) target(%arg16 : memref<640xf32, #tpu.memory_space<vmem>>) target_semaphore(%run_scoped3A_189 : memref<!tpu.dma_semaphore, #tpu.memory_space<semaphore_mem>>)
      %dma_wait3A = tpu.memref_slice %arg17[%run_scoped3A_64, %mul3A_63] : memref<16x10240xf32, #tpu.memory_space<vmem_shared>> -> memref<1x640xf32, #tpu.memory_space<vmem_shared>>
      %dma_wait3A_193 = tpu.memref_squeeze %dma_wait3A : memref<1x640xf32, #tpu.memory_space<vmem_shared>> -> memref<640xf32, #tpu.memory_space<vmem_shared>>
      %dma_wait3A_194 = tpu.memref_slice %arg17[%run_scoped3A_64, %mul3A_63] : memref<16x10240xf32, #tpu.memory_space<vmem_shared>> -> memref<1x640xf32, #tpu.memory_space<vmem_shared>>
      %dma_wait3A_195 = tpu.memref_squeeze %dma_wait3A_194 : memref<1x640xf32, #tpu.memory_space<vmem_shared>> -> memref<640xf32, #tpu.memory_space<vmem_shared>>
      tpu.wait_dma2 semaphore(%run_scoped3A_189 : memref<!tpu.dma_semaphore, #tpu.memory_space<semaphore_mem>>) src(%dma_wait3A_195 : memref<640xf32, #tpu.memory_space<vmem_shared>>) dst(%arg16 : memref<640xf32, #tpu.memory_space<vmem>>)
      tpu.yield
    }) : () -> ()
    %scan3A_65 = arith.constant 0 : i32
    %scan3A_66 = arith.constant 0 : i32
    %scan3A_67 = arith.constant 40 : i32
    %scan3A_68 = arith.addi %scan3A_66, %scan3A_67 : i32
    %scan3A_69 = arith.constant 1 : i32
    %scan3A_70 = scf.for %scan3A_189 = %scan3A_66 to %scan3A_68 step %scan3A_69 iter_args(%scan3A_190 = %scan3A_65) -> (i32)  : i32 {
      %mul3A_191 = arith.constant 16 : i32
      %mul3A_192 = arith.muli %scan3A_189, %mul3A_191 : i32
      %get3A = arith.index_cast %mul3A_192 : i32 to index
      %get3A_193 = tpu.vector_load %arg15[%get3A] {strides = array<i32>} : memref<640xf32, #tpu.memory_space<vmem>>, vector<16xf32>,
      %mul3A_194 = arith.constant 16 : i32
      %mul3A_195 = arith.muli %scan3A_189, %mul3A_194 : i32
      %get3A_196 = arith.index_cast %mul3A_195 : i32 to index
      %get3A_197 = tpu.vector_load %arg16[%get3A_196] {strides = array<i32>} : memref<640xf32, #tpu.memory_space<vmem>>, vector<16xf32>,
      %add3A_198 = arith.addf %get3A_193, %get3A_197 : vector<16xf32>
      %mul3A_199 = arith.constant 16 : i32
      %mul3A_200 = arith.muli %scan3A_189, %mul3A_199 : i32
      %swap3A = arith.index_cast %mul3A_200 : i32 to index
      %swap3A_201 = tpu.vector_load %arg15[%swap3A] {strides = array<i32>} : memref<640xf32, #tpu.memory_space<vmem>>, vector<16xf32>,
      tpu.vector_store %arg15[%swap3A], %add3A_198 {strides = array<i32>} : memref<640xf32, #tpu.memory_space<vmem>>, vector<16xf32>,
      %scan3A_202 = arith.constant 0 : i32
      scf.yield %scan3A_202 : i32
    }
    %scan3A_71 = arith.constant 40 : i32
    %mul3A_72 = arith.constant 640 : i32
    %mul3A_73 = arith.muli %arg1, %mul3A_72 : i32
    %run_scoped3A_74 = arith.constant 5 : i32
    "tpu.region"() ({
      %run_scoped3A_189 = tpu.sem_alloc : memref<!tpu.dma_semaphore, #tpu.memory_space<semaphore_mem>>
      %dma_start3A = tpu.memref_slice %arg17[%run_scoped3A_74, %mul3A_73] : memref<16x10240xf32, #tpu.memory_space<vmem_shared>> -> memref<1x640xf32, #tpu.memory_space<vmem_shared>>
      %dma_start3A_190 = tpu.memref_squeeze %dma_start3A : memref<1x640xf32, #tpu.memory_space<vmem_shared>> -> memref<640xf32, #tpu.memory_space<vmem_shared>>
      %dma_start3A_191 = tpu.memref_slice %arg17[%run_scoped3A_74, %mul3A_73] : memref<16x10240xf32, #tpu.memory_space<vmem_shared>> -> memref<1x640xf32, #tpu.memory_space<vmem_shared>>
      %dma_start3A_192 = tpu.memref_squeeze %dma_start3A_191 : memref<1x640xf32, #tpu.memory_space<vmem_shared>> -> memref<640xf32, #tpu.memory_space<vmem_shared>>
      tpu.enqueue_dma source(%dma_start3A_192 : memref<640xf32, #tpu.memory_space<vmem_shared>>) target(%arg16 : memref<640xf32, #tpu.memory_space<vmem>>) target_semaphore(%run_scoped3A_189 : memref<!tpu.dma_semaphore, #tpu.memory_space<semaphore_mem>>)
      %dma_wait3A = tpu.memref_slice %arg17[%run_scoped3A_74, %mul3A_73] : memref<16x10240xf32, #tpu.memory_space<vmem_shared>> -> memref<1x640xf32, #tpu.memory_space<vmem_shared>>
      %dma_wait3A_193 = tpu.memref_squeeze %dma_wait3A : memref<1x640xf32, #tpu.memory_space<vmem_shared>> -> memref<640xf32, #tpu.memory_space<vmem_shared>>
      %dma_wait3A_194 = tpu.memref_slice %arg17[%run_scoped3A_74, %mul3A_73] : memref<16x10240xf32, #tpu.memory_space<vmem_shared>> -> memref<1x640xf32, #tpu.memory_space<vmem_shared>>
      %dma_wait3A_195 = tpu.memref_squeeze %dma_wait3A_194 : memref<1x640xf32, #tpu.memory_space<vmem_shared>> -> memref<640xf32, #tpu.memory_space<vmem_shared>>
      tpu.wait_dma2 semaphore(%run_scoped3A_189 : memref<!tpu.dma_semaphore, #tpu.memory_space<semaphore_mem>>) src(%dma_wait3A_195 : memref<640xf32, #tpu.memory_space<vmem_shared>>) dst(%arg16 : memref<640xf32, #tpu.memory_space<vmem>>)
      tpu.yield
    }) : () -> ()
    %scan3A_75 = arith.constant 0 : i32
    %scan3A_76 = arith.constant 0 : i32
    %scan3A_77 = arith.constant 40 : i32
    %scan3A_78 = arith.addi %scan3A_76, %scan3A_77 : i32
    %scan3A_79 = arith.constant 1 : i32
    %scan3A_80 = scf.for %scan3A_189 = %scan3A_76 to %scan3A_78 step %scan3A_79 iter_args(%scan3A_190 = %scan3A_75) -> (i32)  : i32 {
      %mul3A_191 = arith.constant 16 : i32
      %mul3A_192 = arith.muli %scan3A_189, %mul3A_191 : i32
      %get3A = arith.index_cast %mul3A_192 : i32 to index
      %get3A_193 = tpu.vector_load %arg15[%get3A] {strides = array<i32>} : memref<640xf32, #tpu.memory_space<vmem>>, vector<16xf32>,
      %mul3A_194 = arith.constant 16 : i32
      %mul3A_195 = arith.muli %scan3A_189, %mul3A_194 : i32
      %get3A_196 = arith.index_cast %mul3A_195 : i32 to index
      %get3A_197 = tpu.vector_load %arg16[%get3A_196] {strides = array<i32>} : memref<640xf32, #tpu.memory_space<vmem>>, vector<16xf32>,
      %add3A_198 = arith.addf %get3A_193, %get3A_197 : vector<16xf32>
      %mul3A_199 = arith.constant 16 : i32
      %mul3A_200 = arith.muli %scan3A_189, %mul3A_199 : i32
      %swap3A = arith.index_cast %mul3A_200 : i32 to index
      %swap3A_201 = tpu.vector_load %arg15[%swap3A] {strides = array<i32>} : memref<640xf32, #tpu.memory_space<vmem>>, vector<16xf32>,
      tpu.vector_store %arg15[%swap3A], %add3A_198 {strides = array<i32>} : memref<640xf32, #tpu.memory_space<vmem>>, vector<16xf32>,
      %scan3A_202 = arith.constant 0 : i32
      scf.yield %scan3A_202 : i32
    }
    %scan3A_81 = arith.constant 40 : i32
    %mul3A_82 = arith.constant 640 : i32
    %mul3A_83 = arith.muli %arg1, %mul3A_82 : i32
    %run_scoped3A_84 = arith.constant 6 : i32
    "tpu.region"() ({
      %run_scoped3A_189 = tpu.sem_alloc : memref<!tpu.dma_semaphore, #tpu.memory_space<semaphore_mem>>
      %dma_start3A = tpu.memref_slice %arg17[%run_scoped3A_84, %mul3A_83] : memref<16x10240xf32, #tpu.memory_space<vmem_shared>> -> memref<1x640xf32, #tpu.memory_space<vmem_shared>>
      %dma_start3A_190 = tpu.memref_squeeze %dma_start3A : memref<1x640xf32, #tpu.memory_space<vmem_shared>> -> memref<640xf32, #tpu.memory_space<vmem_shared>>
      %dma_start3A_191 = tpu.memref_slice %arg17[%run_scoped3A_84, %mul3A_83] : memref<16x10240xf32, #tpu.memory_space<vmem_shared>> -> memref<1x640xf32, #tpu.memory_space<vmem_shared>>
      %dma_start3A_192 = tpu.memref_squeeze %dma_start3A_191 : memref<1x640xf32, #tpu.memory_space<vmem_shared>> -> memref<640xf32, #tpu.memory_space<vmem_shared>>
      tpu.enqueue_dma source(%dma_start3A_192 : memref<640xf32, #tpu.memory_space<vmem_shared>>) target(%arg16 : memref<640xf32, #tpu.memory_space<vmem>>) target_semaphore(%run_scoped3A_189 : memref<!tpu.dma_semaphore, #tpu.memory_space<semaphore_mem>>)
      %dma_wait3A = tpu.memref_slice %arg17[%run_scoped3A_84, %mul3A_83] : memref<16x10240xf32, #tpu.memory_space<vmem_shared>> -> memref<1x640xf32, #tpu.memory_space<vmem_shared>>
      %dma_wait3A_193 = tpu.memref_squeeze %dma_wait3A : memref<1x640xf32, #tpu.memory_space<vmem_shared>> -> memref<640xf32, #tpu.memory_space<vmem_shared>>
      %dma_wait3A_194 = tpu.memref_slice %arg17[%run_scoped3A_84, %mul3A_83] : memref<16x10240xf32, #tpu.memory_space<vmem_shared>> -> memref<1x640xf32, #tpu.memory_space<vmem_shared>>
      %dma_wait3A_195 = tpu.memref_squeeze %dma_wait3A_194 : memref<1x640xf32, #tpu.memory_space<vmem_shared>> -> memref<640xf32, #tpu.memory_space<vmem_shared>>
      tpu.wait_dma2 semaphore(%run_scoped3A_189 : memref<!tpu.dma_semaphore, #tpu.memory_space<semaphore_mem>>) src(%dma_wait3A_195 : memref<640xf32, #tpu.memory_space<vmem_shared>>) dst(%arg16 : memref<640xf32, #tpu.memory_space<vmem>>)
      tpu.yield
    }) : () -> ()
    %scan3A_85 = arith.constant 0 : i32
    %scan3A_86 = arith.constant 0 : i32
    %scan3A_87 = arith.constant 40 : i32
    %scan3A_88 = arith.addi %scan3A_86, %scan3A_87 : i32
    %scan3A_89 = arith.constant 1 : i32
    %scan3A_90 = scf.for %scan3A_189 = %scan3A_86 to %scan3A_88 step %scan3A_89 iter_args(%scan3A_190 = %scan3A_85) -> (i32)  : i32 {
      %mul3A_191 = arith.constant 16 : i32
      %mul3A_192 = arith.muli %scan3A_189, %mul3A_191 : i32
      %get3A = arith.index_cast %mul3A_192 : i32 to index
      %get3A_193 = tpu.vector_load %arg15[%get3A] {strides = array<i32>} : memref<640xf32, #tpu.memory_space<vmem>>, vector<16xf32>,
      %mul3A_194 = arith.constant 16 : i32
      %mul3A_195 = arith.muli %scan3A_189, %mul3A_194 : i32
      %get3A_196 = arith.index_cast %mul3A_195 : i32 to index
      %get3A_197 = tpu.vector_load %arg16[%get3A_196] {strides = array<i32>} : memref<640xf32, #tpu.memory_space<vmem>>, vector<16xf32>,
      %add3A_198 = arith.addf %get3A_193, %get3A_197 : vector<16xf32>
      %mul3A_199 = arith.constant 16 : i32
      %mul3A_200 = arith.muli %scan3A_189, %mul3A_199 : i32
      %swap3A = arith.index_cast %mul3A_200 : i32 to index
      %swap3A_201 = tpu.vector_load %arg15[%swap3A] {strides = array<i32>} : memref<640xf32, #tpu.memory_space<vmem>>, vector<16xf32>,
      tpu.vector_store %arg15[%swap3A], %add3A_198 {strides = array<i32>} : memref<640xf32, #tpu.memory_space<vmem>>, vector<16xf32>,
      %scan3A_202 = arith.constant 0 : i32
      scf.yield %scan3A_202 : i32
    }
    %scan3A_91 = arith.constant 40 : i32
    %mul3A_92 = arith.constant 640 : i32
    %mul3A_93 = arith.muli %arg1, %mul3A_92 : i32
    %run_scoped3A_94 = arith.constant 7 : i32
    "tpu.region"() ({
      %run_scoped3A_189 = tpu.sem_alloc : memref<!tpu.dma_semaphore, #tpu.memory_space<semaphore_mem>>
      %dma_start3A = tpu.memref_slice %arg17[%run_scoped3A_94, %mul3A_93] : memref<16x10240xf32, #tpu.memory_space<vmem_shared>> -> memref<1x640xf32, #tpu.memory_space<vmem_shared>>
      %dma_start3A_190 = tpu.memref_squeeze %dma_start3A : memref<1x640xf32, #tpu.memory_space<vmem_shared>> -> memref<640xf32, #tpu.memory_space<vmem_shared>>
      %dma_start3A_191 = tpu.memref_slice %arg17[%run_scoped3A_94, %mul3A_93] : memref<16x10240xf32, #tpu.memory_space<vmem_shared>> -> memref<1x640xf32, #tpu.memory_space<vmem_shared>>
      %dma_start3A_192 = tpu.memref_squeeze %dma_start3A_191 : memref<1x640xf32, #tpu.memory_space<vmem_shared>> -> memref<640xf32, #tpu.memory_space<vmem_shared>>
      tpu.enqueue_dma source(%dma_start3A_192 : memref<640xf32, #tpu.memory_space<vmem_shared>>) target(%arg16 : memref<640xf32, #tpu.memory_space<vmem>>) target_semaphore(%run_scoped3A_189 : memref<!tpu.dma_semaphore, #tpu.memory_space<semaphore_mem>>)
      %dma_wait3A = tpu.memref_slice %arg17[%run_scoped3A_94, %mul3A_93] : memref<16x10240xf32, #tpu.memory_space<vmem_shared>> -> memref<1x640xf32, #tpu.memory_space<vmem_shared>>
      %dma_wait3A_193 = tpu.memref_squeeze %dma_wait3A : memref<1x640xf32, #tpu.memory_space<vmem_shared>> -> memref<640xf32, #tpu.memory_space<vmem_shared>>
      %dma_wait3A_194 = tpu.memref_slice %arg17[%run_scoped3A_94, %mul3A_93] : memref<16x10240xf32, #tpu.memory_space<vmem_shared>> -> memref<1x640xf32, #tpu.memory_space<vmem_shared>>
      %dma_wait3A_195 = tpu.memref_squeeze %dma_wait3A_194 : memref<1x640xf32, #tpu.memory_space<vmem_shared>> -> memref<640xf32, #tpu.memory_space<vmem_shared>>
      tpu.wait_dma2 semaphore(%run_scoped3A_189 : memref<!tpu.dma_semaphore, #tpu.memory_space<semaphore_mem>>) src(%dma_wait3A_195 : memref<640xf32, #tpu.memory_space<vmem_shared>>) dst(%arg16 : memref<640xf32, #tpu.memory_space<vmem>>)
      tpu.yield
    }) : () -> ()
    %scan3A_95 = arith.constant 0 : i32
    %scan3A_96 = arith.constant 0 : i32
    %scan3A_97 = arith.constant 40 : i32
    %scan3A_98 = arith.addi %scan3A_96, %scan3A_97 : i32
    %scan3A_99 = arith.constant 1 : i32
    %scan3A_100 = scf.for %scan3A_189 = %scan3A_96 to %scan3A_98 step %scan3A_99 iter_args(%scan3A_190 = %scan3A_95) -> (i32)  : i32 {
      %mul3A_191 = arith.constant 16 : i32
      %mul3A_192 = arith.muli %scan3A_189, %mul3A_191 : i32
      %get3A = arith.index_cast %mul3A_192 : i32 to index
      %get3A_193 = tpu.vector_load %arg15[%get3A] {strides = array<i32>} : memref<640xf32, #tpu.memory_space<vmem>>, vector<16xf32>,
      %mul3A_194 = arith.constant 16 : i32
      %mul3A_195 = arith.muli %scan3A_189, %mul3A_194 : i32
      %get3A_196 = arith.index_cast %mul3A_195 : i32 to index
      %get3A_197 = tpu.vector_load %arg16[%get3A_196] {strides = array<i32>} : memref<640xf32, #tpu.memory_space<vmem>>, vector<16xf32>,
      %add3A_198 = arith.addf %get3A_193, %get3A_197 : vector<16xf32>
      %mul3A_199 = arith.constant 16 : i32
      %mul3A_200 = arith.muli %scan3A_189, %mul3A_199 : i32
      %swap3A = arith.index_cast %mul3A_200 : i32 to index
      %swap3A_201 = tpu.vector_load %arg15[%swap3A] {strides = array<i32>} : memref<640xf32, #tpu.memory_space<vmem>>, vector<16xf32>,
      tpu.vector_store %arg15[%swap3A], %add3A_198 {strides = array<i32>} : memref<640xf32, #tpu.memory_space<vmem>>, vector<16xf32>,
      %scan3A_202 = arith.constant 0 : i32
      scf.yield %scan3A_202 : i32
    }
    %scan3A_101 = arith.constant 40 : i32
    %mul3A_102 = arith.constant 640 : i32
    %mul3A_103 = arith.muli %arg1, %mul3A_102 : i32
    %run_scoped3A_104 = arith.constant 8 : i32
    "tpu.region"() ({
      %run_scoped3A_189 = tpu.sem_alloc : memref<!tpu.dma_semaphore, #tpu.memory_space<semaphore_mem>>
      %dma_start3A = tpu.memref_slice %arg17[%run_scoped3A_104, %mul3A_103] : memref<16x10240xf32, #tpu.memory_space<vmem_shared>> -> memref<1x640xf32, #tpu.memory_space<vmem_shared>>
      %dma_start3A_190 = tpu.memref_squeeze %dma_start3A : memref<1x640xf32, #tpu.memory_space<vmem_shared>> -> memref<640xf32, #tpu.memory_space<vmem_shared>>
      %dma_start3A_191 = tpu.memref_slice %arg17[%run_scoped3A_104, %mul3A_103] : memref<16x10240xf32, #tpu.memory_space<vmem_shared>> -> memref<1x640xf32, #tpu.memory_space<vmem_shared>>
      %dma_start3A_192 = tpu.memref_squeeze %dma_start3A_191 : memref<1x640xf32, #tpu.memory_space<vmem_shared>> -> memref<640xf32, #tpu.memory_space<vmem_shared>>
      tpu.enqueue_dma source(%dma_start3A_192 : memref<640xf32, #tpu.memory_space<vmem_shared>>) target(%arg16 : memref<640xf32, #tpu.memory_space<vmem>>) target_semaphore(%run_scoped3A_189 : memref<!tpu.dma_semaphore, #tpu.memory_space<semaphore_mem>>)
      %dma_wait3A = tpu.memref_slice %arg17[%run_scoped3A_104, %mul3A_103] : memref<16x10240xf32, #tpu.memory_space<vmem_shared>> -> memref<1x640xf32, #tpu.memory_space<vmem_shared>>
      %dma_wait3A_193 = tpu.memref_squeeze %dma_wait3A : memref<1x640xf32, #tpu.memory_space<vmem_shared>> -> memref<640xf32, #tpu.memory_space<vmem_shared>>
      %dma_wait3A_194 = tpu.memref_slice %arg17[%run_scoped3A_104, %mul3A_103] : memref<16x10240xf32, #tpu.memory_space<vmem_shared>> -> memref<1x640xf32, #tpu.memory_space<vmem_shared>>
      %dma_wait3A_195 = tpu.memref_squeeze %dma_wait3A_194 : memref<1x640xf32, #tpu.memory_space<vmem_shared>> -> memref<640xf32, #tpu.memory_space<vmem_shared>>
      tpu.wait_dma2 semaphore(%run_scoped3A_189 : memref<!tpu.dma_semaphore, #tpu.memory_space<semaphore_mem>>) src(%dma_wait3A_195 : memref<640xf32, #tpu.memory_space<vmem_shared>>) dst(%arg16 : memref<640xf32, #tpu.memory_space<vmem>>)
      tpu.yield
    }) : () -> ()
    %scan3A_105 = arith.constant 0 : i32
    %scan3A_106 = arith.constant 0 : i32
    %scan3A_107 = arith.constant 40 : i32
    %scan3A_108 = arith.addi %scan3A_106, %scan3A_107 : i32
    %scan3A_109 = arith.constant 1 : i32
    %scan3A_110 = scf.for %scan3A_189 = %scan3A_106 to %scan3A_108 step %scan3A_109 iter_args(%scan3A_190 = %scan3A_105) -> (i32)  : i32 {
      %mul3A_191 = arith.constant 16 : i32
      %mul3A_192 = arith.muli %scan3A_189, %mul3A_191 : i32
      %get3A = arith.index_cast %mul3A_192 : i32 to index
      %get3A_193 = tpu.vector_load %arg15[%get3A] {strides = array<i32>} : memref<640xf32, #tpu.memory_space<vmem>>, vector<16xf32>,
      %mul3A_194 = arith.constant 16 : i32
      %mul3A_195 = arith.muli %scan3A_189, %mul3A_194 : i32
      %get3A_196 = arith.index_cast %mul3A_195 : i32 to index
      %get3A_197 = tpu.vector_load %arg16[%get3A_196] {strides = array<i32>} : memref<640xf32, #tpu.memory_space<vmem>>, vector<16xf32>,
      %add3A_198 = arith.addf %get3A_193, %get3A_197 : vector<16xf32>
      %mul3A_199 = arith.constant 16 : i32
      %mul3A_200 = arith.muli %scan3A_189, %mul3A_199 : i32
      %swap3A = arith.index_cast %mul3A_200 : i32 to index
      %swap3A_201 = tpu.vector_load %arg15[%swap3A] {strides = array<i32>} : memref<640xf32, #tpu.memory_space<vmem>>, vector<16xf32>,
      tpu.vector_store %arg15[%swap3A], %add3A_198 {strides = array<i32>} : memref<640xf32, #tpu.memory_space<vmem>>, vector<16xf32>,
      %scan3A_202 = arith.constant 0 : i32
      scf.yield %scan3A_202 : i32
    }
    %scan3A_111 = arith.constant 40 : i32
    %mul3A_112 = arith.constant 640 : i32
    %mul3A_113 = arith.muli %arg1, %mul3A_112 : i32
    %run_scoped3A_114 = arith.constant 9 : i32
    "tpu.region"() ({
      %run_scoped3A_189 = tpu.sem_alloc : memref<!tpu.dma_semaphore, #tpu.memory_space<semaphore_mem>>
      %dma_start3A = tpu.memref_slice %arg17[%run_scoped3A_114, %mul3A_113] : memref<16x10240xf32, #tpu.memory_space<vmem_shared>> -> memref<1x640xf32, #tpu.memory_space<vmem_shared>>
      %dma_start3A_190 = tpu.memref_squeeze %dma_start3A : memref<1x640xf32, #tpu.memory_space<vmem_shared>> -> memref<640xf32, #tpu.memory_space<vmem_shared>>
      %dma_start3A_191 = tpu.memref_slice %arg17[%run_scoped3A_114, %mul3A_113] : memref<16x10240xf32, #tpu.memory_space<vmem_shared>> -> memref<1x640xf32, #tpu.memory_space<vmem_shared>>
      %dma_start3A_192 = tpu.memref_squeeze %dma_start3A_191 : memref<1x640xf32, #tpu.memory_space<vmem_shared>> -> memref<640xf32, #tpu.memory_space<vmem_shared>>
      tpu.enqueue_dma source(%dma_start3A_192 : memref<640xf32, #tpu.memory_space<vmem_shared>>) target(%arg16 : memref<640xf32, #tpu.memory_space<vmem>>) target_semaphore(%run_scoped3A_189 : memref<!tpu.dma_semaphore, #tpu.memory_space<semaphore_mem>>)
      %dma_wait3A = tpu.memref_slice %arg17[%run_scoped3A_114, %mul3A_113] : memref<16x10240xf32, #tpu.memory_space<vmem_shared>> -> memref<1x640xf32, #tpu.memory_space<vmem_shared>>
      %dma_wait3A_193 = tpu.memref_squeeze %dma_wait3A : memref<1x640xf32, #tpu.memory_space<vmem_shared>> -> memref<640xf32, #tpu.memory_space<vmem_shared>>
      %dma_wait3A_194 = tpu.memref_slice %arg17[%run_scoped3A_114, %mul3A_113] : memref<16x10240xf32, #tpu.memory_space<vmem_shared>> -> memref<1x640xf32, #tpu.memory_space<vmem_shared>>
      %dma_wait3A_195 = tpu.memref_squeeze %dma_wait3A_194 : memref<1x640xf32, #tpu.memory_space<vmem_shared>> -> memref<640xf32, #tpu.memory_space<vmem_shared>>
      tpu.wait_dma2 semaphore(%run_scoped3A_189 : memref<!tpu.dma_semaphore, #tpu.memory_space<semaphore_mem>>) src(%dma_wait3A_195 : memref<640xf32, #tpu.memory_space<vmem_shared>>) dst(%arg16 : memref<640xf32, #tpu.memory_space<vmem>>)
      tpu.yield
    }) : () -> ()
    %scan3A_115 = arith.constant 0 : i32
    %scan3A_116 = arith.constant 0 : i32
    %scan3A_117 = arith.constant 40 : i32
    %scan3A_118 = arith.addi %scan3A_116, %scan3A_117 : i32
    %scan3A_119 = arith.constant 1 : i32
    %scan3A_120 = scf.for %scan3A_189 = %scan3A_116 to %scan3A_118 step %scan3A_119 iter_args(%scan3A_190 = %scan3A_115) -> (i32)  : i32 {
      %mul3A_191 = arith.constant 16 : i32
      %mul3A_192 = arith.muli %scan3A_189, %mul3A_191 : i32
      %get3A = arith.index_cast %mul3A_192 : i32 to index
      %get3A_193 = tpu.vector_load %arg15[%get3A] {strides = array<i32>} : memref<640xf32, #tpu.memory_space<vmem>>, vector<16xf32>,
      %mul3A_194 = arith.constant 16 : i32
      %mul3A_195 = arith.muli %scan3A_189, %mul3A_194 : i32
      %get3A_196 = arith.index_cast %mul3A_195 : i32 to index
      %get3A_197 = tpu.vector_load %arg16[%get3A_196] {strides = array<i32>} : memref<640xf32, #tpu.memory_space<vmem>>, vector<16xf32>,
      %add3A_198 = arith.addf %get3A_193, %get3A_197 : vector<16xf32>
      %mul3A_199 = arith.constant 16 : i32
      %mul3A_200 = arith.muli %scan3A_189, %mul3A_199 : i32
      %swap3A = arith.index_cast %mul3A_200 : i32 to index
      %swap3A_201 = tpu.vector_load %arg15[%swap3A] {strides = array<i32>} : memref<640xf32, #tpu.memory_space<vmem>>, vector<16xf32>,
      tpu.vector_store %arg15[%swap3A], %add3A_198 {strides = array<i32>} : memref<640xf32, #tpu.memory_space<vmem>>, vector<16xf32>,
      %scan3A_202 = arith.constant 0 : i32
      scf.yield %scan3A_202 : i32
    }
    %scan3A_121 = arith.constant 40 : i32
    %mul3A_122 = arith.constant 640 : i32
    %mul3A_123 = arith.muli %arg1, %mul3A_122 : i32
    %run_scoped3A_124 = arith.constant 10 : i32
    "tpu.region"() ({
      %run_scoped3A_189 = tpu.sem_alloc : memref<!tpu.dma_semaphore, #tpu.memory_space<semaphore_mem>>
      %dma_start3A = tpu.memref_slice %arg17[%run_scoped3A_124, %mul3A_123] : memref<16x10240xf32, #tpu.memory_space<vmem_shared>> -> memref<1x640xf32, #tpu.memory_space<vmem_shared>>
      %dma_start3A_190 = tpu.memref_squeeze %dma_start3A : memref<1x640xf32, #tpu.memory_space<vmem_shared>> -> memref<640xf32, #tpu.memory_space<vmem_shared>>
      %dma_start3A_191 = tpu.memref_slice %arg17[%run_scoped3A_124, %mul3A_123] : memref<16x10240xf32, #tpu.memory_space<vmem_shared>> -> memref<1x640xf32, #tpu.memory_space<vmem_shared>>
      %dma_start3A_192 = tpu.memref_squeeze %dma_start3A_191 : memref<1x640xf32, #tpu.memory_space<vmem_shared>> -> memref<640xf32, #tpu.memory_space<vmem_shared>>
      tpu.enqueue_dma source(%dma_start3A_192 : memref<640xf32, #tpu.memory_space<vmem_shared>>) target(%arg16 : memref<640xf32, #tpu.memory_space<vmem>>) target_semaphore(%run_scoped3A_189 : memref<!tpu.dma_semaphore, #tpu.memory_space<semaphore_mem>>)
      %dma_wait3A = tpu.memref_slice %arg17[%run_scoped3A_124, %mul3A_123] : memref<16x10240xf32, #tpu.memory_space<vmem_shared>> -> memref<1x640xf32, #tpu.memory_space<vmem_shared>>
      %dma_wait3A_193 = tpu.memref_squeeze %dma_wait3A : memref<1x640xf32, #tpu.memory_space<vmem_shared>> -> memref<640xf32, #tpu.memory_space<vmem_shared>>
      %dma_wait3A_194 = tpu.memref_slice %arg17[%run_scoped3A_124, %mul3A_123] : memref<16x10240xf32, #tpu.memory_space<vmem_shared>> -> memref<1x640xf32, #tpu.memory_space<vmem_shared>>
      %dma_wait3A_195 = tpu.memref_squeeze %dma_wait3A_194 : memref<1x640xf32, #tpu.memory_space<vmem_shared>> -> memref<640xf32, #tpu.memory_space<vmem_shared>>
      tpu.wait_dma2 semaphore(%run_scoped3A_189 : memref<!tpu.dma_semaphore, #tpu.memory_space<semaphore_mem>>) src(%dma_wait3A_195 : memref<640xf32, #tpu.memory_space<vmem_shared>>) dst(%arg16 : memref<640xf32, #tpu.memory_space<vmem>>)
      tpu.yield
    }) : () -> ()
    %scan3A_125 = arith.constant 0 : i32
    %scan3A_126 = arith.constant 0 : i32
    %scan3A_127 = arith.constant 40 : i32
    %scan3A_128 = arith.addi %scan3A_126, %scan3A_127 : i32
    %scan3A_129 = arith.constant 1 : i32
    %scan3A_130 = scf.for %scan3A_189 = %scan3A_126 to %scan3A_128 step %scan3A_129 iter_args(%scan3A_190 = %scan3A_125) -> (i32)  : i32 {
      %mul3A_191 = arith.constant 16 : i32
      %mul3A_192 = arith.muli %scan3A_189, %mul3A_191 : i32
      %get3A = arith.index_cast %mul3A_192 : i32 to index
      %get3A_193 = tpu.vector_load %arg15[%get3A] {strides = array<i32>} : memref<640xf32, #tpu.memory_space<vmem>>, vector<16xf32>,
      %mul3A_194 = arith.constant 16 : i32
      %mul3A_195 = arith.muli %scan3A_189, %mul3A_194 : i32
      %get3A_196 = arith.index_cast %mul3A_195 : i32 to index
      %get3A_197 = tpu.vector_load %arg16[%get3A_196] {strides = array<i32>} : memref<640xf32, #tpu.memory_space<vmem>>, vector<16xf32>,
      %add3A_198 = arith.addf %get3A_193, %get3A_197 : vector<16xf32>
      %mul3A_199 = arith.constant 16 : i32
      %mul3A_200 = arith.muli %scan3A_189, %mul3A_199 : i32
      %swap3A = arith.index_cast %mul3A_200 : i32 to index
      %swap3A_201 = tpu.vector_load %arg15[%swap3A] {strides = array<i32>} : memref<640xf32, #tpu.memory_space<vmem>>, vector<16xf32>,
      tpu.vector_store %arg15[%swap3A], %add3A_198 {strides = array<i32>} : memref<640xf32, #tpu.memory_space<vmem>>, vector<16xf32>,
      %scan3A_202 = arith.constant 0 : i32
      scf.yield %scan3A_202 : i32
    }
    %scan3A_131 = arith.constant 40 : i32
    %mul3A_132 = arith.constant 640 : i32
    %mul3A_133 = arith.muli %arg1, %mul3A_132 : i32
    %run_scoped3A_134 = arith.constant 11 : i32
    "tpu.region"() ({
      %run_scoped3A_189 = tpu.sem_alloc : memref<!tpu.dma_semaphore, #tpu.memory_space<semaphore_mem>>
      %dma_start3A = tpu.memref_slice %arg17[%run_scoped3A_134, %mul3A_133] : memref<16x10240xf32, #tpu.memory_space<vmem_shared>> -> memref<1x640xf32, #tpu.memory_space<vmem_shared>>
      %dma_start3A_190 = tpu.memref_squeeze %dma_start3A : memref<1x640xf32, #tpu.memory_space<vmem_shared>> -> memref<640xf32, #tpu.memory_space<vmem_shared>>
      %dma_start3A_191 = tpu.memref_slice %arg17[%run_scoped3A_134, %mul3A_133] : memref<16x10240xf32, #tpu.memory_space<vmem_shared>> -> memref<1x640xf32, #tpu.memory_space<vmem_shared>>
      %dma_start3A_192 = tpu.memref_squeeze %dma_start3A_191 : memref<1x640xf32, #tpu.memory_space<vmem_shared>> -> memref<640xf32, #tpu.memory_space<vmem_shared>>
      tpu.enqueue_dma source(%dma_start3A_192 : memref<640xf32, #tpu.memory_space<vmem_shared>>) target(%arg16 : memref<640xf32, #tpu.memory_space<vmem>>) target_semaphore(%run_scoped3A_189 : memref<!tpu.dma_semaphore, #tpu.memory_space<semaphore_mem>>)
      %dma_wait3A = tpu.memref_slice %arg17[%run_scoped3A_134, %mul3A_133] : memref<16x10240xf32, #tpu.memory_space<vmem_shared>> -> memref<1x640xf32, #tpu.memory_space<vmem_shared>>
      %dma_wait3A_193 = tpu.memref_squeeze %dma_wait3A : memref<1x640xf32, #tpu.memory_space<vmem_shared>> -> memref<640xf32, #tpu.memory_space<vmem_shared>>
      %dma_wait3A_194 = tpu.memref_slice %arg17[%run_scoped3A_134, %mul3A_133] : memref<16x10240xf32, #tpu.memory_space<vmem_shared>> -> memref<1x640xf32, #tpu.memory_space<vmem_shared>>
      %dma_wait3A_195 = tpu.memref_squeeze %dma_wait3A_194 : memref<1x640xf32, #tpu.memory_space<vmem_shared>> -> memref<640xf32, #tpu.memory_space<vmem_shared>>
      tpu.wait_dma2 semaphore(%run_scoped3A_189 : memref<!tpu.dma_semaphore, #tpu.memory_space<semaphore_mem>>) src(%dma_wait3A_195 : memref<640xf32, #tpu.memory_space<vmem_shared>>) dst(%arg16 : memref<640xf32, #tpu.memory_space<vmem>>)
      tpu.yield
    }) : () -> ()
    %scan3A_135 = arith.constant 0 : i32
    %scan3A_136 = arith.constant 0 : i32
    %scan3A_137 = arith.constant 40 : i32
    %scan3A_138 = arith.addi %scan3A_136, %scan3A_137 : i32
    %scan3A_139 = arith.constant 1 : i32
    %scan3A_140 = scf.for %scan3A_189 = %scan3A_136 to %scan3A_138 step %scan3A_139 iter_args(%scan3A_190 = %scan3A_135) -> (i32)  : i32 {
      %mul3A_191 = arith.constant 16 : i32
      %mul3A_192 = arith.muli %scan3A_189, %mul3A_191 : i32
      %get3A = arith.index_cast %mul3A_192 : i32 to index
      %get3A_193 = tpu.vector_load %arg15[%get3A] {strides = array<i32>} : memref<640xf32, #tpu.memory_space<vmem>>, vector<16xf32>,
      %mul3A_194 = arith.constant 16 : i32
      %mul3A_195 = arith.muli %scan3A_189, %mul3A_194 : i32
      %get3A_196 = arith.index_cast %mul3A_195 : i32 to index
      %get3A_197 = tpu.vector_load %arg16[%get3A_196] {strides = array<i32>} : memref<640xf32, #tpu.memory_space<vmem>>, vector<16xf32>,
      %add3A_198 = arith.addf %get3A_193, %get3A_197 : vector<16xf32>
      %mul3A_199 = arith.constant 16 : i32
      %mul3A_200 = arith.muli %scan3A_189, %mul3A_199 : i32
      %swap3A = arith.index_cast %mul3A_200 : i32 to index
      %swap3A_201 = tpu.vector_load %arg15[%swap3A] {strides = array<i32>} : memref<640xf32, #tpu.memory_space<vmem>>, vector<16xf32>,
      tpu.vector_store %arg15[%swap3A], %add3A_198 {strides = array<i32>} : memref<640xf32, #tpu.memory_space<vmem>>, vector<16xf32>,
      %scan3A_202 = arith.constant 0 : i32
      scf.yield %scan3A_202 : i32
    }
    %scan3A_141 = arith.constant 40 : i32
    %mul3A_142 = arith.constant 640 : i32
    %mul3A_143 = arith.muli %arg1, %mul3A_142 : i32
    %run_scoped3A_144 = arith.constant 12 : i32
    "tpu.region"() ({
      %run_scoped3A_189 = tpu.sem_alloc : memref<!tpu.dma_semaphore, #tpu.memory_space<semaphore_mem>>
      %dma_start3A = tpu.memref_slice %arg17[%run_scoped3A_144, %mul3A_143] : memref<16x10240xf32, #tpu.memory_space<vmem_shared>> -> memref<1x640xf32, #tpu.memory_space<vmem_shared>>
      %dma_start3A_190 = tpu.memref_squeeze %dma_start3A : memref<1x640xf32, #tpu.memory_space<vmem_shared>> -> memref<640xf32, #tpu.memory_space<vmem_shared>>
      %dma_start3A_191 = tpu.memref_slice %arg17[%run_scoped3A_144, %mul3A_143] : memref<16x10240xf32, #tpu.memory_space<vmem_shared>> -> memref<1x640xf32, #tpu.memory_space<vmem_shared>>
      %dma_start3A_192 = tpu.memref_squeeze %dma_start3A_191 : memref<1x640xf32, #tpu.memory_space<vmem_shared>> -> memref<640xf32, #tpu.memory_space<vmem_shared>>
      tpu.enqueue_dma source(%dma_start3A_192 : memref<640xf32, #tpu.memory_space<vmem_shared>>) target(%arg16 : memref<640xf32, #tpu.memory_space<vmem>>) target_semaphore(%run_scoped3A_189 : memref<!tpu.dma_semaphore, #tpu.memory_space<semaphore_mem>>)
      %dma_wait3A = tpu.memref_slice %arg17[%run_scoped3A_144, %mul3A_143] : memref<16x10240xf32, #tpu.memory_space<vmem_shared>> -> memref<1x640xf32, #tpu.memory_space<vmem_shared>>
      %dma_wait3A_193 = tpu.memref_squeeze %dma_wait3A : memref<1x640xf32, #tpu.memory_space<vmem_shared>> -> memref<640xf32, #tpu.memory_space<vmem_shared>>
      %dma_wait3A_194 = tpu.memref_slice %arg17[%run_scoped3A_144, %mul3A_143] : memref<16x10240xf32, #tpu.memory_space<vmem_shared>> -> memref<1x640xf32, #tpu.memory_space<vmem_shared>>
      %dma_wait3A_195 = tpu.memref_squeeze %dma_wait3A_194 : memref<1x640xf32, #tpu.memory_space<vmem_shared>> -> memref<640xf32, #tpu.memory_space<vmem_shared>>
      tpu.wait_dma2 semaphore(%run_scoped3A_189 : memref<!tpu.dma_semaphore, #tpu.memory_space<semaphore_mem>>) src(%dma_wait3A_195 : memref<640xf32, #tpu.memory_space<vmem_shared>>) dst(%arg16 : memref<640xf32, #tpu.memory_space<vmem>>)
      tpu.yield
    }) : () -> ()
    %scan3A_145 = arith.constant 0 : i32
    %scan3A_146 = arith.constant 0 : i32
    %scan3A_147 = arith.constant 40 : i32
    %scan3A_148 = arith.addi %scan3A_146, %scan3A_147 : i32
    %scan3A_149 = arith.constant 1 : i32
    %scan3A_150 = scf.for %scan3A_189 = %scan3A_146 to %scan3A_148 step %scan3A_149 iter_args(%scan3A_190 = %scan3A_145) -> (i32)  : i32 {
      %mul3A_191 = arith.constant 16 : i32
      %mul3A_192 = arith.muli %scan3A_189, %mul3A_191 : i32
      %get3A = arith.index_cast %mul3A_192 : i32 to index
      %get3A_193 = tpu.vector_load %arg15[%get3A] {strides = array<i32>} : memref<640xf32, #tpu.memory_space<vmem>>, vector<16xf32>,
      %mul3A_194 = arith.constant 16 : i32
      %mul3A_195 = arith.muli %scan3A_189, %mul3A_194 : i32
      %get3A_196 = arith.index_cast %mul3A_195 : i32 to index
      %get3A_197 = tpu.vector_load %arg16[%get3A_196] {strides = array<i32>} : memref<640xf32, #tpu.memory_space<vmem>>, vector<16xf32>,
      %add3A_198 = arith.addf %get3A_193, %get3A_197 : vector<16xf32>
      %mul3A_199 = arith.constant 16 : i32
      %mul3A_200 = arith.muli %scan3A_189, %mul3A_199 : i32
      %swap3A = arith.index_cast %mul3A_200 : i32 to index
      %swap3A_201 = tpu.vector_load %arg15[%swap3A] {strides = array<i32>} : memref<640xf32, #tpu.memory_space<vmem>>, vector<16xf32>,
      tpu.vector_store %arg15[%swap3A], %add3A_198 {strides = array<i32>} : memref<640xf32, #tpu.memory_space<vmem>>, vector<16xf32>,
      %scan3A_202 = arith.constant 0 : i32
      scf.yield %scan3A_202 : i32
    }
    %scan3A_151 = arith.constant 40 : i32
    %mul3A_152 = arith.constant 640 : i32
    %mul3A_153 = arith.muli %arg1, %mul3A_152 : i32
    %run_scoped3A_154 = arith.constant 13 : i32
    "tpu.region"() ({
      %run_scoped3A_189 = tpu.sem_alloc : memref<!tpu.dma_semaphore, #tpu.memory_space<semaphore_mem>>
      %dma_start3A = tpu.memref_slice %arg17[%run_scoped3A_154, %mul3A_153] : memref<16x10240xf32, #tpu.memory_space<vmem_shared>> -> memref<1x640xf32, #tpu.memory_space<vmem_shared>>
      %dma_start3A_190 = tpu.memref_squeeze %dma_start3A : memref<1x640xf32, #tpu.memory_space<vmem_shared>> -> memref<640xf32, #tpu.memory_space<vmem_shared>>
      %dma_start3A_191 = tpu.memref_slice %arg17[%run_scoped3A_154, %mul3A_153] : memref<16x10240xf32, #tpu.memory_space<vmem_shared>> -> memref<1x640xf32, #tpu.memory_space<vmem_shared>>
      %dma_start3A_192 = tpu.memref_squeeze %dma_start3A_191 : memref<1x640xf32, #tpu.memory_space<vmem_shared>> -> memref<640xf32, #tpu.memory_space<vmem_shared>>
      tpu.enqueue_dma source(%dma_start3A_192 : memref<640xf32, #tpu.memory_space<vmem_shared>>) target(%arg16 : memref<640xf32, #tpu.memory_space<vmem>>) target_semaphore(%run_scoped3A_189 : memref<!tpu.dma_semaphore, #tpu.memory_space<semaphore_mem>>)
      %dma_wait3A = tpu.memref_slice %arg17[%run_scoped3A_154, %mul3A_153] : memref<16x10240xf32, #tpu.memory_space<vmem_shared>> -> memref<1x640xf32, #tpu.memory_space<vmem_shared>>
      %dma_wait3A_193 = tpu.memref_squeeze %dma_wait3A : memref<1x640xf32, #tpu.memory_space<vmem_shared>> -> memref<640xf32, #tpu.memory_space<vmem_shared>>
      %dma_wait3A_194 = tpu.memref_slice %arg17[%run_scoped3A_154, %mul3A_153] : memref<16x10240xf32, #tpu.memory_space<vmem_shared>> -> memref<1x640xf32, #tpu.memory_space<vmem_shared>>
      %dma_wait3A_195 = tpu.memref_squeeze %dma_wait3A_194 : memref<1x640xf32, #tpu.memory_space<vmem_shared>> -> memref<640xf32, #tpu.memory_space<vmem_shared>>
      tpu.wait_dma2 semaphore(%run_scoped3A_189 : memref<!tpu.dma_semaphore, #tpu.memory_space<semaphore_mem>>) src(%dma_wait3A_195 : memref<640xf32, #tpu.memory_space<vmem_shared>>) dst(%arg16 : memref<640xf32, #tpu.memory_space<vmem>>)
      tpu.yield
    }) : () -> ()
    %scan3A_155 = arith.constant 0 : i32
    %scan3A_156 = arith.constant 0 : i32
    %scan3A_157 = arith.constant 40 : i32
    %scan3A_158 = arith.addi %scan3A_156, %scan3A_157 : i32
    %scan3A_159 = arith.constant 1 : i32
    %scan3A_160 = scf.for %scan3A_189 = %scan3A_156 to %scan3A_158 step %scan3A_159 iter_args(%scan3A_190 = %scan3A_155) -> (i32)  : i32 {
      %mul3A_191 = arith.constant 16 : i32
      %mul3A_192 = arith.muli %scan3A_189, %mul3A_191 : i32
      %get3A = arith.index_cast %mul3A_192 : i32 to index
      %get3A_193 = tpu.vector_load %arg15[%get3A] {strides = array<i32>} : memref<640xf32, #tpu.memory_space<vmem>>, vector<16xf32>,
      %mul3A_194 = arith.constant 16 : i32
      %mul3A_195 = arith.muli %scan3A_189, %mul3A_194 : i32
      %get3A_196 = arith.index_cast %mul3A_195 : i32 to index
      %get3A_197 = tpu.vector_load %arg16[%get3A_196] {strides = array<i32>} : memref<640xf32, #tpu.memory_space<vmem>>, vector<16xf32>,
      %add3A_198 = arith.addf %get3A_193, %get3A_197 : vector<16xf32>
      %mul3A_199 = arith.constant 16 : i32
      %mul3A_200 = arith.muli %scan3A_189, %mul3A_199 : i32
      %swap3A = arith.index_cast %mul3A_200 : i32 to index
      %swap3A_201 = tpu.vector_load %arg15[%swap3A] {strides = array<i32>} : memref<640xf32, #tpu.memory_space<vmem>>, vector<16xf32>,
      tpu.vector_store %arg15[%swap3A], %add3A_198 {strides = array<i32>} : memref<640xf32, #tpu.memory_space<vmem>>, vector<16xf32>,
      %scan3A_202 = arith.constant 0 : i32
      scf.yield %scan3A_202 : i32
    }
    %scan3A_161 = arith.constant 40 : i32
    %mul3A_162 = arith.constant 640 : i32
    %mul3A_163 = arith.muli %arg1, %mul3A_162 : i32
    %run_scoped3A_164 = arith.constant 14 : i32
    "tpu.region"() ({
      %run_scoped3A_189 = tpu.sem_alloc : memref<!tpu.dma_semaphore, #tpu.memory_space<semaphore_mem>>
      %dma_start3A = tpu.memref_slice %arg17[%run_scoped3A_164, %mul3A_163] : memref<16x10240xf32, #tpu.memory_space<vmem_shared>> -> memref<1x640xf32, #tpu.memory_space<vmem_shared>>
      %dma_start3A_190 = tpu.memref_squeeze %dma_start3A : memref<1x640xf32, #tpu.memory_space<vmem_shared>> -> memref<640xf32, #tpu.memory_space<vmem_shared>>
      %dma_start3A_191 = tpu.memref_slice %arg17[%run_scoped3A_164, %mul3A_163] : memref<16x10240xf32, #tpu.memory_space<vmem_shared>> -> memref<1x640xf32, #tpu.memory_space<vmem_shared>>
      %dma_start3A_192 = tpu.memref_squeeze %dma_start3A_191 : memref<1x640xf32, #tpu.memory_space<vmem_shared>> -> memref<640xf32, #tpu.memory_space<vmem_shared>>
      tpu.enqueue_dma source(%dma_start3A_192 : memref<640xf32, #tpu.memory_space<vmem_shared>>) target(%arg16 : memref<640xf32, #tpu.memory_space<vmem>>) target_semaphore(%run_scoped3A_189 : memref<!tpu.dma_semaphore, #tpu.memory_space<semaphore_mem>>)
      %dma_wait3A = tpu.memref_slice %arg17[%run_scoped3A_164, %mul3A_163] : memref<16x10240xf32, #tpu.memory_space<vmem_shared>> -> memref<1x640xf32, #tpu.memory_space<vmem_shared>>
      %dma_wait3A_193 = tpu.memref_squeeze %dma_wait3A : memref<1x640xf32, #tpu.memory_space<vmem_shared>> -> memref<640xf32, #tpu.memory_space<vmem_shared>>
      %dma_wait3A_194 = tpu.memref_slice %arg17[%run_scoped3A_164, %mul3A_163] : memref<16x10240xf32, #tpu.memory_space<vmem_shared>> -> memref<1x640xf32, #tpu.memory_space<vmem_shared>>
      %dma_wait3A_195 = tpu.memref_squeeze %dma_wait3A_194 : memref<1x640xf32, #tpu.memory_space<vmem_shared>> -> memref<640xf32, #tpu.memory_space<vmem_shared>>
      tpu.wait_dma2 semaphore(%run_scoped3A_189 : memref<!tpu.dma_semaphore, #tpu.memory_space<semaphore_mem>>) src(%dma_wait3A_195 : memref<640xf32, #tpu.memory_space<vmem_shared>>) dst(%arg16 : memref<640xf32, #tpu.memory_space<vmem>>)
      tpu.yield
    }) : () -> ()
    %scan3A_165 = arith.constant 0 : i32
    %scan3A_166 = arith.constant 0 : i32
    %scan3A_167 = arith.constant 40 : i32
    %scan3A_168 = arith.addi %scan3A_166, %scan3A_167 : i32
    %scan3A_169 = arith.constant 1 : i32
    %scan3A_170 = scf.for %scan3A_189 = %scan3A_166 to %scan3A_168 step %scan3A_169 iter_args(%scan3A_190 = %scan3A_165) -> (i32)  : i32 {
      %mul3A_191 = arith.constant 16 : i32
      %mul3A_192 = arith.muli %scan3A_189, %mul3A_191 : i32
      %get3A = arith.index_cast %mul3A_192 : i32 to index
      %get3A_193 = tpu.vector_load %arg15[%get3A] {strides = array<i32>} : memref<640xf32, #tpu.memory_space<vmem>>, vector<16xf32>,
      %mul3A_194 = arith.constant 16 : i32
      %mul3A_195 = arith.muli %scan3A_189, %mul3A_194 : i32
      %get3A_196 = arith.index_cast %mul3A_195 : i32 to index
      %get3A_197 = tpu.vector_load %arg16[%get3A_196] {strides = array<i32>} : memref<640xf32, #tpu.memory_space<vmem>>, vector<16xf32>,
      %add3A_198 = arith.addf %get3A_193, %get3A_197 : vector<16xf32>
      %mul3A_199 = arith.constant 16 : i32
      %mul3A_200 = arith.muli %scan3A_189, %mul3A_199 : i32
      %swap3A = arith.index_cast %mul3A_200 : i32 to index
      %swap3A_201 = tpu.vector_load %arg15[%swap3A] {strides = array<i32>} : memref<640xf32, #tpu.memory_space<vmem>>, vector<16xf32>,
      tpu.vector_store %arg15[%swap3A], %add3A_198 {strides = array<i32>} : memref<640xf32, #tpu.memory_space<vmem>>, vector<16xf32>,
      %scan3A_202 = arith.constant 0 : i32
      scf.yield %scan3A_202 : i32
    }
    %scan3A_171 = arith.constant 40 : i32
    %mul3A_172 = arith.constant 640 : i32
    %mul3A_173 = arith.muli %arg1, %mul3A_172 : i32
    %run_scoped3A_174 = arith.constant 15 : i32
    "tpu.region"() ({
      %run_scoped3A_189 = tpu.sem_alloc : memref<!tpu.dma_semaphore, #tpu.memory_space<semaphore_mem>>
      %dma_start3A = tpu.memref_slice %arg17[%run_scoped3A_174, %mul3A_173] : memref<16x10240xf32, #tpu.memory_space<vmem_shared>> -> memref<1x640xf32, #tpu.memory_space<vmem_shared>>
      %dma_start3A_190 = tpu.memref_squeeze %dma_start3A : memref<1x640xf32, #tpu.memory_space<vmem_shared>> -> memref<640xf32, #tpu.memory_space<vmem_shared>>
      %dma_start3A_191 = tpu.memref_slice %arg17[%run_scoped3A_174, %mul3A_173] : memref<16x10240xf32, #tpu.memory_space<vmem_shared>> -> memref<1x640xf32, #tpu.memory_space<vmem_shared>>
      %dma_start3A_192 = tpu.memref_squeeze %dma_start3A_191 : memref<1x640xf32, #tpu.memory_space<vmem_shared>> -> memref<640xf32, #tpu.memory_space<vmem_shared>>
      tpu.enqueue_dma source(%dma_start3A_192 : memref<640xf32, #tpu.memory_space<vmem_shared>>) target(%arg16 : memref<640xf32, #tpu.memory_space<vmem>>) target_semaphore(%run_scoped3A_189 : memref<!tpu.dma_semaphore, #tpu.memory_space<semaphore_mem>>)
      %dma_wait3A = tpu.memref_slice %arg17[%run_scoped3A_174, %mul3A_173] : memref<16x10240xf32, #tpu.memory_space<vmem_shared>> -> memref<1x640xf32, #tpu.memory_space<vmem_shared>>
      %dma_wait3A_193 = tpu.memref_squeeze %dma_wait3A : memref<1x640xf32, #tpu.memory_space<vmem_shared>> -> memref<640xf32, #tpu.memory_space<vmem_shared>>
      %dma_wait3A_194 = tpu.memref_slice %arg17[%run_scoped3A_174, %mul3A_173] : memref<16x10240xf32, #tpu.memory_space<vmem_shared>> -> memref<1x640xf32, #tpu.memory_space<vmem_shared>>
      %dma_wait3A_195 = tpu.memref_squeeze %dma_wait3A_194 : memref<1x640xf32, #tpu.memory_space<vmem_shared>> -> memref<640xf32, #tpu.memory_space<vmem_shared>>
      tpu.wait_dma2 semaphore(%run_scoped3A_189 : memref<!tpu.dma_semaphore, #tpu.memory_space<semaphore_mem>>) src(%dma_wait3A_195 : memref<640xf32, #tpu.memory_space<vmem_shared>>) dst(%arg16 : memref<640xf32, #tpu.memory_space<vmem>>)
      tpu.yield
    }) : () -> ()
    %scan3A_175 = arith.constant 0 : i32
    %scan3A_176 = arith.constant 0 : i32
    %scan3A_177 = arith.constant 40 : i32
    %scan3A_178 = arith.addi %scan3A_176, %scan3A_177 : i32
    %scan3A_179 = arith.constant 1 : i32
    %scan3A_180 = scf.for %scan3A_189 = %scan3A_176 to %scan3A_178 step %scan3A_179 iter_args(%scan3A_190 = %scan3A_175) -> (i32)  : i32 {
      %mul3A_191 = arith.constant 16 : i32
      %mul3A_192 = arith.muli %scan3A_189, %mul3A_191 : i32
      %get3A = arith.index_cast %mul3A_192 : i32 to index
      %get3A_193 = tpu.vector_load %arg15[%get3A] {strides = array<i32>} : memref<640xf32, #tpu.memory_space<vmem>>, vector<16xf32>,
      %mul3A_194 = arith.constant 16 : i32
      %mul3A_195 = arith.muli %scan3A_189, %mul3A_194 : i32
      %get3A_196 = arith.index_cast %mul3A_195 : i32 to index
      %get3A_197 = tpu.vector_load %arg16[%get3A_196] {strides = array<i32>} : memref<640xf32, #tpu.memory_space<vmem>>, vector<16xf32>,
      %add3A_198 = arith.addf %get3A_193, %get3A_197 : vector<16xf32>
      %mul3A_199 = arith.constant 16 : i32
      %mul3A_200 = arith.muli %scan3A_189, %mul3A_199 : i32
      %swap3A = arith.index_cast %mul3A_200 : i32 to index
      %swap3A_201 = tpu.vector_load %arg15[%swap3A] {strides = array<i32>} : memref<640xf32, #tpu.memory_space<vmem>>, vector<16xf32>,
      tpu.vector_store %arg15[%swap3A], %add3A_198 {strides = array<i32>} : memref<640xf32, #tpu.memory_space<vmem>>, vector<16xf32>,
      %scan3A_202 = arith.constant 0 : i32
      scf.yield %scan3A_202 : i32
    }
    %scan3A_181 = arith.constant 40 : i32
    %eq3A = arith.constant 0 : i32
    %eq3A_182 = arith.cmpi eq, %arg0, %eq3A : i32
    %convert_element_type3A = arith.extui %eq3A_182 : i1 to i32
    %cond3A = arith.constant 0 : i32
    %cond3A_183 = arith.cmpi ne, %convert_element_type3A, %cond3A : i32
    scf.if %cond3A_183 {
      %mul3A_189 = arith.constant 640 : i32
      %mul3A_190 = arith.muli %arg1, %mul3A_189 : i32
      "tpu.region"() ({
        %run_scoped3A_191 = tpu.sem_alloc : memref<!tpu.dma_semaphore, #tpu.memory_space<semaphore_mem>>
        %dma_start3A = tpu.memref_slice %arg7[%mul3A_190] : memref<10240xf32, #tpu.memory_space<hbm>> -> memref<640xf32, #tpu.memory_space<hbm>>
        %dma_start3A_192 = tpu.memref_slice %arg7[%mul3A_190] : memref<10240xf32, #tpu.memory_space<hbm>> -> memref<640xf32, #tpu.memory_space<hbm>>
        tpu.enqueue_dma source(%arg15 : memref<640xf32, #tpu.memory_space<vmem>>) target(%dma_start3A_192 : memref<640xf32, #tpu.memory_space<hbm>>) target_semaphore(%run_scoped3A_191 : memref<!tpu.dma_semaphore, #tpu.memory_space<semaphore_mem>>)
        %dma_wait3A = tpu.memref_slice %arg7[%mul3A_190] : memref<10240xf32, #tpu.memory_space<hbm>> -> memref<640xf32, #tpu.memory_space<hbm>>
        %dma_wait3A_193 = tpu.memref_slice %arg7[%mul3A_190] : memref<10240xf32, #tpu.memory_space<hbm>> -> memref<640xf32, #tpu.memory_space<hbm>>
        tpu.wait_dma2 semaphore(%run_scoped3A_191 : memref<!tpu.dma_semaphore, #tpu.memory_space<semaphore_mem>>) src(%arg15 : memref<640xf32, #tpu.memory_space<vmem>>) dst(%dma_wait3A_193 : memref<640xf32, #tpu.memory_space<hbm>>)
        tpu.yield
      }) : () -> ()
    } else {
    }
    %eq3A_184 = arith.constant 1 : i32
    %eq3A_185 = arith.cmpi eq, %arg0, %eq3A_184 : i32
    %convert_element_type3A_186 = arith.extui %eq3A_185 : i1 to i32
    %cond3A_187 = arith.constant 0 : i32
    %cond3A_188 = arith.cmpi ne, %convert_element_type3A_186, %cond3A_187 : i32
    scf.if %cond3A_188 {
      %mul3A_189 = arith.constant 640 : i32
      %mul3A_190 = arith.muli %arg1, %mul3A_189 : i32
      "tpu.region"() ({
        %run_scoped3A_191 = tpu.sem_alloc : memref<!tpu.dma_semaphore, #tpu.memory_space<semaphore_mem>>
        %dma_start3A = tpu.memref_slice %arg8[%mul3A_190] : memref<10240xf32, #tpu.memory_space<hbm>> -> memref<640xf32, #tpu.memory_space<hbm>>
        %dma_start3A_192 = tpu.memref_slice %arg8[%mul3A_190] : memref<10240xf32, #tpu.memory_space<hbm>> -> memref<640xf32, #tpu.memory_space<hbm>>
        tpu.enqueue_dma source(%arg15 : memref<640xf32, #tpu.memory_space<vmem>>) target(%dma_start3A_192 : memref<640xf32, #tpu.memory_space<hbm>>) target_semaphore(%run_scoped3A_191 : memref<!tpu.dma_semaphore, #tpu.memory_space<semaphore_mem>>)
        %dma_wait3A = tpu.memref_slice %arg8[%mul3A_190] : memref<10240xf32, #tpu.memory_space<hbm>> -> memref<640xf32, #tpu.memory_space<hbm>>
        %dma_wait3A_193 = tpu.memref_slice %arg8[%mul3A_190] : memref<10240xf32, #tpu.memory_space<hbm>> -> memref<640xf32, #tpu.memory_space<hbm>>
        tpu.wait_dma2 semaphore(%run_scoped3A_191 : memref<!tpu.dma_semaphore, #tpu.memory_space<semaphore_mem>>) src(%arg15 : memref<640xf32, #tpu.memory_space<vmem>>) dst(%dma_wait3A_193 : memref<640xf32, #tpu.memory_space<hbm>>)
        tpu.yield
      }) : () -> ()
    } else {
    }
    return
  }
}

module attributes {stable_mosaic.version = 14 : i64} {
  func.func @_tc1_body(%arg0: i32, %arg1: memref<512x128xf32, #tpu.memory_space<vmem>>, %arg2: memref<128x128xf32, #tpu.memory_space<vmem>>, %arg3: memref<8x128xf32, #tpu.memory_space<vmem>>, %arg4: memref<512x128xf32, #tpu.memory_space<vmem>>, %arg5: memref<8x512xf32, #tpu.memory_space<vmem>>) attributes {dimension_semantics = [#tpu.dimension_semantics<arbitrary>], iteration_bounds = array<i64: 20>, scalar_prefetch = 0 : i64, scratch_operands = 0 : i64, tpu.core_type = #tpu.core_type<tc>, window_params = [{transform_indices = @transform_0, window_bounds = array<i64: 512, 128>}, {pipeline_mode = #tpu.pipeline_mode<synchronous>, transform_indices = @transform_1, window_bounds = array<i64: 128, 128>}, {pipeline_mode = #tpu.pipeline_mode<synchronous>, transform_indices = @transform_2, window_bounds = array<i64: 8, 128>}, {transform_indices = @transform_3, window_bounds = array<i64: 512, 128>}, {transform_indices = @transform_4, window_bounds = array<i64: 8, 512>}]} {
    %get3A = arith.constant 0 : index
    %get3A_0 = arith.constant 0 : index
    %get3A_1 = vector.load %arg1[%get3A, %get3A_0] : memref<512x128xf32, #tpu.memory_space<vmem>>, vector<512x128xf32>
    %get3A_2 = arith.constant 0 : index
    %get3A_3 = arith.constant 0 : index
    %get3A_4 = vector.load %arg2[%get3A_2, %get3A_3] : memref<128x128xf32, #tpu.memory_space<vmem>>, vector<128x128xf32>
    %dot_general3A = arith.constant dense<0.000000e+00> : vector<512x128xf32>
    %dot_general3A_5 = tpu.matmul %get3A_1, %get3A_4, %dot_general3A {dimension_numbers = #tpu.dot_dimension_numbers<[1], [1], [0], [0], [0, 0, 1, 0], [], []>, transpose_lhs_hint = false} : vector<512x128xf32>, vector<128x128xf32>, vector<512x128xf32> -> vector<512x128xf32>
    %swap3A = arith.constant 0 : index
    %swap3A_6 = arith.constant 0 : index
    %swap3A_7 = vector.load %arg4[%swap3A, %swap3A_6] : memref<512x128xf32, #tpu.memory_space<vmem>>, vector<512x128xf32>
    tpu.vector_store %arg4[%swap3A, %swap3A_6], %dot_general3A_5 {strides = array<i32>} : memref<512x128xf32, #tpu.memory_space<vmem>>, vector<512x128xf32>,
    %get3A_8 = arith.constant 0 : index
    %get3A_9 = arith.constant 0 : index
    %get3A_10 = vector.load %arg3[%get3A_8, %get3A_9] : memref<8x128xf32, #tpu.memory_space<vmem>>, vector<8x128xf32>
    %dot_general3A_11 = arith.constant dense<0.000000e+00> : vector<8x512xf32>
    %dot_general3A_12 = tpu.matmul %get3A_10, %dot_general3A_5, %dot_general3A_11 {dimension_numbers = #tpu.dot_dimension_numbers<[1], [1], [0], [0], [0, 0, 1, 0], [], []>, transpose_lhs_hint = false} : vector<8x128xf32>, vector<512x128xf32>, vector<8x512xf32> -> vector<8x512xf32>
    %swap3A_13 = arith.constant 0 : index
    %swap3A_14 = arith.constant 0 : index
    %swap3A_15 = vector.load %arg5[%swap3A_13, %swap3A_14] : memref<8x512xf32, #tpu.memory_space<vmem>>, vector<8x512xf32>
    tpu.vector_store %arg5[%swap3A_13, %swap3A_14], %dot_general3A_12 {strides = array<i32>} : memref<8x512xf32, #tpu.memory_space<vmem>>, vector<8x512xf32>,
    return
  }
  func.func @transform_0(%arg0: i32) -> (i32, i32) {
    %c0_i32 = arith.constant 0 : i32
    %c0_i32_0 = arith.constant 0 : i32
    return %arg0, %c0_i32 : i32, i32
  }
  func.func @transform_1(%arg0: i32) -> (i32, i32) {
    %c0_i32 = arith.constant 0 : i32
    %c0_i32_0 = arith.constant 0 : i32
    %c0_i32_1 = arith.constant 0 : i32
    return %c0_i32, %c0_i32_0 : i32, i32
  }
  func.func @transform_2(%arg0: i32) -> (i32, i32) {
    %c0_i32 = arith.constant 0 : i32
    %c0_i32_0 = arith.constant 0 : i32
    %c0_i32_1 = arith.constant 0 : i32
    return %c0_i32, %c0_i32_0 : i32, i32
  }
  func.func @transform_3(%arg0: i32) -> (i32, i32) {
    %c0_i32 = arith.constant 0 : i32
    %c0_i32_0 = arith.constant 0 : i32
    return %arg0, %c0_i32 : i32, i32
  }
  func.func @transform_4(%arg0: i32) -> (i32, i32) {
    %c0_i32 = arith.constant 0 : i32
    %c0_i32_0 = arith.constant 0 : i32
    return %c0_i32, %arg0 : i32, i32
  }
}

module attributes {stable_mosaic.version = 14 : i64} {
  func.func @_tc2_body(%arg0: i32, %arg1: memref<512x64xf32, #tpu.memory_space<vmem>>, %arg2: memref<512x64xf32, #tpu.memory_space<vmem>>, %arg3: memref<512x64xf32, #tpu.memory_space<vmem>>, %arg4: memref<512x64xf32, #tpu.memory_space<vmem>>, %arg5: memref<512x1xf32, #tpu.memory_space<vmem>>, %arg6: memref<512x128xf32, #tpu.memory_space<vmem>>, %arg7: memref<512x128xf32, #tpu.memory_space<vmem>>) attributes {dimension_semantics = [#tpu.dimension_semantics<arbitrary>], iteration_bounds = array<i64: 20>, scalar_prefetch = 0 : i64, scratch_operands = 0 : i64, tpu.core_type = #tpu.core_type<tc>, window_params = [{transform_indices = @transform_0, window_bounds = array<i64: 512, 64>}, {transform_indices = @transform_1, window_bounds = array<i64: 512, 64>}, {transform_indices = @transform_2, window_bounds = array<i64: 512, 64>}, {transform_indices = @transform_3, window_bounds = array<i64: 512, 64>}, {transform_indices = @transform_4, window_bounds = array<i64: 512, 1>}, {transform_indices = @transform_5, window_bounds = array<i64: 512, 128>}, {transform_indices = @transform_6, window_bounds = array<i64: 512, 128>}]} {
    %get3A = arith.constant 0 : index
    %get3A_0 = arith.constant 0 : index
    %get3A_1 = vector.load %arg1[%get3A, %get3A_0] : memref<512x64xf32, #tpu.memory_space<vmem>>, vector<512x64xf32>
    %get3A_2 = arith.constant 0 : index
    %get3A_3 = arith.constant 0 : index
    %get3A_4 = vector.load %arg3[%get3A_2, %get3A_3] : memref<512x64xf32, #tpu.memory_space<vmem>>, vector<512x64xf32>
    %add3A = arith.addf %get3A_1, %get3A_4 : vector<512x64xf32>
    %get3A_5 = arith.constant 0 : index
    %get3A_6 = arith.constant 0 : index
    %get3A_7 = vector.load %arg2[%get3A_5, %get3A_6] : memref<512x64xf32, #tpu.memory_space<vmem>>, vector<512x64xf32>
    %get3A_8 = arith.constant 0 : index
    %get3A_9 = arith.constant 0 : index
    %get3A_10 = vector.load %arg4[%get3A_8, %get3A_9] : memref<512x64xf32, #tpu.memory_space<vmem>>, vector<512x64xf32>
    %add3A_11 = arith.addf %get3A_7, %get3A_10 : vector<512x64xf32>
    %concatenate3A = tpu.concatenate %add3A, %add3A_11 in 1 : vector<512x64xf32>, vector<512x64xf32> -> vector<512x128xf32>
    %get3A_12 = arith.constant 0 : index
    %get3A_13 = arith.constant 0 : index
    %get3A_14 = vector.load %arg5[%get3A_12, %get3A_13] : memref<512x1xf32, #tpu.memory_space<vmem>>, vector<512x1xf32>
    %gt3A = arith.constant 0.000000e+00 : f32
    %gt3A_15 = vector.broadcast %gt3A : f32 to vector<512x1xf32>
    %gt3A_16 = arith.cmpf ogt, %get3A_14, %gt3A_15 : vector<512x1xf32>
    %get3A_17 = arith.constant 0 : index
    %get3A_18 = arith.constant 0 : index
    %get3A_19 = vector.load %arg6[%get3A_17, %get3A_18] : memref<512x128xf32, #tpu.memory_space<vmem>>, vector<512x128xf32>
    %broadcast_in_dim3A = vector.shape_cast %gt3A_16 : vector<512x1xi1> to vector<512x1xi1>
    %broadcast_in_dim3A_20 = vector.broadcast %broadcast_in_dim3A : vector<512x1xi1> to vector<512x128xi1>
    %select_n3A = arith.select %broadcast_in_dim3A_20, %concatenate3A, %get3A_19 : vector<512x128xi1>, vector<512x128xf32>
    %swap3A = arith.constant 0 : index
    %swap3A_21 = arith.constant 0 : index
    %swap3A_22 = vector.load %arg7[%swap3A, %swap3A_21] : memref<512x128xf32, #tpu.memory_space<vmem>>, vector<512x128xf32>
    tpu.vector_store %arg7[%swap3A, %swap3A_21], %select_n3A {strides = array<i32>} : memref<512x128xf32, #tpu.memory_space<vmem>>, vector<512x128xf32>,
    return
  }
  func.func @transform_0(%arg0: i32) -> (i32, i32) {
    %c0_i32 = arith.constant 0 : i32
    %c0_i32_0 = arith.constant 0 : i32
    return %arg0, %c0_i32 : i32, i32
  }
  func.func @transform_1(%arg0: i32) -> (i32, i32) {
    %c0_i32 = arith.constant 0 : i32
    %c0_i32_0 = arith.constant 0 : i32
    return %arg0, %c0_i32 : i32, i32
  }
  func.func @transform_2(%arg0: i32) -> (i32, i32) {
    %c0_i32 = arith.constant 0 : i32
    %c0_i32_0 = arith.constant 0 : i32
    return %arg0, %c0_i32 : i32, i32
  }
  func.func @transform_3(%arg0: i32) -> (i32, i32) {
    %c0_i32 = arith.constant 0 : i32
    %c0_i32_0 = arith.constant 0 : i32
    return %arg0, %c0_i32 : i32, i32
  }
  func.func @transform_4(%arg0: i32) -> (i32, i32) {
    %c0_i32 = arith.constant 0 : i32
    %c0_i32_0 = arith.constant 0 : i32
    return %arg0, %c0_i32 : i32, i32
  }
  func.func @transform_5(%arg0: i32) -> (i32, i32) {
    %c0_i32 = arith.constant 0 : i32
    %c0_i32_0 = arith.constant 0 : i32
    return %arg0, %c0_i32 : i32, i32
  }
  func.func @transform_6(%arg0: i32) -> (i32, i32) {
    %c0_i32 = arith.constant 0 : i32
    %c0_i32_0 = arith.constant 0 : i32
    return %arg0, %c0_i32 : i32, i32
  }
}

</mosaic_0001>

<sc_bundles>
// kernel: kernel.10.cloned.1.call-start
scs
__scs_entry_jumppad:
0x0: {  	(pc) =	sbr.rel $0x88, $3  }
0x1: {  	(tag) =	ssettag $0x0;
	lr =	simm.s32 $0x1  }
0x2: {  	[smem:$0x3F9C] =	sst lr;
	_ =	strace $0xD0000000  }
0x3: {  	_ = 	snop  }
0x4: {  	_ = 	snop  }
0x5: {  	_ = 	snop  }
0x6: {  	_ = 	snop  }
0x7: {  	_ = 	snop  }
__scs_overlays_trampoline_lowered:
0x8: {  	[smem:$0x3FAB] =	sst s0  }
0x9: {  	[smem:$0x3FAC] =	sst s1  }
0xa: {  	[smem:$0x3FAD] =	sst s2  }
0xb: {  	[smem:$0x3FAE] =	sst s3  }
0xc: {  	[smem:$0x3FAF] =	sst s4  }
0xd: {  	[smem:$0x3FB0] =	sst s5  }
0xe: {  	[smem:$0x3FB1] =	sst s6  }
0xf: {  	[smem:$0x3FB2] =	sst s7  }
0x10: {  	[smem:$0x3FB3] =	sst s8  }
0x11: {  	[smem:$0x3FB4] =	sst s9;
	s0 =	simm.s32 @!p0 $0x0  }
0x12: {  	s1 =	sld [smem:$0x3F9A];
	s0 =	simm.s32 @p0 $0x1  }
0x13: {  	[smem:$0x3FB5] =	sst s0;
	s0 =	simm.s32 @!p1 $0x0  }
0x14: {  	s2 =	sld [smem:$0x3F99];
	s0 =	simm.s32 @p1 $0x1  }
0x15: {  	[smem:$0x3FB6] =	sst s0;
	s0 =	simm.s32 @!p2 $0x0  }
0x16: {  	s3 =	sld [smem:$0x3FDB];
	s0 =	simm.s32 @p2 $0x1  }
0x17: {  	s4 =	simm.s32 $0x1BF5;
	[smem:$0x3FB8] =	sst s0  }
0x18: {  	s0 =	sld [smem:$0x3F9B];
	_ =	swait.ge [sflag:s4], $0x0  }
0x19: {  	s7 =	sld [smem:$0x3F9C]  }
0x1a: {  	s8 =	sadd.s32 $0xFFFFE003, lr  }
0x1b: {  	s9 =	sadd.s32 $0xFFFFFEF7, lr;
	s5 =	simm.s32 $0xFFFFFFFF;
	p2 =	slt.u32 s8, $0xFFFFF086  }
0x1c: {  	p1 =	slt.u32 s9, $0xF7A;
	s5 =	simm.s32 @!p2 $0x0  }
0x1d: {  	s5 =	simm.s32 @p1 $0x1;
	p0 =	seq.s32 s7, s2  }
0x1e: {  	s7 =	smul.u32 @!p0 $0xF7A, s2;
	p2 =	seq.s32 @!p0 s5, $0x0  }
0x1f: {  	s9 =	smul.u32 $0xF7A, s1;
	s8 =	simm.s32 @!p0 $0x1BF5;
	p2 =	por !p2, p0  }
0x20: {  	[sflag:s8] =	ssyncset.s32 @!p0 $0xFFFFF086;
	s6 =	sadd.s32 @!p0 s3, s7;
	s7 =	simm.s32 @!p0 $0x108  }
0x21: {  	s3 =	sadd.s32 s3, s9;
	s6 =	sadd.s32 @!p0 $0x88, s6;
	s7 =	simm.s32 @p2 $0x1082  }
0x22: {  	[simem:s7], [sflag:s8] =	dma.local @!p0 [hbm:s6], $0xF7A  }
0x23: {  	s9 =	sor.u32 $0xD0000000, s2;
	s6 =	simm.s32 $0x108;
	_ =	swait.ge @!p0 [sflag:s8], $0x0  }
0x24: {  	s3 =	sadd.s32 $0x88, s3;
	s6 =	simm.s32 @!p1 $0x1082;
	[sflag:s4] =	ssyncset.s32 $0xFFFFF086  }
0x25: {  	[simem:s6], [sflag:s4] =	dma.local [hbm:s3], $0xF7A  }
0x26: {  	[smem:$0x3F9C] =	sst s1;
	(tag) =	ssettag s2;
	_ =	strace s9  }
0x27: {  	s1 =	sld [smem:$0x3FAC]  }
0x28: {  	s2 =	sld [smem:$0x3FAD]  }
0x29: {  	s4 =	sld [smem:$0x3FAF]  }
0x2a: {  	p0 =	seq.s32 s5, $0x0;
	s5 =	sld [smem:$0x3FB0]  }
0x2b: {  	s6 =	sld [smem:$0x3FB1]  }
0x2c: {  	s7 =	sld [smem:$0x3FB2]  }
0x2d: {  	s3 =	simm.s32 $0x108;
	s8 =	sld [smem:$0x3FB3]  }
0x2e: {  	s3 =	simm.s32 @!p0 $0x1082;
	s9 =	sld [smem:$0x3FB4]  }
0x2f: {  	lr =	sadd.s32 s0, s3;
	s0 =	sld [smem:$0x3FAB]  }
0x30: {  	s3 =	sld [smem:$0x3FAE]  }
0x31: {  	[smem:$0x3FB7] =	sst s10  }
0x32: {  	s10 =	sld [smem:$0x3FB5];
	_ =	sdelay $0x3  }
0x33: {  	p0 =	seq.s32 s10, $0x1;
	s10 =	sld [smem:$0x3FB7];
	_ =	sdelay $0x3  }
0x34: {  	[smem:$0x3FB7] =	sst s10  }
0x35: {  	s10 =	sld [smem:$0x3FB6];
	_ =	sdelay $0x3  }
0x36: {  	p1 =	seq.s32 s10, $0x1;
	s10 =	sld [smem:$0x3FB7];
	_ =	sdelay $0x3  }
0x37: {  	[smem:$0x3FB7] =	sst s10  }
0x38: {  	s10 =	sld [smem:$0x3FB8]  }
0x39: {  	_ = 	snop;
	(pc) =	sbr.ind lr, $3  }
0x3a: {  	_ = 	snop  }
0x3b: {  	_ = 	snop  }
0x3c: {  	p2 =	seq.s32 s10, $0x1;
	s10 =	sld [smem:$0x3FB7]  }
0x3d: {  	_ =	shalt  }
0x3e: {  	_ =	shalt  }
0x3f: {  	_ =	shalt  }
0x40: {  	_ =	shalt  }
0x41: {  	_ =	shalt  }
0x42: {  	_ =	shalt  }
0x43: {  	_ =	shalt  }
0x44: {  	_ =	shalt  }
0x45: {  	_ =	shalt  }
0x46: {  	_ =	shalt  }
0x47: {  	_ =	shalt  }
0x48: {  	_ =	shalt  }
0x49: {  	_ =	shalt  }
0x4a: {  	_ =	shalt  }
0x4b: {  	_ =	shalt  }
0x4c: {  	_ =	shalt  }
0x4d: {  	_ =	shalt  }
0x4e: {  	_ =	shalt  }
0x4f: {  	_ =	shalt  }
0x50: {  	_ =	shalt  }
0x51: {  	_ =	shalt  }
0x52: {  	_ =	shalt  }
0x53: {  	_ =	shalt  }
0x54: {  	_ =	shalt  }
0x55: {  	_ =	shalt  }
0x56: {  	_ =	shalt  }
0x57: {  	_ =	shalt  }
0x58: {  	_ =	shalt  }
0x59: {  	_ =	shalt  }
0x5a: {  	_ =	shalt  }
0x5b: {  	_ =	shalt  }
0x5c: {  	_ =	shalt  }
0x5d: {  	_ =	shalt  }
0x5e: {  	_ =	shalt  }
0x5f: {  	_ =	shalt  }
0x60: {  	_ =	shalt  }
0x61: {  	_ =	shalt  }
0x62: {  	_ =	shalt  }
0x63: {  	_ =	shalt  }
0x64: {  	_ =	shalt  }
0x65: {  	_ =	shalt  }
0x66: {  	_ =	shalt  }
0x67: {  	_ =	shalt  }
0x68: {  	_ =	shalt  }
0x69: {  	_ =	shalt  }
0x6a: {  	_ =	shalt  }
0x6b: {  	_ =	shalt  }
0x6c: {  	_ =	shalt  }
0x6d: {  	_ =	shalt  }
0x6e: {  	_ =	shalt  }
0x6f: {  	_ =	shalt  }
0x70: {  	_ =	shalt  }
0x71: {  	_ =	shalt  }
0x72: {  	_ =	shalt  }
0x73: {  	_ =	shalt  }
0x74: {  	_ =	shalt  }
0x75: {  	_ =	shalt  }
0x76: {  	_ =	shalt  }
0x77: {  	_ =	shalt  }
0x78: {  	_ =	shalt  }
0x79: {  	_ =	shalt  }
0x7a: {  	_ =	shalt  }
0x7b: {  	_ =	shalt  }
0x7c: {  	_ =	shalt  }
0x7d: {  	_ =	shalt  }
0x7e: {  	_ =	shalt  }
0x7f: {  	_ =	shalt  }
0x80: {  	_ =	shalt  }
0x81: {  	_ =	shalt  }
0x82: {  	_ =	shalt  }
0x83: {  	_ =	shalt  }
0x84: {  	_ =	shalt  }
0x85: {  	_ =	shalt  }
0x86: {  	_ =	shalt  }
0x87: {  	_ =	shalt  }
.Lfunc_end0:
.L_simem_size_0:
called_computation.1_lowered:
.L_overlay_start_0:
0x88: {  	s2 =	sld [smem:$0x3FD9]  }
0x89: {  	s3 =	sld [smem:$0x3FFE];
	_ =	sdelay $0x1  }
0x8a: {  	s1 =	srdreg.scid  }
0x8b: {  	s0 =	sand.u32 $0x1, s1  }
0x8c: {  	s14 =	sshll.u32 s0, $0xA;
	s2 =	sadd.s32 s3, s2  }
0x8d: {  	s2 =	sadd.s32 s2, s14  }
0x8e: {  	[smem:$0x3FC3] =	sst s2  }
0x8f: {  	_ = 	snop  }
0x90: {  	s2 =	sld [smem:$0x3FD0];
	_ =	sdelay $0x2  }
0x91: {  	s15 =	simm.s32 $0xA;
	s4 =	simm.s32 $0x10  }
0x92: {  	[smem:s4], [sflag:s15] =	dma.local [hbm:s2], $0x1  }
0x93: {  	_ =	swait.eq [sflag:s15], $0x1  }
0x94: {  	[sflag:s15] =	ssyncset.done $0x0  }
0x95: {  	[sflag:s15] =	ssyncadd.s32 $0xFFFFFFFF  }
0x96: {  	s16 =	sld [smem:$0x11];
	(tm) =	ssettm $0x1  }
0x97: {  	s17 =	sld [smem:$0x3FFB];
	_ =	sdelay $0x3  }
0x98: {  	_ =	strace s17  }
0x99: {  	s3 =	sld [smem:$0x3FFC];
	_ =	sdelay $0x3  }
0x9a: {  	_ =	strace s3  }
0x9b: {  	s3 =	sld [smem:$0x3FFD];
	_ =	sdelay $0x3  }
0x9c: {  	_ =	strace s3  }
0x9d: {  	_ =	strace $0x8FFFFFFF  }
0x9e: {  	s18 =	sld [smem:$0x3FDB];
	_ =	sdelay $0x1  }
0x9f: {  	s19 =	simm.s32 $_scs_section_size  }
0xa0: {  	s5 =	simm.s32 $_size__tile_overlayer_lowered;
	s6 =	simm.s32 $_tile_overlayer_lowered  }
0xa1: {  	s22 =	simm.s32 $0x1BFF;
	s21 =	sshll.u32 s6, $0x1;
	s3 =	sadd.s32 s19, s18  }
0xa2: {  	s7 =	simm.s32 $0x0;
	s20 =	sshll.u32 s5, $0x1;
	s5 =	sadd.s32 s21, s3  }
0xa3: {  	[timem:s7], [sflag:s22] =	dma.local [hbm:s5], s20  }
0xa4: {  	_ =	swait.ge [sflag:s22], s20  }
0xa5: {  	s4 =	ssub.s32 $0x0, s20;
	[sflag:s22] =	ssyncset.done $0x0  }
0xa6: {  	[sflag:s22] =	ssyncadd.s32 s4;
	_ =	sdelay $0x1  }
0xa7: {  	s23 =	simm.s32 $0x1B8B  }
0xa8: {  	_ =	swait.ge [sflag:s23], $0x1  }
0xa9: {  	[sflag:s23] =	ssyncset.done $0x0  }
0xaa: {  	s25 =	simm.s32 $0x1B8E;
	s24 =	sld [smem:$0x3FFE];
	[sflag:s23] =	ssyncadd.s32 $0xFFFFFFFF  }
0xab: {  	s26 =	simm.s32 $execute0_lowered;
	[smem:$0x3FD2] =	sst s25  }
0xac: {  	s5 =	sshll.u32 s26, $0x1;
	_ =	strace $0x80000049;
	[dreg:$0x1] =	wrdreg $0xFFFFFFFF  }
0xad: {  	s28 =	simm.s32 $_size_execute0_lowered;
	s3 =	sadd.s32 s3, s5;
	[dreg:$0x0] =	wrdreg $0x0  }
0xae: {  	s5 =	sshll.u32 s28, $0x1;
	[dreg:$0x2] =	wrdreg s3  }
0xaf: {  	[dreg:$0x3] =	wrdreg s5  }
0xb0: {  	[dreg:$0x4] =	wrdreg $0xC0  }
0xb1: {  	_ =	task [dreg:s7], $0x5FFFF  }
0xb2: {  	[dreg:$0x1] =	wrdreg $0xFFFFFFFF  }
0xb3: {  	[dreg:$0x0] =	wrdreg $0x60  }
0xb4: {  	[dreg:$0x2] =	wrdreg s24  }
0xb5: {  	[dreg:$0x3] =	wrdreg s16  }
0xb6: {  	[dreg:$0x4] =	wrdreg $0x9  }
0xb7: {  	_ =	task.clear_ibuf [dreg:s7], $0x5FFFF;
	_ =	strace $0x90000049  }
0xb8: {  	s29 =	simm.s32 $0x9;
	_ =	strace $0x8000004B  }
0xb9: {  	_ =	swait.ge [sflag:s29], $0x1  }
0xba: {  	[sflag:s29] =	ssyncadd.s32 $0xFFFFFFFF  }
0xbb: {  	_ =	strace $0x9000004B  }
0xbc: {  	_ =	sfence  }
0xbd: {  	s30 =	sld [smem:$0x0];
	_ =	sdelay $0x2  }
0xbe: {  	s31 =	sshll.u32 s1, $0xD;
	s1 =	sshrl.u32 s1, $0x2  }
0xbf: {  	s3 =	sand.u32 $0x4000, s31;
	s1 =	sadd.s32 s1, s30  }
0xc0: {  	s0 =	sor.u32 s3, s0;
	s1 =	sshll.u32 s1, $0x11  }
0xc1: {  	s0 =	sor.u32 s1, s0  }
0xc2: {  	s0 =	sadd.s32 $0x8F2B, s0  }
0xc3: {  	[sflag:s0] =	ssyncadd.remote.s32 $0x1  }
0xc4: {  	_ =	sfence.sel $0xFFFF  }
0xc5: {  	[dreg:$0x0] =	wrdreg $0xFFFFFFFF;
	(pc) =	sbr.abs _section_cstart, $3  }
0xc6: {  	[dreg:$0x1] =	wrdreg $0xFFFFFFFF  }
0xc7: {  	_ =	task.clear_ibuf [dreg:s7], $0x2FFFF;
	_ =	strace $0x9FFFFFFF  }
0xc8: {  	(tm) =	ssettm $0x7FFFFFFF  }
0xc9: {  	_ =	shalt  }
tec
execute0_lowered:
.L_overlay_start_1:
0x0: {  	(tag) =	ssettag $0x1  }
0x1: {  	s7 =	rddreg [dreg:$0x0]  }
0x2: {  	s10 =	rddreg [dreg:$0x1];
	s1 =	srdreg.scid  }
0x3: {  	s0 =	rddreg [dreg:$0x2];
	s2 =	simm.s32 $0x0;
	s14 =	simm.s32 $0x2800  }
0x4: {  	s16 =	simm.s32 $0x7710;
	s17 =	simm.s32 $0x9E20;
	s18 =	simm.s32 $0x80  }
0x5: {  	s19 =	simm.s32 $0x1;
	s20 =	simm.s32 $0xEC30;
	s21 =	simm.s32 $0xC530  }
0x6: {  	s22 =	simm.s32 $0x0;
	s15 =	sand.u32 $0x1, s1;
	[smem:$0x7FF] =	sst s2  }
0x7: {  	s1 =	stileid.u32;
	s4 =	sadd.s32 $0x17200, s7;
	s5 =	sadd.s32 $0x17800, s7  }
0x8: {  	s3 =	sshll.u32 s15, $0x4;
	_ =	strace $0x8000004A;
	s9 =	ssub.s32 $0x2, s15  }
0x9: {  	p0 =	sne.s32 s15, $0x0;
	s6 =	sor.u32 s1, s3;
	s3 =	smul.u32 $0x280, s1  }
0xa: {  	s15 =	simm.s32 $0x5000;
	s31 =	sshrl.u32 s9, $0x1;
	s11 =	smul.u32 $0x4E2, s6  }
0xb: {  	s6 =	sadd.s32 $0x17E00, s7;
	s13 =	ssub.s32 s9, s31;
	s8 =	sshrl.u32 s3, $0x3  }
0xc: {  	s12 =	sadd.s32 s11, s7;
	s7 =	sadd.s32 s8, s7;
	s10 =	sadd.s32 s10, s11  }
0xd: {  	s7 =	sadd.s32 $0x16600, s7;
	s8 =	sadd.s32 $0xC800, s12;
	s9 =	sadd.s32 $0x2A00, s12  }
0xe: {  	vm0 =	vmmov $0xffff;
	s11 =	sadd.s32 $0xC03C00, s12;
	s12 =	smax.u32 s13, $0x1;
	s13 =	simm.s32 $0x2  }
.LBB2_1:
0xf: {  	[tilespmem:s2], [sflag:$0x2] =	stream.linear.gather [hbm4b:s4+s2], $0x2800, $0x38;
	[tilespmem:$0xED40] =	vst v63  }
0x10: {  	_ =	swait.ge [sflag:s13], $0x2800  }
0x11: {  	[sflag:s13] =	ssyncset.done $0x0  }
0x12: {  	[sflag:s13] =	ssyncadd.s32 $0xFFFFD800  }
0x13: {  	[tilespmem:s14], [sflag:$0x2] =	stream.linear.gather [hbm4b:s5+s2], $0x2800, $0x38;
	[tilespmem:$0xED40] =	vst v63  }
0x14: {  	_ =	swait.ge [sflag:s13], $0x2800  }
0x15: {  	[sflag:s13] =	ssyncset.done $0x0  }
0x16: {  	s23 =	simm.s32 $0x0;
	[sflag:s13] =	ssyncadd.s32 $0xFFFFD800  }
0x17: {  	s24 =	simm.s32 $0x40;
	v0 =	vld [tilespmem:s23+$0x2800]  }
.LBB2_2:
0x18: {  	p1 =	sne.s32 s24, $0x9FC0;
	v1 =	vld [tilespmem:s23+$0x0];
	_ =	sdelay $0x2  }
.Ltmp0:
0x19: {  	(pc) =	sbr.rel @p1 .LBB2_2-.Ltmp0, $4  }
0x1a: {  	_ = 	snop  }
0x1b: {  	v1 =	vadd.f32 v0, v1  }
0x1c: {  	s25 =	sshra.s32 s24, $0x2  }
0x1d: {  	s24 =	sadd.s32 $0x40, s24;
	v0 =	vld [tilespmem:s25+$0x2800];
	[tilespmem:s23+$0x0] =	vst v1;
	s23 =	smov.u32 s25  }
0x1e: {  	v1 =	vld [tilespmem:s23+$0x0];
	_ =	sdelay $0x4  }
0x1f: {  	v0 =	vadd.f32 v0, v1;
	_ =	sdelay $0x1  }
0x20: {  	[tilespmem:s23+$0x0] =	vst v0;
	s23 =	simm.s32 @!p0 $0x0  }
0x21: {  	[hbm4b:s7+s23] =	stream.linear.scatter @!p0 [tilespmem:s3], [sflag:$0x2], $0x280, $0x38;
	[tilespmem:$0xED40] =	vst v63  }
0x22: {  	s23 =	simm.s32 @!p0 $0x2  }
0x23: {  	_ =	swait.ge @!p0 [sflag:s23], $0x280  }
0x24: {  	[sflag:s23] =	ssyncset.done @!p0 $0x0  }
0x25: {  	[sflag:s23] =	ssyncadd.s32 @!p0 $0xFFFFFD80;
	s23 =	simm.s32 $0x0  }
0x26: {  	[tilespmem:s15], [sflag:$0x2] =	stream.linear.gather [hbm4b:s8+s23], $0x2710, $0x38;
	[tilespmem:$0xED40] =	vst v63  }
0x27: {  	_ =	swait.ge [sflag:s13], $0x2710  }
0x28: {  	[sflag:s13] =	ssyncset.done $0x0  }
0x29: {  	[sflag:s13] =	ssyncadd.s32 $0xFFFFD8F0  }
0x2a: {  	[tilespmem:s16], [sflag:$0x2] =	stream.linear.gather [hbm4b:s9+s23], $0x2710, $0x38;
	[tilespmem:$0xED40] =	vst v63  }
0x2b: {  	_ =	swait.ge [sflag:s13], $0x2710  }
0x2c: {  	[sflag:s13] =	ssyncset.done $0x0  }
0x2d: {  	[sflag:s13] =	ssyncadd.s32 $0xFFFFD8F0  }
0x2e: {  	[tilespmem:s17], [sflag:$0x2] =	stream.linear.gather [hbm4b:s10+s23], $0x2710, $0x38;
	[tilespmem:$0xED40] =	vst v63  }
0x2f: {  	_ =	swait.ge [sflag:s13], $0x2710  }
0x30: {  	[sflag:s13] =	ssyncset.done $0x0  }
0x31: {  	[sflag:s13] =	ssyncadd.s32 $0xFFFFD8F0  }
.LBB2_4:
0x32: {  	s24 =	sshra.s32 s23, $0x2  }
0x33: {  	v0 =	vld [tilespmem:s24+$0x7710];
	_ =	sdelay $0x7  }
0x34: {  	v1 =	vld.idx.msk [tilespmem:v0+s2+$0x0], $0xffff;
	_ =	sdelay $0x4  }
0x35: {  	(erf) = vrcp.f32 v1;
	_ =	sdelay $0x3  }
0x36: {  	v35 =	vld [tilespmem:s24+$0x5000]  }
0x37: {  	v2 =	vld [tilespmem:s24+$0x9E20];
	_ =	sdelay $0x3  }
0x38: {  	v3 =	vpop (erf)  }
0x39: {  	v1 =	vmul.u32 $0x2710, v35;
	v2 =	vmul.f32 v3, v2  }
0x3a: {  	s25 =	sshrl.u32 s23, $0x2  }
0x3b: {  	s25 =	sand.u32 $0x80, s25;
	v0 =	vadd.s32 v0, v1;
	[tilespmem:s24+$0xC530] =	vst v2  }
0x3c: {  	[tilespmem:s25+$0xEC40] =	vst v0  }
0x3d: {  	v0 =	vld [tilespmem:s24+$0x7720];
	_ =	sdelay $0x7  }
0x3e: {  	v36 =	vld.idx.msk [tilespmem:v0+s2+$0x0], $0xffff;
	_ =	sdelay $0x4  }
0x3f: {  	(erf) = vrcp.f32 v36;
	_ =	sdelay $0x3  }
0x40: {  	v37 =	vld [tilespmem:s24+$0x5010]  }
0x41: {  	v38 =	vld [tilespmem:s24+$0x9E30];
	_ =	sdelay $0x3  }
0x42: {  	v39 =	vpop (erf)  }
0x43: {  	v1 =	vmul.u32 $0x2710, v37;
	v2 =	vmul.f32 v39, v38;
	_ =	sdelay $0x1  }
0x44: {  	v0 =	vadd.s32 v0, v1;
	[tilespmem:s24+$0xC540] =	vst v2  }
0x45: {  	[tilespmem:s25+$0xEC50] =	vst v0  }
0x46: {  	v0 =	vld [tilespmem:s24+$0x7730];
	_ =	sdelay $0x7  }
0x47: {  	v40 =	vld.idx.msk [tilespmem:v0+s2+$0x0], $0xffff;
	_ =	sdelay $0x4  }
0x48: {  	(erf) = vrcp.f32 v40;
	_ =	sdelay $0x3  }
0x49: {  	v41 =	vld [tilespmem:s24+$0x5020]  }
0x4a: {  	v42 =	vld [tilespmem:s24+$0x9E40];
	_ =	sdelay $0x3  }
0x4b: {  	v43 =	vpop (erf)  }
0x4c: {  	v1 =	vmul.u32 $0x2710, v41;
	v2 =	vmul.f32 v43, v42;
	_ =	sdelay $0x1  }
0x4d: {  	v0 =	vadd.s32 v0, v1;
	[tilespmem:s24+$0xC550] =	vst v2  }
0x4e: {  	[tilespmem:s25+$0xEC60] =	vst v0  }
0x4f: {  	v0 =	vld [tilespmem:s24+$0x7740];
	_ =	sdelay $0x7  }
0x50: {  	v44 =	vld.idx.msk [tilespmem:v0+s2+$0x0], $0xffff;
	_ =	sdelay $0x4  }
0x51: {  	(erf) = vrcp.f32 v44;
	_ =	sdelay $0x3  }
0x52: {  	v45 =	vld [tilespmem:s24+$0x5030]  }
0x53: {  	v46 =	vld [tilespmem:s24+$0x9E50];
	_ =	sdelay $0x3  }
0x54: {  	v47 =	vpop (erf)  }
0x55: {  	v1 =	vmul.u32 $0x2710, v45;
	v2 =	vmul.f32 v47, v46;
	_ =	sdelay $0x1  }
0x56: {  	v0 =	vadd.s32 v0, v1;
	[tilespmem:s24+$0xC560] =	vst v2  }
0x57: {  	[tilespmem:s25+$0xEC70] =	vst v0  }
0x58: {  	v0 =	vld [tilespmem:s24+$0x7750];
	_ =	sdelay $0x7  }
0x59: {  	v48 =	vld.idx.msk [tilespmem:v0+s2+$0x0], $0xffff;
	_ =	sdelay $0x4  }
0x5a: {  	(erf) = vrcp.f32 v48;
	_ =	sdelay $0x3  }
0x5b: {  	v49 =	vld [tilespmem:s24+$0x5040]  }
0x5c: {  	v50 =	vld [tilespmem:s24+$0x9E60];
	_ =	sdelay $0x3  }
0x5d: {  	v51 =	vpop (erf)  }
0x5e: {  	v1 =	vmul.u32 $0x2710, v49;
	v2 =	vmul.f32 v51, v50;
	_ =	sdelay $0x1  }
0x5f: {  	v0 =	vadd.s32 v0, v1;
	[tilespmem:s24+$0xC570] =	vst v2  }
0x60: {  	[tilespmem:s25+$0xEC80] =	vst v0  }
0x61: {  	v0 =	vld [tilespmem:s24+$0x7760];
	_ =	sdelay $0x7  }
0x62: {  	v52 =	vld.idx.msk [tilespmem:v0+s2+$0x0], $0xffff;
	_ =	sdelay $0x4  }
0x63: {  	(erf) = vrcp.f32 v52;
	_ =	sdelay $0x3  }
0x64: {  	v53 =	vld [tilespmem:s24+$0x5050]  }
0x65: {  	v54 =	vld [tilespmem:s24+$0x9E70];
	_ =	sdelay $0x3  }
0x66: {  	v55 =	vpop (erf)  }
0x67: {  	v1 =	vmul.u32 $0x2710, v53;
	v2 =	vmul.f32 v55, v54;
	_ =	sdelay $0x1  }
0x68: {  	v0 =	vadd.s32 v0, v1;
	[tilespmem:s24+$0xC580] =	vst v2  }
0x69: {  	[tilespmem:s25+$0xEC90] =	vst v0  }
0x6a: {  	v0 =	vld [tilespmem:s24+$0x7770];
	_ =	sdelay $0x7  }
0x6b: {  	v56 =	vld.idx.msk [tilespmem:v0+s2+$0x0], $0xffff;
	_ =	sdelay $0x4  }
0x6c: {  	(erf) = vrcp.f32 v56;
	_ =	sdelay $0x3  }
0x6d: {  	v57 =	vld [tilespmem:s24+$0x5060]  }
0x6e: {  	v58 =	vld [tilespmem:s24+$0x9E80];
	_ =	sdelay $0x3  }
0x6f: {  	v59 =	vpop (erf)  }
0x70: {  	v1 =	vmul.u32 $0x2710, v57;
	v2 =	vmul.f32 v59, v58;
	_ =	sdelay $0x1  }
0x71: {  	v0 =	vadd.s32 v0, v1;
	[tilespmem:s24+$0xC590] =	vst v2  }
0x72: {  	[tilespmem:s25+$0xECA0] =	vst v0  }
0x73: {  	v0 =	vld [tilespmem:s24+$0x7780];
	_ =	sdelay $0x7  }
0x74: {  	v60 =	vld.idx.msk [tilespmem:v0+s2+$0x0], $0xffff;
	_ =	sdelay $0x4  }
0x75: {  	(erf) = vrcp.f32 v60;
	_ =	sdelay $0x3  }
0x76: {  	v61 =	vld [tilespmem:s24+$0x5070]  }
0x77: {  	v62 =	vld [tilespmem:s24+$0x9E90];
	_ =	sdelay $0x3  }
0x78: {  	v63 =	vpop (erf)  }
0x79: {  	v1 =	vmul.u32 $0x2710, v61;
	v2 =	vmul.f32 v63, v62;
	_ =	sdelay $0x1  }
0x7a: {  	p1 =	seq.s32 s23, $0x0;
	v0 =	vadd.s32 v0, v1;
	[tilespmem:s24+$0xC5A0] =	vst v2  }
0x7b: {  	s26 =	simm.s32 @!p1 $0x1;
	[tilespmem:s25+$0xECB0] =	vst v0  }
0x7c: {  	_ =	swait.ge @!p1 [sflag:s26], $0x80  }
0x7d: {  	s23 =	sadd.s32 $0x200, s23;
	[sflag:s26] =	ssyncset.done @!p1 $0x0  }
0x7e: {  	[sflag:s26] =	ssyncadd.s32 @!p1 $0xFFFFFF80;
	p1 =	sne.s32 s23, $0x9C00  }
.Ltmp1:
0x7f: {  	_ = 	snop;
	(pc) =	sbr.rel @p1 .LBB2_4-.Ltmp1, $3  }
0x80: {  	_ =	sdelay $0x1  }
0x81: {  	s24 =	sadd.s32 $0xC530, s24;
	s25 =	sor.u32 $0xEC40, s25  }
0x82: {  	[hbm4b:s6+s18] =	stream.indirect.scatter [tilespmem:s24], [sflag:$0x1], $0x1, s25, s18, $0xb8;
	[tilespmem:$0xED40] =	vst v63  }
0x83: {  	_ =	swait.ge [sflag:s19], $0x80  }
0x84: {  	[sflag:s19] =	ssyncset.done $0x0  }
0x85: {  	[sflag:s19] =	ssyncadd.s32 $0xFFFFFF80  }
0x86: {  	v0 =	vld [tilespmem:$0x9E10];
	_ =	sdelay $0x7  }
0x87: {  	v1 =	vld.idx.msk [tilespmem:v0+s2+$0x0], $0xffff;
	_ =	sdelay $0x4  }
0x88: {  	(erf) = vrcp.f32 v1  }
0x89: {  	v62 =	vld [tilespmem:$0x7700];
	_ =	sdelay $0x3  }
0x8a: {  	v2 =	vld [tilespmem:$0xC520]  }
0x8b: {  	v1 =	vmul.u32 $0x2710, v62;
	_ =	sdelay $0x1  }
0x8c: {  	v0 =	vadd.s32 v0, v1  }
0x8d: {  	v63 =	vpop (erf)  }
0x8e: {  	v1 =	vmul.f32 v63, v2;
	_ =	sdelay $0x1  }
0x8f: {  	[tilespmem:$0xEC30] =	vst v1  }
0x90: {  	[hbm4b:s6+s2] =	stream.indirect_vreg.scatter [tilespmem:s20], [sflag:$0x2], $0x1, v0, vm0, $0xb8;
	[tilespmem:$0xED40] =	vst v63  }
0x91: {  	s22 =	sadd.s32 $0x1, s22;
	_ =	swait.ge [sflag:s13], $0x10  }
0x92: {  	p1 =	sne.s32 s22, s12;
	[sflag:s13] =	ssyncset.done $0x0  }
.Ltmp2:
0x93: {  	[sflag:s13] =	ssyncadd.s32 $0xFFFFFFF0;
	(pc) =	sbr.rel @p1 .LBB2_1-.Ltmp2, $4  }
0x94: {  	[hbm4b:s11+s2] =	stream.linear.scatter [tilespmem:s21], [sflag:$0x2], $0x2710, $0x38;
	[tilespmem:$0xED40] =	vst v63  }
0x95: {  	_ =	swait.ge [sflag:s13], $0x2710  }
0x96: {  	[sflag:s13] =	ssyncset.done $0x0  }
0x97: {  	[sflag:s13] =	ssyncadd.s32 $0xFFFFD8F0  }
0x98: {  	_ =	sfence.sel $0x180000  }
0x99: {  	[bflag:$0x0] =	sbarrier.arrive $0xFFFF  }
0x9a: {  	p0 =	sne.s32 s1, $0x0;
	_ =	strace $0x9000004A  }
0x9b: {  	s0 =	sadd.s32 @!p0 $0x100000, s0;
	[bflag:$0x2] =	sbarrier.arrive $0xFFFF  }
0x9c: {  	[sflag:s0] =	ssyncadd.tile.s32 @!p0 $0x1;
	_ =	shalt  }
.Lfunc_end2:
_tile_overlayer_lowered:
.L_overlay_start_2:
0x9d: {  	(tag) =	ssettag $0x2  }
0x9e: {  	s0 =	rddreg [dreg:$0x0];
	s2 =	stileid.u32  }
0x9f: {  	s1 =	rddreg [dreg:$0x1];
	p0 =	sne.s32 s2, $0x0  }
0xa0: {  	s3 =	rddreg [dreg:$0x2];
	[bflag:$0x3] =	sbarrier.arrive $0xFFFF;
	s2 =	simm.s32 @!p0 $0x1C02  }
0xa1: {  	[timem:s3], [sflag:s2] =	dma.local @!p0 [hbm:s0], s1  }
0xa2: {  	s0 =	simm.s32 @!p0 $0x2  }
0xa3: {  	_ =	swait.ge @!p0 [sflag:s0], s1  }
0xa4: {  	s1 =	ssub.s32 @!p0 $0x0, s1;
	[sflag:s0] =	ssyncset.done @!p0 $0x0  }
0xa5: {  	[sflag:s0] =	ssyncadd.s32 @!p0 s1  }
0xa6: {  	[bflag:$0x3] =	sbarrier.arrive $0xFFFF  }
0xa7: {  	_ =	shalt  }

// kernel: kernel.13.cloned.1.call-start
scs
__scs_entry_jumppad:
0x0: {  	(pc) =	sbr.rel $0x88, $3  }
0x1: {  	(tag) =	ssettag $0x0;
	lr =	simm.s32 $0x1  }
0x2: {  	[smem:$0x3F9C] =	sst lr;
	_ =	strace $0xD0000000  }
0x3: {  	_ = 	snop  }
0x4: {  	_ = 	snop  }
0x5: {  	_ = 	snop  }
0x6: {  	_ = 	snop  }
0x7: {  	_ = 	snop  }
__scs_overlays_trampoline_lowered:
0x8: {  	[smem:$0x3FAB] =	sst s0  }
0x9: {  	[smem:$0x3FAC] =	sst s1  }
0xa: {  	[smem:$0x3FAD] =	sst s2  }
0xb: {  	[smem:$0x3FAE] =	sst s3  }
0xc: {  	[smem:$0x3FAF] =	sst s4  }
0xd: {  	[smem:$0x3FB0] =	sst s5  }
0xe: {  	[smem:$0x3FB1] =	sst s6  }
0xf: {  	[smem:$0x3FB2] =	sst s7  }
0x10: {  	[smem:$0x3FB3] =	sst s8  }
0x11: {  	[smem:$0x3FB4] =	sst s9;
	s0 =	simm.s32 @!p0 $0x0  }
0x12: {  	s1 =	sld [smem:$0x3F9A];
	s0 =	simm.s32 @p0 $0x1  }
0x13: {  	[smem:$0x3FB5] =	sst s0;
	s0 =	simm.s32 @!p1 $0x0  }
0x14: {  	s2 =	sld [smem:$0x3F99];
	s0 =	simm.s32 @p1 $0x1  }
0x15: {  	[smem:$0x3FB6] =	sst s0;
	s0 =	simm.s32 @!p2 $0x0  }
0x16: {  	s3 =	sld [smem:$0x3FDB];
	s0 =	simm.s32 @p2 $0x1  }
0x17: {  	s4 =	simm.s32 $0x1BF5;
	[smem:$0x3FB8] =	sst s0  }
0x18: {  	s0 =	sld [smem:$0x3F9B];
	_ =	swait.ge [sflag:s4], $0x0  }
0x19: {  	s7 =	sld [smem:$0x3F9C]  }
0x1a: {  	s8 =	sadd.s32 $0xFFFFE003, lr  }
0x1b: {  	s9 =	sadd.s32 $0xFFFFFEF7, lr;
	s5 =	simm.s32 $0xFFFFFFFF;
	p2 =	slt.u32 s8, $0xFFFFF086  }
0x1c: {  	p1 =	slt.u32 s9, $0xF7A;
	s5 =	simm.s32 @!p2 $0x0  }
0x1d: {  	s5 =	simm.s32 @p1 $0x1;
	p0 =	seq.s32 s7, s2  }
0x1e: {  	s7 =	smul.u32 @!p0 $0xF7A, s2;
	p2 =	seq.s32 @!p0 s5, $0x0  }
0x1f: {  	s9 =	smul.u32 $0xF7A, s1;
	s8 =	simm.s32 @!p0 $0x1BF5;
	p2 =	por !p2, p0  }
0x20: {  	[sflag:s8] =	ssyncset.s32 @!p0 $0xFFFFF086;
	s6 =	sadd.s32 @!p0 s3, s7;
	s7 =	simm.s32 @!p0 $0x108  }
0x21: {  	s3 =	sadd.s32 s3, s9;
	s6 =	sadd.s32 @!p0 $0x88, s6;
	s7 =	simm.s32 @p2 $0x1082  }
0x22: {  	[simem:s7], [sflag:s8] =	dma.local @!p0 [hbm:s6], $0xF7A  }
0x23: {  	s9 =	sor.u32 $0xD0000000, s2;
	s6 =	simm.s32 $0x108;
	_ =	swait.ge @!p0 [sflag:s8], $0x0  }
0x24: {  	s3 =	sadd.s32 $0x88, s3;
	s6 =	simm.s32 @!p1 $0x1082;
	[sflag:s4] =	ssyncset.s32 $0xFFFFF086  }
0x25: {  	[simem:s6], [sflag:s4] =	dma.local [hbm:s3], $0xF7A  }
0x26: {  	[smem:$0x3F9C] =	sst s1;
	(tag) =	ssettag s2;
	_ =	strace s9  }
0x27: {  	s1 =	sld [smem:$0x3FAC]  }
0x28: {  	s2 =	sld [smem:$0x3FAD]  }
0x29: {  	s4 =	sld [smem:$0x3FAF]  }
0x2a: {  	p0 =	seq.s32 s5, $0x0;
	s5 =	sld [smem:$0x3FB0]  }
0x2b: {  	s6 =	sld [smem:$0x3FB1]  }
0x2c: {  	s7 =	sld [smem:$0x3FB2]  }
0x2d: {  	s3 =	simm.s32 $0x108;
	s8 =	sld [smem:$0x3FB3]  }
0x2e: {  	s3 =	simm.s32 @!p0 $0x1082;
	s9 =	sld [smem:$0x3FB4]  }
0x2f: {  	lr =	sadd.s32 s0, s3;
	s0 =	sld [smem:$0x3FAB]  }
0x30: {  	s3 =	sld [smem:$0x3FAE]  }
0x31: {  	[smem:$0x3FB7] =	sst s10  }
0x32: {  	s10 =	sld [smem:$0x3FB5];
	_ =	sdelay $0x3  }
0x33: {  	p0 =	seq.s32 s10, $0x1;
	s10 =	sld [smem:$0x3FB7];
	_ =	sdelay $0x3  }
0x34: {  	[smem:$0x3FB7] =	sst s10  }
0x35: {  	s10 =	sld [smem:$0x3FB6];
	_ =	sdelay $0x3  }
0x36: {  	p1 =	seq.s32 s10, $0x1;
	s10 =	sld [smem:$0x3FB7];
	_ =	sdelay $0x3  }
0x37: {  	[smem:$0x3FB7] =	sst s10  }
0x38: {  	s10 =	sld [smem:$0x3FB8]  }
0x39: {  	_ = 	snop;
	(pc) =	sbr.ind lr, $3  }
0x3a: {  	_ = 	snop  }
0x3b: {  	_ = 	snop  }
0x3c: {  	p2 =	seq.s32 s10, $0x1;
	s10 =	sld [smem:$0x3FB7]  }
0x3d: {  	_ =	shalt  }
0x3e: {  	_ =	shalt  }
0x3f: {  	_ =	shalt  }
0x40: {  	_ =	shalt  }
0x41: {  	_ =	shalt  }
0x42: {  	_ =	shalt  }
0x43: {  	_ =	shalt  }
0x44: {  	_ =	shalt  }
0x45: {  	_ =	shalt  }
0x46: {  	_ =	shalt  }
0x47: {  	_ =	shalt  }
0x48: {  	_ =	shalt  }
0x49: {  	_ =	shalt  }
0x4a: {  	_ =	shalt  }
0x4b: {  	_ =	shalt  }
0x4c: {  	_ =	shalt  }
0x4d: {  	_ =	shalt  }
0x4e: {  	_ =	shalt  }
0x4f: {  	_ =	shalt  }
0x50: {  	_ =	shalt  }
0x51: {  	_ =	shalt  }
0x52: {  	_ =	shalt  }
0x53: {  	_ =	shalt  }
0x54: {  	_ =	shalt  }
0x55: {  	_ =	shalt  }
0x56: {  	_ =	shalt  }
0x57: {  	_ =	shalt  }
0x58: {  	_ =	shalt  }
0x59: {  	_ =	shalt  }
0x5a: {  	_ =	shalt  }
0x5b: {  	_ =	shalt  }
0x5c: {  	_ =	shalt  }
0x5d: {  	_ =	shalt  }
0x5e: {  	_ =	shalt  }
0x5f: {  	_ =	shalt  }
0x60: {  	_ =	shalt  }
0x61: {  	_ =	shalt  }
0x62: {  	_ =	shalt  }
0x63: {  	_ =	shalt  }
0x64: {  	_ =	shalt  }
0x65: {  	_ =	shalt  }
0x66: {  	_ =	shalt  }
0x67: {  	_ =	shalt  }
0x68: {  	_ =	shalt  }
0x69: {  	_ =	shalt  }
0x6a: {  	_ =	shalt  }
0x6b: {  	_ =	shalt  }
0x6c: {  	_ =	shalt  }
0x6d: {  	_ =	shalt  }
0x6e: {  	_ =	shalt  }
0x6f: {  	_ =	shalt  }
0x70: {  	_ =	shalt  }
0x71: {  	_ =	shalt  }
0x72: {  	_ =	shalt  }
0x73: {  	_ =	shalt  }
0x74: {  	_ =	shalt  }
0x75: {  	_ =	shalt  }
0x76: {  	_ =	shalt  }
0x77: {  	_ =	shalt  }
0x78: {  	_ =	shalt  }
0x79: {  	_ =	shalt  }
0x7a: {  	_ =	shalt  }
0x7b: {  	_ =	shalt  }
0x7c: {  	_ =	shalt  }
0x7d: {  	_ =	shalt  }
0x7e: {  	_ =	shalt  }
0x7f: {  	_ =	shalt  }
0x80: {  	_ =	shalt  }
0x81: {  	_ =	shalt  }
0x82: {  	_ =	shalt  }
0x83: {  	_ =	shalt  }
0x84: {  	_ =	shalt  }
0x85: {  	_ =	shalt  }
0x86: {  	_ =	shalt  }
0x87: {  	_ =	shalt  }
.Lfunc_end0:
.L_simem_size_0:
called_computation.2_lowered:
.L_overlay_start_0:
0x88: {  	s2 =	sld [smem:$0x3FD9]  }
0x89: {  	s3 =	sld [smem:$0x3FFE];
	_ =	sdelay $0x1  }
0x8a: {  	s1 =	srdreg.scid  }
0x8b: {  	s0 =	sand.u32 $0x1, s1  }
0x8c: {  	s14 =	sshll.u32 s0, $0xA;
	s2 =	sadd.s32 s3, s2  }
0x8d: {  	s2 =	sadd.s32 s2, s14  }
0x8e: {  	[smem:$0x3FC3] =	sst s2  }
0x8f: {  	_ = 	snop  }
0x90: {  	s2 =	sld [smem:$0x3FD0];
	_ =	sdelay $0x2  }
0x91: {  	s15 =	simm.s32 $0xA;
	s4 =	simm.s32 $0x10  }
0x92: {  	[smem:s4], [sflag:s15] =	dma.local [hbm:s2], $0x1  }
0x93: {  	_ =	swait.eq [sflag:s15], $0x1  }
0x94: {  	[sflag:s15] =	ssyncset.done $0x0  }
0x95: {  	[sflag:s15] =	ssyncadd.s32 $0xFFFFFFFF  }
0x96: {  	s16 =	sld [smem:$0x10];
	(tm) =	ssettm $0x1  }
0x97: {  	s17 =	sld [smem:$0x3FFB];
	_ =	sdelay $0x3  }
0x98: {  	_ =	strace s17  }
0x99: {  	s3 =	sld [smem:$0x3FFC];
	_ =	sdelay $0x3  }
0x9a: {  	_ =	strace s3  }
0x9b: {  	s3 =	sld [smem:$0x3FFD];
	_ =	sdelay $0x3  }
0x9c: {  	_ =	strace s3  }
0x9d: {  	_ =	strace $0x8FFFFFFF  }
0x9e: {  	s18 =	sld [smem:$0x3FDB];
	_ =	sdelay $0x1  }
0x9f: {  	s19 =	simm.s32 $_scs_section_size  }
0xa0: {  	s5 =	simm.s32 $_size__tile_overlayer_lowered;
	s6 =	simm.s32 $_tile_overlayer_lowered  }
0xa1: {  	s22 =	simm.s32 $0x1BFF;
	s21 =	sshll.u32 s6, $0x1;
	s3 =	sadd.s32 s19, s18  }
0xa2: {  	s7 =	simm.s32 $0x0;
	s20 =	sshll.u32 s5, $0x1;
	s5 =	sadd.s32 s21, s3  }
0xa3: {  	[timem:s7], [sflag:s22] =	dma.local [hbm:s5], s20  }
0xa4: {  	_ =	swait.ge [sflag:s22], s20  }
0xa5: {  	s4 =	ssub.s32 $0x0, s20;
	[sflag:s22] =	ssyncset.done $0x0  }
0xa6: {  	[sflag:s22] =	ssyncadd.s32 s4;
	_ =	sdelay $0x1  }
0xa7: {  	s23 =	simm.s32 $0x1B8B  }
0xa8: {  	_ =	swait.ge [sflag:s23], $0x1  }
0xa9: {  	[sflag:s23] =	ssyncset.done $0x0  }
0xaa: {  	s25 =	simm.s32 $0x1B8E;
	s24 =	sld [smem:$0x3FFE];
	[sflag:s23] =	ssyncadd.s32 $0xFFFFFFFF  }
0xab: {  	s26 =	simm.s32 $execute0_lowered;
	[smem:$0x3FD2] =	sst s25  }
0xac: {  	s5 =	sshll.u32 s26, $0x1;
	_ =	strace $0x8000004C;
	[dreg:$0x1] =	wrdreg $0xFFFFFFFF  }
0xad: {  	s28 =	simm.s32 $_size_execute0_lowered;
	s3 =	sadd.s32 s3, s5;
	[dreg:$0x0] =	wrdreg $0x0  }
0xae: {  	s5 =	sshll.u32 s28, $0x1;
	[dreg:$0x2] =	wrdreg s3  }
0xaf: {  	[dreg:$0x3] =	wrdreg s5  }
0xb0: {  	[dreg:$0x4] =	wrdreg $0xC0  }
0xb1: {  	_ =	task [dreg:s7], $0x5FFFF  }
0xb2: {  	[dreg:$0x1] =	wrdreg $0xFFFFFFFF  }
0xb3: {  	[dreg:$0x0] =	wrdreg $0x60  }
0xb4: {  	[dreg:$0x2] =	wrdreg s24  }
0xb5: {  	[dreg:$0x3] =	wrdreg s16  }
0xb6: {  	[dreg:$0x4] =	wrdreg $0xD8300  }
0xb7: {  	[dreg:$0x5] =	wrdreg $0x9  }
0xb8: {  	_ =	task.clear_ibuf [dreg:s7], $0x6FFFF;
	_ =	strace $0x9000004C  }
0xb9: {  	s29 =	simm.s32 $0x9;
	_ =	strace $0x8000004E  }
0xba: {  	_ =	swait.ge [sflag:s29], $0x1  }
0xbb: {  	[sflag:s29] =	ssyncadd.s32 $0xFFFFFFFF  }
0xbc: {  	_ =	strace $0x9000004E  }
0xbd: {  	_ =	sfence  }
0xbe: {  	s30 =	sld [smem:$0x0];
	_ =	sdelay $0x2  }
0xbf: {  	s31 =	sshll.u32 s1, $0xD;
	s1 =	sshrl.u32 s1, $0x2  }
0xc0: {  	s3 =	sand.u32 $0x4000, s31;
	s1 =	sadd.s32 s1, s30  }
0xc1: {  	s0 =	sor.u32 s3, s0;
	s1 =	sshll.u32 s1, $0x11  }
0xc2: {  	s0 =	sor.u32 s1, s0  }
0xc3: {  	s0 =	sadd.s32 $0x8F2B, s0  }
0xc4: {  	[sflag:s0] =	ssyncadd.remote.s32 $0x1  }
0xc5: {  	_ =	sfence.sel $0xFFFF  }
0xc6: {  	[dreg:$0x0] =	wrdreg $0xFFFFFFFF;
	(pc) =	sbr.abs _section_cstart, $3  }
0xc7: {  	[dreg:$0x1] =	wrdreg $0xFFFFFFFF  }
0xc8: {  	_ =	task.clear_ibuf [dreg:s7], $0x2FFFF;
	_ =	strace $0x9FFFFFFF  }
0xc9: {  	(tm) =	ssettm $0x7FFFFFFF  }
tec
execute0_lowered:
.L_overlay_start_1:
0x0: {  	(tag) =	ssettag $0x1  }
0x1: {  	s1 =	rddreg [dreg:$0x0]  }
0x2: {  	s0 =	srdreg.scid;
	s2 =	rddreg [dreg:$0x1]  }
0x3: {  	s9 =	stileid.u32;
	s3 =	rddreg [dreg:$0x2];
	s28 =	simm.s32 $0x0  }
0x4: {  	s19 =	simm.s32 $0xB830;
	s20 =	simm.s32 $0x80;
	s21 =	simm.s32 $0x7530  }
0x5: {  	s22 =	simm.s32 $0x7830;
	s23 =	simm.s32 $0x1;
	s24 =	simm.s32 $0x7730  }
0x6: {  	s25 =	simm.s32 $0x2;
	s26 =	simm.s32 $0x0;
	s13 =	sadd.s32 $0xC21A00, s1  }
0x7: {  	s0 =	sand.u32 $0x1, s0;
	s15 =	sadd.s32 $0xC0DA00, s1;
	s6 =	smul.u32 $0x28000, s9  }
0x8: {  	[smem:$0x7FF] =	sst s28;
	s14 =	sadd.s32 $0xC35A00, s1;
	s17 =	smul.u32 $0xA000, s9  }
0x9: {  	s4 =	sshll.u32 s0, $0x4;
	_ =	strace $0x8000004D;
	s29 =	ssub.s32 $0x2, s0  }
0xa: {  	p0 =	seq.s32 s0, $0x0;
	s5 =	sor.u32 s9, s4;
	s8 =	sshrl.u32 s29, $0x1  }
0xb: {  	s30 =	sshrl.u32 s6, $0x2;
	s31 =	sshrl.u32 s17, $0x3;
	s14 =	smov.u32 @p0 s13  }
0xc: {  	s5 =	smul.u32 $0x4E2, s5;
	s16 =	ssub.s32 s29, s8;
	s12 =	sadd.s32 s30, s3  }
0xd: {  	s8 =	sadd.s32 s17, s3;
	s14 =	sadd.s32 s14, s31;
	s9 =	sadd.s32 $0x2000, s12  }
0xe: {  	s10 =	sadd.s32 $0x4000, s12;
	s11 =	sadd.s32 $0x6000, s12;
	s12 =	sadd.s32 $0x8000, s12  }
0xf: {  	s13 =	smax.u32 s16, $0x1;
	s7 =	sadd.s32 s5, s1;
	s1 =	sadd.s32 $0xC49A00, s1  }
0x10: {  	s16 =	simm.s32 $0x3;
	s5 =	sadd.s32 $0xC800, s7;
	s1 =	smov.u32 @p0 s15  }
0x11: {  	v0 =	vimm.f32 $0.0e+00;
	vm0 =	vmmov $0xffff;
	s6 =	sadd.s32 $0x2A00, s7;
	s7 =	sadd.s32 $0xC03C00, s7;
	s15 =	sadd.s32 s1, s31  }
.LBB2_1:
0x12: {  	s1 =	simm.s32 $0x0  }
0x13: {  	s0 =	sand.u32 $0x7F00, s1  }
0x14: {  	s1 =	sand.u32 $0x30, s1;
	s17 =	sshrl.u32 s0, $0x2  }
0x15: {  	s0 =	simm.s32 $0x40;
	s17 =	sor.u32 s1, s17;
	s1 =	simm.s32 $0x0  }
.LBB2_2:
0x16: {  	p0 =	sne.s32 s0, $0x7FC0  }
0x17: {  	[tilespmem:s17+$0xB830] =	vst v0;
	s1 =	sadd.s32 $0x10, s1;
	s17 =	smov.u32 s0;
	s0 =	sadd.s32 $0x40, s0  }
.Ltmp0:
0x18: {  	(pc) =	sbr.rel @p0 .LBB2_2-.Ltmp0, $4  }
0x19: {  	_ = 	snop  }
0x1a: {  	s17 =	sand.u32 $0x7F00, s17  }
0x1b: {  	s18 =	sand.u32 $0x30, s1;
	s17 =	sshrl.u32 s17, $0x2  }
0x1c: {  	s17 =	sor.u32 s18, s17  }
0x1d: {  	[tilespmem:s17+$0xB830] =	vst v0;
	s28 =	simm.s32 $0x0  }
0x1e: {  	[tilespmem:s28], [sflag:$0x3] =	stream.linear.gather [hbm4b:s5+s28], $0x2710, $0x38;
	[tilespmem:$0x17830] =	vst v63  }
0x1f: {  	_ =	swait.ge [sflag:s16], $0x2710  }
0x20: {  	[sflag:s16] =	ssyncset.done $0x0  }
0x21: {  	s0 =	simm.s32 $0x2710;
	[sflag:s16] =	ssyncadd.s32 $0xFFFFD8F0  }
0x22: {  	[tilespmem:s0], [sflag:$0x3] =	stream.linear.gather [hbm4b:s6+s28], $0x2710, $0x38;
	[tilespmem:$0x17830] =	vst v63  }
0x23: {  	_ =	swait.ge [sflag:s16], $0x2710  }
0x24: {  	[sflag:s16] =	ssyncset.done $0x0  }
0x25: {  	s31 =	simm.s32 $0x4E20;
	[sflag:s16] =	ssyncadd.s32 $0xFFFFD8F0  }
0x26: {  	[tilespmem:s31], [sflag:$0x3] =	stream.linear.gather [hbm4b:s7+s28], $0x2710, $0x38;
	[tilespmem:$0x17830] =	vst v63  }
0x27: {  	_ =	swait.ge [sflag:s16], $0x2710  }
0x28: {  	[sflag:s16] =	ssyncset.done $0x0  }
0x29: {  	[sflag:s16] =	ssyncadd.s32 $0xFFFFD8F0  }
0x2a: {  	[spmem:s8] =	stream.linear.scatter [tilespmem:s19], [sflag:$0x3], $0x2000, $0x38;
	[tilespmem:$0x17830] =	vst v63  }
0x2b: {  	_ =	swait.ge [sflag:s16], $0x2000  }
0x2c: {  	[sflag:s16] =	ssyncset.done $0x0  }
0x2d: {  	[sflag:s16] =	ssyncadd.s32 $0xFFFFE000  }
0x2e: {  	[spmem:s9] =	stream.linear.scatter [tilespmem:s19], [sflag:$0x3], $0x2000, $0x38;
	[tilespmem:$0x17830] =	vst v63  }
0x2f: {  	_ =	swait.ge [sflag:s16], $0x2000  }
0x30: {  	[sflag:s16] =	ssyncset.done $0x0  }
0x31: {  	[sflag:s16] =	ssyncadd.s32 $0xFFFFE000  }
0x32: {  	[spmem:s10] =	stream.linear.scatter [tilespmem:s19], [sflag:$0x3], $0x2000, $0x38;
	[tilespmem:$0x17830] =	vst v63  }
0x33: {  	_ =	swait.ge [sflag:s16], $0x2000  }
0x34: {  	[sflag:s16] =	ssyncset.done $0x0  }
0x35: {  	[sflag:s16] =	ssyncadd.s32 $0xFFFFE000  }
0x36: {  	[spmem:s11] =	stream.linear.scatter [tilespmem:s19], [sflag:$0x3], $0x2000, $0x38;
	[tilespmem:$0x17830] =	vst v63  }
0x37: {  	_ =	swait.ge [sflag:s16], $0x2000  }
0x38: {  	[sflag:s16] =	ssyncset.done $0x0  }
0x39: {  	[sflag:s16] =	ssyncadd.s32 $0xFFFFE000  }
0x3a: {  	[spmem:s12] =	stream.linear.scatter [tilespmem:s19], [sflag:$0x3], $0x2000, $0x38;
	[tilespmem:$0x17830] =	vst v63  }
0x3b: {  	_ =	swait.ge [sflag:s16], $0x2000  }
0x3c: {  	[sflag:s16] =	ssyncset.done $0x0  }
0x3d: {  	[sflag:s16] =	ssyncadd.s32 $0xFFFFE000  }
0x3e: {  	[bflag:$0x0] =	sbarrier.arrive $0xFFFF  }
0x3f: {  	v1 =	vld [tilespmem:$0x0]  }
0x40: {  	v2 =	vld [tilespmem:$0x4E20]  }
0x41: {  	v3 =	vld [tilespmem:$0x2710]  }
0x42: {  	v4 =	vld [tilespmem:$0x10]  }
0x43: {  	v5 =	vld [tilespmem:$0x4E30]  }
0x44: {  	v6 =	vld [tilespmem:$0x2720]  }
0x45: {  	v55 =	vld [tilespmem:$0x4E50]  }
0x46: {  	[tilespmem:$0x7730] =	vst v2;
	v1 =	vshll.u32 v1, $0x1;
	v2 =	vld [tilespmem:$0x20]  }
0x47: {  	[tilespmem:$0x7530] =	vst v1;
	v1 =	vld [tilespmem:$0x4E40]  }
0x48: {  	v56 =	vld [tilespmem:$0x2740];
	[tilespmem:$0x7630] =	vst v3  }
0x49: {  	v59 =	vld [tilespmem:$0x4E70];
	[tilespmem:$0x7740] =	vst v5  }
0x4a: {  	v60 =	vld [tilespmem:$0x2760];
	[tilespmem:$0x7640] =	vst v6  }
0x4b: {  	v3 =	vld [tilespmem:$0x2730];
	[tilespmem:$0x7760] =	vst v55  }
0x4c: {  	[tilespmem:$0x7750] =	vst v1;
	v1 =	vshll.u32 v2, $0x1;
	v2 =	vld [tilespmem:$0x40]  }
0x4d: {  	[tilespmem:$0x7550] =	vst v1;
	v1 =	vld [tilespmem:$0x4E60]  }
0x4e: {  	v54 =	vld [tilespmem:$0x30];
	[tilespmem:$0x7660] =	vst v56  }
0x4f: {  	v63 =	vld [tilespmem:$0x4E90];
	[tilespmem:$0x7780] =	vst v59  }
0x50: {  	[tilespmem:$0x7650] =	vst v3;
	v3 =	vld [tilespmem:$0x2750]  }
0x51: {  	v58 =	vld [tilespmem:$0x50];
	[tilespmem:$0x7680] =	vst v60  }
0x52: {  	[tilespmem:$0x7770] =	vst v1;
	v1 =	vshll.u32 v2, $0x1;
	v2 =	vld [tilespmem:$0x60]  }
0x53: {  	[tilespmem:$0x7570] =	vst v1;
	v1 =	vld [tilespmem:$0x4E80]  }
0x54: {  	[tilespmem:$0x77A0] =	vst v63  }
0x55: {  	v4 =	vshll.u32 v4, $0x1;
	[tilespmem:$0x7670] =	vst v3;
	v3 =	vld [tilespmem:$0x2770]  }
0x56: {  	v62 =	vld [tilespmem:$0x70];
	v57 =	vshll.u32 v54, $0x1;
	[tilespmem:$0x7540] =	vst v4  }
0x57: {  	[tilespmem:$0x7560] =	vst v57  }
0x58: {  	v61 =	vshll.u32 v58, $0x1;
	[tilespmem:$0x7790] =	vst v1;
	v1 =	vshll.u32 v2, $0x1;
	v2 =	vld [tilespmem:$0x2780]  }
0x59: {  	[tilespmem:$0x7580] =	vst v61  }
0x5a: {  	[tilespmem:$0x7690] =	vst v3  }
0x5b: {  	[tilespmem:$0x7590] =	vst v1;
	v1 =	vshll.u32 v62, $0x1  }
0x5c: {  	[tilespmem:$0x75A0] =	vst v1  }
0x5d: {  	p0 =	por $0x0, $0x0;
	[tilespmem:$0x76A0] =	vst v2  }
0x5e: {  	[tilespmem:s22], [sflag:$0x1] =	stream.indirect.gather [hbm4b:s2+s20], $0x40, s21, s20, $0xb8;
	[tilespmem:$0x17830] =	vst v63  }
.LBB2_4:
0x5f: {  	p1 =	seq.s32 s28, $0x0  }
0x60: {  	p2 =	seq.s32 @!p1 s28, $0x4D  }
0x61: {  	_ =	swait.ge [sflag:s23], $0x2000;
	p2 =	por p1, !p2  }
.Ltmp1:
0x62: {  	[sflag:s23] =	ssyncset.done $0x0;
	(pc) =	sbr.rel @!p2 .LBB2_6-.Ltmp1, $4  }
0x63: {  	s0 =	simm.s32 @!p1 $0x2;
	[sflag:s23] =	ssyncadd.s32 $0xFFFFE000  }
0x64: {  	_ =	swait.ge @!p1 [sflag:s0], $0x2000  }
0x65: {  	[sflag:s0] =	ssyncset.done @!p1 $0x0  }
0x66: {  	s29 =	sadd.s32 $0x1, s28;
	[sflag:s0] =	ssyncadd.s32 @!p1 $0xFFFFE000  }
0x67: {  	s0 =	sshll.u32 s29, $0x7  }
0x68: {  	v1 =	vld [tilespmem:s0+$0x0]  }
0x69: {  	v2 =	vld [tilespmem:s0+$0x4E20];
	_ =	sdelay $0x2  }
0x6a: {  	s1 =	sand.u32 $0x1, s29  }
0x6b: {  	s17 =	sshll.u32 s1, $0x7  }
0x6c: {  	[tilespmem:s17+$0x7730] =	vst v2;
	v1 =	vshll.u32 v1, $0x1  }
0x6d: {  	[tilespmem:s17+$0x7530] =	vst v1  }
0x6e: {  	v1 =	vld [tilespmem:s0+$0x2710];
	_ =	sdelay $0x4  }
0x6f: {  	[tilespmem:s17+$0x7630] =	vst v1  }
0x70: {  	v1 =	vld [tilespmem:s0+$0x10]  }
0x71: {  	v2 =	vld [tilespmem:s0+$0x4E30];
	_ =	sdelay $0x4  }
0x72: {  	[tilespmem:s17+$0x7740] =	vst v2;
	v1 =	vshll.u32 v1, $0x1  }
0x73: {  	[tilespmem:s17+$0x7540] =	vst v1  }
0x74: {  	v1 =	vld [tilespmem:s0+$0x2720];
	_ =	sdelay $0x4  }
0x75: {  	[tilespmem:s17+$0x7640] =	vst v1  }
0x76: {  	v1 =	vld [tilespmem:s0+$0x20]  }
0x77: {  	v2 =	vld [tilespmem:s0+$0x4E40];
	_ =	sdelay $0x4  }
0x78: {  	[tilespmem:s17+$0x7750] =	vst v2;
	v1 =	vshll.u32 v1, $0x1  }
0x79: {  	[tilespmem:s17+$0x7550] =	vst v1  }
0x7a: {  	v1 =	vld [tilespmem:s0+$0x2730];
	_ =	sdelay $0x4  }
0x7b: {  	[tilespmem:s17+$0x7650] =	vst v1  }
0x7c: {  	v1 =	vld [tilespmem:s0+$0x30]  }
0x7d: {  	v2 =	vld [tilespmem:s0+$0x4E50];
	_ =	sdelay $0x4  }
0x7e: {  	[tilespmem:s17+$0x7760] =	vst v2;
	v1 =	vshll.u32 v1, $0x1  }
0x7f: {  	[tilespmem:s17+$0x7560] =	vst v1  }
0x80: {  	v1 =	vld [tilespmem:s0+$0x2740];
	_ =	sdelay $0x4  }
0x81: {  	[tilespmem:s17+$0x7660] =	vst v1  }
0x82: {  	v1 =	vld [tilespmem:s0+$0x40]  }
0x83: {  	v2 =	vld [tilespmem:s0+$0x4E60];
	_ =	sdelay $0x4  }
0x84: {  	[tilespmem:s17+$0x7770] =	vst v2;
	v1 =	vshll.u32 v1, $0x1  }
0x85: {  	[tilespmem:s17+$0x7570] =	vst v1  }
0x86: {  	v1 =	vld [tilespmem:s0+$0x2750];
	_ =	sdelay $0x4  }
0x87: {  	[tilespmem:s17+$0x7670] =	vst v1  }
0x88: {  	v1 =	vld [tilespmem:s0+$0x50]  }
0x89: {  	v2 =	vld [tilespmem:s0+$0x4E70];
	_ =	sdelay $0x4  }
0x8a: {  	[tilespmem:s17+$0x7780] =	vst v2;
	v1 =	vshll.u32 v1, $0x1  }
0x8b: {  	[tilespmem:s17+$0x7580] =	vst v1  }
0x8c: {  	v1 =	vld [tilespmem:s0+$0x2760];
	_ =	sdelay $0x4  }
0x8d: {  	[tilespmem:s17+$0x7680] =	vst v1  }
0x8e: {  	v1 =	vld [tilespmem:s0+$0x60]  }
0x8f: {  	v2 =	vld [tilespmem:s0+$0x4E80];
	_ =	sdelay $0x4  }
0x90: {  	[tilespmem:s17+$0x7790] =	vst v2;
	v1 =	vshll.u32 v1, $0x1  }
0x91: {  	[tilespmem:s17+$0x7590] =	vst v1  }
0x92: {  	v1 =	vld [tilespmem:s0+$0x2770];
	_ =	sdelay $0x4  }
0x93: {  	[tilespmem:s17+$0x7690] =	vst v1  }
0x94: {  	v1 =	vld [tilespmem:s0+$0x70]  }
0x95: {  	v2 =	vld [tilespmem:s0+$0x4E90];
	_ =	sdelay $0x4  }
0x96: {  	[tilespmem:s17+$0x77A0] =	vst v2;
	v1 =	vshll.u32 v1, $0x1  }
0x97: {  	[tilespmem:s17+$0x75A0] =	vst v1  }
0x98: {  	v1 =	vld [tilespmem:s0+$0x2780];
	_ =	sdelay $0x3  }
0x99: {  	s30 =	sshll.u32 s1, $0xD  }
0x9a: {  	s31 =	sor.u32 $0x7530, s17;
	s0 =	sadd.s32 $0x7830, s30;
	[tilespmem:s17+$0x76A0] =	vst v1  }
0x9b: {  	[tilespmem:s0], [sflag:$0x1] =	stream.indirect.gather [hbm4b:s2+s20], $0x40, s31, s20, $0xb8;
	[tilespmem:$0x17830] =	vst v63  }
.LBB2_6:
0x9c: {  	s0 =	sand.u32 $0x1, s28;
	s1 =	simm.s32 $0x0  }
0x9d: {  	s28 =	sshll.u32 s0, $0x7;
	v2 =	vmov s1  }
0x9e: {  	v1 =	vmov s28;
	v2 =	vand.u32 $0x7F, v2  }
0x9f: {  	v2 =	vor.u32 v1, v2  }
0xa0: {  	v2 =	vbroadcast v2, $0x0  }
0xa1: {  	s1 =	simm.s32 $0x1  }
0xa2: {  	s1 =	simm.s32 @!p0 $0x0  }
0xa3: {  	s1 =	sshll.u32 s1, $0xD  }
0xa4: {  	s17 =	sadd.s32 $0x7850, s1  }
0xa5: {  	v5 =	vld [tilespmem:s17+$0x10]  }
0xa6: {  	v2 =	vld.idx.msk [tilespmem:v2+s24+$0x0], $0xffff;
	_ =	sdelay $0x1  }
0xa7: {  	v4 =	vld [tilespmem:s17+$0xFFFFFFF0]  }
0xa8: {  	s31 =	simm.s32 $0x1;
	v7 =	vld [tilespmem:s17+$0x0]  }
0xa9: {  	v3 =	vmov s31  }
0xaa: {  	v3 =	vand.u32 $0x7F, v3;
	v6 =	vmul.f32 v5, v2;
	v5 =	vld [tilespmem:s17+$0xFFFFFFE0]  }
0xab: {  	v3 =	vor.u32 v1, v3  }
0xac: {  	s0 =	sshll.u32 s0, $0xD;
	v3 =	vbroadcast v3, $0x0  }
0xad: {  	s30 =	simm.s32 $0x2;
	s1 =	sadd.s32 $0x7830, s0;
	s18 =	smov.u32 s17;
	v4 =	vmul.f32 v4, v2;
	v7 =	vmul.f32 v7, v2  }
.LBB2_7:
0xae: {  	p1 =	sne.s32 s30, $0x7F  }
0xaf: {  	v2 =	vmul.f32 v5, v2;
	[tilespmem:s17+$0x10] =	vst v6;
	s18 =	sadd.s32 $0x40, s18;
	s0 =	smov.u32 s30;
	s30 =	sadd.s32 $0x1, s30  }
0xb0: {  	[tilespmem:s17+$0x0] =	vst v7  }
0xb1: {  	[tilespmem:s17+$0xFFFFFFE0] =	vst v2  }
0xb2: {  	v7 =	vld [tilespmem:s18+$0xFFFFFFF0];
	[tilespmem:s17+$0xFFFFFFF0] =	vst v4;
	s17 =	smov.u32 s18  }
0xb3: {  	v2 =	vld.idx.msk [tilespmem:v3+s24+$0x0], $0xffff  }
0xb4: {  	v4 =	vld [tilespmem:s18+$0x10]  }
0xb5: {  	v8 =	vld [tilespmem:s18+$0x0]  }
.Ltmp2:
0xb6: {  	v3 =	vmov s0;
	v5 =	vld [tilespmem:s18+$0xFFFFFFE0];
	(pc) =	sbr.rel @p1 .LBB2_7-.Ltmp2, $4  }
0xb7: {  	v3 =	vand.u32 $0x7F, v3  }
0xb8: {  	v3 =	vor.u32 v1, v3  }
0xb9: {  	v3 =	vbroadcast v3, $0x0;
	v6 =	vmul.f32 v4, v2  }
0xba: {  	v4 =	vmul.f32 v7, v2;
	v7 =	vmul.f32 v8, v2  }
0xbb: {  	v1 =	vmul.f32 v5, v2;
	[tilespmem:s17+$0x10] =	vst v6  }
0xbc: {  	[tilespmem:s17+$0x0] =	vst v7  }
0xbd: {  	s0 =	sadd.s32 $0x40, s18;
	[tilespmem:s17+$0xFFFFFFE0] =	vst v1  }
0xbe: {  	v1 =	vld [tilespmem:s0+$0xFFFFFFF0];
	[tilespmem:s17+$0xFFFFFFF0] =	vst v4  }
0xbf: {  	v2 =	vld.idx.msk [tilespmem:v3+s24+$0x0], $0xffff  }
0xc0: {  	v3 =	vld [tilespmem:s0+$0x10]  }
0xc1: {  	v4 =	vld [tilespmem:s0+$0x0]  }
0xc2: {  	v63 =	vld [tilespmem:s0+$0xFFFFFFE0];
	_ =	sdelay $0x2  }
0xc3: {  	v3 =	vmul.f32 v3, v2  }
0xc4: {  	p1 =	sne.s32 s29, $0x4E;
	v4 =	vmul.f32 v4, v2  }
.Ltmp3:
0xc5: {  	v5 =	vmul.f32 v63, v2;
	[tilespmem:s0+$0x10] =	vst v3;
	(pc) =	sbr.rel @p1 .LBB2_4-.Ltmp3, $4  }
0xc6: {  	v1 =	vmul.f32 v1, v2;
	[tilespmem:s0+$0x0] =	vst v4  }
0xc7: {  	[tilespmem:s0+$0xFFFFFFE0] =	vst v5  }
0xc8: {  	s31 =	sor.u32 $0x7630, s28;
	p0 =	por !p0, !p0;
	s28 =	smov.u32 s29;
	[tilespmem:s0+$0xFFFFFFF0] =	vst v1  }
0xc9: {  	[spmem:s3] =	stream.indirect.scatter.add.f32 [tilespmem:s1], [sflag:$0x2], $0x40, s31, s20, $0xb8;
	[tilespmem:$0x17830] =	vst v63  }
0xca: {  	_ =	swait.ge [sflag:s25], $0x2000  }
0xcb: {  	[sflag:s25] =	ssyncset.done $0x0  }
0xcc: {  	[sflag:s25] =	ssyncadd.s32 $0xFFFFE000  }
0xcd: {  	v1 =	vld [tilespmem:$0x2700];
	_ =	sdelay $0x3  }
0xce: {  	v2 =	vld [tilespmem:$0x7520]  }
0xcf: {  	v3 =	vshll.u32 v1, $0x1;
	_ =	sdelay $0x3  }
0xd0: {  	s0 =	simm.s32 $0x0;
	[tilespmem:$0x7730] =	vst v2  }
0xd1: {  	v1 =	vld [tilespmem:$0x4E10];
	[tilespmem:s22], [sflag:$0x3] =	stream.indirect_vreg.gather [hbm4b:s2+s0], $0x40, v3, vm0, $0xb8  }
0xd2: {  	v2 =	vmov s0;
	_ =	swait.ge [sflag:s16], $0x400  }
0xd3: {  	[sflag:s16] =	ssyncset.done $0x0  }
0xd4: {  	s1 =	simm.s32 $0x7850;
	[sflag:s16] =	ssyncadd.s32 $0xFFFFFC00  }
0xd5: {  	v4 =	vld [tilespmem:s1+$0xFFFFFFF0]  }
0xd6: {  	v5 =	vld [tilespmem:s1+$0x10]  }
0xd7: {  	v7 =	vld.idx.msk [tilespmem:v2+s24+$0x0], $0xffff  }
0xd8: {  	v2 =	vld [tilespmem:s1+$0xFFFFFFE0]  }
0xd9: {  	v8 =	vld [tilespmem:s1+$0x0];
	_ =	sdelay $0x3  }
0xda: {  	s17 =	simm.s32 $0x1;
	v3 =	vmul.f32 v2, v7;
	v6 =	vmul.f32 v5, v7  }
0xdb: {  	s0 =	simm.s32 $0x2;
	v2 =	vmov s17;
	v5 =	vmul.f32 v4, v7;
	v4 =	vmul.f32 v8, v7;
	s17 =	simm.s32 $0x7850  }
.LBB2_10:
0xdc: {  	p0 =	sne.s32 s0, $0xF  }
0xdd: {  	[tilespmem:s1+$0x10] =	vst v6;
	s17 =	sadd.s32 $0x40, s17;
	s18 =	smov.u32 s0;
	s0 =	sadd.s32 $0x1, s0  }
0xde: {  	[tilespmem:s1+$0xFFFFFFE0] =	vst v3  }
0xdf: {  	v7 =	vld [tilespmem:s17+$0xFFFFFFF0];
	[tilespmem:s1+$0xFFFFFFF0] =	vst v5  }
0xe0: {  	v5 =	vld [tilespmem:s17+$0x10];
	[tilespmem:s1+$0x0] =	vst v4;
	s1 =	smov.u32 s17  }
0xe1: {  	v4 =	vld.idx.msk [tilespmem:v2+s24+$0x0], $0xffff  }
0xe2: {  	v2 =	vld [tilespmem:s17+$0xFFFFFFE0]  }
0xe3: {  	v8 =	vld [tilespmem:s17+$0x0]  }
.Ltmp4:
0xe4: {  	(pc) =	sbr.rel @p0 .LBB2_10-.Ltmp4, $3  }
0xe5: {  	_ =	sdelay $0x1  }
0xe6: {  	v6 =	vmul.f32 v5, v4;
	v3 =	vmul.f32 v2, v4  }
0xe7: {  	v5 =	vmul.f32 v7, v4;
	v2 =	vmov s18;
	v4 =	vmul.f32 v8, v4  }
0xe8: {  	[tilespmem:s1+$0x10] =	vst v6  }
0xe9: {  	s0 =	sadd.s32 $0x40, s17;
	[tilespmem:s1+$0xFFFFFFE0] =	vst v3  }
0xea: {  	v3 =	vld [tilespmem:s0+$0xFFFFFFF0];
	[tilespmem:s1+$0xFFFFFFF0] =	vst v5  }
0xeb: {  	v5 =	vld [tilespmem:s0+$0x10];
	[tilespmem:s1+$0x0] =	vst v4  }
0xec: {  	v2 =	vld.idx.msk [tilespmem:v2+s24+$0x0], $0xffff  }
0xed: {  	v4 =	vld [tilespmem:s0+$0xFFFFFFE0];
	_ =	sdelay $0x1  }
0xee: {  	v6 =	vld [tilespmem:s0+$0x0];
	_ =	sdelay $0x1  }
0xef: {  	v5 =	vmul.f32 v5, v2  }
0xf0: {  	v4 =	vmul.f32 v4, v2  }
0xf1: {  	v3 =	vmul.f32 v3, v2;
	[tilespmem:s0+$0x10] =	vst v5  }
0xf2: {  	v2 =	vmul.f32 v6, v2;
	[tilespmem:s0+$0xFFFFFFE0] =	vst v4  }
0xf3: {  	[tilespmem:s0+$0xFFFFFFF0] =	vst v3  }
0xf4: {  	[tilespmem:s0+$0x0] =	vst v2  }
0xf5: {  	[spmem:s3] =	stream.indirect_vreg.scatter.add.f32 [tilespmem:s22], [sflag:$0x3], $0x40, v1, vm0, $0xb8;
	[tilespmem:$0x17830] =	vst v63  }
0xf6: {  	_ =	swait.ge [sflag:s16], $0x400  }
0xf7: {  	s30 =	stileid.u32;
	[sflag:s16] =	ssyncset.done $0x0  }
0xf8: {  	s0 =	sshll.u32 s30, $0x6;
	[sflag:s16] =	ssyncadd.s32 $0xFFFFFC00  }
0xf9: {  	s29 =	sshrl.u32 s8, $0x3;
	s28 =	sor.u32 $0x1C03, s0;
	[bflag:$0x0] =	sbarrier.arrive $0xFFFF  }
0xfa: {  	[hbm:s14], [sflag:s28] =	dma.local [spmem:s29], $0x1400  }
0xfb: {  	_ =	swait.ge [sflag:s16], $0x1400  }
0xfc: {  	[sflag:s16] =	ssyncset.done $0x0  }
0xfd: {  	[sflag:s16] =	ssyncadd.s32 $0xFFFFEC00  }
0xfe: {  	[bflag:$0x0] =	sbarrier.arrive $0xFFFF  }
0xff: {  	[spmem:s8] =	stream.linear.scatter [tilespmem:s19], [sflag:$0x3], $0x2000, $0x38;
	[tilespmem:$0x17830] =	vst v63  }
0x100: {  	_ =	swait.ge [sflag:s16], $0x2000  }
0x101: {  	[sflag:s16] =	ssyncset.done $0x0  }
0x102: {  	[sflag:s16] =	ssyncadd.s32 $0xFFFFE000  }
0x103: {  	[spmem:s9] =	stream.linear.scatter [tilespmem:s19], [sflag:$0x3], $0x2000, $0x38;
	[tilespmem:$0x17830] =	vst v63  }
0x104: {  	_ =	swait.ge [sflag:s16], $0x2000  }
0x105: {  	[sflag:s16] =	ssyncset.done $0x0  }
0x106: {  	[sflag:s16] =	ssyncadd.s32 $0xFFFFE000  }
0x107: {  	[spmem:s10] =	stream.linear.scatter [tilespmem:s19], [sflag:$0x3], $0x2000, $0x38;
	[tilespmem:$0x17830] =	vst v63  }
0x108: {  	_ =	swait.ge [sflag:s16], $0x2000  }
0x109: {  	[sflag:s16] =	ssyncset.done $0x0  }
0x10a: {  	[sflag:s16] =	ssyncadd.s32 $0xFFFFE000  }
0x10b: {  	[spmem:s11] =	stream.linear.scatter [tilespmem:s19], [sflag:$0x3], $0x2000, $0x38;
	[tilespmem:$0x17830] =	vst v63  }
0x10c: {  	_ =	swait.ge [sflag:s16], $0x2000  }
0x10d: {  	[sflag:s16] =	ssyncset.done $0x0  }
0x10e: {  	[sflag:s16] =	ssyncadd.s32 $0xFFFFE000  }
0x10f: {  	[spmem:s12] =	stream.linear.scatter [tilespmem:s19], [sflag:$0x3], $0x2000, $0x38;
	[tilespmem:$0x17830] =	vst v63  }
0x110: {  	_ =	swait.ge [sflag:s16], $0x2000  }
0x111: {  	[sflag:s16] =	ssyncset.done $0x0  }
0x112: {  	[sflag:s16] =	ssyncadd.s32 $0xFFFFE000  }
0x113: {  	[bflag:$0x0] =	sbarrier.arrive $0xFFFF  }
0x114: {  	v1 =	vld [tilespmem:$0x0]  }
0x115: {  	v2 =	vld [tilespmem:$0x4E20]  }
0x116: {  	v3 =	vld [tilespmem:$0x2710]  }
0x117: {  	v52 =	vld [tilespmem:$0x10]  }
0x118: {  	v53 =	vld [tilespmem:$0x4E30]  }
0x119: {  	v54 =	vld [tilespmem:$0x2720];
	v1 =	vshll.u32 v1, $0x1  }
0x11a: {  	[tilespmem:$0x7730] =	vst v2;
	v2 =	vld [tilespmem:$0x20];
	v1 =	vor.u32 $0x1, v1  }
0x11b: {  	[tilespmem:$0x7530] =	vst v1;
	v1 =	vld [tilespmem:$0x4E40]  }
0x11c: {  	v55 =	vld [tilespmem:$0x2730];
	[tilespmem:$0x7630] =	vst v3;
	v3 =	vshll.u32 v52, $0x1  }
0x11d: {  	v56 =	vld [tilespmem:$0x30];
	[tilespmem:$0x7740] =	vst v53;
	v3 =	vor.u32 $0x1, v3  }
0x11e: {  	[tilespmem:$0x7540] =	vst v3;
	v3 =	vld [tilespmem:$0x4E50]  }
0x11f: {  	v57 =	vld [tilespmem:$0x2740];
	[tilespmem:$0x7640] =	vst v54;
	v2 =	vshll.u32 v2, $0x1  }
0x120: {  	[tilespmem:$0x7750] =	vst v1;
	v1 =	vor.u32 $0x1, v2;
	v2 =	vld [tilespmem:$0x40]  }
0x121: {  	[tilespmem:$0x7550] =	vst v1;
	v1 =	vld [tilespmem:$0x4E60]  }
0x122: {  	v59 =	vld [tilespmem:$0x2750];
	[tilespmem:$0x7650] =	vst v55;
	v58 =	vshll.u32 v56, $0x1  }
0x123: {  	v60 =	vld [tilespmem:$0x50];
	[tilespmem:$0x7760] =	vst v3;
	v3 =	vor.u32 $0x1, v58  }
0x124: {  	[tilespmem:$0x7560] =	vst v3;
	v3 =	vld [tilespmem:$0x4E70]  }
0x125: {  	v61 =	vld [tilespmem:$0x2760];
	[tilespmem:$0x7660] =	vst v57;
	v2 =	vshll.u32 v2, $0x1  }
0x126: {  	[tilespmem:$0x7770] =	vst v1;
	v1 =	vor.u32 $0x1, v2;
	v2 =	vld [tilespmem:$0x60]  }
0x127: {  	[tilespmem:$0x7570] =	vst v1;
	v1 =	vld [tilespmem:$0x4E80]  }
0x128: {  	v62 =	vld [tilespmem:$0x2770];
	[tilespmem:$0x7670] =	vst v59;
	v4 =	vshll.u32 v60, $0x1  }
0x129: {  	v63 =	vld [tilespmem:$0x70];
	[tilespmem:$0x7780] =	vst v3;
	v3 =	vor.u32 $0x1, v4  }
0x12a: {  	[tilespmem:$0x7580] =	vst v3;
	v3 =	vld [tilespmem:$0x4E90]  }
0x12b: {  	[tilespmem:$0x7680] =	vst v61;
	v2 =	vshll.u32 v2, $0x1  }
0x12c: {  	[tilespmem:$0x7790] =	vst v1;
	v1 =	vor.u32 $0x1, v2;
	v2 =	vld [tilespmem:$0x2780]  }
0x12d: {  	[tilespmem:$0x7690] =	vst v62  }
0x12e: {  	[tilespmem:$0x7590] =	vst v1;
	v1 =	vshll.u32 v63, $0x1  }
0x12f: {  	[tilespmem:$0x77A0] =	vst v3;
	v1 =	vor.u32 $0x1, v1  }
0x130: {  	[tilespmem:$0x75A0] =	vst v1  }
0x131: {  	s31 =	simm.s32 $0x0;
	p0 =	por $0x0, $0x0;
	[tilespmem:$0x76A0] =	vst v2  }
0x132: {  	[tilespmem:s22], [sflag:$0x1] =	stream.indirect.gather [hbm4b:s2+s20], $0x40, s21, s20, $0xb8;
	[tilespmem:$0x17830] =	vst v63  }
.LBB2_12:
0x133: {  	p1 =	seq.s32 s31, $0x0  }
0x134: {  	p2 =	seq.s32 @!p1 s31, $0x4D  }
0x135: {  	_ =	swait.ge [sflag:s23], $0x2000;
	p2 =	por p1, !p2  }
.Ltmp5:
0x136: {  	[sflag:s23] =	ssyncset.done $0x0;
	(pc) =	sbr.rel @!p2 .LBB2_14-.Ltmp5, $4  }
0x137: {  	s0 =	simm.s32 @!p1 $0x2;
	[sflag:s23] =	ssyncadd.s32 $0xFFFFE000  }
0x138: {  	_ =	swait.ge @!p1 [sflag:s0], $0x2000  }
0x139: {  	[sflag:s0] =	ssyncset.done @!p1 $0x0  }
0x13a: {  	s30 =	sadd.s32 $0x1, s31;
	[sflag:s0] =	ssyncadd.s32 @!p1 $0xFFFFE000  }
0x13b: {  	s1 =	sshll.u32 s30, $0x7  }
0x13c: {  	v1 =	vld [tilespmem:s1+$0x0]  }
0x13d: {  	v2 =	vld [tilespmem:s1+$0x4E20];
	_ =	sdelay $0x2  }
0x13e: {  	s18 =	sand.u32 $0x1, s30  }
0x13f: {  	s17 =	sshll.u32 s18, $0x7;
	v1 =	vshll.u32 v1, $0x1  }
0x140: {  	[tilespmem:s17+$0x7730] =	vst v2;
	v1 =	vor.u32 $0x1, v1  }
0x141: {  	[tilespmem:s17+$0x7530] =	vst v1  }
0x142: {  	v1 =	vld [tilespmem:s1+$0x2710];
	_ =	sdelay $0x4  }
0x143: {  	[tilespmem:s17+$0x7630] =	vst v1  }
0x144: {  	v1 =	vld [tilespmem:s1+$0x10]  }
0x145: {  	v2 =	vld [tilespmem:s1+$0x4E30];
	_ =	sdelay $0x3  }
0x146: {  	v1 =	vshll.u32 v1, $0x1  }
0x147: {  	[tilespmem:s17+$0x7740] =	vst v2;
	v1 =	vor.u32 $0x1, v1  }
0x148: {  	[tilespmem:s17+$0x7540] =	vst v1  }
0x149: {  	v1 =	vld [tilespmem:s1+$0x2720];
	_ =	sdelay $0x4  }
0x14a: {  	[tilespmem:s17+$0x7640] =	vst v1  }
0x14b: {  	v1 =	vld [tilespmem:s1+$0x20]  }
0x14c: {  	v2 =	vld [tilespmem:s1+$0x4E40];
	_ =	sdelay $0x3  }
0x14d: {  	v1 =	vshll.u32 v1, $0x1  }
0x14e: {  	[tilespmem:s17+$0x7750] =	vst v2;
	v1 =	vor.u32 $0x1, v1  }
0x14f: {  	[tilespmem:s17+$0x7550] =	vst v1  }
0x150: {  	v1 =	vld [tilespmem:s1+$0x2730];
	_ =	sdelay $0x4  }
0x151: {  	[tilespmem:s17+$0x7650] =	vst v1  }
0x152: {  	v1 =	vld [tilespmem:s1+$0x30]  }
0x153: {  	v2 =	vld [tilespmem:s1+$0x4E50];
	_ =	sdelay $0x3  }
0x154: {  	v1 =	vshll.u32 v1, $0x1  }
0x155: {  	[tilespmem:s17+$0x7760] =	vst v2;
	v1 =	vor.u32 $0x1, v1  }
0x156: {  	[tilespmem:s17+$0x7560] =	vst v1  }
0x157: {  	v1 =	vld [tilespmem:s1+$0x2740];
	_ =	sdelay $0x4  }
0x158: {  	[tilespmem:s17+$0x7660] =	vst v1  }
0x159: {  	v1 =	vld [tilespmem:s1+$0x40]  }
0x15a: {  	v2 =	vld [tilespmem:s1+$0x4E60];
	_ =	sdelay $0x3  }
0x15b: {  	v1 =	vshll.u32 v1, $0x1  }
0x15c: {  	[tilespmem:s17+$0x7770] =	vst v2;
	v1 =	vor.u32 $0x1, v1  }
0x15d: {  	[tilespmem:s17+$0x7570] =	vst v1  }
0x15e: {  	v1 =	vld [tilespmem:s1+$0x2750];
	_ =	sdelay $0x4  }
0x15f: {  	[tilespmem:s17+$0x7670] =	vst v1  }
0x160: {  	v1 =	vld [tilespmem:s1+$0x50]  }
0x161: {  	v2 =	vld [tilespmem:s1+$0x4E70];
	_ =	sdelay $0x3  }
0x162: {  	v1 =	vshll.u32 v1, $0x1  }
0x163: {  	[tilespmem:s17+$0x7780] =	vst v2;
	v1 =	vor.u32 $0x1, v1  }
0x164: {  	[tilespmem:s17+$0x7580] =	vst v1  }
0x165: {  	v1 =	vld [tilespmem:s1+$0x2760];
	_ =	sdelay $0x4  }
0x166: {  	[tilespmem:s17+$0x7680] =	vst v1  }
0x167: {  	v1 =	vld [tilespmem:s1+$0x60]  }
0x168: {  	v2 =	vld [tilespmem:s1+$0x4E80];
	_ =	sdelay $0x3  }
0x169: {  	v1 =	vshll.u32 v1, $0x1  }
0x16a: {  	[tilespmem:s17+$0x7790] =	vst v2;
	v1 =	vor.u32 $0x1, v1  }
0x16b: {  	[tilespmem:s17+$0x7590] =	vst v1  }
0x16c: {  	v1 =	vld [tilespmem:s1+$0x2770];
	_ =	sdelay $0x4  }
0x16d: {  	[tilespmem:s17+$0x7690] =	vst v1  }
0x16e: {  	v1 =	vld [tilespmem:s1+$0x70]  }
0x16f: {  	v2 =	vld [tilespmem:s1+$0x4E90];
	_ =	sdelay $0x3  }
0x170: {  	v1 =	vshll.u32 v1, $0x1  }
0x171: {  	[tilespmem:s17+$0x77A0] =	vst v2;
	v1 =	vor.u32 $0x1, v1  }
0x172: {  	[tilespmem:s17+$0x75A0] =	vst v1  }
0x173: {  	v1 =	vld [tilespmem:s1+$0x2780];
	_ =	sdelay $0x3  }
0x174: {  	s0 =	sshll.u32 s18, $0xD  }
0x175: {  	s0 =	sadd.s32 $0x7830, s0;
	s18 =	sor.u32 $0x7530, s17;
	[tilespmem:s17+$0x76A0] =	vst v1  }
0x176: {  	[tilespmem:s0], [sflag:$0x1] =	stream.indirect.gather [hbm4b:s2+s20], $0x40, s18, s20, $0xb8;
	[tilespmem:$0x17830] =	vst v63  }
.LBB2_14:
0x177: {  	s0 =	sand.u32 $0x1, s31;
	s1 =	simm.s32 $0x0  }
0x178: {  	s31 =	sshll.u32 s0, $0x7;
	v2 =	vmov s1  }
0x179: {  	v1 =	vmov s31;
	v2 =	vand.u32 $0x7F, v2  }
0x17a: {  	v2 =	vor.u32 v1, v2  }
0x17b: {  	v2 =	vbroadcast v2, $0x0  }
0x17c: {  	s1 =	simm.s32 $0x1  }
0x17d: {  	s1 =	simm.s32 @!p0 $0x0  }
0x17e: {  	s1 =	sshll.u32 s1, $0xD  }
0x17f: {  	s17 =	sadd.s32 $0x7850, s1  }
0x180: {  	v5 =	vld [tilespmem:s17+$0x10]  }
0x181: {  	v2 =	vld.idx.msk [tilespmem:v2+s24+$0x0], $0xffff;
	_ =	sdelay $0x1  }
0x182: {  	v4 =	vld [tilespmem:s17+$0xFFFFFFF0]  }
0x183: {  	s18 =	simm.s32 $0x1;
	v7 =	vld [tilespmem:s17+$0x0]  }
0x184: {  	v3 =	vmov s18  }
0x185: {  	v3 =	vand.u32 $0x7F, v3;
	v6 =	vmul.f32 v5, v2;
	v5 =	vld [tilespmem:s17+$0xFFFFFFE0]  }
0x186: {  	v3 =	vor.u32 v1, v3  }
0x187: {  	s0 =	sshll.u32 s0, $0xD;
	v3 =	vbroadcast v3, $0x0  }
0x188: {  	s1 =	sadd.s32 $0x7830, s0;
	s0 =	simm.s32 $0x2;
	s18 =	smov.u32 s17;
	v4 =	vmul.f32 v4, v2;
	v7 =	vmul.f32 v7, v2  }
.LBB2_15:
0x189: {  	p1 =	sne.s32 s0, $0x7F  }
0x18a: {  	v2 =	vmul.f32 v5, v2;
	[tilespmem:s17+$0x10] =	vst v6;
	s18 =	sadd.s32 $0x40, s18;
	s4 =	smov.u32 s0;
	s0 =	sadd.s32 $0x1, s0  }
0x18b: {  	[tilespmem:s17+$0x0] =	vst v7  }
0x18c: {  	[tilespmem:s17+$0xFFFFFFE0] =	vst v2  }
0x18d: {  	v7 =	vld [tilespmem:s18+$0xFFFFFFF0];
	[tilespmem:s17+$0xFFFFFFF0] =	vst v4;
	s17 =	smov.u32 s18  }
0x18e: {  	v2 =	vld.idx.msk [tilespmem:v3+s24+$0x0], $0xffff  }
0x18f: {  	v4 =	vld [tilespmem:s18+$0x10]  }
0x190: {  	v8 =	vld [tilespmem:s18+$0x0]  }
.Ltmp6:
0x191: {  	v3 =	vmov s4;
	v5 =	vld [tilespmem:s18+$0xFFFFFFE0];
	(pc) =	sbr.rel @p1 .LBB2_15-.Ltmp6, $4  }
0x192: {  	v3 =	vand.u32 $0x7F, v3  }
0x193: {  	v3 =	vor.u32 v1, v3  }
0x194: {  	v3 =	vbroadcast v3, $0x0;
	v6 =	vmul.f32 v4, v2  }
0x195: {  	v4 =	vmul.f32 v7, v2;
	v7 =	vmul.f32 v8, v2  }
0x196: {  	v1 =	vmul.f32 v5, v2;
	[tilespmem:s17+$0x10] =	vst v6  }
0x197: {  	[tilespmem:s17+$0x0] =	vst v7  }
0x198: {  	s0 =	sadd.s32 $0x40, s18;
	[tilespmem:s17+$0xFFFFFFE0] =	vst v1  }
0x199: {  	v1 =	vld [tilespmem:s0+$0xFFFFFFF0];
	[tilespmem:s17+$0xFFFFFFF0] =	vst v4  }
0x19a: {  	v2 =	vld.idx.msk [tilespmem:v3+s24+$0x0], $0xffff  }
0x19b: {  	v3 =	vld [tilespmem:s0+$0x10]  }
0x19c: {  	v4 =	vld [tilespmem:s0+$0x0]  }
0x19d: {  	v63 =	vld [tilespmem:s0+$0xFFFFFFE0];
	_ =	sdelay $0x2  }
0x19e: {  	v3 =	vmul.f32 v3, v2  }
0x19f: {  	p1 =	sne.s32 s30, $0x4E;
	v4 =	vmul.f32 v4, v2  }
.Ltmp7:
0x1a0: {  	v5 =	vmul.f32 v63, v2;
	[tilespmem:s0+$0x10] =	vst v3;
	(pc) =	sbr.rel @p1 .LBB2_12-.Ltmp7, $4  }
0x1a1: {  	v1 =	vmul.f32 v1, v2;
	[tilespmem:s0+$0x0] =	vst v4  }
0x1a2: {  	[tilespmem:s0+$0xFFFFFFE0] =	vst v5  }
0x1a3: {  	s18 =	sor.u32 $0x7630, s31;
	p0 =	por !p0, !p0;
	s31 =	smov.u32 s30;
	[tilespmem:s0+$0xFFFFFFF0] =	vst v1  }
0x1a4: {  	[spmem:s3] =	stream.indirect.scatter.add.f32 [tilespmem:s1], [sflag:$0x2], $0x40, s18, s20, $0xb8;
	[tilespmem:$0x17830] =	vst v63  }
0x1a5: {  	_ =	swait.ge [sflag:s25], $0x2000  }
0x1a6: {  	[sflag:s25] =	ssyncset.done $0x0  }
0x1a7: {  	[sflag:s25] =	ssyncadd.s32 $0xFFFFE000  }
0x1a8: {  	v1 =	vld [tilespmem:$0x2700];
	_ =	sdelay $0x4  }
0x1a9: {  	v2 =	vld [tilespmem:$0x7520];
	v1 =	vshll.u32 v1, $0x1  }
0x1aa: {  	v3 =	vor.u32 $0x1, v1;
	_ =	sdelay $0x3  }
0x1ab: {  	s0 =	simm.s32 $0x0;
	[tilespmem:$0x7730] =	vst v2  }
0x1ac: {  	v1 =	vld [tilespmem:$0x4E10];
	[tilespmem:s22], [sflag:$0x3] =	stream.indirect_vreg.gather [hbm4b:s2+s0], $0x40, v3, vm0, $0xb8  }
0x1ad: {  	v2 =	vmov s0;
	_ =	swait.ge [sflag:s16], $0x400  }
0x1ae: {  	[sflag:s16] =	ssyncset.done $0x0  }
0x1af: {  	s1 =	simm.s32 $0x7850;
	[sflag:s16] =	ssyncadd.s32 $0xFFFFFC00  }
0x1b0: {  	v4 =	vld [tilespmem:s1+$0xFFFFFFF0]  }
0x1b1: {  	v5 =	vld [tilespmem:s1+$0x10]  }
0x1b2: {  	v7 =	vld.idx.msk [tilespmem:v2+s24+$0x0], $0xffff  }
0x1b3: {  	v2 =	vld [tilespmem:s1+$0xFFFFFFE0]  }
0x1b4: {  	v8 =	vld [tilespmem:s1+$0x0];
	_ =	sdelay $0x3  }
0x1b5: {  	s4 =	simm.s32 $0x1;
	v3 =	vmul.f32 v2, v7;
	v6 =	vmul.f32 v5, v7  }
0x1b6: {  	s17 =	simm.s32 $0x7850;
	s0 =	simm.s32 $0x2;
	v2 =	vmov s4;
	v5 =	vmul.f32 v4, v7;
	v4 =	vmul.f32 v8, v7  }
.LBB2_18:
0x1b7: {  	p0 =	sne.s32 s0, $0xF  }
0x1b8: {  	[tilespmem:s1+$0x10] =	vst v6;
	s17 =	sadd.s32 $0x40, s17;
	s4 =	smov.u32 s0;
	s0 =	sadd.s32 $0x1, s0  }
0x1b9: {  	[tilespmem:s1+$0xFFFFFFE0] =	vst v3  }
0x1ba: {  	v7 =	vld [tilespmem:s17+$0xFFFFFFF0];
	[tilespmem:s1+$0xFFFFFFF0] =	vst v5  }
0x1bb: {  	v5 =	vld [tilespmem:s17+$0x10];
	[tilespmem:s1+$0x0] =	vst v4;
	s1 =	smov.u32 s17  }
0x1bc: {  	v4 =	vld.idx.msk [tilespmem:v2+s24+$0x0], $0xffff  }
0x1bd: {  	v2 =	vld [tilespmem:s17+$0xFFFFFFE0]  }
0x1be: {  	v8 =	vld [tilespmem:s17+$0x0]  }
.Ltmp8:
0x1bf: {  	(pc) =	sbr.rel @p0 .LBB2_18-.Ltmp8, $3  }
0x1c0: {  	_ =	sdelay $0x1  }
0x1c1: {  	v6 =	vmul.f32 v5, v4;
	v3 =	vmul.f32 v2, v4  }
0x1c2: {  	v5 =	vmul.f32 v7, v4;
	v2 =	vmov s4;
	v4 =	vmul.f32 v8, v4  }
0x1c3: {  	[tilespmem:s1+$0x10] =	vst v6  }
0x1c4: {  	s0 =	sadd.s32 $0x40, s17;
	[tilespmem:s1+$0xFFFFFFE0] =	vst v3  }
0x1c5: {  	v3 =	vld [tilespmem:s0+$0xFFFFFFF0];
	[tilespmem:s1+$0xFFFFFFF0] =	vst v5  }
0x1c6: {  	v5 =	vld [tilespmem:s0+$0x10];
	[tilespmem:s1+$0x0] =	vst v4  }
0x1c7: {  	v2 =	vld.idx.msk [tilespmem:v2+s24+$0x0], $0xffff  }
0x1c8: {  	v4 =	vld [tilespmem:s0+$0xFFFFFFE0];
	_ =	sdelay $0x1  }
0x1c9: {  	v6 =	vld [tilespmem:s0+$0x0];
	_ =	sdelay $0x1  }
0x1ca: {  	v5 =	vmul.f32 v5, v2  }
0x1cb: {  	v4 =	vmul.f32 v4, v2  }
0x1cc: {  	v3 =	vmul.f32 v3, v2;
	[tilespmem:s0+$0x10] =	vst v5  }
0x1cd: {  	v2 =	vmul.f32 v6, v2;
	[tilespmem:s0+$0xFFFFFFE0] =	vst v4  }
0x1ce: {  	[tilespmem:s0+$0xFFFFFFF0] =	vst v3  }
0x1cf: {  	[tilespmem:s0+$0x0] =	vst v2  }
0x1d0: {  	[spmem:s3] =	stream.indirect_vreg.scatter.add.f32 [tilespmem:s22], [sflag:$0x3], $0x40, v1, vm0, $0xb8;
	[tilespmem:$0x17830] =	vst v63  }
0x1d1: {  	_ =	swait.ge [sflag:s16], $0x400  }
0x1d2: {  	[sflag:s16] =	ssyncset.done $0x0  }
0x1d3: {  	s26 =	sadd.s32 $0x1, s26;
	[sflag:s16] =	ssyncadd.s32 $0xFFFFFC00  }
0x1d4: {  	p0 =	sne.s32 s26, s13;
	[bflag:$0x0] =	sbarrier.arrive $0xFFFF  }
0x1d5: {  	[hbm:s15], [sflag:s28] =	dma.local [spmem:s29], $0x1400  }
.Ltmp9:
0x1d6: {  	_ =	swait.ge [sflag:s16], $0x1400;
	(pc) =	sbr.rel @p0 .LBB2_1-.Ltmp9, $3  }
0x1d7: {  	[sflag:s16] =	ssyncset.done $0x0  }
0x1d8: {  	[sflag:s16] =	ssyncadd.s32 $0xFFFFEC00  }
0x1d9: {  	[bflag:$0x0] =	sbarrier.arrive $0xFFFF;
	_ =	sdelay $0x1  }
0x1da: {  	_ =	sfence.sel $0x180000  }
0x1db: {  	[bflag:$0x0] =	sbarrier.arrive $0xFFFF  }
0x1dc: {  	_ =	strace $0x9000004D  }
0x1dd: {  	s0 =	stileid.u32;
	[bflag:$0x2] =	sbarrier.arrive $0xFFFF  }
0x1de: {  	p0 =	sne.s32 s0, $0x0;
	s0 =	rddreg [dreg:$0x3]  }
0x1df: {  	s0 =	sadd.s32 @!p0 $0x100000, s0  }
0x1e0: {  	[sflag:s0] =	ssyncadd.tile.s32 @!p0 $0x1;
	_ =	shalt  }
.Lfunc_end2:
_tile_overlayer_lowered:
.L_overlay_start_2:
0x1e1: {  	(tag) =	ssettag $0x2  }
0x1e2: {  	s0 =	rddreg [dreg:$0x0];
	s2 =	stileid.u32  }
0x1e3: {  	s1 =	rddreg [dreg:$0x1];
	p0 =	sne.s32 s2, $0x0  }
0x1e4: {  	s3 =	rddreg [dreg:$0x2];
	[bflag:$0x3] =	sbarrier.arrive $0xFFFF;
	s2 =	simm.s32 @!p0 $0x1C03  }
0x1e5: {  	[timem:s3], [sflag:s2] =	dma.local @!p0 [hbm:s0], s1  }
0x1e6: {  	s0 =	simm.s32 @!p0 $0x3  }
0x1e7: {  	_ =	swait.ge @!p0 [sflag:s0], s1  }
0x1e8: {  	s1 =	ssub.s32 @!p0 $0x0, s1;
	[sflag:s0] =	ssyncset.done @!p0 $0x0  }
0x1e9: {  	[sflag:s0] =	ssyncadd.s32 @!p0 s1  }
0x1ea: {  	[bflag:$0x3] =	sbarrier.arrive $0xFFFF  }
0x1eb: {  	_ =	shalt  }

// kernel: kernel.7.cloned.1.call-start
scs
__scs_entry_jumppad:
0x0: {  	(pc) =	sbr.rel $0x88, $3  }
0x1: {  	(tag) =	ssettag $0x0;
	lr =	simm.s32 $0x1  }
0x2: {  	[smem:$0x3F9C] =	sst lr;
	_ =	strace $0xD0000000  }
0x3: {  	_ = 	snop  }
0x4: {  	_ = 	snop  }
0x5: {  	_ = 	snop  }
0x6: {  	_ = 	snop  }
0x7: {  	_ = 	snop  }
__scs_overlays_trampoline_lowered:
0x8: {  	[smem:$0x3FAB] =	sst s0  }
0x9: {  	[smem:$0x3FAC] =	sst s1  }
0xa: {  	[smem:$0x3FAD] =	sst s2  }
0xb: {  	[smem:$0x3FAE] =	sst s3  }
0xc: {  	[smem:$0x3FAF] =	sst s4  }
0xd: {  	[smem:$0x3FB0] =	sst s5  }
0xe: {  	[smem:$0x3FB1] =	sst s6  }
0xf: {  	[smem:$0x3FB2] =	sst s7  }
0x10: {  	[smem:$0x3FB3] =	sst s8  }
0x11: {  	[smem:$0x3FB4] =	sst s9;
	s0 =	simm.s32 @!p0 $0x0  }
0x12: {  	s1 =	sld [smem:$0x3F9A];
	s0 =	simm.s32 @p0 $0x1  }
0x13: {  	[smem:$0x3FB5] =	sst s0;
	s0 =	simm.s32 @!p1 $0x0  }
0x14: {  	s2 =	sld [smem:$0x3F99];
	s0 =	simm.s32 @p1 $0x1  }
0x15: {  	[smem:$0x3FB6] =	sst s0;
	s0 =	simm.s32 @!p2 $0x0  }
0x16: {  	s3 =	sld [smem:$0x3FDB];
	s0 =	simm.s32 @p2 $0x1  }
0x17: {  	s4 =	simm.s32 $0x1BF5;
	[smem:$0x3FB8] =	sst s0  }
0x18: {  	s0 =	sld [smem:$0x3F9B];
	_ =	swait.ge [sflag:s4], $0x0  }
0x19: {  	s7 =	sld [smem:$0x3F9C]  }
0x1a: {  	s8 =	sadd.s32 $0xFFFFE003, lr  }
0x1b: {  	s9 =	sadd.s32 $0xFFFFFEF7, lr;
	s5 =	simm.s32 $0xFFFFFFFF;
	p2 =	slt.u32 s8, $0xFFFFF086  }
0x1c: {  	p1 =	slt.u32 s9, $0xF7A;
	s5 =	simm.s32 @!p2 $0x0  }
0x1d: {  	s5 =	simm.s32 @p1 $0x1;
	p0 =	seq.s32 s7, s2  }
0x1e: {  	s7 =	smul.u32 @!p0 $0xF7A, s2;
	p2 =	seq.s32 @!p0 s5, $0x0  }
0x1f: {  	s9 =	smul.u32 $0xF7A, s1;
	s8 =	simm.s32 @!p0 $0x1BF5;
	p2 =	por !p2, p0  }
0x20: {  	[sflag:s8] =	ssyncset.s32 @!p0 $0xFFFFF086;
	s6 =	sadd.s32 @!p0 s3, s7;
	s7 =	simm.s32 @!p0 $0x108  }
0x21: {  	s3 =	sadd.s32 s3, s9;
	s6 =	sadd.s32 @!p0 $0x88, s6;
	s7 =	simm.s32 @p2 $0x1082  }
0x22: {  	[simem:s7], [sflag:s8] =	dma.local @!p0 [hbm:s6], $0xF7A  }
0x23: {  	s9 =	sor.u32 $0xD0000000, s2;
	s6 =	simm.s32 $0x108;
	_ =	swait.ge @!p0 [sflag:s8], $0x0  }
0x24: {  	s3 =	sadd.s32 $0x88, s3;
	s6 =	simm.s32 @!p1 $0x1082;
	[sflag:s4] =	ssyncset.s32 $0xFFFFF086  }
0x25: {  	[simem:s6], [sflag:s4] =	dma.local [hbm:s3], $0xF7A  }
0x26: {  	[smem:$0x3F9C] =	sst s1;
	(tag) =	ssettag s2;
	_ =	strace s9  }
0x27: {  	s1 =	sld [smem:$0x3FAC]  }
0x28: {  	s2 =	sld [smem:$0x3FAD]  }
0x29: {  	s4 =	sld [smem:$0x3FAF]  }
0x2a: {  	p0 =	seq.s32 s5, $0x0;
	s5 =	sld [smem:$0x3FB0]  }
0x2b: {  	s6 =	sld [smem:$0x3FB1]  }
0x2c: {  	s7 =	sld [smem:$0x3FB2]  }
0x2d: {  	s3 =	simm.s32 $0x108;
	s8 =	sld [smem:$0x3FB3]  }
0x2e: {  	s3 =	simm.s32 @!p0 $0x1082;
	s9 =	sld [smem:$0x3FB4]  }
0x2f: {  	lr =	sadd.s32 s0, s3;
	s0 =	sld [smem:$0x3FAB]  }
0x30: {  	s3 =	sld [smem:$0x3FAE]  }
0x31: {  	[smem:$0x3FB7] =	sst s10  }
0x32: {  	s10 =	sld [smem:$0x3FB5];
	_ =	sdelay $0x3  }
0x33: {  	p0 =	seq.s32 s10, $0x1;
	s10 =	sld [smem:$0x3FB7];
	_ =	sdelay $0x3  }
0x34: {  	[smem:$0x3FB7] =	sst s10  }
0x35: {  	s10 =	sld [smem:$0x3FB6];
	_ =	sdelay $0x3  }
0x36: {  	p1 =	seq.s32 s10, $0x1;
	s10 =	sld [smem:$0x3FB7];
	_ =	sdelay $0x3  }
0x37: {  	[smem:$0x3FB7] =	sst s10  }
0x38: {  	s10 =	sld [smem:$0x3FB8]  }
0x39: {  	_ = 	snop;
	(pc) =	sbr.ind lr, $3  }
0x3a: {  	_ = 	snop  }
0x3b: {  	_ = 	snop  }
0x3c: {  	p2 =	seq.s32 s10, $0x1;
	s10 =	sld [smem:$0x3FB7]  }
0x3d: {  	_ =	shalt  }
0x3e: {  	_ =	shalt  }
0x3f: {  	_ =	shalt  }
0x40: {  	_ =	shalt  }
0x41: {  	_ =	shalt  }
0x42: {  	_ =	shalt  }
0x43: {  	_ =	shalt  }
0x44: {  	_ =	shalt  }
0x45: {  	_ =	shalt  }
0x46: {  	_ =	shalt  }
0x47: {  	_ =	shalt  }
0x48: {  	_ =	shalt  }
0x49: {  	_ =	shalt  }
0x4a: {  	_ =	shalt  }
0x4b: {  	_ =	shalt  }
0x4c: {  	_ =	shalt  }
0x4d: {  	_ =	shalt  }
0x4e: {  	_ =	shalt  }
0x4f: {  	_ =	shalt  }
0x50: {  	_ =	shalt  }
0x51: {  	_ =	shalt  }
0x52: {  	_ =	shalt  }
0x53: {  	_ =	shalt  }
0x54: {  	_ =	shalt  }
0x55: {  	_ =	shalt  }
0x56: {  	_ =	shalt  }
0x57: {  	_ =	shalt  }
0x58: {  	_ =	shalt  }
0x59: {  	_ =	shalt  }
0x5a: {  	_ =	shalt  }
0x5b: {  	_ =	shalt  }
0x5c: {  	_ =	shalt  }
0x5d: {  	_ =	shalt  }
0x5e: {  	_ =	shalt  }
0x5f: {  	_ =	shalt  }
0x60: {  	_ =	shalt  }
0x61: {  	_ =	shalt  }
0x62: {  	_ =	shalt  }
0x63: {  	_ =	shalt  }
0x64: {  	_ =	shalt  }
0x65: {  	_ =	shalt  }
0x66: {  	_ =	shalt  }
0x67: {  	_ =	shalt  }
0x68: {  	_ =	shalt  }
0x69: {  	_ =	shalt  }
0x6a: {  	_ =	shalt  }
0x6b: {  	_ =	shalt  }
0x6c: {  	_ =	shalt  }
0x6d: {  	_ =	shalt  }
0x6e: {  	_ =	shalt  }
0x6f: {  	_ =	shalt  }
0x70: {  	_ =	shalt  }
0x71: {  	_ =	shalt  }
0x72: {  	_ =	shalt  }
0x73: {  	_ =	shalt  }
0x74: {  	_ =	shalt  }
0x75: {  	_ =	shalt  }
0x76: {  	_ =	shalt  }
0x77: {  	_ =	shalt  }
0x78: {  	_ =	shalt  }
0x79: {  	_ =	shalt  }
0x7a: {  	_ =	shalt  }
0x7b: {  	_ =	shalt  }
0x7c: {  	_ =	shalt  }
0x7d: {  	_ =	shalt  }
0x7e: {  	_ =	shalt  }
0x7f: {  	_ =	shalt  }
0x80: {  	_ =	shalt  }
0x81: {  	_ =	shalt  }
0x82: {  	_ =	shalt  }
0x83: {  	_ =	shalt  }
0x84: {  	_ =	shalt  }
0x85: {  	_ =	shalt  }
0x86: {  	_ =	shalt  }
0x87: {  	_ =	shalt  }
.Lfunc_end0:
.L_simem_size_0:
called_computation_lowered:
.L_overlay_start_0:
0x88: {  	s2 =	sld [smem:$0x3FD9]  }
0x89: {  	s3 =	sld [smem:$0x3FFE];
	_ =	sdelay $0x1  }
0x8a: {  	s1 =	srdreg.scid  }
0x8b: {  	s0 =	sand.u32 $0x1, s1  }
0x8c: {  	s14 =	sshll.u32 s0, $0xA;
	s2 =	sadd.s32 s3, s2  }
0x8d: {  	s2 =	sadd.s32 s2, s14  }
0x8e: {  	[smem:$0x3FC3] =	sst s2  }
0x8f: {  	_ = 	snop  }
0x90: {  	s2 =	sld [smem:$0x3FD0];
	_ =	sdelay $0x2  }
0x91: {  	s15 =	simm.s32 $0xA;
	s4 =	simm.s32 $0x10  }
0x92: {  	[smem:s4], [sflag:s15] =	dma.local [hbm:s2], $0x1  }
0x93: {  	_ =	swait.eq [sflag:s15], $0x1  }
0x94: {  	[sflag:s15] =	ssyncset.done $0x0  }
0x95: {  	[sflag:s15] =	ssyncadd.s32 $0xFFFFFFFF  }
0x96: {  	s16 =	sld [smem:$0x11];
	(tm) =	ssettm $0x1  }
0x97: {  	s17 =	sld [smem:$0x3FFB];
	_ =	sdelay $0x3  }
0x98: {  	_ =	strace s17  }
0x99: {  	s3 =	sld [smem:$0x3FFC];
	_ =	sdelay $0x3  }
0x9a: {  	_ =	strace s3  }
0x9b: {  	s3 =	sld [smem:$0x3FFD];
	_ =	sdelay $0x3  }
0x9c: {  	_ =	strace s3  }
0x9d: {  	_ =	strace $0x8FFFFFFF  }
0x9e: {  	s18 =	sld [smem:$0x3FDB];
	_ =	sdelay $0x1  }
0x9f: {  	s19 =	simm.s32 $_scs_section_size  }
0xa0: {  	s5 =	simm.s32 $_size__tile_overlayer_lowered;
	s6 =	simm.s32 $_tile_overlayer_lowered  }
0xa1: {  	s22 =	simm.s32 $0x1BFF;
	s21 =	sshll.u32 s6, $0x1;
	s3 =	sadd.s32 s19, s18  }
0xa2: {  	s7 =	simm.s32 $0x0;
	s20 =	sshll.u32 s5, $0x1;
	s5 =	sadd.s32 s21, s3  }
0xa3: {  	[timem:s7], [sflag:s22] =	dma.local [hbm:s5], s20  }
0xa4: {  	_ =	swait.ge [sflag:s22], s20  }
0xa5: {  	s4 =	ssub.s32 $0x0, s20;
	[sflag:s22] =	ssyncset.done $0x0  }
0xa6: {  	[sflag:s22] =	ssyncadd.s32 s4;
	_ =	sdelay $0x1  }
0xa7: {  	s23 =	simm.s32 $0x1B8B  }
0xa8: {  	_ =	swait.ge [sflag:s23], $0x1  }
0xa9: {  	[sflag:s23] =	ssyncset.done $0x0  }
0xaa: {  	s25 =	simm.s32 $0x1B8E;
	s24 =	sld [smem:$0x3FFE];
	[sflag:s23] =	ssyncadd.s32 $0xFFFFFFFF  }
0xab: {  	s26 =	simm.s32 $execute0_lowered;
	[smem:$0x3FD2] =	sst s25  }
0xac: {  	s5 =	sshll.u32 s26, $0x1;
	_ =	strace $0x80000046;
	[dreg:$0x1] =	wrdreg $0xFFFFFFFF  }
0xad: {  	s28 =	simm.s32 $_size_execute0_lowered;
	s3 =	sadd.s32 s3, s5;
	[dreg:$0x0] =	wrdreg $0x0  }
0xae: {  	s5 =	sshll.u32 s28, $0x1;
	[dreg:$0x2] =	wrdreg s3  }
0xaf: {  	[dreg:$0x3] =	wrdreg s5  }
0xb0: {  	[dreg:$0x4] =	wrdreg $0xC0  }
0xb1: {  	_ =	task [dreg:s7], $0x5FFFF  }
0xb2: {  	[dreg:$0x1] =	wrdreg $0xFFFFFFFF  }
0xb3: {  	[dreg:$0x0] =	wrdreg $0x60  }
0xb4: {  	[dreg:$0x2] =	wrdreg s24  }
0xb5: {  	[dreg:$0x3] =	wrdreg s16  }
0xb6: {  	[dreg:$0x4] =	wrdreg $0xF2800  }
0xb7: {  	[dreg:$0x5] =	wrdreg $0x9  }
0xb8: {  	_ =	task.clear_ibuf [dreg:s7], $0x6FFFF;
	_ =	strace $0x90000046  }
0xb9: {  	s29 =	simm.s32 $0x9;
	_ =	strace $0x80000048  }
0xba: {  	_ =	swait.ge [sflag:s29], $0x1  }
0xbb: {  	[sflag:s29] =	ssyncadd.s32 $0xFFFFFFFF  }
0xbc: {  	_ =	strace $0x90000048  }
0xbd: {  	_ =	sfence  }
0xbe: {  	s30 =	sld [smem:$0x0];
	_ =	sdelay $0x2  }
0xbf: {  	s31 =	sshll.u32 s1, $0xD;
	s1 =	sshrl.u32 s1, $0x2  }
0xc0: {  	s3 =	sand.u32 $0x4000, s31;
	s1 =	sadd.s32 s1, s30  }
0xc1: {  	s0 =	sor.u32 s3, s0;
	s1 =	sshll.u32 s1, $0x11  }
0xc2: {  	s0 =	sor.u32 s1, s0  }
0xc3: {  	s0 =	sadd.s32 $0x8F2B, s0  }
0xc4: {  	[sflag:s0] =	ssyncadd.remote.s32 $0x1  }
0xc5: {  	_ =	sfence.sel $0xFFFF  }
0xc6: {  	[dreg:$0x0] =	wrdreg $0xFFFFFFFF;
	(pc) =	sbr.abs _section_cstart, $3  }
0xc7: {  	[dreg:$0x1] =	wrdreg $0xFFFFFFFF  }
0xc8: {  	_ =	task.clear_ibuf [dreg:s7], $0x2FFFF;
	_ =	strace $0x9FFFFFFF  }
0xc9: {  	(tm) =	ssettm $0x7FFFFFFF  }
tec
execute0_lowered:
.L_overlay_start_1:
0x0: {  	(tag) =	ssettag $0x1  }
0x1: {  	s0 =	srdreg.scid;
	s1 =	rddreg [dreg:$0x0]  }
0x2: {  	s3 =	rddreg [dreg:$0x1];
	s21 =	stileid.u32  }
0x3: {  	s4 =	rddreg [dreg:$0x2];
	s28 =	simm.s32 $0x1;
	s29 =	simm.s32 $0x2780  }
0x4: {  	s30 =	simm.s32 $0x80;
	s31 =	simm.s32 $0x400;
	s0 =	sand.u32 $0x1, s0  }
0x5: {  	s7 =	sadd.s32 $0x16C00, s1;
	s8 =	sshrl.u32 s21, $0x3;
	s23 =	smul.u32 $0x5000, s21  }
0x6: {  	s9 =	sadd.s32 $0x16600, s1;
	s24 =	sshll.u32 s21, $0x7;
	s26 =	smul.u32 $0x50, s21  }
0x7: {  	s2 =	sshll.u32 s0, $0x4;
	s19 =	ssub.s32 $0x2, s0;
	s8 =	smul.u32 $0x50000, s8  }
0x8: {  	p0 =	seq.s32 s0, $0x1;
	s0 =	simm.s32 $0x17800;
	s5 =	sor.u32 s21, s2  }
0x9: {  	s2 =	simm.s32 $0x0;
	s20 =	sshrl.u32 s19, $0x1;
	s10 =	sshrl.u32 s23, $0x2  }
0xa: {  	s0 =	simm.s32 @!p0 $0x17200;
	s5 =	smul.u32 $0x4E2, s5;
	[smem:$0x7FF] =	sst s2  }
0xb: {  	s25 =	ssub.s32 s19, s20;
	_ =	strace $0x80000047;
	[dreg:$0x4] =	wrdreg s7  }
0xc: {  	s8 =	sshrl.u32 s8, $0x2;
	s0 =	sadd.s32 s0, s1;
	[dreg:$0x5] =	wrdreg s9  }
0xd: {  	s9 =	sand.u32 $0x380, s24;
	s8 =	sadd.s32 s8, s4;
	s23 =	sadd.s32 s0, s26  }
0xe: {  	s25 =	smax.u32 s25, $0x1;
	s0 =	simm.s32 $0xF000;
	s6 =	sadd.s32 s5, s1  }
0xf: {  	s7 =	sadd.s32 s3, s5;
	s8 =	sadd.s32 s9, s8;
	s9 =	sadd.s32 s10, s4  }
0x10: {  	s1 =	simm.s32 $0xC580;
	s3 =	simm.s32 $0x0;
	s22 =	sadd.s32 $0xC800, s6  }
0x11: {  	s6 =	sadd.s32 $0x2A00, s6;
	s10 =	sadd.s32 $0x80, s9;
	s11 =	sadd.s32 $0x100, s9  }
0x12: {  	s12 =	sadd.s32 $0x180, s9;
	s13 =	sadd.s32 $0x200, s9;
	s14 =	sadd.s32 $0x280, s9  }
0x13: {  	s15 =	sadd.s32 $0x300, s9;
	s16 =	sadd.s32 $0x380, s9;
	s17 =	sadd.s32 $0x14000, s9  }
0x14: {  	s18 =	sadd.s32 $0x14080, s9;
	s19 =	sadd.s32 $0x14100, s9;
	s20 =	sadd.s32 $0x14180, s9  }
0x15: {  	s21 =	sadd.s32 $0x14200, s9;
	s24 =	sadd.s32 $0x14300, s9;
	[dreg:$0x6] =	wrdreg s22  }
0x16: {  	v0 =	vimm.f32 $0.0e+00;
	s26 =	sadd.s32 $0x14380, s9;
	[dreg:$0x7] =	wrdreg s6;
	s22 =	sadd.s32 $0x14280, s9  }
.LBB2_1:
0x17: {  	s4 =	rddreg [dreg:$0x4]  }
0x18: {  	[tilespmem:s2], [sflag:$0x1] =	stream.linear.gather [hbm4b:s4+s2], $0x2780, $0x38;
	[tilespmem:$0x11A80] =	vst v63  }
0x19: {  	_ =	swait.ge [sflag:s28], $0x2780  }
0x1a: {  	[sflag:s28] =	ssyncset.done $0x0  }
0x1b: {  	s5 =	rddreg [dreg:$0x5];
	[sflag:s28] =	ssyncadd.s32 $0xFFFFD880  }
0x1c: {  	[tilespmem:s29], [sflag:$0x1] =	stream.linear.gather [hbm4b:s5+s2], $0x2780, $0x38;
	[tilespmem:$0x11A80] =	vst v63  }
0x1d: {  	_ =	swait.ge [sflag:s28], $0x2780  }
0x1e: {  	[sflag:s28] =	ssyncset.done $0x0  }
0x1f: {  	s5 =	simm.s32 $0x4F00;
	s6 =	rddreg [dreg:$0x6];
	[sflag:s28] =	ssyncadd.s32 $0xFFFFD880  }
0x20: {  	[tilespmem:s5], [sflag:$0x1] =	stream.linear.gather [hbm4b:s6+s2], $0x2710, $0x38;
	[tilespmem:$0x11A80] =	vst v63  }
0x21: {  	_ =	swait.ge [sflag:s28], $0x2710  }
0x22: {  	[sflag:s28] =	ssyncset.done $0x0  }
0x23: {  	s6 =	simm.s32 $0x7680;
	s5 =	rddreg [dreg:$0x7];
	[sflag:s28] =	ssyncadd.s32 $0xFFFFD8F0  }
0x24: {  	[tilespmem:s6], [sflag:$0x1] =	stream.linear.gather [hbm4b:s5+s2], $0x2710, $0x38;
	[tilespmem:$0x11A80] =	vst v63  }
0x25: {  	_ =	swait.ge [sflag:s28], $0x2710  }
0x26: {  	[sflag:s28] =	ssyncset.done $0x0  }
0x27: {  	s4 =	simm.s32 $0x0;
	[sflag:s28] =	ssyncadd.s32 $0xFFFFD8F0  }
.LBB2_2:
0x28: {  	p0 =	sne.s32 s4, $0x9FC0  }
.Ltmp0:
0x29: {  	_ = 	snop;
	(pc) =	sbr.rel @p0 .LBB2_2-.Ltmp0, $3  }
0x2a: {  	_ =	sdelay $0x1  }
0x2b: {  	s5 =	sshra.s32 s4, $0x2  }
0x2c: {  	s4 =	sadd.s32 $0x40, s4;
	[tilespmem:s5+$0xC580] =	vst v0  }
0x2d: {  	s4 =	simm.s32 $0x0  }
0x2e: {  	v1 =	vld [tilespmem:s4+$0x7680]  }
0x2f: {  	s5 =	simm.s32 $0x40;
	v2 =	vld [tilespmem:s4+$0x4F00]  }
.LBB2_4:
0x30: {  	p0 =	sne.s32 s5, $0x9C00;
	_ =	sdelay $0x5  }
0x31: {  	v3 =	vld.idx.msk [tilespmem:v1+s29+$0x0], $0xffff  }
0x32: {  	v2 =	vld.idx.msk [tilespmem:v2+s2+$0x0], $0xffff;
	_ =	sdelay $0x5  }
0x33: {  	v2 =	vadd.f32 v3, v2;
	_ =	sdelay $0x1  }
0x34: {  	v3 =	vmul.f32 $2.000000030e-01, v2  }
0x35: {  	vm0 =	vgt.f32 v2, $0.0e+00  }
0x36: {  	v2 =	vsel vm0, v2, v3  }
0x37: {  	v2 =	vmul.f32 $1.442695020e+00, v2;
	_ =	sdelay $0x1  }
0x38: {  	(erf) = vpow2.f32 v2;
	_ =	sdelay $0x8  }
.Ltmp1:
0x39: {  	v2 =	vpop (erf);
	(pc) =	sbr.rel @p0 .LBB2_4-.Ltmp1, $4  }
0x3a: {  	[tilespmem:s4+$0x9E00] =	vst v2  }
0x3b: {  	s4 =	sshra.s32 s5, $0x2;
	[tilespmem:v1+s1+$0x0] =	vst.idx.add.f32.msk $0xffff, v2  }
0x3c: {  	v1 =	vld [tilespmem:s4+$0x7680]  }
0x3d: {  	s5 =	sadd.s32 $0x40, s5;
	v2 =	vld [tilespmem:s4+$0x4F00]  }
0x3e: {  	_ =	sdelay $0x6  }
0x3f: {  	v3 =	vld.idx.msk [tilespmem:v1+s29+$0x0], $0xffff  }
0x40: {  	v2 =	vld.idx.msk [tilespmem:v2+s2+$0x0], $0xffff;
	_ =	sdelay $0x4  }
0x41: {  	v2 =	vadd.f32 v3, v2;
	_ =	sdelay $0x1  }
0x42: {  	v3 =	vmul.f32 $2.000000030e-01, v2  }
0x43: {  	vm0 =	vgt.f32 v2, $0.0e+00  }
0x44: {  	v2 =	vsel vm0, v2, v3  }
0x45: {  	v2 =	vmul.f32 $1.442695020e+00, v2;
	_ =	sdelay $0x1  }
0x46: {  	(erf) = vpow2.f32 v2;
	_ =	sdelay $0x8  }
0x47: {  	v2 =	vpop (erf)  }
0x48: {  	[tilespmem:s4+$0x9E00] =	vst v2  }
0x49: {  	s6 =	simm.s32 $0x0;
	s5 =	simm.s32 $0x9E00;
	[tilespmem:v1+s1+$0x0] =	vst.idx.add.f32.msk $0xffff, v2  }
0x4a: {  	[hbm4b:s7+s6] =	stream.linear.scatter [tilespmem:s5], [sflag:$0x1], $0x2710, $0x38;
	[tilespmem:$0x11A80] =	vst v63  }
0x4b: {  	_ =	swait.ge [sflag:s28], $0x2710  }
0x4c: {  	[sflag:s28] =	ssyncset.done $0x0  }
0x4d: {  	[sflag:s28] =	ssyncadd.s32 $0xFFFFD8F0  }
0x4e: {  	[spmem:s8] =	stream.strided.scatter [tilespmem:s1], [sflag:$0x1], $0x2800, s31, s30, $0x38;
	[tilespmem:$0x11A80] =	vst v63  }
0x4f: {  	_ =	swait.ge [sflag:s28], $0x2800  }
0x50: {  	[sflag:s28] =	ssyncset.done $0x0  }
0x51: {  	[sflag:s28] =	ssyncadd.s32 $0xFFFFD800  }
0x52: {  	[bflag:$0x0] =	sbarrier.arrive $0xFFFF  }
0x53: {  	[tilespmem:$0xED80] =	vst v0  }
0x54: {  	[tilespmem:$0xED90] =	vst v0  }
0x55: {  	[tilespmem:$0xEDA0] =	vst v0  }
0x56: {  	[tilespmem:$0xEDB0] =	vst v0  }
0x57: {  	[tilespmem:$0xEDC0] =	vst v0  }
0x58: {  	[tilespmem:$0xEDD0] =	vst v0  }
0x59: {  	[tilespmem:$0xEDE0] =	vst v0  }
0x5a: {  	[tilespmem:$0xEDF0] =	vst v0  }
0x5b: {  	[tilespmem:$0xEE00] =	vst v0  }
0x5c: {  	[tilespmem:$0xEE10] =	vst v0  }
0x5d: {  	[tilespmem:$0xEE20] =	vst v0  }
0x5e: {  	[tilespmem:$0xEE30] =	vst v0  }
0x5f: {  	[tilespmem:$0xEE40] =	vst v0  }
0x60: {  	[tilespmem:$0xEE50] =	vst v0  }
0x61: {  	[tilespmem:$0xEE60] =	vst v0  }
0x62: {  	[tilespmem:$0xEE70] =	vst v0  }
0x63: {  	[tilespmem:$0xEE80] =	vst v0  }
0x64: {  	[tilespmem:$0xEE90] =	vst v0  }
0x65: {  	[tilespmem:$0xEEA0] =	vst v0  }
0x66: {  	[tilespmem:$0xEEB0] =	vst v0  }
0x67: {  	[tilespmem:$0xEEC0] =	vst v0  }
0x68: {  	[tilespmem:$0xEED0] =	vst v0  }
0x69: {  	[tilespmem:$0xEEE0] =	vst v0  }
0x6a: {  	[tilespmem:$0xEEF0] =	vst v0  }
0x6b: {  	[tilespmem:$0xEF00] =	vst v0  }
0x6c: {  	[tilespmem:$0xEF10] =	vst v0  }
0x6d: {  	[tilespmem:$0xEF20] =	vst v0  }
0x6e: {  	[tilespmem:$0xEF30] =	vst v0  }
0x6f: {  	[tilespmem:$0xEF40] =	vst v0  }
0x70: {  	[tilespmem:$0xEF50] =	vst v0  }
0x71: {  	[tilespmem:$0xEF60] =	vst v0  }
0x72: {  	[tilespmem:$0xEF70] =	vst v0  }
0x73: {  	[tilespmem:$0xEF80] =	vst v0  }
0x74: {  	[tilespmem:$0xEF90] =	vst v0  }
0x75: {  	[tilespmem:$0xEFA0] =	vst v0  }
0x76: {  	[tilespmem:$0xEFB0] =	vst v0  }
0x77: {  	[tilespmem:$0xEFC0] =	vst v0  }
0x78: {  	[tilespmem:$0xEFD0] =	vst v0  }
0x79: {  	[tilespmem:$0xEFE0] =	vst v0  }
0x7a: {  	[tilespmem:$0xEFF0] =	vst v0  }
0x7b: {  	[tilespmem:s0], [sflag:$0x1] =	stream.strided.gather [spmem:s9], $0x280, s31, s30, $0x38;
	[tilespmem:$0x11A80] =	vst v63  }
0x7c: {  	_ =	swait.ge [sflag:s28], $0x280  }
0x7d: {  	[sflag:s28] =	ssyncset.done $0x0  }
0x7e: {  	s4 =	simm.s32 $0x0;
	[sflag:s28] =	ssyncadd.s32 $0xFFFFFD80  }
0x7f: {  	s5 =	simm.s32 $0x40;
	v1 =	vld [tilespmem:s4+$0xF000]  }
.LBB2_6:
0x80: {  	p0 =	sne.s32 s5, $0x9C0;
	v2 =	vld [tilespmem:s4+$0xED80];
	_ =	sdelay $0x2  }
.Ltmp2:
0x81: {  	(pc) =	sbr.rel @p0 .LBB2_6-.Ltmp2, $4  }
0x82: {  	_ = 	snop  }
0x83: {  	v2 =	vadd.f32 v1, v2  }
0x84: {  	s6 =	sshra.s32 s5, $0x2  }
0x85: {  	s5 =	sadd.s32 $0x40, s5;
	v1 =	vld [tilespmem:s6+$0xF000];
	[tilespmem:s4+$0xED80] =	vst v2;
	s4 =	smov.u32 s6  }
0x86: {  	v2 =	vld [tilespmem:s4+$0xED80];
	_ =	sdelay $0x4  }
0x87: {  	v1 =	vadd.f32 v1, v2;
	_ =	sdelay $0x1  }
0x88: {  	[tilespmem:s4+$0xED80] =	vst v1  }
0x89: {  	[tilespmem:s0], [sflag:$0x1] =	stream.strided.gather [spmem:s10], $0x280, s31, s30, $0x38;
	[tilespmem:$0x11A80] =	vst v63  }
0x8a: {  	_ =	swait.ge [sflag:s28], $0x280  }
0x8b: {  	[sflag:s28] =	ssyncset.done $0x0  }
0x8c: {  	s4 =	simm.s32 $0x0;
	[sflag:s28] =	ssyncadd.s32 $0xFFFFFD80  }
0x8d: {  	s5 =	simm.s32 $0x40;
	v1 =	vld [tilespmem:s4+$0xF000]  }
.LBB2_8:
0x8e: {  	p0 =	sne.s32 s5, $0x9C0;
	v2 =	vld [tilespmem:s4+$0xED80];
	_ =	sdelay $0x2  }
.Ltmp3:
0x8f: {  	(pc) =	sbr.rel @p0 .LBB2_8-.Ltmp3, $4  }
0x90: {  	_ = 	snop  }
0x91: {  	v2 =	vadd.f32 v1, v2  }
0x92: {  	s6 =	sshra.s32 s5, $0x2  }
0x93: {  	s5 =	sadd.s32 $0x40, s5;
	v1 =	vld [tilespmem:s6+$0xF000];
	[tilespmem:s4+$0xED80] =	vst v2;
	s4 =	smov.u32 s6  }
0x94: {  	v2 =	vld [tilespmem:s4+$0xED80];
	_ =	sdelay $0x4  }
0x95: {  	v1 =	vadd.f32 v1, v2;
	_ =	sdelay $0x1  }
0x96: {  	[tilespmem:s4+$0xED80] =	vst v1  }
0x97: {  	[tilespmem:s0], [sflag:$0x1] =	stream.strided.gather [spmem:s11], $0x280, s31, s30, $0x38;
	[tilespmem:$0x11A80] =	vst v63  }
0x98: {  	_ =	swait.ge [sflag:s28], $0x280  }
0x99: {  	[sflag:s28] =	ssyncset.done $0x0  }
0x9a: {  	s4 =	simm.s32 $0x0;
	[sflag:s28] =	ssyncadd.s32 $0xFFFFFD80  }
0x9b: {  	s5 =	simm.s32 $0x40;
	v1 =	vld [tilespmem:s4+$0xF000]  }
.LBB2_10:
0x9c: {  	p0 =	sne.s32 s5, $0x9C0;
	v2 =	vld [tilespmem:s4+$0xED80];
	_ =	sdelay $0x2  }
.Ltmp4:
0x9d: {  	(pc) =	sbr.rel @p0 .LBB2_10-.Ltmp4, $4  }
0x9e: {  	_ = 	snop  }
0x9f: {  	v2 =	vadd.f32 v1, v2  }
0xa0: {  	s6 =	sshra.s32 s5, $0x2  }
0xa1: {  	s5 =	sadd.s32 $0x40, s5;
	v1 =	vld [tilespmem:s6+$0xF000];
	[tilespmem:s4+$0xED80] =	vst v2;
	s4 =	smov.u32 s6  }
0xa2: {  	v2 =	vld [tilespmem:s4+$0xED80];
	_ =	sdelay $0x4  }
0xa3: {  	v1 =	vadd.f32 v1, v2;
	_ =	sdelay $0x1  }
0xa4: {  	[tilespmem:s4+$0xED80] =	vst v1  }
0xa5: {  	[tilespmem:s0], [sflag:$0x1] =	stream.strided.gather [spmem:s12], $0x280, s31, s30, $0x38;
	[tilespmem:$0x11A80] =	vst v63  }
0xa6: {  	_ =	swait.ge [sflag:s28], $0x280  }
0xa7: {  	[sflag:s28] =	ssyncset.done $0x0  }
0xa8: {  	s4 =	simm.s32 $0x0;
	[sflag:s28] =	ssyncadd.s32 $0xFFFFFD80  }
0xa9: {  	s5 =	simm.s32 $0x40;
	v1 =	vld [tilespmem:s4+$0xF000]  }
.LBB2_12:
0xaa: {  	p0 =	sne.s32 s5, $0x9C0;
	v2 =	vld [tilespmem:s4+$0xED80];
	_ =	sdelay $0x2  }
.Ltmp5:
0xab: {  	(pc) =	sbr.rel @p0 .LBB2_12-.Ltmp5, $4  }
0xac: {  	_ = 	snop  }
0xad: {  	v2 =	vadd.f32 v1, v2  }
0xae: {  	s6 =	sshra.s32 s5, $0x2  }
0xaf: {  	s5 =	sadd.s32 $0x40, s5;
	v1 =	vld [tilespmem:s6+$0xF000];
	[tilespmem:s4+$0xED80] =	vst v2;
	s4 =	smov.u32 s6  }
0xb0: {  	v2 =	vld [tilespmem:s4+$0xED80];
	_ =	sdelay $0x4  }
0xb1: {  	v1 =	vadd.f32 v1, v2;
	_ =	sdelay $0x1  }
0xb2: {  	[tilespmem:s4+$0xED80] =	vst v1  }
0xb3: {  	[tilespmem:s0], [sflag:$0x1] =	stream.strided.gather [spmem:s13], $0x280, s31, s30, $0x38;
	[tilespmem:$0x11A80] =	vst v63  }
0xb4: {  	_ =	swait.ge [sflag:s28], $0x280  }
0xb5: {  	[sflag:s28] =	ssyncset.done $0x0  }
0xb6: {  	s4 =	simm.s32 $0x0;
	[sflag:s28] =	ssyncadd.s32 $0xFFFFFD80  }
0xb7: {  	s5 =	simm.s32 $0x40;
	v1 =	vld [tilespmem:s4+$0xF000]  }
.LBB2_14:
0xb8: {  	p0 =	sne.s32 s5, $0x9C0;
	v2 =	vld [tilespmem:s4+$0xED80];
	_ =	sdelay $0x2  }
.Ltmp6:
0xb9: {  	(pc) =	sbr.rel @p0 .LBB2_14-.Ltmp6, $4  }
0xba: {  	_ = 	snop  }
0xbb: {  	v2 =	vadd.f32 v1, v2  }
0xbc: {  	s6 =	sshra.s32 s5, $0x2  }
0xbd: {  	s5 =	sadd.s32 $0x40, s5;
	v1 =	vld [tilespmem:s6+$0xF000];
	[tilespmem:s4+$0xED80] =	vst v2;
	s4 =	smov.u32 s6  }
0xbe: {  	v2 =	vld [tilespmem:s4+$0xED80];
	_ =	sdelay $0x4  }
0xbf: {  	v1 =	vadd.f32 v1, v2;
	_ =	sdelay $0x1  }
0xc0: {  	[tilespmem:s4+$0xED80] =	vst v1  }
0xc1: {  	[tilespmem:s0], [sflag:$0x1] =	stream.strided.gather [spmem:s14], $0x280, s31, s30, $0x38;
	[tilespmem:$0x11A80] =	vst v63  }
0xc2: {  	_ =	swait.ge [sflag:s28], $0x280  }
0xc3: {  	[sflag:s28] =	ssyncset.done $0x0  }
0xc4: {  	s4 =	simm.s32 $0x0;
	[sflag:s28] =	ssyncadd.s32 $0xFFFFFD80  }
0xc5: {  	s5 =	simm.s32 $0x40;
	v1 =	vld [tilespmem:s4+$0xF000]  }
.LBB2_16:
0xc6: {  	p0 =	sne.s32 s5, $0x9C0;
	v2 =	vld [tilespmem:s4+$0xED80];
	_ =	sdelay $0x2  }
.Ltmp7:
0xc7: {  	(pc) =	sbr.rel @p0 .LBB2_16-.Ltmp7, $4  }
0xc8: {  	_ = 	snop  }
0xc9: {  	v2 =	vadd.f32 v1, v2  }
0xca: {  	s6 =	sshra.s32 s5, $0x2  }
0xcb: {  	s5 =	sadd.s32 $0x40, s5;
	v1 =	vld [tilespmem:s6+$0xF000];
	[tilespmem:s4+$0xED80] =	vst v2;
	s4 =	smov.u32 s6  }
0xcc: {  	v2 =	vld [tilespmem:s4+$0xED80];
	_ =	sdelay $0x4  }
0xcd: {  	v1 =	vadd.f32 v1, v2;
	_ =	sdelay $0x1  }
0xce: {  	[tilespmem:s4+$0xED80] =	vst v1  }
0xcf: {  	[tilespmem:s0], [sflag:$0x1] =	stream.strided.gather [spmem:s15], $0x280, s31, s30, $0x38;
	[tilespmem:$0x11A80] =	vst v63  }
0xd0: {  	_ =	swait.ge [sflag:s28], $0x280  }
0xd1: {  	[sflag:s28] =	ssyncset.done $0x0  }
0xd2: {  	s4 =	simm.s32 $0x0;
	[sflag:s28] =	ssyncadd.s32 $0xFFFFFD80  }
0xd3: {  	s5 =	simm.s32 $0x40;
	v1 =	vld [tilespmem:s4+$0xF000]  }
.LBB2_18:
0xd4: {  	p0 =	sne.s32 s5, $0x9C0;
	v2 =	vld [tilespmem:s4+$0xED80];
	_ =	sdelay $0x2  }
.Ltmp8:
0xd5: {  	(pc) =	sbr.rel @p0 .LBB2_18-.Ltmp8, $4  }
0xd6: {  	_ = 	snop  }
0xd7: {  	v2 =	vadd.f32 v1, v2  }
0xd8: {  	s6 =	sshra.s32 s5, $0x2  }
0xd9: {  	s5 =	sadd.s32 $0x40, s5;
	v1 =	vld [tilespmem:s6+$0xF000];
	[tilespmem:s4+$0xED80] =	vst v2;
	s4 =	smov.u32 s6  }
0xda: {  	v2 =	vld [tilespmem:s4+$0xED80];
	_ =	sdelay $0x4  }
0xdb: {  	v1 =	vadd.f32 v1, v2;
	_ =	sdelay $0x1  }
0xdc: {  	[tilespmem:s4+$0xED80] =	vst v1  }
0xdd: {  	[tilespmem:s0], [sflag:$0x1] =	stream.strided.gather [spmem:s16], $0x280, s31, s30, $0x38;
	[tilespmem:$0x11A80] =	vst v63  }
0xde: {  	_ =	swait.ge [sflag:s28], $0x280  }
0xdf: {  	[sflag:s28] =	ssyncset.done $0x0  }
0xe0: {  	s4 =	simm.s32 $0x0;
	[sflag:s28] =	ssyncadd.s32 $0xFFFFFD80  }
0xe1: {  	s5 =	simm.s32 $0x40;
	v1 =	vld [tilespmem:s4+$0xF000]  }
.LBB2_20:
0xe2: {  	p0 =	sne.s32 s5, $0x9C0;
	v2 =	vld [tilespmem:s4+$0xED80];
	_ =	sdelay $0x2  }
.Ltmp9:
0xe3: {  	(pc) =	sbr.rel @p0 .LBB2_20-.Ltmp9, $4  }
0xe4: {  	_ = 	snop  }
0xe5: {  	v2 =	vadd.f32 v1, v2  }
0xe6: {  	s6 =	sshra.s32 s5, $0x2  }
0xe7: {  	s5 =	sadd.s32 $0x40, s5;
	v1 =	vld [tilespmem:s6+$0xF000];
	[tilespmem:s4+$0xED80] =	vst v2;
	s4 =	smov.u32 s6  }
0xe8: {  	v2 =	vld [tilespmem:s4+$0xED80];
	_ =	sdelay $0x4  }
0xe9: {  	v1 =	vadd.f32 v1, v2;
	_ =	sdelay $0x1  }
0xea: {  	[tilespmem:s4+$0xED80] =	vst v1  }
0xeb: {  	[tilespmem:s0], [sflag:$0x1] =	stream.strided.gather [spmem:s17], $0x280, s31, s30, $0x38;
	[tilespmem:$0x11A80] =	vst v63  }
0xec: {  	_ =	swait.ge [sflag:s28], $0x280  }
0xed: {  	[sflag:s28] =	ssyncset.done $0x0  }
0xee: {  	s4 =	simm.s32 $0x0;
	[sflag:s28] =	ssyncadd.s32 $0xFFFFFD80  }
0xef: {  	s5 =	simm.s32 $0x40;
	v1 =	vld [tilespmem:s4+$0xF000]  }
.LBB2_22:
0xf0: {  	p0 =	sne.s32 s5, $0x9C0;
	v2 =	vld [tilespmem:s4+$0xED80];
	_ =	sdelay $0x2  }
.Ltmp10:
0xf1: {  	(pc) =	sbr.rel @p0 .LBB2_22-.Ltmp10, $4  }
0xf2: {  	_ = 	snop  }
0xf3: {  	v2 =	vadd.f32 v1, v2  }
0xf4: {  	s6 =	sshra.s32 s5, $0x2  }
0xf5: {  	s5 =	sadd.s32 $0x40, s5;
	v1 =	vld [tilespmem:s6+$0xF000];
	[tilespmem:s4+$0xED80] =	vst v2;
	s4 =	smov.u32 s6  }
0xf6: {  	v2 =	vld [tilespmem:s4+$0xED80];
	_ =	sdelay $0x4  }
0xf7: {  	v1 =	vadd.f32 v1, v2;
	_ =	sdelay $0x1  }
0xf8: {  	[tilespmem:s4+$0xED80] =	vst v1  }
0xf9: {  	[tilespmem:s0], [sflag:$0x1] =	stream.strided.gather [spmem:s18], $0x280, s31, s30, $0x38;
	[tilespmem:$0x11A80] =	vst v63  }
0xfa: {  	_ =	swait.ge [sflag:s28], $0x280  }
0xfb: {  	[sflag:s28] =	ssyncset.done $0x0  }
0xfc: {  	s4 =	simm.s32 $0x0;
	[sflag:s28] =	ssyncadd.s32 $0xFFFFFD80  }
0xfd: {  	s5 =	simm.s32 $0x40;
	v1 =	vld [tilespmem:s4+$0xF000]  }
.LBB2_24:
0xfe: {  	p0 =	sne.s32 s5, $0x9C0;
	v2 =	vld [tilespmem:s4+$0xED80];
	_ =	sdelay $0x2  }
.Ltmp11:
0xff: {  	(pc) =	sbr.rel @p0 .LBB2_24-.Ltmp11, $4  }
0x100: {  	_ = 	snop  }
0x101: {  	v2 =	vadd.f32 v1, v2  }
0x102: {  	s6 =	sshra.s32 s5, $0x2  }
0x103: {  	s5 =	sadd.s32 $0x40, s5;
	v1 =	vld [tilespmem:s6+$0xF000];
	[tilespmem:s4+$0xED80] =	vst v2;
	s4 =	smov.u32 s6  }
0x104: {  	v2 =	vld [tilespmem:s4+$0xED80];
	_ =	sdelay $0x4  }
0x105: {  	v1 =	vadd.f32 v1, v2;
	_ =	sdelay $0x1  }
0x106: {  	[tilespmem:s4+$0xED80] =	vst v1  }
0x107: {  	[tilespmem:s0], [sflag:$0x1] =	stream.strided.gather [spmem:s19], $0x280, s31, s30, $0x38;
	[tilespmem:$0x11A80] =	vst v63  }
0x108: {  	_ =	swait.ge [sflag:s28], $0x280  }
0x109: {  	[sflag:s28] =	ssyncset.done $0x0  }
0x10a: {  	s4 =	simm.s32 $0x0;
	[sflag:s28] =	ssyncadd.s32 $0xFFFFFD80  }
0x10b: {  	s5 =	simm.s32 $0x40;
	v1 =	vld [tilespmem:s4+$0xF000]  }
.LBB2_26:
0x10c: {  	p0 =	sne.s32 s5, $0x9C0;
	v2 =	vld [tilespmem:s4+$0xED80];
	_ =	sdelay $0x2  }
.Ltmp12:
0x10d: {  	(pc) =	sbr.rel @p0 .LBB2_26-.Ltmp12, $4  }
0x10e: {  	_ = 	snop  }
0x10f: {  	v2 =	vadd.f32 v1, v2  }
0x110: {  	s6 =	sshra.s32 s5, $0x2  }
0x111: {  	s5 =	sadd.s32 $0x40, s5;
	v1 =	vld [tilespmem:s6+$0xF000];
	[tilespmem:s4+$0xED80] =	vst v2;
	s4 =	smov.u32 s6  }
0x112: {  	v2 =	vld [tilespmem:s4+$0xED80];
	_ =	sdelay $0x4  }
0x113: {  	v1 =	vadd.f32 v1, v2;
	_ =	sdelay $0x1  }
0x114: {  	[tilespmem:s4+$0xED80] =	vst v1  }
0x115: {  	[tilespmem:s0], [sflag:$0x1] =	stream.strided.gather [spmem:s20], $0x280, s31, s30, $0x38;
	[tilespmem:$0x11A80] =	vst v63  }
0x116: {  	_ =	swait.ge [sflag:s28], $0x280  }
0x117: {  	[sflag:s28] =	ssyncset.done $0x0  }
0x118: {  	s4 =	simm.s32 $0x0;
	[sflag:s28] =	ssyncadd.s32 $0xFFFFFD80  }
0x119: {  	s5 =	simm.s32 $0x40;
	v1 =	vld [tilespmem:s4+$0xF000]  }
.LBB2_28:
0x11a: {  	p0 =	sne.s32 s5, $0x9C0;
	v2 =	vld [tilespmem:s4+$0xED80];
	_ =	sdelay $0x2  }
.Ltmp13:
0x11b: {  	(pc) =	sbr.rel @p0 .LBB2_28-.Ltmp13, $4  }
0x11c: {  	_ = 	snop  }
0x11d: {  	v2 =	vadd.f32 v1, v2  }
0x11e: {  	s6 =	sshra.s32 s5, $0x2  }
0x11f: {  	s5 =	sadd.s32 $0x40, s5;
	v1 =	vld [tilespmem:s6+$0xF000];
	[tilespmem:s4+$0xED80] =	vst v2;
	s4 =	smov.u32 s6  }
0x120: {  	v2 =	vld [tilespmem:s4+$0xED80];
	_ =	sdelay $0x4  }
0x121: {  	v1 =	vadd.f32 v1, v2;
	_ =	sdelay $0x1  }
0x122: {  	[tilespmem:s4+$0xED80] =	vst v1  }
0x123: {  	[tilespmem:s0], [sflag:$0x1] =	stream.strided.gather [spmem:s21], $0x280, s31, s30, $0x38;
	[tilespmem:$0x11A80] =	vst v63  }
0x124: {  	_ =	swait.ge [sflag:s28], $0x280  }
0x125: {  	[sflag:s28] =	ssyncset.done $0x0  }
0x126: {  	s4 =	simm.s32 $0x0;
	[sflag:s28] =	ssyncadd.s32 $0xFFFFFD80  }
0x127: {  	s5 =	simm.s32 $0x40;
	v1 =	vld [tilespmem:s4+$0xF000]  }
.LBB2_30:
0x128: {  	p0 =	sne.s32 s5, $0x9C0;
	v2 =	vld [tilespmem:s4+$0xED80];
	_ =	sdelay $0x2  }
.Ltmp14:
0x129: {  	(pc) =	sbr.rel @p0 .LBB2_30-.Ltmp14, $4  }
0x12a: {  	_ = 	snop  }
0x12b: {  	v2 =	vadd.f32 v1, v2  }
0x12c: {  	s6 =	sshra.s32 s5, $0x2  }
0x12d: {  	s5 =	sadd.s32 $0x40, s5;
	v1 =	vld [tilespmem:s6+$0xF000];
	[tilespmem:s4+$0xED80] =	vst v2;
	s4 =	smov.u32 s6  }
0x12e: {  	v2 =	vld [tilespmem:s4+$0xED80];
	_ =	sdelay $0x4  }
0x12f: {  	v1 =	vadd.f32 v1, v2;
	_ =	sdelay $0x1  }
0x130: {  	[tilespmem:s4+$0xED80] =	vst v1  }
0x131: {  	[tilespmem:s0], [sflag:$0x1] =	stream.strided.gather [spmem:s22], $0x280, s31, s30, $0x38;
	[tilespmem:$0x11A80] =	vst v63  }
0x132: {  	_ =	swait.ge [sflag:s28], $0x280  }
0x133: {  	[sflag:s28] =	ssyncset.done $0x0  }
0x134: {  	s4 =	simm.s32 $0x0;
	[sflag:s28] =	ssyncadd.s32 $0xFFFFFD80  }
0x135: {  	s5 =	simm.s32 $0x40;
	v1 =	vld [tilespmem:s4+$0xF000]  }
.LBB2_32:
0x136: {  	p0 =	sne.s32 s5, $0x9C0;
	v2 =	vld [tilespmem:s4+$0xED80];
	_ =	sdelay $0x2  }
.Ltmp15:
0x137: {  	(pc) =	sbr.rel @p0 .LBB2_32-.Ltmp15, $4  }
0x138: {  	_ = 	snop  }
0x139: {  	v2 =	vadd.f32 v1, v2  }
0x13a: {  	s6 =	sshra.s32 s5, $0x2  }
0x13b: {  	s5 =	sadd.s32 $0x40, s5;
	v1 =	vld [tilespmem:s6+$0xF000];
	[tilespmem:s4+$0xED80] =	vst v2;
	s4 =	smov.u32 s6  }
0x13c: {  	v2 =	vld [tilespmem:s4+$0xED80];
	_ =	sdelay $0x4  }
0x13d: {  	v1 =	vadd.f32 v1, v2;
	_ =	sdelay $0x1  }
0x13e: {  	[tilespmem:s4+$0xED80] =	vst v1  }
0x13f: {  	[tilespmem:s0], [sflag:$0x1] =	stream.strided.gather [spmem:s24], $0x280, s31, s30, $0x38;
	[tilespmem:$0x11A80] =	vst v63  }
0x140: {  	_ =	swait.ge [sflag:s28], $0x280  }
0x141: {  	[sflag:s28] =	ssyncset.done $0x0  }
0x142: {  	s4 =	simm.s32 $0x0;
	[sflag:s28] =	ssyncadd.s32 $0xFFFFFD80  }
0x143: {  	s5 =	simm.s32 $0x40;
	v1 =	vld [tilespmem:s4+$0xF000]  }
.LBB2_34:
0x144: {  	p0 =	sne.s32 s5, $0x9C0;
	v2 =	vld [tilespmem:s4+$0xED80];
	_ =	sdelay $0x2  }
.Ltmp16:
0x145: {  	(pc) =	sbr.rel @p0 .LBB2_34-.Ltmp16, $4  }
0x146: {  	_ = 	snop  }
0x147: {  	v2 =	vadd.f32 v1, v2  }
0x148: {  	s6 =	sshra.s32 s5, $0x2  }
0x149: {  	s5 =	sadd.s32 $0x40, s5;
	v1 =	vld [tilespmem:s6+$0xF000];
	[tilespmem:s4+$0xED80] =	vst v2;
	s4 =	smov.u32 s6  }
0x14a: {  	v2 =	vld [tilespmem:s4+$0xED80];
	_ =	sdelay $0x4  }
0x14b: {  	v1 =	vadd.f32 v1, v2;
	_ =	sdelay $0x1  }
0x14c: {  	[tilespmem:s4+$0xED80] =	vst v1  }
0x14d: {  	[tilespmem:s0], [sflag:$0x1] =	stream.strided.gather [spmem:s26], $0x280, s31, s30, $0x38;
	[tilespmem:$0x11A80] =	vst v63  }
0x14e: {  	_ =	swait.ge [sflag:s28], $0x280  }
0x14f: {  	[sflag:s28] =	ssyncset.done $0x0  }
0x150: {  	s4 =	simm.s32 $0x0;
	[sflag:s28] =	ssyncadd.s32 $0xFFFFFD80  }
0x151: {  	s5 =	simm.s32 $0x40;
	v1 =	vld [tilespmem:s4+$0xF000]  }
.LBB2_36:
0x152: {  	p0 =	sne.s32 s5, $0x9C0;
	v2 =	vld [tilespmem:s4+$0xED80];
	_ =	sdelay $0x2  }
.Ltmp17:
0x153: {  	(pc) =	sbr.rel @p0 .LBB2_36-.Ltmp17, $4  }
0x154: {  	_ = 	snop  }
0x155: {  	v2 =	vadd.f32 v1, v2  }
0x156: {  	s6 =	sshra.s32 s5, $0x2  }
0x157: {  	s5 =	sadd.s32 $0x40, s5;
	v1 =	vld [tilespmem:s6+$0xF000];
	[tilespmem:s4+$0xED80] =	vst v2;
	s4 =	smov.u32 s6  }
0x158: {  	v2 =	vld [tilespmem:s4+$0xED80];
	_ =	sdelay $0x4  }
0x159: {  	s3 =	sadd.s32 $0x1, s3;
	v1 =	vadd.f32 v1, v2  }
0x15a: {  	p0 =	sne.s32 s3, s25  }
.Ltmp18:
0x15b: {  	s6 =	simm.s32 $0xED80;
	[tilespmem:s4+$0xED80] =	vst v1;
	(pc) =	sbr.rel @p0 .LBB2_1-.Ltmp18, $4  }
0x15c: {  	[hbm4b:s23+s2] =	stream.linear.scatter [tilespmem:s6], [sflag:$0x1], $0x280, $0x38;
	[tilespmem:$0x11A80] =	vst v63  }
0x15d: {  	_ =	swait.ge [sflag:s28], $0x280  }
0x15e: {  	[sflag:s28] =	ssyncset.done $0x0  }
0x15f: {  	[sflag:s28] =	ssyncadd.s32 $0xFFFFFD80  }
0x160: {  	_ =	sfence.sel $0x180000  }
0x161: {  	[bflag:$0x0] =	sbarrier.arrive $0xFFFF  }
0x162: {  	_ =	strace $0x90000047  }
0x163: {  	s0 =	stileid.u32;
	[bflag:$0x2] =	sbarrier.arrive $0xFFFF  }
0x164: {  	p0 =	sne.s32 s0, $0x0;
	s0 =	rddreg [dreg:$0x3]  }
0x165: {  	s0 =	sadd.s32 @!p0 $0x100000, s0  }
0x166: {  	[sflag:s0] =	ssyncadd.tile.s32 @!p0 $0x1;
	_ =	shalt  }
.Lfunc_end2:
_tile_overlayer_lowered:
.L_overlay_start_2:
0x167: {  	(tag) =	ssettag $0x2  }
0x168: {  	s0 =	rddreg [dreg:$0x0];
	s2 =	stileid.u32  }
0x169: {  	s1 =	rddreg [dreg:$0x1];
	p0 =	sne.s32 s2, $0x0  }
0x16a: {  	s3 =	rddreg [dreg:$0x2];
	[bflag:$0x3] =	sbarrier.arrive $0xFFFF;
	s2 =	simm.s32 @!p0 $0x1C01  }
0x16b: {  	[timem:s3], [sflag:s2] =	dma.local @!p0 [hbm:s0], s1  }
0x16c: {  	s0 =	simm.s32 @!p0 $0x1  }
0x16d: {  	_ =	swait.ge @!p0 [sflag:s0], s1  }
0x16e: {  	s1 =	ssub.s32 @!p0 $0x0, s1;
	[sflag:s0] =	ssyncset.done @!p0 $0x0  }
0x16f: {  	[sflag:s0] =	ssyncadd.s32 @!p0 s1  }
0x170: {  	[bflag:$0x3] =	sbarrier.arrive $0xFFFF  }
0x171: {  	_ =	shalt  }

</sc_bundles>
